<compile_context>
chip_gen: v7x
topology: tpu7x:2x2x1
jax: 0.10.2.dev20260603
libtpu: 0.0.44.dev20260713+nightly
codegen_flags: <defaults>
</compile_context>

<pallas_src>
import functools
import jax
import jax.numpy as jnp
from jax import lax
from jax.experimental import pallas as pl
from jax.experimental.pallas import tpu as pltpu
from jax.experimental.pallas import tpu_sc as plsc

VOCAB = 1000000
EMBED = 64
WIDE = 128
MAX_LEN = 200
BATCH = 4096

NC, NS, LANES = 2, 16, 16
NW = NC * NS
ROWS = BATCH * MAX_LEN
RPW = ROWS // NW
CHUNK = 128
NCHUNK = RPW // CHUNK
NBUF = 4
NOB = 2
NGRP = NCHUNK // NBUF
SCALE = 8.0
NSL = EMBED // LANES

WPW = 31248
WCH = 168
WNCH = WPW // WCH
WREM = VOCAB - NW * WPW

_mesh = plsc.VectorSubcoreMesh(core_axis_name="c", subcore_axis_name="s")


@functools.partial(
    pl.kernel,
    out_type=jax.ShapeDtypeStruct((VOCAB, WIDE), jnp.float32),
    mesh=_mesh,
    scratch_types=[
        [pltpu.VMEM((WCH, EMBED), jnp.float32) for _ in range(2)],
        [pltpu.VMEM((WCH, WIDE), jnp.float32) for _ in range(2)],
        [pltpu.SemaphoreType.DMA for _ in range(2)],
        [pltpu.SemaphoreType.DMA for _ in range(2)],
    ],
)
def _widen_kernel(table_hbm, wide_hbm, src_v, dst_v, sem_r, sem_w):
    wid = lax.axis_index("s") * NC + lax.axis_index("c")
    base0 = wid * WPW

    def read(chunk, buf, n=WCH):
        pltpu.async_copy(table_hbm.at[pl.ds(base0 + chunk * WCH, n)],
                         src_v[buf].at[pl.ds(0, n)], sem_r[buf])

    def wait_read(buf, n=WCH):
        pltpu.make_async_copy(table_hbm.at[pl.ds(0, n)],
                              src_v[buf].at[pl.ds(0, n)], sem_r[buf]).wait()

    def repack(buf, n=WCH):
        def row(r, carry):
            for d in range(NSL):
                sl = pl.ds(d * LANES, LANES)
                dst_v[buf][r, sl] = src_v[buf][r, sl]
            return carry
        lax.fori_loop(0, n, row, 0, unroll=8)

    def write(chunk, buf, n=WCH):
        pltpu.async_copy(dst_v[buf].at[pl.ds(0, n)],
                         wide_hbm.at[pl.ds(base0 + chunk * WCH, n)],
                         sem_w[buf])

    def wait_write(buf, n=WCH):
        pltpu.make_async_copy(dst_v[buf].at[pl.ds(0, n)],
                              wide_hbm.at[pl.ds(0, n)], sem_w[buf]).wait()

    read(0, 0)

    def body(c, carry):
        for b in range(2):
            cc = c * 2 + b
            nxt = 1 - b

            @pl.when(cc + 1 < WNCH)
            def _():
                read(cc + 1, nxt)
            wait_read(b)

            @pl.when(cc >= 2)
            def _():
                wait_write(b)
            repack(b)
            write(cc, b)
        return carry

    lax.fori_loop(0, WNCH // 2, body, 0, unroll=False)
    wait_write(0)
    wait_write(1)

    @pl.when(wid == NW - 1)
    def _():
        pltpu.async_copy(table_hbm.at[pl.ds(base0 + WPW, WREM)],
                         src_v[0].at[pl.ds(0, WREM)], sem_r[0])
        pltpu.make_async_copy(table_hbm.at[pl.ds(0, WREM)],
                              src_v[0].at[pl.ds(0, WREM)], sem_r[0]).wait()

        def row(r, carry):
            for d in range(NSL):
                sl = pl.ds(d * LANES, LANES)
                dst_v[0][r, sl] = src_v[0][r, sl]
            return carry
        lax.fori_loop(0, WREM, row, 0, unroll=8)
        pltpu.async_copy(dst_v[0].at[pl.ds(0, WREM)],
                         wide_hbm.at[pl.ds(base0 + WPW, WREM)], sem_w[0])
        pltpu.make_async_copy(dst_v[0].at[pl.ds(0, WREM)],
                              wide_hbm.at[pl.ds(0, WREM)], sem_w[0]).wait()


@functools.partial(
    pl.kernel,
    out_type=jax.ShapeDtypeStruct((ROWS, EMBED), jnp.float32),
    mesh=_mesh,
    scratch_types=[
        [pltpu.VMEM((CHUNK,), jnp.int32) for _ in range(NBUF)],
        [pltpu.VMEM((CHUNK, WIDE), jnp.float32) for _ in range(NBUF)],
        [pltpu.VMEM((CHUNK, EMBED), jnp.float32) for _ in range(NOB)],
        pltpu.VMEM(((MAX_LEN + CHUNK) * EMBED,), jnp.float32),
        [pltpu.SemaphoreType.DMA for _ in range(NBUF)],
        [pltpu.SemaphoreType.DMA for _ in range(NBUF)],
        [pltpu.SemaphoreType.DMA for _ in range(NOB)],
    ],
)
def _embed_kernel(idx_hbm, pos_hbm, wide_hbm, out_hbm,
                  idx_v, rows_v, out_v, pos_v, sem_i, sem_g, sem_w):
    wid = lax.axis_index("s") * NC + lax.axis_index("c")
    base0 = wid * RPW
    pltpu.sync_copy(pos_hbm, pos_v)

    def fetch_idx(chunk, buf):
        pltpu.async_copy(idx_hbm.at[pl.ds(base0 + chunk * CHUNK, CHUNK)],
                         idx_v[buf], sem_i[buf])

    def wait_idx(buf):
        pltpu.make_async_copy(idx_hbm.at[pl.ds(0, CHUNK)], idx_v[buf],
                              sem_i[buf]).wait()

    def gather(buf):
        pltpu.async_copy(wide_hbm.at[idx_v[buf]], rows_v[buf], sem_g[buf])

    def wait_gather(buf):
        pltpu.make_async_copy(wide_hbm.at[pl.ds(0, CHUNK)], rows_v[buf],
                              sem_g[buf]).wait()

    def write_out(chunk, ob):
        pltpu.async_copy(out_v[ob],
                         out_hbm.at[pl.ds(base0 + chunk * CHUNK, CHUNK)],
                         sem_w[ob])

    def wait_write(ob):
        pltpu.make_async_copy(out_v[ob], out_hbm.at[pl.ds(0, CHUNK)],
                              sem_w[ob]).wait()

    fetch_idx(0, 0)
    wait_idx(0)
    gather(0)
    fetch_idx(1, 1)

    def group_body(p, carry):
        for b in range(NBUF):
            c = p * NBUF + b
            nxt = (b + 1) % NBUF
            nxt2 = (b + 2) % NBUF
            ob = b % NOB

            @pl.when(c + 1 < NCHUNK)
            def _():
                wait_idx(nxt)
                gather(nxt)

            @pl.when(c + 2 < NCHUNK)
            def _():
                fetch_idx(c + 2, nxt2)

            wait_gather(b)

            @pl.when(c >= NOB)
            def _():
                wait_write(ob)

            p0 = lax.rem(c * CHUNK, MAX_LEN)

            def row_body(r, poff):
                for d in range(NSL):
                    sl = pl.ds(d * LANES, LANES)
                    out_v[ob][r, sl] = (
                        rows_v[b][r, sl] * SCALE
                        + pos_v[pl.ds(poff + d * LANES, LANES)])
                return poff + EMBED

            lax.fori_loop(0, CHUNK, row_body, p0 * EMBED, unroll=8)

            write_out(c, ob)
        return carry

    lax.fori_loop(0, NGRP, group_body, 0, unroll=False)

    for ob in range(NOB):
        wait_write(ob)


def kernel(to_emb, token_table, pos_table):
    idx = to_emb.reshape(ROWS)
    pos_rep = (jnp.concatenate([pos_table] * 3, axis=0)[:MAX_LEN + CHUNK]
               .reshape(-1))
    wide = _widen_kernel(token_table)
    out = _embed_kernel(idx, pos_rep, wide)
    return out.reshape(BATCH, MAX_LEN, EMBED)

# --- scband reference (transcript-rebuilt; emitter-appended) ---
"""Pipeline reference for scband-bertembedding-65773129171624 (READ-ONLY COPY).

The authoritative reference and input builder live on the scoring server;
editing this copy changes nothing except your own understanding.
"""

import jax, jax.numpy as jnp
import numpy as np
import math

VOCAB = 1000000
EMBED = 64
MAX_LEN = 200
BATCH = 4096


def setup_inputs(seed: int = 0) -> dict:
    key = jax.random.key(seed)
    k1, k2, k3 = jax.random.split(key, 3)
    to_emb = jax.random.randint(k1, (BATCH, MAX_LEN), 0, VOCAB, dtype=jnp.int32)
    token_table = jax.random.normal(k2, (VOCAB, EMBED), dtype=jnp.float32) * 0.02
    pos_table = jax.random.normal(k3, (MAX_LEN, EMBED), dtype=jnp.float32) * 0.02
    return {"to_emb": to_emb, "token_table": token_table, "pos_table": pos_table}


def reference(to_emb, token_table, pos_table):
    # TokenEmbedding lookup scaled by sqrt(embed_size)
    tkn = jnp.take(token_table, to_emb, axis=0) * math.sqrt(EMBED)
    # LearnablePositionEmbedding: position table sliced to seq_len, broadcast over batch
    seq_len = to_emb.shape[1]
    pos = pos_table[None, :seq_len, :]
    # dropout p=0.0 -> identity in reference
    return tkn + pos

if __name__ == "__main__":
    import jax
    _d = setup_inputs()
    print(jax.jit(kernel)(*tuple(_d.values())))

</pallas_src>

<mosaic_0001>
#map = affine_map<(d0, d1) -> (0, 0)>
module attributes {stable_mosaic.version = 14 : i64} {
  func.func @_widen_kernel(%arg0: i32, %arg1: i32, %arg2: memref<1000000x64xf32, #tpu.memory_space<hbm>>, %arg3: memref<1000000x128xf32, #tpu.memory_space<hbm>>, %arg4: memref<168x64xf32, #tpu.memory_space<vmem>>, %arg5: memref<168x64xf32, #tpu.memory_space<vmem>>, %arg6: memref<168x128xf32, #tpu.memory_space<vmem>>, %arg7: memref<168x128xf32, #tpu.memory_space<vmem>>, %arg8: memref<!tpu.dma_semaphore, #tpu.memory_space<semaphore_mem>>, %arg9: memref<!tpu.dma_semaphore, #tpu.memory_space<semaphore_mem>>, %arg10: memref<!tpu.dma_semaphore, #tpu.memory_space<semaphore_mem>>, %arg11: memref<!tpu.dma_semaphore, #tpu.memory_space<semaphore_mem>>) attributes {dimension_semantics = [#tpu.dimension_semantics<core_parallel>, #tpu.dimension_semantics<subcore_parallel>], iteration_bounds = array<i64: 2, 16>, scalar_prefetch = 0 : i64, scratch_operands = 8 : i64, tpu.core_type = #tpu.core_type<sc_vector_subcore>, window_params = [{transform_indices = #map}, {transform_indices = #map}]} {
    %mul3A = arith.constant 2 : i32
    %mul3A_0 = arith.muli %arg1, %mul3A : i32
    %add3A = arith.addi %mul3A_0, %arg0 : i32
    %mul3A_1 = arith.constant 31248 : i32
    %mul3A_2 = arith.muli %add3A, %mul3A_1 : i32
    %add3A_3 = arith.constant 0 : i32
    %add3A_4 = arith.addi %mul3A_2, %add3A_3 : i32
    %dma_start3A = arith.constant 0 : i32
    %dma_start3A_5 = arith.constant 0 : i32
    %dma_start3A_6 = tpu.memref_slice %arg4[%dma_start3A, %dma_start3A_5] : memref<168x64xf32, #tpu.memory_space<vmem>> -> memref<168x64xf32, #tpu.memory_space<vmem>>
    %dma_start3A_7 = arith.constant 0 : i32
    %dma_start3A_8 = tpu.memref_slice %arg2[%add3A_4, %dma_start3A_7] : memref<1000000x64xf32, #tpu.memory_space<hbm>> -> memref<168x64xf32, #tpu.memory_space<hbm>>
    %dma_start3A_9 = arith.constant 0 : i32
    %dma_start3A_10 = arith.constant 0 : i32
    %dma_start3A_11 = tpu.memref_slice %arg4[%dma_start3A_9, %dma_start3A_10] : memref<168x64xf32, #tpu.memory_space<vmem>> -> memref<168x64xf32, #tpu.memory_space<vmem>>
    %dma_start3A_12 = arith.constant 0 : i32
    %dma_start3A_13 = tpu.memref_slice %arg2[%add3A_4, %dma_start3A_12] : memref<1000000x64xf32, #tpu.memory_space<hbm>> -> memref<168x64xf32, #tpu.memory_space<hbm>>
    tpu.enqueue_dma source(%dma_start3A_13 : memref<168x64xf32, #tpu.memory_space<hbm>>) target(%dma_start3A_11 : memref<168x64xf32, #tpu.memory_space<vmem>>) target_semaphore(%arg8 : memref<!tpu.dma_semaphore, #tpu.memory_space<semaphore_mem>>)
    %scan3A = arith.constant 0 : i32
    %scan3A_14 = arith.constant 0 : i32
    %scan3A_15 = arith.constant 93 : i32
    %scan3A_16 = arith.addi %scan3A_14, %scan3A_15 : i32
    %scan3A_17 = arith.constant 1 : i32
    scf.for %scan3A_44 = %scan3A_14 to %scan3A_16 step %scan3A_17  : i32 {
      %mul3A_45 = arith.constant 2 : i32
      %mul3A_46 = arith.muli %scan3A_44, %mul3A_45 : i32
      %add3A_47 = arith.constant 0 : i32
      %add3A_48 = arith.addi %mul3A_46, %add3A_47 : i32
      %add3A_49 = arith.constant 1 : i32
      %add3A_50 = arith.addi %add3A_48, %add3A_49 : i32
      %lt3A = arith.constant 186 : i32
      %lt3A_51 = arith.cmpi slt, %add3A_50, %lt3A : i32
      %convert_element_type3A_52 = arith.extui %lt3A_51 : i1 to i32
      %cond3A_53 = arith.constant 0 : i32
      %cond3A_54 = arith.cmpi ne, %convert_element_type3A_52, %cond3A_53 : i32
      scf.if %cond3A_54 {
        %add3A_137 = arith.constant 1 : i32
        %add3A_138 = arith.addi %add3A_48, %add3A_137 : i32
        %mul3A_139 = arith.constant 168 : i32
        %mul3A_140 = arith.muli %add3A_138, %mul3A_139 : i32
        %add3A_141 = arith.addi %mul3A_2, %mul3A_140 : i32
        %dma_start3A_142 = arith.constant 0 : i32
        %dma_start3A_143 = arith.constant 0 : i32
        %dma_start3A_144 = tpu.memref_slice %arg5[%dma_start3A_142, %dma_start3A_143] : memref<168x64xf32, #tpu.memory_space<vmem>> -> memref<168x64xf32, #tpu.memory_space<vmem>>
        %dma_start3A_145 = arith.constant 0 : i32
        %dma_start3A_146 = tpu.memref_slice %arg2[%add3A_141, %dma_start3A_145] : memref<1000000x64xf32, #tpu.memory_space<hbm>> -> memref<168x64xf32, #tpu.memory_space<hbm>>
        %dma_start3A_147 = arith.constant 0 : i32
        %dma_start3A_148 = arith.constant 0 : i32
        %dma_start3A_149 = tpu.memref_slice %arg5[%dma_start3A_147, %dma_start3A_148] : memref<168x64xf32, #tpu.memory_space<vmem>> -> memref<168x64xf32, #tpu.memory_space<vmem>>
        %dma_start3A_150 = arith.constant 0 : i32
        %dma_start3A_151 = tpu.memref_slice %arg2[%add3A_141, %dma_start3A_150] : memref<1000000x64xf32, #tpu.memory_space<hbm>> -> memref<168x64xf32, #tpu.memory_space<hbm>>
        tpu.enqueue_dma source(%dma_start3A_151 : memref<168x64xf32, #tpu.memory_space<hbm>>) target(%dma_start3A_149 : memref<168x64xf32, #tpu.memory_space<vmem>>) target_semaphore(%arg9 : memref<!tpu.dma_semaphore, #tpu.memory_space<semaphore_mem>>)
      } else {
      }
      %dma_wait3A_55 = arith.constant 0 : i32
      %dma_wait3A_56 = arith.constant 0 : i32
      %dma_wait3A_57 = tpu.memref_slice %arg4[%dma_wait3A_55, %dma_wait3A_56] : memref<168x64xf32, #tpu.memory_space<vmem>> -> memref<168x64xf32, #tpu.memory_space<vmem>>
      %dma_wait3A_58 = arith.constant 0 : i32
      %dma_wait3A_59 = arith.constant 0 : i32
      %dma_wait3A_60 = tpu.memref_slice %arg2[%dma_wait3A_58, %dma_wait3A_59] : memref<1000000x64xf32, #tpu.memory_space<hbm>> -> memref<168x64xf32, #tpu.memory_space<hbm>>
      %dma_wait3A_61 = arith.constant 0 : i32
      %dma_wait3A_62 = arith.constant 0 : i32
      %dma_wait3A_63 = tpu.memref_slice %arg4[%dma_wait3A_61, %dma_wait3A_62] : memref<168x64xf32, #tpu.memory_space<vmem>> -> memref<168x64xf32, #tpu.memory_space<vmem>>
      %dma_wait3A_64 = arith.constant 0 : i32
      %dma_wait3A_65 = arith.constant 0 : i32
      %dma_wait3A_66 = tpu.memref_slice %arg2[%dma_wait3A_64, %dma_wait3A_65] : memref<1000000x64xf32, #tpu.memory_space<hbm>> -> memref<168x64xf32, #tpu.memory_space<hbm>>
      tpu.wait_dma2 semaphore(%arg8 : memref<!tpu.dma_semaphore, #tpu.memory_space<semaphore_mem>>) src(%dma_wait3A_66 : memref<168x64xf32, #tpu.memory_space<hbm>>) dst(%dma_wait3A_63 : memref<168x64xf32, #tpu.memory_space<vmem>>)
      %ge3A = arith.constant 2 : i32
      %ge3A_67 = arith.cmpi sge, %add3A_48, %ge3A : i32
      %convert_element_type3A_68 = arith.extui %ge3A_67 : i1 to i32
      %cond3A_69 = arith.constant 0 : i32
      %cond3A_70 = arith.cmpi ne, %convert_element_type3A_68, %cond3A_69 : i32
      scf.if %cond3A_70 {
        %dma_wait3A_137 = arith.constant 0 : i32
        %dma_wait3A_138 = arith.constant 0 : i32
        %dma_wait3A_139 = tpu.memref_slice %arg6[%dma_wait3A_137, %dma_wait3A_138] : memref<168x128xf32, #tpu.memory_space<vmem>> -> memref<168x128xf32, #tpu.memory_space<vmem>>
        %dma_wait3A_140 = arith.constant 0 : i32
        %dma_wait3A_141 = arith.constant 0 : i32
        %dma_wait3A_142 = tpu.memref_slice %arg3[%dma_wait3A_140, %dma_wait3A_141] : memref<1000000x128xf32, #tpu.memory_space<hbm>> -> memref<168x128xf32, #tpu.memory_space<hbm>>
        %dma_wait3A_143 = arith.constant 0 : i32
        %dma_wait3A_144 = arith.constant 0 : i32
        %dma_wait3A_145 = tpu.memref_slice %arg3[%dma_wait3A_143, %dma_wait3A_144] : memref<1000000x128xf32, #tpu.memory_space<hbm>> -> memref<168x128xf32, #tpu.memory_space<hbm>>
        %dma_wait3A_146 = arith.constant 0 : i32
        %dma_wait3A_147 = arith.constant 0 : i32
        %dma_wait3A_148 = tpu.memref_slice %arg6[%dma_wait3A_146, %dma_wait3A_147] : memref<168x128xf32, #tpu.memory_space<vmem>> -> memref<168x128xf32, #tpu.memory_space<vmem>>
        tpu.wait_dma2 semaphore(%arg10 : memref<!tpu.dma_semaphore, #tpu.memory_space<semaphore_mem>>) src(%dma_wait3A_148 : memref<168x128xf32, #tpu.memory_space<vmem>>) dst(%dma_wait3A_145 : memref<168x128xf32, #tpu.memory_space<hbm>>)
      } else {
      }
      %scan3A_71 = arith.constant 0 : i32
      %scan3A_72 = arith.constant 0 : i32
      %scan3A_73 = arith.constant 168 : i32
      %scan3A_74 = arith.addi %scan3A_72, %scan3A_73 : i32
      %scan3A_75 = arith.constant 8 : i32
      scf.for %scan3A_137 = %scan3A_72 to %scan3A_74 step %scan3A_75  : i32 {
        %get3A = arith.index_cast %scan3A_137 : i32 to index
        %get3A_138 = arith.constant 0 : index
        %get3A_139 = tpu.vector_load %arg4[%get3A, %get3A_138] {strides = array<i32>} : memref<168x64xf32, #tpu.memory_space<vmem>>, vector<1x16xf32>,
        %get3A_140 = vector.shape_cast %get3A_139 : vector<1x16xf32> to vector<16xf32>
        %swap3A = arith.index_cast %scan3A_137 : i32 to index
        %swap3A_141 = arith.constant 0 : index
        %swap3A_142 = tpu.vector_load %arg6[%swap3A, %swap3A_141] {strides = array<i32>} : memref<168x128xf32, #tpu.memory_space<vmem>>, vector<1x16xf32>,
        %swap3A_143 = vector.shape_cast %swap3A_142 : vector<1x16xf32> to vector<16xf32>
        %swap3A_144 = vector.shape_cast %get3A_140 : vector<16xf32> to vector<1x16xf32>
        tpu.vector_store %arg6[%swap3A, %swap3A_141], %swap3A_144 {strides = array<i32>} : memref<168x128xf32, #tpu.memory_space<vmem>>, vector<1x16xf32>,
        %get3A_145 = arith.index_cast %scan3A_137 : i32 to index
        %get3A_146 = arith.constant 16 : index
        %get3A_147 = tpu.vector_load %arg4[%get3A_145, %get3A_146] {strides = array<i32>} : memref<168x64xf32, #tpu.memory_space<vmem>>, vector<1x16xf32>,
        %get3A_148 = vector.shape_cast %get3A_147 : vector<1x16xf32> to vector<16xf32>
        %swap3A_149 = arith.index_cast %scan3A_137 : i32 to index
        %swap3A_150 = arith.constant 16 : index
        %swap3A_151 = tpu.vector_load %arg6[%swap3A_149, %swap3A_150] {strides = array<i32>} : memref<168x128xf32, #tpu.memory_space<vmem>>, vector<1x16xf32>,
        %swap3A_152 = vector.shape_cast %swap3A_151 : vector<1x16xf32> to vector<16xf32>
        %swap3A_153 = vector.shape_cast %get3A_148 : vector<16xf32> to vector<1x16xf32>
        tpu.vector_store %arg6[%swap3A_149, %swap3A_150], %swap3A_153 {strides = array<i32>} : memref<168x128xf32, #tpu.memory_space<vmem>>, vector<1x16xf32>,
        %get3A_154 = arith.index_cast %scan3A_137 : i32 to index
        %get3A_155 = arith.constant 32 : index
        %get3A_156 = tpu.vector_load %arg4[%get3A_154, %get3A_155] {strides = array<i32>} : memref<168x64xf32, #tpu.memory_space<vmem>>, vector<1x16xf32>,
        %get3A_157 = vector.shape_cast %get3A_156 : vector<1x16xf32> to vector<16xf32>
        %swap3A_158 = arith.index_cast %scan3A_137 : i32 to index
        %swap3A_159 = arith.constant 32 : index
        %swap3A_160 = tpu.vector_load %arg6[%swap3A_158, %swap3A_159] {strides = array<i32>} : memref<168x128xf32, #tpu.memory_space<vmem>>, vector<1x16xf32>,
        %swap3A_161 = vector.shape_cast %swap3A_160 : vector<1x16xf32> to vector<16xf32>
        %swap3A_162 = vector.shape_cast %get3A_157 : vector<16xf32> to vector<1x16xf32>
        tpu.vector_store %arg6[%swap3A_158, %swap3A_159], %swap3A_162 {strides = array<i32>} : memref<168x128xf32, #tpu.memory_space<vmem>>, vector<1x16xf32>,
        %get3A_163 = arith.index_cast %scan3A_137 : i32 to index
        %get3A_164 = arith.constant 48 : index
        %get3A_165 = tpu.vector_load %arg4[%get3A_163, %get3A_164] {strides = array<i32>} : memref<168x64xf32, #tpu.memory_space<vmem>>, vector<1x16xf32>,
        %get3A_166 = vector.shape_cast %get3A_165 : vector<1x16xf32> to vector<16xf32>
        %swap3A_167 = arith.index_cast %scan3A_137 : i32 to index
        %swap3A_168 = arith.constant 48 : index
        %swap3A_169 = tpu.vector_load %arg6[%swap3A_167, %swap3A_168] {strides = array<i32>} : memref<168x128xf32, #tpu.memory_space<vmem>>, vector<1x16xf32>,
        %swap3A_170 = vector.shape_cast %swap3A_169 : vector<1x16xf32> to vector<16xf32>
        %swap3A_171 = vector.shape_cast %get3A_166 : vector<16xf32> to vector<1x16xf32>
        tpu.vector_store %arg6[%swap3A_167, %swap3A_168], %swap3A_171 {strides = array<i32>} : memref<168x128xf32, #tpu.memory_space<vmem>>, vector<1x16xf32>,
        %scan3A_172 = arith.constant 1 : i32
        %scan3A_173 = arith.addi %scan3A_137, %scan3A_172 : i32
        %get3A_174 = arith.index_cast %scan3A_173 : i32 to index
        %get3A_175 = arith.constant 0 : index
        %get3A_176 = tpu.vector_load %arg4[%get3A_174, %get3A_175] {strides = array<i32>} : memref<168x64xf32, #tpu.memory_space<vmem>>, vector<1x16xf32>,
        %get3A_177 = vector.shape_cast %get3A_176 : vector<1x16xf32> to vector<16xf32>
        %swap3A_178 = arith.index_cast %scan3A_173 : i32 to index
        %swap3A_179 = arith.constant 0 : index
        %swap3A_180 = tpu.vector_load %arg6[%swap3A_178, %swap3A_179] {strides = array<i32>} : memref<168x128xf32, #tpu.memory_space<vmem>>, vector<1x16xf32>,
        %swap3A_181 = vector.shape_cast %swap3A_180 : vector<1x16xf32> to vector<16xf32>
        %swap3A_182 = vector.shape_cast %get3A_177 : vector<16xf32> to vector<1x16xf32>
        tpu.vector_store %arg6[%swap3A_178, %swap3A_179], %swap3A_182 {strides = array<i32>} : memref<168x128xf32, #tpu.memory_space<vmem>>, vector<1x16xf32>,
        %get3A_183 = arith.index_cast %scan3A_173 : i32 to index
        %get3A_184 = arith.constant 16 : index
        %get3A_185 = tpu.vector_load %arg4[%get3A_183, %get3A_184] {strides = array<i32>} : memref<168x64xf32, #tpu.memory_space<vmem>>, vector<1x16xf32>,
        %get3A_186 = vector.shape_cast %get3A_185 : vector<1x16xf32> to vector<16xf32>
        %swap3A_187 = arith.index_cast %scan3A_173 : i32 to index
        %swap3A_188 = arith.constant 16 : index
        %swap3A_189 = tpu.vector_load %arg6[%swap3A_187, %swap3A_188] {strides = array<i32>} : memref<168x128xf32, #tpu.memory_space<vmem>>, vector<1x16xf32>,
        %swap3A_190 = vector.shape_cast %swap3A_189 : vector<1x16xf32> to vector<16xf32>
        %swap3A_191 = vector.shape_cast %get3A_186 : vector<16xf32> to vector<1x16xf32>
        tpu.vector_store %arg6[%swap3A_187, %swap3A_188], %swap3A_191 {strides = array<i32>} : memref<168x128xf32, #tpu.memory_space<vmem>>, vector<1x16xf32>,
        %get3A_192 = arith.index_cast %scan3A_173 : i32 to index
        %get3A_193 = arith.constant 32 : index
        %get3A_194 = tpu.vector_load %arg4[%get3A_192, %get3A_193] {strides = array<i32>} : memref<168x64xf32, #tpu.memory_space<vmem>>, vector<1x16xf32>,
        %get3A_195 = vector.shape_cast %get3A_194 : vector<1x16xf32> to vector<16xf32>
        %swap3A_196 = arith.index_cast %scan3A_173 : i32 to index
        %swap3A_197 = arith.constant 32 : index
        %swap3A_198 = tpu.vector_load %arg6[%swap3A_196, %swap3A_197] {strides = array<i32>} : memref<168x128xf32, #tpu.memory_space<vmem>>, vector<1x16xf32>,
        %swap3A_199 = vector.shape_cast %swap3A_198 : vector<1x16xf32> to vector<16xf32>
        %swap3A_200 = vector.shape_cast %get3A_195 : vector<16xf32> to vector<1x16xf32>
        tpu.vector_store %arg6[%swap3A_196, %swap3A_197], %swap3A_200 {strides = array<i32>} : memref<168x128xf32, #tpu.memory_space<vmem>>, vector<1x16xf32>,
        %get3A_201 = arith.index_cast %scan3A_173 : i32 to index
        %get3A_202 = arith.constant 48 : index
        %get3A_203 = tpu.vector_load %arg4[%get3A_201, %get3A_202] {strides = array<i32>} : memref<168x64xf32, #tpu.memory_space<vmem>>, vector<1x16xf32>,
        %get3A_204 = vector.shape_cast %get3A_203 : vector<1x16xf32> to vector<16xf32>
        %swap3A_205 = arith.index_cast %scan3A_173 : i32 to index
        %swap3A_206 = arith.constant 48 : index
        %swap3A_207 = tpu.vector_load %arg6[%swap3A_205, %swap3A_206] {strides = array<i32>} : memref<168x128xf32, #tpu.memory_space<vmem>>, vector<1x16xf32>,
        %swap3A_208 = vector.shape_cast %swap3A_207 : vector<1x16xf32> to vector<16xf32>
        %swap3A_209 = vector.shape_cast %get3A_204 : vector<16xf32> to vector<1x16xf32>
        tpu.vector_store %arg6[%swap3A_205, %swap3A_206], %swap3A_209 {strides = array<i32>} : memref<168x128xf32, #tpu.memory_space<vmem>>, vector<1x16xf32>,
        %scan3A_210 = arith.constant 2 : i32
        %scan3A_211 = arith.addi %scan3A_137, %scan3A_210 : i32
        %get3A_212 = arith.index_cast %scan3A_211 : i32 to index
        %get3A_213 = arith.constant 0 : index
        %get3A_214 = tpu.vector_load %arg4[%get3A_212, %get3A_213] {strides = array<i32>} : memref<168x64xf32, #tpu.memory_space<vmem>>, vector<1x16xf32>,
        %get3A_215 = vector.shape_cast %get3A_214 : vector<1x16xf32> to vector<16xf32>
        %swap3A_216 = arith.index_cast %scan3A_211 : i32 to index
        %swap3A_217 = arith.constant 0 : index
        %swap3A_218 = tpu.vector_load %arg6[%swap3A_216, %swap3A_217] {strides = array<i32>} : memref<168x128xf32, #tpu.memory_space<vmem>>, vector<1x16xf32>,
        %swap3A_219 = vector.shape_cast %swap3A_218 : vector<1x16xf32> to vector<16xf32>
        %swap3A_220 = vector.shape_cast %get3A_215 : vector<16xf32> to vector<1x16xf32>
        tpu.vector_store %arg6[%swap3A_216, %swap3A_217], %swap3A_220 {strides = array<i32>} : memref<168x128xf32, #tpu.memory_space<vmem>>, vector<1x16xf32>,
        %get3A_221 = arith.index_cast %scan3A_211 : i32 to index
        %get3A_222 = arith.constant 16 : index
        %get3A_223 = tpu.vector_load %arg4[%get3A_221, %get3A_222] {strides = array<i32>} : memref<168x64xf32, #tpu.memory_space<vmem>>, vector<1x16xf32>,
        %get3A_224 = vector.shape_cast %get3A_223 : vector<1x16xf32> to vector<16xf32>
        %swap3A_225 = arith.index_cast %scan3A_211 : i32 to index
        %swap3A_226 = arith.constant 16 : index
        %swap3A_227 = tpu.vector_load %arg6[%swap3A_225, %swap3A_226] {strides = array<i32>} : memref<168x128xf32, #tpu.memory_space<vmem>>, vector<1x16xf32>,
        %swap3A_228 = vector.shape_cast %swap3A_227 : vector<1x16xf32> to vector<16xf32>
        %swap3A_229 = vector.shape_cast %get3A_224 : vector<16xf32> to vector<1x16xf32>
        tpu.vector_store %arg6[%swap3A_225, %swap3A_226], %swap3A_229 {strides = array<i32>} : memref<168x128xf32, #tpu.memory_space<vmem>>, vector<1x16xf32>,
        %get3A_230 = arith.index_cast %scan3A_211 : i32 to index
        %get3A_231 = arith.constant 32 : index
        %get3A_232 = tpu.vector_load %arg4[%get3A_230, %get3A_231] {strides = array<i32>} : memref<168x64xf32, #tpu.memory_space<vmem>>, vector<1x16xf32>,
        %get3A_233 = vector.shape_cast %get3A_232 : vector<1x16xf32> to vector<16xf32>
        %swap3A_234 = arith.index_cast %scan3A_211 : i32 to index
        %swap3A_235 = arith.constant 32 : index
        %swap3A_236 = tpu.vector_load %arg6[%swap3A_234, %swap3A_235] {strides = array<i32>} : memref<168x128xf32, #tpu.memory_space<vmem>>, vector<1x16xf32>,
        %swap3A_237 = vector.shape_cast %swap3A_236 : vector<1x16xf32> to vector<16xf32>
        %swap3A_238 = vector.shape_cast %get3A_233 : vector<16xf32> to vector<1x16xf32>
        tpu.vector_store %arg6[%swap3A_234, %swap3A_235], %swap3A_238 {strides = array<i32>} : memref<168x128xf32, #tpu.memory_space<vmem>>, vector<1x16xf32>,
        %get3A_239 = arith.index_cast %scan3A_211 : i32 to index
        %get3A_240 = arith.constant 48 : index
        %get3A_241 = tpu.vector_load %arg4[%get3A_239, %get3A_240] {strides = array<i32>} : memref<168x64xf32, #tpu.memory_space<vmem>>, vector<1x16xf32>,
        %get3A_242 = vector.shape_cast %get3A_241 : vector<1x16xf32> to vector<16xf32>
        %swap3A_243 = arith.index_cast %scan3A_211 : i32 to index
        %swap3A_244 = arith.constant 48 : index
        %swap3A_245 = tpu.vector_load %arg6[%swap3A_243, %swap3A_244] {strides = array<i32>} : memref<168x128xf32, #tpu.memory_space<vmem>>, vector<1x16xf32>,
        %swap3A_246 = vector.shape_cast %swap3A_245 : vector<1x16xf32> to vector<16xf32>
        %swap3A_247 = vector.shape_cast %get3A_242 : vector<16xf32> to vector<1x16xf32>
        tpu.vector_store %arg6[%swap3A_243, %swap3A_244], %swap3A_247 {strides = array<i32>} : memref<168x128xf32, #tpu.memory_space<vmem>>, vector<1x16xf32>,
        %scan3A_248 = arith.constant 3 : i32
        %scan3A_249 = arith.addi %scan3A_137, %scan3A_248 : i32
        %get3A_250 = arith.index_cast %scan3A_249 : i32 to index
        %get3A_251 = arith.constant 0 : index
        %get3A_252 = tpu.vector_load %arg4[%get3A_250, %get3A_251] {strides = array<i32>} : memref<168x64xf32, #tpu.memory_space<vmem>>, vector<1x16xf32>,
        %get3A_253 = vector.shape_cast %get3A_252 : vector<1x16xf32> to vector<16xf32>
        %swap3A_254 = arith.index_cast %scan3A_249 : i32 to index
        %swap3A_255 = arith.constant 0 : index
        %swap3A_256 = tpu.vector_load %arg6[%swap3A_254, %swap3A_255] {strides = array<i32>} : memref<168x128xf32, #tpu.memory_space<vmem>>, vector<1x16xf32>,
        %swap3A_257 = vector.shape_cast %swap3A_256 : vector<1x16xf32> to vector<16xf32>
        %swap3A_258 = vector.shape_cast %get3A_253 : vector<16xf32> to vector<1x16xf32>
        tpu.vector_store %arg6[%swap3A_254, %swap3A_255], %swap3A_258 {strides = array<i32>} : memref<168x128xf32, #tpu.memory_space<vmem>>, vector<1x16xf32>,
        %get3A_259 = arith.index_cast %scan3A_249 : i32 to index
        %get3A_260 = arith.constant 16 : index
        %get3A_261 = tpu.vector_load %arg4[%get3A_259, %get3A_260] {strides = array<i32>} : memref<168x64xf32, #tpu.memory_space<vmem>>, vector<1x16xf32>,
        %get3A_262 = vector.shape_cast %get3A_261 : vector<1x16xf32> to vector<16xf32>
        %swap3A_263 = arith.index_cast %scan3A_249 : i32 to index
        %swap3A_264 = arith.constant 16 : index
        %swap3A_265 = tpu.vector_load %arg6[%swap3A_263, %swap3A_264] {strides = array<i32>} : memref<168x128xf32, #tpu.memory_space<vmem>>, vector<1x16xf32>,
        %swap3A_266 = vector.shape_cast %swap3A_265 : vector<1x16xf32> to vector<16xf32>
        %swap3A_267 = vector.shape_cast %get3A_262 : vector<16xf32> to vector<1x16xf32>
        tpu.vector_store %arg6[%swap3A_263, %swap3A_264], %swap3A_267 {strides = array<i32>} : memref<168x128xf32, #tpu.memory_space<vmem>>, vector<1x16xf32>,
        %get3A_268 = arith.index_cast %scan3A_249 : i32 to index
        %get3A_269 = arith.constant 32 : index
        %get3A_270 = tpu.vector_load %arg4[%get3A_268, %get3A_269] {strides = array<i32>} : memref<168x64xf32, #tpu.memory_space<vmem>>, vector<1x16xf32>,
        %get3A_271 = vector.shape_cast %get3A_270 : vector<1x16xf32> to vector<16xf32>
        %swap3A_272 = arith.index_cast %scan3A_249 : i32 to index
        %swap3A_273 = arith.constant 32 : index
        %swap3A_274 = tpu.vector_load %arg6[%swap3A_272, %swap3A_273] {strides = array<i32>} : memref<168x128xf32, #tpu.memory_space<vmem>>, vector<1x16xf32>,
        %swap3A_275 = vector.shape_cast %swap3A_274 : vector<1x16xf32> to vector<16xf32>
        %swap3A_276 = vector.shape_cast %get3A_271 : vector<16xf32> to vector<1x16xf32>
        tpu.vector_store %arg6[%swap3A_272, %swap3A_273], %swap3A_276 {strides = array<i32>} : memref<168x128xf32, #tpu.memory_space<vmem>>, vector<1x16xf32>,
        %get3A_277 = arith.index_cast %scan3A_249 : i32 to index
        %get3A_278 = arith.constant 48 : index
        %get3A_279 = tpu.vector_load %arg4[%get3A_277, %get3A_278] {strides = array<i32>} : memref<168x64xf32, #tpu.memory_space<vmem>>, vector<1x16xf32>,
        %get3A_280 = vector.shape_cast %get3A_279 : vector<1x16xf32> to vector<16xf32>
        %swap3A_281 = arith.index_cast %scan3A_249 : i32 to index
        %swap3A_282 = arith.constant 48 : index
        %swap3A_283 = tpu.vector_load %arg6[%swap3A_281, %swap3A_282] {strides = array<i32>} : memref<168x128xf32, #tpu.memory_space<vmem>>, vector<1x16xf32>,
        %swap3A_284 = vector.shape_cast %swap3A_283 : vector<1x16xf32> to vector<16xf32>
        %swap3A_285 = vector.shape_cast %get3A_280 : vector<16xf32> to vector<1x16xf32>
        tpu.vector_store %arg6[%swap3A_281, %swap3A_282], %swap3A_285 {strides = array<i32>} : memref<168x128xf32, #tpu.memory_space<vmem>>, vector<1x16xf32>,
        %scan3A_286 = arith.constant 4 : i32
        %scan3A_287 = arith.addi %scan3A_137, %scan3A_286 : i32
        %get3A_288 = arith.index_cast %scan3A_287 : i32 to index
        %get3A_289 = arith.constant 0 : index
        %get3A_290 = tpu.vector_load %arg4[%get3A_288, %get3A_289] {strides = array<i32>} : memref<168x64xf32, #tpu.memory_space<vmem>>, vector<1x16xf32>,
        %get3A_291 = vector.shape_cast %get3A_290 : vector<1x16xf32> to vector<16xf32>
        %swap3A_292 = arith.index_cast %scan3A_287 : i32 to index
        %swap3A_293 = arith.constant 0 : index
        %swap3A_294 = tpu.vector_load %arg6[%swap3A_292, %swap3A_293] {strides = array<i32>} : memref<168x128xf32, #tpu.memory_space<vmem>>, vector<1x16xf32>,
        %swap3A_295 = vector.shape_cast %swap3A_294 : vector<1x16xf32> to vector<16xf32>
        %swap3A_296 = vector.shape_cast %get3A_291 : vector<16xf32> to vector<1x16xf32>
        tpu.vector_store %arg6[%swap3A_292, %swap3A_293], %swap3A_296 {strides = array<i32>} : memref<168x128xf32, #tpu.memory_space<vmem>>, vector<1x16xf32>,
        %get3A_297 = arith.index_cast %scan3A_287 : i32 to index
        %get3A_298 = arith.constant 16 : index
        %get3A_299 = tpu.vector_load %arg4[%get3A_297, %get3A_298] {strides = array<i32>} : memref<168x64xf32, #tpu.memory_space<vmem>>, vector<1x16xf32>,
        %get3A_300 = vector.shape_cast %get3A_299 : vector<1x16xf32> to vector<16xf32>
        %swap3A_301 = arith.index_cast %scan3A_287 : i32 to index
        %swap3A_302 = arith.constant 16 : index
        %swap3A_303 = tpu.vector_load %arg6[%swap3A_301, %swap3A_302] {strides = array<i32>} : memref<168x128xf32, #tpu.memory_space<vmem>>, vector<1x16xf32>,
        %swap3A_304 = vector.shape_cast %swap3A_303 : vector<1x16xf32> to vector<16xf32>
        %swap3A_305 = vector.shape_cast %get3A_300 : vector<16xf32> to vector<1x16xf32>
        tpu.vector_store %arg6[%swap3A_301, %swap3A_302], %swap3A_305 {strides = array<i32>} : memref<168x128xf32, #tpu.memory_space<vmem>>, vector<1x16xf32>,
        %get3A_306 = arith.index_cast %scan3A_287 : i32 to index
        %get3A_307 = arith.constant 32 : index
        %get3A_308 = tpu.vector_load %arg4[%get3A_306, %get3A_307] {strides = array<i32>} : memref<168x64xf32, #tpu.memory_space<vmem>>, vector<1x16xf32>,
        %get3A_309 = vector.shape_cast %get3A_308 : vector<1x16xf32> to vector<16xf32>
        %swap3A_310 = arith.index_cast %scan3A_287 : i32 to index
        %swap3A_311 = arith.constant 32 : index
        %swap3A_312 = tpu.vector_load %arg6[%swap3A_310, %swap3A_311] {strides = array<i32>} : memref<168x128xf32, #tpu.memory_space<vmem>>, vector<1x16xf32>,
        %swap3A_313 = vector.shape_cast %swap3A_312 : vector<1x16xf32> to vector<16xf32>
        %swap3A_314 = vector.shape_cast %get3A_309 : vector<16xf32> to vector<1x16xf32>
        tpu.vector_store %arg6[%swap3A_310, %swap3A_311], %swap3A_314 {strides = array<i32>} : memref<168x128xf32, #tpu.memory_space<vmem>>, vector<1x16xf32>,
        %get3A_315 = arith.index_cast %scan3A_287 : i32 to index
        %get3A_316 = arith.constant 48 : index
        %get3A_317 = tpu.vector_load %arg4[%get3A_315, %get3A_316] {strides = array<i32>} : memref<168x64xf32, #tpu.memory_space<vmem>>, vector<1x16xf32>,
        %get3A_318 = vector.shape_cast %get3A_317 : vector<1x16xf32> to vector<16xf32>
        %swap3A_319 = arith.index_cast %scan3A_287 : i32 to index
        %swap3A_320 = arith.constant 48 : index
        %swap3A_321 = tpu.vector_load %arg6[%swap3A_319, %swap3A_320] {strides = array<i32>} : memref<168x128xf32, #tpu.memory_space<vmem>>, vector<1x16xf32>,
        %swap3A_322 = vector.shape_cast %swap3A_321 : vector<1x16xf32> to vector<16xf32>
        %swap3A_323 = vector.shape_cast %get3A_318 : vector<16xf32> to vector<1x16xf32>
        tpu.vector_store %arg6[%swap3A_319, %swap3A_320], %swap3A_323 {strides = array<i32>} : memref<168x128xf32, #tpu.memory_space<vmem>>, vector<1x16xf32>,
        %scan3A_324 = arith.constant 5 : i32
        %scan3A_325 = arith.addi %scan3A_137, %scan3A_324 : i32
        %get3A_326 = arith.index_cast %scan3A_325 : i32 to index
        %get3A_327 = arith.constant 0 : index
        %get3A_328 = tpu.vector_load %arg4[%get3A_326, %get3A_327] {strides = array<i32>} : memref<168x64xf32, #tpu.memory_space<vmem>>, vector<1x16xf32>,
        %get3A_329 = vector.shape_cast %get3A_328 : vector<1x16xf32> to vector<16xf32>
        %swap3A_330 = arith.index_cast %scan3A_325 : i32 to index
        %swap3A_331 = arith.constant 0 : index
        %swap3A_332 = tpu.vector_load %arg6[%swap3A_330, %swap3A_331] {strides = array<i32>} : memref<168x128xf32, #tpu.memory_space<vmem>>, vector<1x16xf32>,
        %swap3A_333 = vector.shape_cast %swap3A_332 : vector<1x16xf32> to vector<16xf32>
        %swap3A_334 = vector.shape_cast %get3A_329 : vector<16xf32> to vector<1x16xf32>
        tpu.vector_store %arg6[%swap3A_330, %swap3A_331], %swap3A_334 {strides = array<i32>} : memref<168x128xf32, #tpu.memory_space<vmem>>, vector<1x16xf32>,
        %get3A_335 = arith.index_cast %scan3A_325 : i32 to index
        %get3A_336 = arith.constant 16 : index
        %get3A_337 = tpu.vector_load %arg4[%get3A_335, %get3A_336] {strides = array<i32>} : memref<168x64xf32, #tpu.memory_space<vmem>>, vector<1x16xf32>,
        %get3A_338 = vector.shape_cast %get3A_337 : vector<1x16xf32> to vector<16xf32>
        %swap3A_339 = arith.index_cast %scan3A_325 : i32 to index
        %swap3A_340 = arith.constant 16 : index
        %swap3A_341 = tpu.vector_load %arg6[%swap3A_339, %swap3A_340] {strides = array<i32>} : memref<168x128xf32, #tpu.memory_space<vmem>>, vector<1x16xf32>,
        %swap3A_342 = vector.shape_cast %swap3A_341 : vector<1x16xf32> to vector<16xf32>
        %swap3A_343 = vector.shape_cast %get3A_338 : vector<16xf32> to vector<1x16xf32>
        tpu.vector_store %arg6[%swap3A_339, %swap3A_340], %swap3A_343 {strides = array<i32>} : memref<168x128xf32, #tpu.memory_space<vmem>>, vector<1x16xf32>,
        %get3A_344 = arith.index_cast %scan3A_325 : i32 to index
        %get3A_345 = arith.constant 32 : index
        %get3A_346 = tpu.vector_load %arg4[%get3A_344, %get3A_345] {strides = array<i32>} : memref<168x64xf32, #tpu.memory_space<vmem>>, vector<1x16xf32>,
        %get3A_347 = vector.shape_cast %get3A_346 : vector<1x16xf32> to vector<16xf32>
        %swap3A_348 = arith.index_cast %scan3A_325 : i32 to index
        %swap3A_349 = arith.constant 32 : index
        %swap3A_350 = tpu.vector_load %arg6[%swap3A_348, %swap3A_349] {strides = array<i32>} : memref<168x128xf32, #tpu.memory_space<vmem>>, vector<1x16xf32>,
        %swap3A_351 = vector.shape_cast %swap3A_350 : vector<1x16xf32> to vector<16xf32>
        %swap3A_352 = vector.shape_cast %get3A_347 : vector<16xf32> to vector<1x16xf32>
        tpu.vector_store %arg6[%swap3A_348, %swap3A_349], %swap3A_352 {strides = array<i32>} : memref<168x128xf32, #tpu.memory_space<vmem>>, vector<1x16xf32>,
        %get3A_353 = arith.index_cast %scan3A_325 : i32 to index
        %get3A_354 = arith.constant 48 : index
        %get3A_355 = tpu.vector_load %arg4[%get3A_353, %get3A_354] {strides = array<i32>} : memref<168x64xf32, #tpu.memory_space<vmem>>, vector<1x16xf32>,
        %get3A_356 = vector.shape_cast %get3A_355 : vector<1x16xf32> to vector<16xf32>
        %swap3A_357 = arith.index_cast %scan3A_325 : i32 to index
        %swap3A_358 = arith.constant 48 : index
        %swap3A_359 = tpu.vector_load %arg6[%swap3A_357, %swap3A_358] {strides = array<i32>} : memref<168x128xf32, #tpu.memory_space<vmem>>, vector<1x16xf32>,
        %swap3A_360 = vector.shape_cast %swap3A_359 : vector<1x16xf32> to vector<16xf32>
        %swap3A_361 = vector.shape_cast %get3A_356 : vector<16xf32> to vector<1x16xf32>
        tpu.vector_store %arg6[%swap3A_357, %swap3A_358], %swap3A_361 {strides = array<i32>} : memref<168x128xf32, #tpu.memory_space<vmem>>, vector<1x16xf32>,
        %scan3A_362 = arith.constant 6 : i32
        %scan3A_363 = arith.addi %scan3A_137, %scan3A_362 : i32
        %get3A_364 = arith.index_cast %scan3A_363 : i32 to index
        %get3A_365 = arith.constant 0 : index
        %get3A_366 = tpu.vector_load %arg4[%get3A_364, %get3A_365] {strides = array<i32>} : memref<168x64xf32, #tpu.memory_space<vmem>>, vector<1x16xf32>,
        %get3A_367 = vector.shape_cast %get3A_366 : vector<1x16xf32> to vector<16xf32>
        %swap3A_368 = arith.index_cast %scan3A_363 : i32 to index
        %swap3A_369 = arith.constant 0 : index
        %swap3A_370 = tpu.vector_load %arg6[%swap3A_368, %swap3A_369] {strides = array<i32>} : memref<168x128xf32, #tpu.memory_space<vmem>>, vector<1x16xf32>,
        %swap3A_371 = vector.shape_cast %swap3A_370 : vector<1x16xf32> to vector<16xf32>
        %swap3A_372 = vector.shape_cast %get3A_367 : vector<16xf32> to vector<1x16xf32>
        tpu.vector_store %arg6[%swap3A_368, %swap3A_369], %swap3A_372 {strides = array<i32>} : memref<168x128xf32, #tpu.memory_space<vmem>>, vector<1x16xf32>,
        %get3A_373 = arith.index_cast %scan3A_363 : i32 to index
        %get3A_374 = arith.constant 16 : index
        %get3A_375 = tpu.vector_load %arg4[%get3A_373, %get3A_374] {strides = array<i32>} : memref<168x64xf32, #tpu.memory_space<vmem>>, vector<1x16xf32>,
        %get3A_376 = vector.shape_cast %get3A_375 : vector<1x16xf32> to vector<16xf32>
        %swap3A_377 = arith.index_cast %scan3A_363 : i32 to index
        %swap3A_378 = arith.constant 16 : index
        %swap3A_379 = tpu.vector_load %arg6[%swap3A_377, %swap3A_378] {strides = array<i32>} : memref<168x128xf32, #tpu.memory_space<vmem>>, vector<1x16xf32>,
        %swap3A_380 = vector.shape_cast %swap3A_379 : vector<1x16xf32> to vector<16xf32>
        %swap3A_381 = vector.shape_cast %get3A_376 : vector<16xf32> to vector<1x16xf32>
        tpu.vector_store %arg6[%swap3A_377, %swap3A_378], %swap3A_381 {strides = array<i32>} : memref<168x128xf32, #tpu.memory_space<vmem>>, vector<1x16xf32>,
        %get3A_382 = arith.index_cast %scan3A_363 : i32 to index
        %get3A_383 = arith.constant 32 : index
        %get3A_384 = tpu.vector_load %arg4[%get3A_382, %get3A_383] {strides = array<i32>} : memref<168x64xf32, #tpu.memory_space<vmem>>, vector<1x16xf32>,
        %get3A_385 = vector.shape_cast %get3A_384 : vector<1x16xf32> to vector<16xf32>
        %swap3A_386 = arith.index_cast %scan3A_363 : i32 to index
        %swap3A_387 = arith.constant 32 : index
        %swap3A_388 = tpu.vector_load %arg6[%swap3A_386, %swap3A_387] {strides = array<i32>} : memref<168x128xf32, #tpu.memory_space<vmem>>, vector<1x16xf32>,
        %swap3A_389 = vector.shape_cast %swap3A_388 : vector<1x16xf32> to vector<16xf32>
        %swap3A_390 = vector.shape_cast %get3A_385 : vector<16xf32> to vector<1x16xf32>
        tpu.vector_store %arg6[%swap3A_386, %swap3A_387], %swap3A_390 {strides = array<i32>} : memref<168x128xf32, #tpu.memory_space<vmem>>, vector<1x16xf32>,
        %get3A_391 = arith.index_cast %scan3A_363 : i32 to index
        %get3A_392 = arith.constant 48 : index
        %get3A_393 = tpu.vector_load %arg4[%get3A_391, %get3A_392] {strides = array<i32>} : memref<168x64xf32, #tpu.memory_space<vmem>>, vector<1x16xf32>,
        %get3A_394 = vector.shape_cast %get3A_393 : vector<1x16xf32> to vector<16xf32>
        %swap3A_395 = arith.index_cast %scan3A_363 : i32 to index
        %swap3A_396 = arith.constant 48 : index
        %swap3A_397 = tpu.vector_load %arg6[%swap3A_395, %swap3A_396] {strides = array<i32>} : memref<168x128xf32, #tpu.memory_space<vmem>>, vector<1x16xf32>,
        %swap3A_398 = vector.shape_cast %swap3A_397 : vector<1x16xf32> to vector<16xf32>
        %swap3A_399 = vector.shape_cast %get3A_394 : vector<16xf32> to vector<1x16xf32>
        tpu.vector_store %arg6[%swap3A_395, %swap3A_396], %swap3A_399 {strides = array<i32>} : memref<168x128xf32, #tpu.memory_space<vmem>>, vector<1x16xf32>,
        %scan3A_400 = arith.constant 7 : i32
        %scan3A_401 = arith.addi %scan3A_137, %scan3A_400 : i32
        %get3A_402 = arith.index_cast %scan3A_401 : i32 to index
        %get3A_403 = arith.constant 0 : index
        %get3A_404 = tpu.vector_load %arg4[%get3A_402, %get3A_403] {strides = array<i32>} : memref<168x64xf32, #tpu.memory_space<vmem>>, vector<1x16xf32>,
        %get3A_405 = vector.shape_cast %get3A_404 : vector<1x16xf32> to vector<16xf32>
        %swap3A_406 = arith.index_cast %scan3A_401 : i32 to index
        %swap3A_407 = arith.constant 0 : index
        %swap3A_408 = tpu.vector_load %arg6[%swap3A_406, %swap3A_407] {strides = array<i32>} : memref<168x128xf32, #tpu.memory_space<vmem>>, vector<1x16xf32>,
        %swap3A_409 = vector.shape_cast %swap3A_408 : vector<1x16xf32> to vector<16xf32>
        %swap3A_410 = vector.shape_cast %get3A_405 : vector<16xf32> to vector<1x16xf32>
        tpu.vector_store %arg6[%swap3A_406, %swap3A_407], %swap3A_410 {strides = array<i32>} : memref<168x128xf32, #tpu.memory_space<vmem>>, vector<1x16xf32>,
        %get3A_411 = arith.index_cast %scan3A_401 : i32 to index
        %get3A_412 = arith.constant 16 : index
        %get3A_413 = tpu.vector_load %arg4[%get3A_411, %get3A_412] {strides = array<i32>} : memref<168x64xf32, #tpu.memory_space<vmem>>, vector<1x16xf32>,
        %get3A_414 = vector.shape_cast %get3A_413 : vector<1x16xf32> to vector<16xf32>
        %swap3A_415 = arith.index_cast %scan3A_401 : i32 to index
        %swap3A_416 = arith.constant 16 : index
        %swap3A_417 = tpu.vector_load %arg6[%swap3A_415, %swap3A_416] {strides = array<i32>} : memref<168x128xf32, #tpu.memory_space<vmem>>, vector<1x16xf32>,
        %swap3A_418 = vector.shape_cast %swap3A_417 : vector<1x16xf32> to vector<16xf32>
        %swap3A_419 = vector.shape_cast %get3A_414 : vector<16xf32> to vector<1x16xf32>
        tpu.vector_store %arg6[%swap3A_415, %swap3A_416], %swap3A_419 {strides = array<i32>} : memref<168x128xf32, #tpu.memory_space<vmem>>, vector<1x16xf32>,
        %get3A_420 = arith.index_cast %scan3A_401 : i32 to index
        %get3A_421 = arith.constant 32 : index
        %get3A_422 = tpu.vector_load %arg4[%get3A_420, %get3A_421] {strides = array<i32>} : memref<168x64xf32, #tpu.memory_space<vmem>>, vector<1x16xf32>,
        %get3A_423 = vector.shape_cast %get3A_422 : vector<1x16xf32> to vector<16xf32>
        %swap3A_424 = arith.index_cast %scan3A_401 : i32 to index
        %swap3A_425 = arith.constant 32 : index
        %swap3A_426 = tpu.vector_load %arg6[%swap3A_424, %swap3A_425] {strides = array<i32>} : memref<168x128xf32, #tpu.memory_space<vmem>>, vector<1x16xf32>,
        %swap3A_427 = vector.shape_cast %swap3A_426 : vector<1x16xf32> to vector<16xf32>
        %swap3A_428 = vector.shape_cast %get3A_423 : vector<16xf32> to vector<1x16xf32>
        tpu.vector_store %arg6[%swap3A_424, %swap3A_425], %swap3A_428 {strides = array<i32>} : memref<168x128xf32, #tpu.memory_space<vmem>>, vector<1x16xf32>,
        %get3A_429 = arith.index_cast %scan3A_401 : i32 to index
        %get3A_430 = arith.constant 48 : index
        %get3A_431 = tpu.vector_load %arg4[%get3A_429, %get3A_430] {strides = array<i32>} : memref<168x64xf32, #tpu.memory_space<vmem>>, vector<1x16xf32>,
        %get3A_432 = vector.shape_cast %get3A_431 : vector<1x16xf32> to vector<16xf32>
        %swap3A_433 = arith.index_cast %scan3A_401 : i32 to index
        %swap3A_434 = arith.constant 48 : index
        %swap3A_435 = tpu.vector_load %arg6[%swap3A_433, %swap3A_434] {strides = array<i32>} : memref<168x128xf32, #tpu.memory_space<vmem>>, vector<1x16xf32>,
        %swap3A_436 = vector.shape_cast %swap3A_435 : vector<1x16xf32> to vector<16xf32>
        %swap3A_437 = vector.shape_cast %get3A_432 : vector<16xf32> to vector<1x16xf32>
        tpu.vector_store %arg6[%swap3A_433, %swap3A_434], %swap3A_437 {strides = array<i32>} : memref<168x128xf32, #tpu.memory_space<vmem>>, vector<1x16xf32>,
      }
      %scan3A_76 = arith.constant 168 : i32
      %mul3A_77 = arith.constant 168 : i32
      %mul3A_78 = arith.muli %add3A_48, %mul3A_77 : i32
      %add3A_79 = arith.addi %mul3A_2, %mul3A_78 : i32
      %dma_start3A_80 = arith.constant 0 : i32
      %dma_start3A_81 = arith.constant 0 : i32
      %dma_start3A_82 = tpu.memref_slice %arg6[%dma_start3A_80, %dma_start3A_81] : memref<168x128xf32, #tpu.memory_space<vmem>> -> memref<168x128xf32, #tpu.memory_space<vmem>>
      %dma_start3A_83 = arith.constant 0 : i32
      %dma_start3A_84 = tpu.memref_slice %arg3[%add3A_79, %dma_start3A_83] : memref<1000000x128xf32, #tpu.memory_space<hbm>> -> memref<168x128xf32, #tpu.memory_space<hbm>>
      %dma_start3A_85 = arith.constant 0 : i32
      %dma_start3A_86 = tpu.memref_slice %arg3[%add3A_79, %dma_start3A_85] : memref<1000000x128xf32, #tpu.memory_space<hbm>> -> memref<168x128xf32, #tpu.memory_space<hbm>>
      %dma_start3A_87 = arith.constant 0 : i32
      %dma_start3A_88 = arith.constant 0 : i32
      %dma_start3A_89 = tpu.memref_slice %arg6[%dma_start3A_87, %dma_start3A_88] : memref<168x128xf32, #tpu.memory_space<vmem>> -> memref<168x128xf32, #tpu.memory_space<vmem>>
      tpu.enqueue_dma source(%dma_start3A_89 : memref<168x128xf32, #tpu.memory_space<vmem>>) target(%dma_start3A_86 : memref<168x128xf32, #tpu.memory_space<hbm>>) target_semaphore(%arg10 : memref<!tpu.dma_semaphore, #tpu.memory_space<semaphore_mem>>)
      %mul3A_90 = arith.constant 2 : i32
      %mul3A_91 = arith.muli %scan3A_44, %mul3A_90 : i32
      %add3A_92 = arith.constant 1 : i32
      %add3A_93 = arith.addi %mul3A_91, %add3A_92 : i32
      %add3A_94 = arith.constant 1 : i32
      %add3A_95 = arith.addi %add3A_93, %add3A_94 : i32
      %lt3A_96 = arith.constant 186 : i32
      %lt3A_97 = arith.cmpi slt, %add3A_95, %lt3A_96 : i32
      %convert_element_type3A_98 = arith.extui %lt3A_97 : i1 to i32
      %cond3A_99 = arith.constant 0 : i32
      %cond3A_100 = arith.cmpi ne, %convert_element_type3A_98, %cond3A_99 : i32
      scf.if %cond3A_100 {
        %add3A_137 = arith.constant 1 : i32
        %add3A_138 = arith.addi %add3A_93, %add3A_137 : i32
        %mul3A_139 = arith.constant 168 : i32
        %mul3A_140 = arith.muli %add3A_138, %mul3A_139 : i32
        %add3A_141 = arith.addi %mul3A_2, %mul3A_140 : i32
        %dma_start3A_142 = arith.constant 0 : i32
        %dma_start3A_143 = arith.constant 0 : i32
        %dma_start3A_144 = tpu.memref_slice %arg4[%dma_start3A_142, %dma_start3A_143] : memref<168x64xf32, #tpu.memory_space<vmem>> -> memref<168x64xf32, #tpu.memory_space<vmem>>
        %dma_start3A_145 = arith.constant 0 : i32
        %dma_start3A_146 = tpu.memref_slice %arg2[%add3A_141, %dma_start3A_145] : memref<1000000x64xf32, #tpu.memory_space<hbm>> -> memref<168x64xf32, #tpu.memory_space<hbm>>
        %dma_start3A_147 = arith.constant 0 : i32
        %dma_start3A_148 = arith.constant 0 : i32
        %dma_start3A_149 = tpu.memref_slice %arg4[%dma_start3A_147, %dma_start3A_148] : memref<168x64xf32, #tpu.memory_space<vmem>> -> memref<168x64xf32, #tpu.memory_space<vmem>>
        %dma_start3A_150 = arith.constant 0 : i32
        %dma_start3A_151 = tpu.memref_slice %arg2[%add3A_141, %dma_start3A_150] : memref<1000000x64xf32, #tpu.memory_space<hbm>> -> memref<168x64xf32, #tpu.memory_space<hbm>>
        tpu.enqueue_dma source(%dma_start3A_151 : memref<168x64xf32, #tpu.memory_space<hbm>>) target(%dma_start3A_149 : memref<168x64xf32, #tpu.memory_space<vmem>>) target_semaphore(%arg8 : memref<!tpu.dma_semaphore, #tpu.memory_space<semaphore_mem>>)
      } else {
      }
      %dma_wait3A_101 = arith.constant 0 : i32
      %dma_wait3A_102 = arith.constant 0 : i32
      %dma_wait3A_103 = tpu.memref_slice %arg5[%dma_wait3A_101, %dma_wait3A_102] : memref<168x64xf32, #tpu.memory_space<vmem>> -> memref<168x64xf32, #tpu.memory_space<vmem>>
      %dma_wait3A_104 = arith.constant 0 : i32
      %dma_wait3A_105 = arith.constant 0 : i32
      %dma_wait3A_106 = tpu.memref_slice %arg2[%dma_wait3A_104, %dma_wait3A_105] : memref<1000000x64xf32, #tpu.memory_space<hbm>> -> memref<168x64xf32, #tpu.memory_space<hbm>>
      %dma_wait3A_107 = arith.constant 0 : i32
      %dma_wait3A_108 = arith.constant 0 : i32
      %dma_wait3A_109 = tpu.memref_slice %arg5[%dma_wait3A_107, %dma_wait3A_108] : memref<168x64xf32, #tpu.memory_space<vmem>> -> memref<168x64xf32, #tpu.memory_space<vmem>>
      %dma_wait3A_110 = arith.constant 0 : i32
      %dma_wait3A_111 = arith.constant 0 : i32
      %dma_wait3A_112 = tpu.memref_slice %arg2[%dma_wait3A_110, %dma_wait3A_111] : memref<1000000x64xf32, #tpu.memory_space<hbm>> -> memref<168x64xf32, #tpu.memory_space<hbm>>
      tpu.wait_dma2 semaphore(%arg9 : memref<!tpu.dma_semaphore, #tpu.memory_space<semaphore_mem>>) src(%dma_wait3A_112 : memref<168x64xf32, #tpu.memory_space<hbm>>) dst(%dma_wait3A_109 : memref<168x64xf32, #tpu.memory_space<vmem>>)
      %ge3A_113 = arith.constant 2 : i32
      %ge3A_114 = arith.cmpi sge, %add3A_93, %ge3A_113 : i32
      %convert_element_type3A_115 = arith.extui %ge3A_114 : i1 to i32
      %cond3A_116 = arith.constant 0 : i32
      %cond3A_117 = arith.cmpi ne, %convert_element_type3A_115, %cond3A_116 : i32
      scf.if %cond3A_117 {
        %dma_wait3A_137 = arith.constant 0 : i32
        %dma_wait3A_138 = arith.constant 0 : i32
        %dma_wait3A_139 = tpu.memref_slice %arg7[%dma_wait3A_137, %dma_wait3A_138] : memref<168x128xf32, #tpu.memory_space<vmem>> -> memref<168x128xf32, #tpu.memory_space<vmem>>
        %dma_wait3A_140 = arith.constant 0 : i32
        %dma_wait3A_141 = arith.constant 0 : i32
        %dma_wait3A_142 = tpu.memref_slice %arg3[%dma_wait3A_140, %dma_wait3A_141] : memref<1000000x128xf32, #tpu.memory_space<hbm>> -> memref<168x128xf32, #tpu.memory_space<hbm>>
        %dma_wait3A_143 = arith.constant 0 : i32
        %dma_wait3A_144 = arith.constant 0 : i32
        %dma_wait3A_145 = tpu.memref_slice %arg3[%dma_wait3A_143, %dma_wait3A_144] : memref<1000000x128xf32, #tpu.memory_space<hbm>> -> memref<168x128xf32, #tpu.memory_space<hbm>>
        %dma_wait3A_146 = arith.constant 0 : i32
        %dma_wait3A_147 = arith.constant 0 : i32
        %dma_wait3A_148 = tpu.memref_slice %arg7[%dma_wait3A_146, %dma_wait3A_147] : memref<168x128xf32, #tpu.memory_space<vmem>> -> memref<168x128xf32, #tpu.memory_space<vmem>>
        tpu.wait_dma2 semaphore(%arg11 : memref<!tpu.dma_semaphore, #tpu.memory_space<semaphore_mem>>) src(%dma_wait3A_148 : memref<168x128xf32, #tpu.memory_space<vmem>>) dst(%dma_wait3A_145 : memref<168x128xf32, #tpu.memory_space<hbm>>)
      } else {
      }
      %scan3A_118 = arith.constant 0 : i32
      %scan3A_119 = arith.constant 0 : i32
      %scan3A_120 = arith.constant 168 : i32
      %scan3A_121 = arith.addi %scan3A_119, %scan3A_120 : i32
      %scan3A_122 = arith.constant 8 : i32
      scf.for %scan3A_137 = %scan3A_119 to %scan3A_121 step %scan3A_122  : i32 {
        %get3A = arith.index_cast %scan3A_137 : i32 to index
        %get3A_138 = arith.constant 0 : index
        %get3A_139 = tpu.vector_load %arg5[%get3A, %get3A_138] {strides = array<i32>} : memref<168x64xf32, #tpu.memory_space<vmem>>, vector<1x16xf32>,
        %get3A_140 = vector.shape_cast %get3A_139 : vector<1x16xf32> to vector<16xf32>
        %swap3A = arith.index_cast %scan3A_137 : i32 to index
        %swap3A_141 = arith.constant 0 : index
        %swap3A_142 = tpu.vector_load %arg7[%swap3A, %swap3A_141] {strides = array<i32>} : memref<168x128xf32, #tpu.memory_space<vmem>>, vector<1x16xf32>,
        %swap3A_143 = vector.shape_cast %swap3A_142 : vector<1x16xf32> to vector<16xf32>
        %swap3A_144 = vector.shape_cast %get3A_140 : vector<16xf32> to vector<1x16xf32>
        tpu.vector_store %arg7[%swap3A, %swap3A_141], %swap3A_144 {strides = array<i32>} : memref<168x128xf32, #tpu.memory_space<vmem>>, vector<1x16xf32>,
        %get3A_145 = arith.index_cast %scan3A_137 : i32 to index
        %get3A_146 = arith.constant 16 : index
        %get3A_147 = tpu.vector_load %arg5[%get3A_145, %get3A_146] {strides = array<i32>} : memref<168x64xf32, #tpu.memory_space<vmem>>, vector<1x16xf32>,
        %get3A_148 = vector.shape_cast %get3A_147 : vector<1x16xf32> to vector<16xf32>
        %swap3A_149 = arith.index_cast %scan3A_137 : i32 to index
        %swap3A_150 = arith.constant 16 : index
        %swap3A_151 = tpu.vector_load %arg7[%swap3A_149, %swap3A_150] {strides = array<i32>} : memref<168x128xf32, #tpu.memory_space<vmem>>, vector<1x16xf32>,
        %swap3A_152 = vector.shape_cast %swap3A_151 : vector<1x16xf32> to vector<16xf32>
        %swap3A_153 = vector.shape_cast %get3A_148 : vector<16xf32> to vector<1x16xf32>
        tpu.vector_store %arg7[%swap3A_149, %swap3A_150], %swap3A_153 {strides = array<i32>} : memref<168x128xf32, #tpu.memory_space<vmem>>, vector<1x16xf32>,
        %get3A_154 = arith.index_cast %scan3A_137 : i32 to index
        %get3A_155 = arith.constant 32 : index
        %get3A_156 = tpu.vector_load %arg5[%get3A_154, %get3A_155] {strides = array<i32>} : memref<168x64xf32, #tpu.memory_space<vmem>>, vector<1x16xf32>,
        %get3A_157 = vector.shape_cast %get3A_156 : vector<1x16xf32> to vector<16xf32>
        %swap3A_158 = arith.index_cast %scan3A_137 : i32 to index
        %swap3A_159 = arith.constant 32 : index
        %swap3A_160 = tpu.vector_load %arg7[%swap3A_158, %swap3A_159] {strides = array<i32>} : memref<168x128xf32, #tpu.memory_space<vmem>>, vector<1x16xf32>,
        %swap3A_161 = vector.shape_cast %swap3A_160 : vector<1x16xf32> to vector<16xf32>
        %swap3A_162 = vector.shape_cast %get3A_157 : vector<16xf32> to vector<1x16xf32>
        tpu.vector_store %arg7[%swap3A_158, %swap3A_159], %swap3A_162 {strides = array<i32>} : memref<168x128xf32, #tpu.memory_space<vmem>>, vector<1x16xf32>,
        %get3A_163 = arith.index_cast %scan3A_137 : i32 to index
        %get3A_164 = arith.constant 48 : index
        %get3A_165 = tpu.vector_load %arg5[%get3A_163, %get3A_164] {strides = array<i32>} : memref<168x64xf32, #tpu.memory_space<vmem>>, vector<1x16xf32>,
        %get3A_166 = vector.shape_cast %get3A_165 : vector<1x16xf32> to vector<16xf32>
        %swap3A_167 = arith.index_cast %scan3A_137 : i32 to index
        %swap3A_168 = arith.constant 48 : index
        %swap3A_169 = tpu.vector_load %arg7[%swap3A_167, %swap3A_168] {strides = array<i32>} : memref<168x128xf32, #tpu.memory_space<vmem>>, vector<1x16xf32>,
        %swap3A_170 = vector.shape_cast %swap3A_169 : vector<1x16xf32> to vector<16xf32>
        %swap3A_171 = vector.shape_cast %get3A_166 : vector<16xf32> to vector<1x16xf32>
        tpu.vector_store %arg7[%swap3A_167, %swap3A_168], %swap3A_171 {strides = array<i32>} : memref<168x128xf32, #tpu.memory_space<vmem>>, vector<1x16xf32>,
        %scan3A_172 = arith.constant 1 : i32
        %scan3A_173 = arith.addi %scan3A_137, %scan3A_172 : i32
        %get3A_174 = arith.index_cast %scan3A_173 : i32 to index
        %get3A_175 = arith.constant 0 : index
        %get3A_176 = tpu.vector_load %arg5[%get3A_174, %get3A_175] {strides = array<i32>} : memref<168x64xf32, #tpu.memory_space<vmem>>, vector<1x16xf32>,
        %get3A_177 = vector.shape_cast %get3A_176 : vector<1x16xf32> to vector<16xf32>
        %swap3A_178 = arith.index_cast %scan3A_173 : i32 to index
        %swap3A_179 = arith.constant 0 : index
        %swap3A_180 = tpu.vector_load %arg7[%swap3A_178, %swap3A_179] {strides = array<i32>} : memref<168x128xf32, #tpu.memory_space<vmem>>, vector<1x16xf32>,
        %swap3A_181 = vector.shape_cast %swap3A_180 : vector<1x16xf32> to vector<16xf32>
        %swap3A_182 = vector.shape_cast %get3A_177 : vector<16xf32> to vector<1x16xf32>
        tpu.vector_store %arg7[%swap3A_178, %swap3A_179], %swap3A_182 {strides = array<i32>} : memref<168x128xf32, #tpu.memory_space<vmem>>, vector<1x16xf32>,
        %get3A_183 = arith.index_cast %scan3A_173 : i32 to index
        %get3A_184 = arith.constant 16 : index
        %get3A_185 = tpu.vector_load %arg5[%get3A_183, %get3A_184] {strides = array<i32>} : memref<168x64xf32, #tpu.memory_space<vmem>>, vector<1x16xf32>,
        %get3A_186 = vector.shape_cast %get3A_185 : vector<1x16xf32> to vector<16xf32>
        %swap3A_187 = arith.index_cast %scan3A_173 : i32 to index
        %swap3A_188 = arith.constant 16 : index
        %swap3A_189 = tpu.vector_load %arg7[%swap3A_187, %swap3A_188] {strides = array<i32>} : memref<168x128xf32, #tpu.memory_space<vmem>>, vector<1x16xf32>,
        %swap3A_190 = vector.shape_cast %swap3A_189 : vector<1x16xf32> to vector<16xf32>
        %swap3A_191 = vector.shape_cast %get3A_186 : vector<16xf32> to vector<1x16xf32>
        tpu.vector_store %arg7[%swap3A_187, %swap3A_188], %swap3A_191 {strides = array<i32>} : memref<168x128xf32, #tpu.memory_space<vmem>>, vector<1x16xf32>,
        %get3A_192 = arith.index_cast %scan3A_173 : i32 to index
        %get3A_193 = arith.constant 32 : index
        %get3A_194 = tpu.vector_load %arg5[%get3A_192, %get3A_193] {strides = array<i32>} : memref<168x64xf32, #tpu.memory_space<vmem>>, vector<1x16xf32>,
        %get3A_195 = vector.shape_cast %get3A_194 : vector<1x16xf32> to vector<16xf32>
        %swap3A_196 = arith.index_cast %scan3A_173 : i32 to index
        %swap3A_197 = arith.constant 32 : index
        %swap3A_198 = tpu.vector_load %arg7[%swap3A_196, %swap3A_197] {strides = array<i32>} : memref<168x128xf32, #tpu.memory_space<vmem>>, vector<1x16xf32>,
        %swap3A_199 = vector.shape_cast %swap3A_198 : vector<1x16xf32> to vector<16xf32>
        %swap3A_200 = vector.shape_cast %get3A_195 : vector<16xf32> to vector<1x16xf32>
        tpu.vector_store %arg7[%swap3A_196, %swap3A_197], %swap3A_200 {strides = array<i32>} : memref<168x128xf32, #tpu.memory_space<vmem>>, vector<1x16xf32>,
        %get3A_201 = arith.index_cast %scan3A_173 : i32 to index
        %get3A_202 = arith.constant 48 : index
        %get3A_203 = tpu.vector_load %arg5[%get3A_201, %get3A_202] {strides = array<i32>} : memref<168x64xf32, #tpu.memory_space<vmem>>, vector<1x16xf32>,
        %get3A_204 = vector.shape_cast %get3A_203 : vector<1x16xf32> to vector<16xf32>
        %swap3A_205 = arith.index_cast %scan3A_173 : i32 to index
        %swap3A_206 = arith.constant 48 : index
        %swap3A_207 = tpu.vector_load %arg7[%swap3A_205, %swap3A_206] {strides = array<i32>} : memref<168x128xf32, #tpu.memory_space<vmem>>, vector<1x16xf32>,
        %swap3A_208 = vector.shape_cast %swap3A_207 : vector<1x16xf32> to vector<16xf32>
        %swap3A_209 = vector.shape_cast %get3A_204 : vector<16xf32> to vector<1x16xf32>
        tpu.vector_store %arg7[%swap3A_205, %swap3A_206], %swap3A_209 {strides = array<i32>} : memref<168x128xf32, #tpu.memory_space<vmem>>, vector<1x16xf32>,
        %scan3A_210 = arith.constant 2 : i32
        %scan3A_211 = arith.addi %scan3A_137, %scan3A_210 : i32
        %get3A_212 = arith.index_cast %scan3A_211 : i32 to index
        %get3A_213 = arith.constant 0 : index
        %get3A_214 = tpu.vector_load %arg5[%get3A_212, %get3A_213] {strides = array<i32>} : memref<168x64xf32, #tpu.memory_space<vmem>>, vector<1x16xf32>,
        %get3A_215 = vector.shape_cast %get3A_214 : vector<1x16xf32> to vector<16xf32>
        %swap3A_216 = arith.index_cast %scan3A_211 : i32 to index
        %swap3A_217 = arith.constant 0 : index
        %swap3A_218 = tpu.vector_load %arg7[%swap3A_216, %swap3A_217] {strides = array<i32>} : memref<168x128xf32, #tpu.memory_space<vmem>>, vector<1x16xf32>,
        %swap3A_219 = vector.shape_cast %swap3A_218 : vector<1x16xf32> to vector<16xf32>
        %swap3A_220 = vector.shape_cast %get3A_215 : vector<16xf32> to vector<1x16xf32>
        tpu.vector_store %arg7[%swap3A_216, %swap3A_217], %swap3A_220 {strides = array<i32>} : memref<168x128xf32, #tpu.memory_space<vmem>>, vector<1x16xf32>,
        %get3A_221 = arith.index_cast %scan3A_211 : i32 to index
        %get3A_222 = arith.constant 16 : index
        %get3A_223 = tpu.vector_load %arg5[%get3A_221, %get3A_222] {strides = array<i32>} : memref<168x64xf32, #tpu.memory_space<vmem>>, vector<1x16xf32>,
        %get3A_224 = vector.shape_cast %get3A_223 : vector<1x16xf32> to vector<16xf32>
        %swap3A_225 = arith.index_cast %scan3A_211 : i32 to index
        %swap3A_226 = arith.constant 16 : index
        %swap3A_227 = tpu.vector_load %arg7[%swap3A_225, %swap3A_226] {strides = array<i32>} : memref<168x128xf32, #tpu.memory_space<vmem>>, vector<1x16xf32>,
        %swap3A_228 = vector.shape_cast %swap3A_227 : vector<1x16xf32> to vector<16xf32>
        %swap3A_229 = vector.shape_cast %get3A_224 : vector<16xf32> to vector<1x16xf32>
        tpu.vector_store %arg7[%swap3A_225, %swap3A_226], %swap3A_229 {strides = array<i32>} : memref<168x128xf32, #tpu.memory_space<vmem>>, vector<1x16xf32>,
        %get3A_230 = arith.index_cast %scan3A_211 : i32 to index
        %get3A_231 = arith.constant 32 : index
        %get3A_232 = tpu.vector_load %arg5[%get3A_230, %get3A_231] {strides = array<i32>} : memref<168x64xf32, #tpu.memory_space<vmem>>, vector<1x16xf32>,
        %get3A_233 = vector.shape_cast %get3A_232 : vector<1x16xf32> to vector<16xf32>
        %swap3A_234 = arith.index_cast %scan3A_211 : i32 to index
        %swap3A_235 = arith.constant 32 : index
        %swap3A_236 = tpu.vector_load %arg7[%swap3A_234, %swap3A_235] {strides = array<i32>} : memref<168x128xf32, #tpu.memory_space<vmem>>, vector<1x16xf32>,
        %swap3A_237 = vector.shape_cast %swap3A_236 : vector<1x16xf32> to vector<16xf32>
        %swap3A_238 = vector.shape_cast %get3A_233 : vector<16xf32> to vector<1x16xf32>
        tpu.vector_store %arg7[%swap3A_234, %swap3A_235], %swap3A_238 {strides = array<i32>} : memref<168x128xf32, #tpu.memory_space<vmem>>, vector<1x16xf32>,
        %get3A_239 = arith.index_cast %scan3A_211 : i32 to index
        %get3A_240 = arith.constant 48 : index
        %get3A_241 = tpu.vector_load %arg5[%get3A_239, %get3A_240] {strides = array<i32>} : memref<168x64xf32, #tpu.memory_space<vmem>>, vector<1x16xf32>,
        %get3A_242 = vector.shape_cast %get3A_241 : vector<1x16xf32> to vector<16xf32>
        %swap3A_243 = arith.index_cast %scan3A_211 : i32 to index
        %swap3A_244 = arith.constant 48 : index
        %swap3A_245 = tpu.vector_load %arg7[%swap3A_243, %swap3A_244] {strides = array<i32>} : memref<168x128xf32, #tpu.memory_space<vmem>>, vector<1x16xf32>,
        %swap3A_246 = vector.shape_cast %swap3A_245 : vector<1x16xf32> to vector<16xf32>
        %swap3A_247 = vector.shape_cast %get3A_242 : vector<16xf32> to vector<1x16xf32>
        tpu.vector_store %arg7[%swap3A_243, %swap3A_244], %swap3A_247 {strides = array<i32>} : memref<168x128xf32, #tpu.memory_space<vmem>>, vector<1x16xf32>,
        %scan3A_248 = arith.constant 3 : i32
        %scan3A_249 = arith.addi %scan3A_137, %scan3A_248 : i32
        %get3A_250 = arith.index_cast %scan3A_249 : i32 to index
        %get3A_251 = arith.constant 0 : index
        %get3A_252 = tpu.vector_load %arg5[%get3A_250, %get3A_251] {strides = array<i32>} : memref<168x64xf32, #tpu.memory_space<vmem>>, vector<1x16xf32>,
        %get3A_253 = vector.shape_cast %get3A_252 : vector<1x16xf32> to vector<16xf32>
        %swap3A_254 = arith.index_cast %scan3A_249 : i32 to index
        %swap3A_255 = arith.constant 0 : index
        %swap3A_256 = tpu.vector_load %arg7[%swap3A_254, %swap3A_255] {strides = array<i32>} : memref<168x128xf32, #tpu.memory_space<vmem>>, vector<1x16xf32>,
        %swap3A_257 = vector.shape_cast %swap3A_256 : vector<1x16xf32> to vector<16xf32>
        %swap3A_258 = vector.shape_cast %get3A_253 : vector<16xf32> to vector<1x16xf32>
        tpu.vector_store %arg7[%swap3A_254, %swap3A_255], %swap3A_258 {strides = array<i32>} : memref<168x128xf32, #tpu.memory_space<vmem>>, vector<1x16xf32>,
        %get3A_259 = arith.index_cast %scan3A_249 : i32 to index
        %get3A_260 = arith.constant 16 : index
        %get3A_261 = tpu.vector_load %arg5[%get3A_259, %get3A_260] {strides = array<i32>} : memref<168x64xf32, #tpu.memory_space<vmem>>, vector<1x16xf32>,
        %get3A_262 = vector.shape_cast %get3A_261 : vector<1x16xf32> to vector<16xf32>
        %swap3A_263 = arith.index_cast %scan3A_249 : i32 to index
        %swap3A_264 = arith.constant 16 : index
        %swap3A_265 = tpu.vector_load %arg7[%swap3A_263, %swap3A_264] {strides = array<i32>} : memref<168x128xf32, #tpu.memory_space<vmem>>, vector<1x16xf32>,
        %swap3A_266 = vector.shape_cast %swap3A_265 : vector<1x16xf32> to vector<16xf32>
        %swap3A_267 = vector.shape_cast %get3A_262 : vector<16xf32> to vector<1x16xf32>
        tpu.vector_store %arg7[%swap3A_263, %swap3A_264], %swap3A_267 {strides = array<i32>} : memref<168x128xf32, #tpu.memory_space<vmem>>, vector<1x16xf32>,
        %get3A_268 = arith.index_cast %scan3A_249 : i32 to index
        %get3A_269 = arith.constant 32 : index
        %get3A_270 = tpu.vector_load %arg5[%get3A_268, %get3A_269] {strides = array<i32>} : memref<168x64xf32, #tpu.memory_space<vmem>>, vector<1x16xf32>,
        %get3A_271 = vector.shape_cast %get3A_270 : vector<1x16xf32> to vector<16xf32>
        %swap3A_272 = arith.index_cast %scan3A_249 : i32 to index
        %swap3A_273 = arith.constant 32 : index
        %swap3A_274 = tpu.vector_load %arg7[%swap3A_272, %swap3A_273] {strides = array<i32>} : memref<168x128xf32, #tpu.memory_space<vmem>>, vector<1x16xf32>,
        %swap3A_275 = vector.shape_cast %swap3A_274 : vector<1x16xf32> to vector<16xf32>
        %swap3A_276 = vector.shape_cast %get3A_271 : vector<16xf32> to vector<1x16xf32>
        tpu.vector_store %arg7[%swap3A_272, %swap3A_273], %swap3A_276 {strides = array<i32>} : memref<168x128xf32, #tpu.memory_space<vmem>>, vector<1x16xf32>,
        %get3A_277 = arith.index_cast %scan3A_249 : i32 to index
        %get3A_278 = arith.constant 48 : index
        %get3A_279 = tpu.vector_load %arg5[%get3A_277, %get3A_278] {strides = array<i32>} : memref<168x64xf32, #tpu.memory_space<vmem>>, vector<1x16xf32>,
        %get3A_280 = vector.shape_cast %get3A_279 : vector<1x16xf32> to vector<16xf32>
        %swap3A_281 = arith.index_cast %scan3A_249 : i32 to index
        %swap3A_282 = arith.constant 48 : index
        %swap3A_283 = tpu.vector_load %arg7[%swap3A_281, %swap3A_282] {strides = array<i32>} : memref<168x128xf32, #tpu.memory_space<vmem>>, vector<1x16xf32>,
        %swap3A_284 = vector.shape_cast %swap3A_283 : vector<1x16xf32> to vector<16xf32>
        %swap3A_285 = vector.shape_cast %get3A_280 : vector<16xf32> to vector<1x16xf32>
        tpu.vector_store %arg7[%swap3A_281, %swap3A_282], %swap3A_285 {strides = array<i32>} : memref<168x128xf32, #tpu.memory_space<vmem>>, vector<1x16xf32>,
        %scan3A_286 = arith.constant 4 : i32
        %scan3A_287 = arith.addi %scan3A_137, %scan3A_286 : i32
        %get3A_288 = arith.index_cast %scan3A_287 : i32 to index
        %get3A_289 = arith.constant 0 : index
        %get3A_290 = tpu.vector_load %arg5[%get3A_288, %get3A_289] {strides = array<i32>} : memref<168x64xf32, #tpu.memory_space<vmem>>, vector<1x16xf32>,
        %get3A_291 = vector.shape_cast %get3A_290 : vector<1x16xf32> to vector<16xf32>
        %swap3A_292 = arith.index_cast %scan3A_287 : i32 to index
        %swap3A_293 = arith.constant 0 : index
        %swap3A_294 = tpu.vector_load %arg7[%swap3A_292, %swap3A_293] {strides = array<i32>} : memref<168x128xf32, #tpu.memory_space<vmem>>, vector<1x16xf32>,
        %swap3A_295 = vector.shape_cast %swap3A_294 : vector<1x16xf32> to vector<16xf32>
        %swap3A_296 = vector.shape_cast %get3A_291 : vector<16xf32> to vector<1x16xf32>
        tpu.vector_store %arg7[%swap3A_292, %swap3A_293], %swap3A_296 {strides = array<i32>} : memref<168x128xf32, #tpu.memory_space<vmem>>, vector<1x16xf32>,
        %get3A_297 = arith.index_cast %scan3A_287 : i32 to index
        %get3A_298 = arith.constant 16 : index
        %get3A_299 = tpu.vector_load %arg5[%get3A_297, %get3A_298] {strides = array<i32>} : memref<168x64xf32, #tpu.memory_space<vmem>>, vector<1x16xf32>,
        %get3A_300 = vector.shape_cast %get3A_299 : vector<1x16xf32> to vector<16xf32>
        %swap3A_301 = arith.index_cast %scan3A_287 : i32 to index
        %swap3A_302 = arith.constant 16 : index
        %swap3A_303 = tpu.vector_load %arg7[%swap3A_301, %swap3A_302] {strides = array<i32>} : memref<168x128xf32, #tpu.memory_space<vmem>>, vector<1x16xf32>,
        %swap3A_304 = vector.shape_cast %swap3A_303 : vector<1x16xf32> to vector<16xf32>
        %swap3A_305 = vector.shape_cast %get3A_300 : vector<16xf32> to vector<1x16xf32>
        tpu.vector_store %arg7[%swap3A_301, %swap3A_302], %swap3A_305 {strides = array<i32>} : memref<168x128xf32, #tpu.memory_space<vmem>>, vector<1x16xf32>,
        %get3A_306 = arith.index_cast %scan3A_287 : i32 to index
        %get3A_307 = arith.constant 32 : index
        %get3A_308 = tpu.vector_load %arg5[%get3A_306, %get3A_307] {strides = array<i32>} : memref<168x64xf32, #tpu.memory_space<vmem>>, vector<1x16xf32>,
        %get3A_309 = vector.shape_cast %get3A_308 : vector<1x16xf32> to vector<16xf32>
        %swap3A_310 = arith.index_cast %scan3A_287 : i32 to index
        %swap3A_311 = arith.constant 32 : index
        %swap3A_312 = tpu.vector_load %arg7[%swap3A_310, %swap3A_311] {strides = array<i32>} : memref<168x128xf32, #tpu.memory_space<vmem>>, vector<1x16xf32>,
        %swap3A_313 = vector.shape_cast %swap3A_312 : vector<1x16xf32> to vector<16xf32>
        %swap3A_314 = vector.shape_cast %get3A_309 : vector<16xf32> to vector<1x16xf32>
        tpu.vector_store %arg7[%swap3A_310, %swap3A_311], %swap3A_314 {strides = array<i32>} : memref<168x128xf32, #tpu.memory_space<vmem>>, vector<1x16xf32>,
        %get3A_315 = arith.index_cast %scan3A_287 : i32 to index
        %get3A_316 = arith.constant 48 : index
        %get3A_317 = tpu.vector_load %arg5[%get3A_315, %get3A_316] {strides = array<i32>} : memref<168x64xf32, #tpu.memory_space<vmem>>, vector<1x16xf32>,
        %get3A_318 = vector.shape_cast %get3A_317 : vector<1x16xf32> to vector<16xf32>
        %swap3A_319 = arith.index_cast %scan3A_287 : i32 to index
        %swap3A_320 = arith.constant 48 : index
        %swap3A_321 = tpu.vector_load %arg7[%swap3A_319, %swap3A_320] {strides = array<i32>} : memref<168x128xf32, #tpu.memory_space<vmem>>, vector<1x16xf32>,
        %swap3A_322 = vector.shape_cast %swap3A_321 : vector<1x16xf32> to vector<16xf32>
        %swap3A_323 = vector.shape_cast %get3A_318 : vector<16xf32> to vector<1x16xf32>
        tpu.vector_store %arg7[%swap3A_319, %swap3A_320], %swap3A_323 {strides = array<i32>} : memref<168x128xf32, #tpu.memory_space<vmem>>, vector<1x16xf32>,
        %scan3A_324 = arith.constant 5 : i32
        %scan3A_325 = arith.addi %scan3A_137, %scan3A_324 : i32
        %get3A_326 = arith.index_cast %scan3A_325 : i32 to index
        %get3A_327 = arith.constant 0 : index
        %get3A_328 = tpu.vector_load %arg5[%get3A_326, %get3A_327] {strides = array<i32>} : memref<168x64xf32, #tpu.memory_space<vmem>>, vector<1x16xf32>,
        %get3A_329 = vector.shape_cast %get3A_328 : vector<1x16xf32> to vector<16xf32>
        %swap3A_330 = arith.index_cast %scan3A_325 : i32 to index
        %swap3A_331 = arith.constant 0 : index
        %swap3A_332 = tpu.vector_load %arg7[%swap3A_330, %swap3A_331] {strides = array<i32>} : memref<168x128xf32, #tpu.memory_space<vmem>>, vector<1x16xf32>,
        %swap3A_333 = vector.shape_cast %swap3A_332 : vector<1x16xf32> to vector<16xf32>
        %swap3A_334 = vector.shape_cast %get3A_329 : vector<16xf32> to vector<1x16xf32>
        tpu.vector_store %arg7[%swap3A_330, %swap3A_331], %swap3A_334 {strides = array<i32>} : memref<168x128xf32, #tpu.memory_space<vmem>>, vector<1x16xf32>,
        %get3A_335 = arith.index_cast %scan3A_325 : i32 to index
        %get3A_336 = arith.constant 16 : index
        %get3A_337 = tpu.vector_load %arg5[%get3A_335, %get3A_336] {strides = array<i32>} : memref<168x64xf32, #tpu.memory_space<vmem>>, vector<1x16xf32>,
        %get3A_338 = vector.shape_cast %get3A_337 : vector<1x16xf32> to vector<16xf32>
        %swap3A_339 = arith.index_cast %scan3A_325 : i32 to index
        %swap3A_340 = arith.constant 16 : index
        %swap3A_341 = tpu.vector_load %arg7[%swap3A_339, %swap3A_340] {strides = array<i32>} : memref<168x128xf32, #tpu.memory_space<vmem>>, vector<1x16xf32>,
        %swap3A_342 = vector.shape_cast %swap3A_341 : vector<1x16xf32> to vector<16xf32>
        %swap3A_343 = vector.shape_cast %get3A_338 : vector<16xf32> to vector<1x16xf32>
        tpu.vector_store %arg7[%swap3A_339, %swap3A_340], %swap3A_343 {strides = array<i32>} : memref<168x128xf32, #tpu.memory_space<vmem>>, vector<1x16xf32>,
        %get3A_344 = arith.index_cast %scan3A_325 : i32 to index
        %get3A_345 = arith.constant 32 : index
        %get3A_346 = tpu.vector_load %arg5[%get3A_344, %get3A_345] {strides = array<i32>} : memref<168x64xf32, #tpu.memory_space<vmem>>, vector<1x16xf32>,
        %get3A_347 = vector.shape_cast %get3A_346 : vector<1x16xf32> to vector<16xf32>
        %swap3A_348 = arith.index_cast %scan3A_325 : i32 to index
        %swap3A_349 = arith.constant 32 : index
        %swap3A_350 = tpu.vector_load %arg7[%swap3A_348, %swap3A_349] {strides = array<i32>} : memref<168x128xf32, #tpu.memory_space<vmem>>, vector<1x16xf32>,
        %swap3A_351 = vector.shape_cast %swap3A_350 : vector<1x16xf32> to vector<16xf32>
        %swap3A_352 = vector.shape_cast %get3A_347 : vector<16xf32> to vector<1x16xf32>
        tpu.vector_store %arg7[%swap3A_348, %swap3A_349], %swap3A_352 {strides = array<i32>} : memref<168x128xf32, #tpu.memory_space<vmem>>, vector<1x16xf32>,
        %get3A_353 = arith.index_cast %scan3A_325 : i32 to index
        %get3A_354 = arith.constant 48 : index
        %get3A_355 = tpu.vector_load %arg5[%get3A_353, %get3A_354] {strides = array<i32>} : memref<168x64xf32, #tpu.memory_space<vmem>>, vector<1x16xf32>,
        %get3A_356 = vector.shape_cast %get3A_355 : vector<1x16xf32> to vector<16xf32>
        %swap3A_357 = arith.index_cast %scan3A_325 : i32 to index
        %swap3A_358 = arith.constant 48 : index
        %swap3A_359 = tpu.vector_load %arg7[%swap3A_357, %swap3A_358] {strides = array<i32>} : memref<168x128xf32, #tpu.memory_space<vmem>>, vector<1x16xf32>,
        %swap3A_360 = vector.shape_cast %swap3A_359 : vector<1x16xf32> to vector<16xf32>
        %swap3A_361 = vector.shape_cast %get3A_356 : vector<16xf32> to vector<1x16xf32>
        tpu.vector_store %arg7[%swap3A_357, %swap3A_358], %swap3A_361 {strides = array<i32>} : memref<168x128xf32, #tpu.memory_space<vmem>>, vector<1x16xf32>,
        %scan3A_362 = arith.constant 6 : i32
        %scan3A_363 = arith.addi %scan3A_137, %scan3A_362 : i32
        %get3A_364 = arith.index_cast %scan3A_363 : i32 to index
        %get3A_365 = arith.constant 0 : index
        %get3A_366 = tpu.vector_load %arg5[%get3A_364, %get3A_365] {strides = array<i32>} : memref<168x64xf32, #tpu.memory_space<vmem>>, vector<1x16xf32>,
        %get3A_367 = vector.shape_cast %get3A_366 : vector<1x16xf32> to vector<16xf32>
        %swap3A_368 = arith.index_cast %scan3A_363 : i32 to index
        %swap3A_369 = arith.constant 0 : index
        %swap3A_370 = tpu.vector_load %arg7[%swap3A_368, %swap3A_369] {strides = array<i32>} : memref<168x128xf32, #tpu.memory_space<vmem>>, vector<1x16xf32>,
        %swap3A_371 = vector.shape_cast %swap3A_370 : vector<1x16xf32> to vector<16xf32>
        %swap3A_372 = vector.shape_cast %get3A_367 : vector<16xf32> to vector<1x16xf32>
        tpu.vector_store %arg7[%swap3A_368, %swap3A_369], %swap3A_372 {strides = array<i32>} : memref<168x128xf32, #tpu.memory_space<vmem>>, vector<1x16xf32>,
        %get3A_373 = arith.index_cast %scan3A_363 : i32 to index
        %get3A_374 = arith.constant 16 : index
        %get3A_375 = tpu.vector_load %arg5[%get3A_373, %get3A_374] {strides = array<i32>} : memref<168x64xf32, #tpu.memory_space<vmem>>, vector<1x16xf32>,
        %get3A_376 = vector.shape_cast %get3A_375 : vector<1x16xf32> to vector<16xf32>
        %swap3A_377 = arith.index_cast %scan3A_363 : i32 to index
        %swap3A_378 = arith.constant 16 : index
        %swap3A_379 = tpu.vector_load %arg7[%swap3A_377, %swap3A_378] {strides = array<i32>} : memref<168x128xf32, #tpu.memory_space<vmem>>, vector<1x16xf32>,
        %swap3A_380 = vector.shape_cast %swap3A_379 : vector<1x16xf32> to vector<16xf32>
        %swap3A_381 = vector.shape_cast %get3A_376 : vector<16xf32> to vector<1x16xf32>
        tpu.vector_store %arg7[%swap3A_377, %swap3A_378], %swap3A_381 {strides = array<i32>} : memref<168x128xf32, #tpu.memory_space<vmem>>, vector<1x16xf32>,
        %get3A_382 = arith.index_cast %scan3A_363 : i32 to index
        %get3A_383 = arith.constant 32 : index
        %get3A_384 = tpu.vector_load %arg5[%get3A_382, %get3A_383] {strides = array<i32>} : memref<168x64xf32, #tpu.memory_space<vmem>>, vector<1x16xf32>,
        %get3A_385 = vector.shape_cast %get3A_384 : vector<1x16xf32> to vector<16xf32>
        %swap3A_386 = arith.index_cast %scan3A_363 : i32 to index
        %swap3A_387 = arith.constant 32 : index
        %swap3A_388 = tpu.vector_load %arg7[%swap3A_386, %swap3A_387] {strides = array<i32>} : memref<168x128xf32, #tpu.memory_space<vmem>>, vector<1x16xf32>,
        %swap3A_389 = vector.shape_cast %swap3A_388 : vector<1x16xf32> to vector<16xf32>
        %swap3A_390 = vector.shape_cast %get3A_385 : vector<16xf32> to vector<1x16xf32>
        tpu.vector_store %arg7[%swap3A_386, %swap3A_387], %swap3A_390 {strides = array<i32>} : memref<168x128xf32, #tpu.memory_space<vmem>>, vector<1x16xf32>,
        %get3A_391 = arith.index_cast %scan3A_363 : i32 to index
        %get3A_392 = arith.constant 48 : index
        %get3A_393 = tpu.vector_load %arg5[%get3A_391, %get3A_392] {strides = array<i32>} : memref<168x64xf32, #tpu.memory_space<vmem>>, vector<1x16xf32>,
        %get3A_394 = vector.shape_cast %get3A_393 : vector<1x16xf32> to vector<16xf32>
        %swap3A_395 = arith.index_cast %scan3A_363 : i32 to index
        %swap3A_396 = arith.constant 48 : index
        %swap3A_397 = tpu.vector_load %arg7[%swap3A_395, %swap3A_396] {strides = array<i32>} : memref<168x128xf32, #tpu.memory_space<vmem>>, vector<1x16xf32>,
        %swap3A_398 = vector.shape_cast %swap3A_397 : vector<1x16xf32> to vector<16xf32>
        %swap3A_399 = vector.shape_cast %get3A_394 : vector<16xf32> to vector<1x16xf32>
        tpu.vector_store %arg7[%swap3A_395, %swap3A_396], %swap3A_399 {strides = array<i32>} : memref<168x128xf32, #tpu.memory_space<vmem>>, vector<1x16xf32>,
        %scan3A_400 = arith.constant 7 : i32
        %scan3A_401 = arith.addi %scan3A_137, %scan3A_400 : i32
        %get3A_402 = arith.index_cast %scan3A_401 : i32 to index
        %get3A_403 = arith.constant 0 : index
        %get3A_404 = tpu.vector_load %arg5[%get3A_402, %get3A_403] {strides = array<i32>} : memref<168x64xf32, #tpu.memory_space<vmem>>, vector<1x16xf32>,
        %get3A_405 = vector.shape_cast %get3A_404 : vector<1x16xf32> to vector<16xf32>
        %swap3A_406 = arith.index_cast %scan3A_401 : i32 to index
        %swap3A_407 = arith.constant 0 : index
        %swap3A_408 = tpu.vector_load %arg7[%swap3A_406, %swap3A_407] {strides = array<i32>} : memref<168x128xf32, #tpu.memory_space<vmem>>, vector<1x16xf32>,
        %swap3A_409 = vector.shape_cast %swap3A_408 : vector<1x16xf32> to vector<16xf32>
        %swap3A_410 = vector.shape_cast %get3A_405 : vector<16xf32> to vector<1x16xf32>
        tpu.vector_store %arg7[%swap3A_406, %swap3A_407], %swap3A_410 {strides = array<i32>} : memref<168x128xf32, #tpu.memory_space<vmem>>, vector<1x16xf32>,
        %get3A_411 = arith.index_cast %scan3A_401 : i32 to index
        %get3A_412 = arith.constant 16 : index
        %get3A_413 = tpu.vector_load %arg5[%get3A_411, %get3A_412] {strides = array<i32>} : memref<168x64xf32, #tpu.memory_space<vmem>>, vector<1x16xf32>,
        %get3A_414 = vector.shape_cast %get3A_413 : vector<1x16xf32> to vector<16xf32>
        %swap3A_415 = arith.index_cast %scan3A_401 : i32 to index
        %swap3A_416 = arith.constant 16 : index
        %swap3A_417 = tpu.vector_load %arg7[%swap3A_415, %swap3A_416] {strides = array<i32>} : memref<168x128xf32, #tpu.memory_space<vmem>>, vector<1x16xf32>,
        %swap3A_418 = vector.shape_cast %swap3A_417 : vector<1x16xf32> to vector<16xf32>
        %swap3A_419 = vector.shape_cast %get3A_414 : vector<16xf32> to vector<1x16xf32>
        tpu.vector_store %arg7[%swap3A_415, %swap3A_416], %swap3A_419 {strides = array<i32>} : memref<168x128xf32, #tpu.memory_space<vmem>>, vector<1x16xf32>,
        %get3A_420 = arith.index_cast %scan3A_401 : i32 to index
        %get3A_421 = arith.constant 32 : index
        %get3A_422 = tpu.vector_load %arg5[%get3A_420, %get3A_421] {strides = array<i32>} : memref<168x64xf32, #tpu.memory_space<vmem>>, vector<1x16xf32>,
        %get3A_423 = vector.shape_cast %get3A_422 : vector<1x16xf32> to vector<16xf32>
        %swap3A_424 = arith.index_cast %scan3A_401 : i32 to index
        %swap3A_425 = arith.constant 32 : index
        %swap3A_426 = tpu.vector_load %arg7[%swap3A_424, %swap3A_425] {strides = array<i32>} : memref<168x128xf32, #tpu.memory_space<vmem>>, vector<1x16xf32>,
        %swap3A_427 = vector.shape_cast %swap3A_426 : vector<1x16xf32> to vector<16xf32>
        %swap3A_428 = vector.shape_cast %get3A_423 : vector<16xf32> to vector<1x16xf32>
        tpu.vector_store %arg7[%swap3A_424, %swap3A_425], %swap3A_428 {strides = array<i32>} : memref<168x128xf32, #tpu.memory_space<vmem>>, vector<1x16xf32>,
        %get3A_429 = arith.index_cast %scan3A_401 : i32 to index
        %get3A_430 = arith.constant 48 : index
        %get3A_431 = tpu.vector_load %arg5[%get3A_429, %get3A_430] {strides = array<i32>} : memref<168x64xf32, #tpu.memory_space<vmem>>, vector<1x16xf32>,
        %get3A_432 = vector.shape_cast %get3A_431 : vector<1x16xf32> to vector<16xf32>
        %swap3A_433 = arith.index_cast %scan3A_401 : i32 to index
        %swap3A_434 = arith.constant 48 : index
        %swap3A_435 = tpu.vector_load %arg7[%swap3A_433, %swap3A_434] {strides = array<i32>} : memref<168x128xf32, #tpu.memory_space<vmem>>, vector<1x16xf32>,
        %swap3A_436 = vector.shape_cast %swap3A_435 : vector<1x16xf32> to vector<16xf32>
        %swap3A_437 = vector.shape_cast %get3A_432 : vector<16xf32> to vector<1x16xf32>
        tpu.vector_store %arg7[%swap3A_433, %swap3A_434], %swap3A_437 {strides = array<i32>} : memref<168x128xf32, #tpu.memory_space<vmem>>, vector<1x16xf32>,
      }
      %scan3A_123 = arith.constant 168 : i32
      %mul3A_124 = arith.constant 168 : i32
      %mul3A_125 = arith.muli %add3A_93, %mul3A_124 : i32
      %add3A_126 = arith.addi %mul3A_2, %mul3A_125 : i32
      %dma_start3A_127 = arith.constant 0 : i32
      %dma_start3A_128 = arith.constant 0 : i32
      %dma_start3A_129 = tpu.memref_slice %arg7[%dma_start3A_127, %dma_start3A_128] : memref<168x128xf32, #tpu.memory_space<vmem>> -> memref<168x128xf32, #tpu.memory_space<vmem>>
      %dma_start3A_130 = arith.constant 0 : i32
      %dma_start3A_131 = tpu.memref_slice %arg3[%add3A_126, %dma_start3A_130] : memref<1000000x128xf32, #tpu.memory_space<hbm>> -> memref<168x128xf32, #tpu.memory_space<hbm>>
      %dma_start3A_132 = arith.constant 0 : i32
      %dma_start3A_133 = tpu.memref_slice %arg3[%add3A_126, %dma_start3A_132] : memref<1000000x128xf32, #tpu.memory_space<hbm>> -> memref<168x128xf32, #tpu.memory_space<hbm>>
      %dma_start3A_134 = arith.constant 0 : i32
      %dma_start3A_135 = arith.constant 0 : i32
      %dma_start3A_136 = tpu.memref_slice %arg7[%dma_start3A_134, %dma_start3A_135] : memref<168x128xf32, #tpu.memory_space<vmem>> -> memref<168x128xf32, #tpu.memory_space<vmem>>
      tpu.enqueue_dma source(%dma_start3A_136 : memref<168x128xf32, #tpu.memory_space<vmem>>) target(%dma_start3A_133 : memref<168x128xf32, #tpu.memory_space<hbm>>) target_semaphore(%arg11 : memref<!tpu.dma_semaphore, #tpu.memory_space<semaphore_mem>>)
    }
    %scan3A_18 = arith.constant 93 : i32
    %dma_wait3A = arith.constant 0 : i32
    %dma_wait3A_19 = arith.constant 0 : i32
    %dma_wait3A_20 = tpu.memref_slice %arg6[%dma_wait3A, %dma_wait3A_19] : memref<168x128xf32, #tpu.memory_space<vmem>> -> memref<168x128xf32, #tpu.memory_space<vmem>>
    %dma_wait3A_21 = arith.constant 0 : i32
    %dma_wait3A_22 = arith.constant 0 : i32
    %dma_wait3A_23 = tpu.memref_slice %arg3[%dma_wait3A_21, %dma_wait3A_22] : memref<1000000x128xf32, #tpu.memory_space<hbm>> -> memref<168x128xf32, #tpu.memory_space<hbm>>
    %dma_wait3A_24 = arith.constant 0 : i32
    %dma_wait3A_25 = arith.constant 0 : i32
    %dma_wait3A_26 = tpu.memref_slice %arg3[%dma_wait3A_24, %dma_wait3A_25] : memref<1000000x128xf32, #tpu.memory_space<hbm>> -> memref<168x128xf32, #tpu.memory_space<hbm>>
    %dma_wait3A_27 = arith.constant 0 : i32
    %dma_wait3A_28 = arith.constant 0 : i32
    %dma_wait3A_29 = tpu.memref_slice %arg6[%dma_wait3A_27, %dma_wait3A_28] : memref<168x128xf32, #tpu.memory_space<vmem>> -> memref<168x128xf32, #tpu.memory_space<vmem>>
    tpu.wait_dma2 semaphore(%arg10 : memref<!tpu.dma_semaphore, #tpu.memory_space<semaphore_mem>>) src(%dma_wait3A_29 : memref<168x128xf32, #tpu.memory_space<vmem>>) dst(%dma_wait3A_26 : memref<168x128xf32, #tpu.memory_space<hbm>>)
    %dma_wait3A_30 = arith.constant 0 : i32
    %dma_wait3A_31 = arith.constant 0 : i32
    %dma_wait3A_32 = tpu.memref_slice %arg7[%dma_wait3A_30, %dma_wait3A_31] : memref<168x128xf32, #tpu.memory_space<vmem>> -> memref<168x128xf32, #tpu.memory_space<vmem>>
    %dma_wait3A_33 = arith.constant 0 : i32
    %dma_wait3A_34 = arith.constant 0 : i32
    %dma_wait3A_35 = tpu.memref_slice %arg3[%dma_wait3A_33, %dma_wait3A_34] : memref<1000000x128xf32, #tpu.memory_space<hbm>> -> memref<168x128xf32, #tpu.memory_space<hbm>>
    %dma_wait3A_36 = arith.constant 0 : i32
    %dma_wait3A_37 = arith.constant 0 : i32
    %dma_wait3A_38 = tpu.memref_slice %arg3[%dma_wait3A_36, %dma_wait3A_37] : memref<1000000x128xf32, #tpu.memory_space<hbm>> -> memref<168x128xf32, #tpu.memory_space<hbm>>
    %dma_wait3A_39 = arith.constant 0 : i32
    %dma_wait3A_40 = arith.constant 0 : i32
    %dma_wait3A_41 = tpu.memref_slice %arg7[%dma_wait3A_39, %dma_wait3A_40] : memref<168x128xf32, #tpu.memory_space<vmem>> -> memref<168x128xf32, #tpu.memory_space<vmem>>
    tpu.wait_dma2 semaphore(%arg11 : memref<!tpu.dma_semaphore, #tpu.memory_space<semaphore_mem>>) src(%dma_wait3A_41 : memref<168x128xf32, #tpu.memory_space<vmem>>) dst(%dma_wait3A_38 : memref<168x128xf32, #tpu.memory_space<hbm>>)
    %eq3A = arith.constant 31 : i32
    %eq3A_42 = arith.cmpi eq, %add3A, %eq3A : i32
    %convert_element_type3A = arith.extui %eq3A_42 : i1 to i32
    %cond3A = arith.constant 0 : i32
    %cond3A_43 = arith.cmpi ne, %convert_element_type3A, %cond3A : i32
    scf.if %cond3A_43 {
      %add3A_44 = arith.constant 31248 : i32
      %add3A_45 = arith.addi %mul3A_2, %add3A_44 : i32
      %dma_start3A_46 = arith.constant 0 : i32
      %dma_start3A_47 = arith.constant 0 : i32
      %dma_start3A_48 = tpu.memref_slice %arg4[%dma_start3A_46, %dma_start3A_47] : memref<168x64xf32, #tpu.memory_space<vmem>> -> memref<64x64xf32, #tpu.memory_space<vmem>>
      %dma_start3A_49 = arith.constant 0 : i32
      %dma_start3A_50 = tpu.memref_slice %arg2[%add3A_45, %dma_start3A_49] : memref<1000000x64xf32, #tpu.memory_space<hbm>> -> memref<64x64xf32, #tpu.memory_space<hbm>>
      %dma_start3A_51 = arith.constant 0 : i32
      %dma_start3A_52 = arith.constant 0 : i32
      %dma_start3A_53 = tpu.memref_slice %arg4[%dma_start3A_51, %dma_start3A_52] : memref<168x64xf32, #tpu.memory_space<vmem>> -> memref<64x64xf32, #tpu.memory_space<vmem>>
      %dma_start3A_54 = arith.constant 0 : i32
      %dma_start3A_55 = tpu.memref_slice %arg2[%add3A_45, %dma_start3A_54] : memref<1000000x64xf32, #tpu.memory_space<hbm>> -> memref<64x64xf32, #tpu.memory_space<hbm>>
      tpu.enqueue_dma source(%dma_start3A_55 : memref<64x64xf32, #tpu.memory_space<hbm>>) target(%dma_start3A_53 : memref<64x64xf32, #tpu.memory_space<vmem>>) target_semaphore(%arg8 : memref<!tpu.dma_semaphore, #tpu.memory_space<semaphore_mem>>)
      %dma_wait3A_56 = arith.constant 0 : i32
      %dma_wait3A_57 = arith.constant 0 : i32
      %dma_wait3A_58 = tpu.memref_slice %arg4[%dma_wait3A_56, %dma_wait3A_57] : memref<168x64xf32, #tpu.memory_space<vmem>> -> memref<64x64xf32, #tpu.memory_space<vmem>>
      %dma_wait3A_59 = arith.constant 0 : i32
      %dma_wait3A_60 = arith.constant 0 : i32
      %dma_wait3A_61 = tpu.memref_slice %arg2[%dma_wait3A_59, %dma_wait3A_60] : memref<1000000x64xf32, #tpu.memory_space<hbm>> -> memref<64x64xf32, #tpu.memory_space<hbm>>
      %dma_wait3A_62 = arith.constant 0 : i32
      %dma_wait3A_63 = arith.constant 0 : i32
      %dma_wait3A_64 = tpu.memref_slice %arg4[%dma_wait3A_62, %dma_wait3A_63] : memref<168x64xf32, #tpu.memory_space<vmem>> -> memref<64x64xf32, #tpu.memory_space<vmem>>
      %dma_wait3A_65 = arith.constant 0 : i32
      %dma_wait3A_66 = arith.constant 0 : i32
      %dma_wait3A_67 = tpu.memref_slice %arg2[%dma_wait3A_65, %dma_wait3A_66] : memref<1000000x64xf32, #tpu.memory_space<hbm>> -> memref<64x64xf32, #tpu.memory_space<hbm>>
      tpu.wait_dma2 semaphore(%arg8 : memref<!tpu.dma_semaphore, #tpu.memory_space<semaphore_mem>>) src(%dma_wait3A_67 : memref<64x64xf32, #tpu.memory_space<hbm>>) dst(%dma_wait3A_64 : memref<64x64xf32, #tpu.memory_space<vmem>>)
      %scan3A_68 = arith.constant 0 : i32
      %scan3A_69 = arith.constant 0 : i32
      %scan3A_70 = arith.constant 64 : i32
      %scan3A_71 = arith.addi %scan3A_69, %scan3A_70 : i32
      %scan3A_72 = arith.constant 8 : i32
      scf.for %scan3A_98 = %scan3A_69 to %scan3A_71 step %scan3A_72  : i32 {
        %get3A = arith.index_cast %scan3A_98 : i32 to index
        %get3A_99 = arith.constant 0 : index
        %get3A_100 = tpu.vector_load %arg4[%get3A, %get3A_99] {strides = array<i32>} : memref<168x64xf32, #tpu.memory_space<vmem>>, vector<1x16xf32>,
        %get3A_101 = vector.shape_cast %get3A_100 : vector<1x16xf32> to vector<16xf32>
        %swap3A = arith.index_cast %scan3A_98 : i32 to index
        %swap3A_102 = arith.constant 0 : index
        %swap3A_103 = tpu.vector_load %arg6[%swap3A, %swap3A_102] {strides = array<i32>} : memref<168x128xf32, #tpu.memory_space<vmem>>, vector<1x16xf32>,
        %swap3A_104 = vector.shape_cast %swap3A_103 : vector<1x16xf32> to vector<16xf32>
        %swap3A_105 = vector.shape_cast %get3A_101 : vector<16xf32> to vector<1x16xf32>
        tpu.vector_store %arg6[%swap3A, %swap3A_102], %swap3A_105 {strides = array<i32>} : memref<168x128xf32, #tpu.memory_space<vmem>>, vector<1x16xf32>,
        %get3A_106 = arith.index_cast %scan3A_98 : i32 to index
        %get3A_107 = arith.constant 16 : index
        %get3A_108 = tpu.vector_load %arg4[%get3A_106, %get3A_107] {strides = array<i32>} : memref<168x64xf32, #tpu.memory_space<vmem>>, vector<1x16xf32>,
        %get3A_109 = vector.shape_cast %get3A_108 : vector<1x16xf32> to vector<16xf32>
        %swap3A_110 = arith.index_cast %scan3A_98 : i32 to index
        %swap3A_111 = arith.constant 16 : index
        %swap3A_112 = tpu.vector_load %arg6[%swap3A_110, %swap3A_111] {strides = array<i32>} : memref<168x128xf32, #tpu.memory_space<vmem>>, vector<1x16xf32>,
        %swap3A_113 = vector.shape_cast %swap3A_112 : vector<1x16xf32> to vector<16xf32>
        %swap3A_114 = vector.shape_cast %get3A_109 : vector<16xf32> to vector<1x16xf32>
        tpu.vector_store %arg6[%swap3A_110, %swap3A_111], %swap3A_114 {strides = array<i32>} : memref<168x128xf32, #tpu.memory_space<vmem>>, vector<1x16xf32>,
        %get3A_115 = arith.index_cast %scan3A_98 : i32 to index
        %get3A_116 = arith.constant 32 : index
        %get3A_117 = tpu.vector_load %arg4[%get3A_115, %get3A_116] {strides = array<i32>} : memref<168x64xf32, #tpu.memory_space<vmem>>, vector<1x16xf32>,
        %get3A_118 = vector.shape_cast %get3A_117 : vector<1x16xf32> to vector<16xf32>
        %swap3A_119 = arith.index_cast %scan3A_98 : i32 to index
        %swap3A_120 = arith.constant 32 : index
        %swap3A_121 = tpu.vector_load %arg6[%swap3A_119, %swap3A_120] {strides = array<i32>} : memref<168x128xf32, #tpu.memory_space<vmem>>, vector<1x16xf32>,
        %swap3A_122 = vector.shape_cast %swap3A_121 : vector<1x16xf32> to vector<16xf32>
        %swap3A_123 = vector.shape_cast %get3A_118 : vector<16xf32> to vector<1x16xf32>
        tpu.vector_store %arg6[%swap3A_119, %swap3A_120], %swap3A_123 {strides = array<i32>} : memref<168x128xf32, #tpu.memory_space<vmem>>, vector<1x16xf32>,
        %get3A_124 = arith.index_cast %scan3A_98 : i32 to index
        %get3A_125 = arith.constant 48 : index
        %get3A_126 = tpu.vector_load %arg4[%get3A_124, %get3A_125] {strides = array<i32>} : memref<168x64xf32, #tpu.memory_space<vmem>>, vector<1x16xf32>,
        %get3A_127 = vector.shape_cast %get3A_126 : vector<1x16xf32> to vector<16xf32>
        %swap3A_128 = arith.index_cast %scan3A_98 : i32 to index
        %swap3A_129 = arith.constant 48 : index
        %swap3A_130 = tpu.vector_load %arg6[%swap3A_128, %swap3A_129] {strides = array<i32>} : memref<168x128xf32, #tpu.memory_space<vmem>>, vector<1x16xf32>,
        %swap3A_131 = vector.shape_cast %swap3A_130 : vector<1x16xf32> to vector<16xf32>
        %swap3A_132 = vector.shape_cast %get3A_127 : vector<16xf32> to vector<1x16xf32>
        tpu.vector_store %arg6[%swap3A_128, %swap3A_129], %swap3A_132 {strides = array<i32>} : memref<168x128xf32, #tpu.memory_space<vmem>>, vector<1x16xf32>,
        %scan3A_133 = arith.constant 1 : i32
        %scan3A_134 = arith.addi %scan3A_98, %scan3A_133 : i32
        %get3A_135 = arith.index_cast %scan3A_134 : i32 to index
        %get3A_136 = arith.constant 0 : index
        %get3A_137 = tpu.vector_load %arg4[%get3A_135, %get3A_136] {strides = array<i32>} : memref<168x64xf32, #tpu.memory_space<vmem>>, vector<1x16xf32>,
        %get3A_138 = vector.shape_cast %get3A_137 : vector<1x16xf32> to vector<16xf32>
        %swap3A_139 = arith.index_cast %scan3A_134 : i32 to index
        %swap3A_140 = arith.constant 0 : index
        %swap3A_141 = tpu.vector_load %arg6[%swap3A_139, %swap3A_140] {strides = array<i32>} : memref<168x128xf32, #tpu.memory_space<vmem>>, vector<1x16xf32>,
        %swap3A_142 = vector.shape_cast %swap3A_141 : vector<1x16xf32> to vector<16xf32>
        %swap3A_143 = vector.shape_cast %get3A_138 : vector<16xf32> to vector<1x16xf32>
        tpu.vector_store %arg6[%swap3A_139, %swap3A_140], %swap3A_143 {strides = array<i32>} : memref<168x128xf32, #tpu.memory_space<vmem>>, vector<1x16xf32>,
        %get3A_144 = arith.index_cast %scan3A_134 : i32 to index
        %get3A_145 = arith.constant 16 : index
        %get3A_146 = tpu.vector_load %arg4[%get3A_144, %get3A_145] {strides = array<i32>} : memref<168x64xf32, #tpu.memory_space<vmem>>, vector<1x16xf32>,
        %get3A_147 = vector.shape_cast %get3A_146 : vector<1x16xf32> to vector<16xf32>
        %swap3A_148 = arith.index_cast %scan3A_134 : i32 to index
        %swap3A_149 = arith.constant 16 : index
        %swap3A_150 = tpu.vector_load %arg6[%swap3A_148, %swap3A_149] {strides = array<i32>} : memref<168x128xf32, #tpu.memory_space<vmem>>, vector<1x16xf32>,
        %swap3A_151 = vector.shape_cast %swap3A_150 : vector<1x16xf32> to vector<16xf32>
        %swap3A_152 = vector.shape_cast %get3A_147 : vector<16xf32> to vector<1x16xf32>
        tpu.vector_store %arg6[%swap3A_148, %swap3A_149], %swap3A_152 {strides = array<i32>} : memref<168x128xf32, #tpu.memory_space<vmem>>, vector<1x16xf32>,
        %get3A_153 = arith.index_cast %scan3A_134 : i32 to index
        %get3A_154 = arith.constant 32 : index
        %get3A_155 = tpu.vector_load %arg4[%get3A_153, %get3A_154] {strides = array<i32>} : memref<168x64xf32, #tpu.memory_space<vmem>>, vector<1x16xf32>,
        %get3A_156 = vector.shape_cast %get3A_155 : vector<1x16xf32> to vector<16xf32>
        %swap3A_157 = arith.index_cast %scan3A_134 : i32 to index
        %swap3A_158 = arith.constant 32 : index
        %swap3A_159 = tpu.vector_load %arg6[%swap3A_157, %swap3A_158] {strides = array<i32>} : memref<168x128xf32, #tpu.memory_space<vmem>>, vector<1x16xf32>,
        %swap3A_160 = vector.shape_cast %swap3A_159 : vector<1x16xf32> to vector<16xf32>
        %swap3A_161 = vector.shape_cast %get3A_156 : vector<16xf32> to vector<1x16xf32>
        tpu.vector_store %arg6[%swap3A_157, %swap3A_158], %swap3A_161 {strides = array<i32>} : memref<168x128xf32, #tpu.memory_space<vmem>>, vector<1x16xf32>,
        %get3A_162 = arith.index_cast %scan3A_134 : i32 to index
        %get3A_163 = arith.constant 48 : index
        %get3A_164 = tpu.vector_load %arg4[%get3A_162, %get3A_163] {strides = array<i32>} : memref<168x64xf32, #tpu.memory_space<vmem>>, vector<1x16xf32>,
        %get3A_165 = vector.shape_cast %get3A_164 : vector<1x16xf32> to vector<16xf32>
        %swap3A_166 = arith.index_cast %scan3A_134 : i32 to index
        %swap3A_167 = arith.constant 48 : index
        %swap3A_168 = tpu.vector_load %arg6[%swap3A_166, %swap3A_167] {strides = array<i32>} : memref<168x128xf32, #tpu.memory_space<vmem>>, vector<1x16xf32>,
        %swap3A_169 = vector.shape_cast %swap3A_168 : vector<1x16xf32> to vector<16xf32>
        %swap3A_170 = vector.shape_cast %get3A_165 : vector<16xf32> to vector<1x16xf32>
        tpu.vector_store %arg6[%swap3A_166, %swap3A_167], %swap3A_170 {strides = array<i32>} : memref<168x128xf32, #tpu.memory_space<vmem>>, vector<1x16xf32>,
        %scan3A_171 = arith.constant 2 : i32
        %scan3A_172 = arith.addi %scan3A_98, %scan3A_171 : i32
        %get3A_173 = arith.index_cast %scan3A_172 : i32 to index
        %get3A_174 = arith.constant 0 : index
        %get3A_175 = tpu.vector_load %arg4[%get3A_173, %get3A_174] {strides = array<i32>} : memref<168x64xf32, #tpu.memory_space<vmem>>, vector<1x16xf32>,
        %get3A_176 = vector.shape_cast %get3A_175 : vector<1x16xf32> to vector<16xf32>
        %swap3A_177 = arith.index_cast %scan3A_172 : i32 to index
        %swap3A_178 = arith.constant 0 : index
        %swap3A_179 = tpu.vector_load %arg6[%swap3A_177, %swap3A_178] {strides = array<i32>} : memref<168x128xf32, #tpu.memory_space<vmem>>, vector<1x16xf32>,
        %swap3A_180 = vector.shape_cast %swap3A_179 : vector<1x16xf32> to vector<16xf32>
        %swap3A_181 = vector.shape_cast %get3A_176 : vector<16xf32> to vector<1x16xf32>
        tpu.vector_store %arg6[%swap3A_177, %swap3A_178], %swap3A_181 {strides = array<i32>} : memref<168x128xf32, #tpu.memory_space<vmem>>, vector<1x16xf32>,
        %get3A_182 = arith.index_cast %scan3A_172 : i32 to index
        %get3A_183 = arith.constant 16 : index
        %get3A_184 = tpu.vector_load %arg4[%get3A_182, %get3A_183] {strides = array<i32>} : memref<168x64xf32, #tpu.memory_space<vmem>>, vector<1x16xf32>,
        %get3A_185 = vector.shape_cast %get3A_184 : vector<1x16xf32> to vector<16xf32>
        %swap3A_186 = arith.index_cast %scan3A_172 : i32 to index
        %swap3A_187 = arith.constant 16 : index
        %swap3A_188 = tpu.vector_load %arg6[%swap3A_186, %swap3A_187] {strides = array<i32>} : memref<168x128xf32, #tpu.memory_space<vmem>>, vector<1x16xf32>,
        %swap3A_189 = vector.shape_cast %swap3A_188 : vector<1x16xf32> to vector<16xf32>
        %swap3A_190 = vector.shape_cast %get3A_185 : vector<16xf32> to vector<1x16xf32>
        tpu.vector_store %arg6[%swap3A_186, %swap3A_187], %swap3A_190 {strides = array<i32>} : memref<168x128xf32, #tpu.memory_space<vmem>>, vector<1x16xf32>,
        %get3A_191 = arith.index_cast %scan3A_172 : i32 to index
        %get3A_192 = arith.constant 32 : index
        %get3A_193 = tpu.vector_load %arg4[%get3A_191, %get3A_192] {strides = array<i32>} : memref<168x64xf32, #tpu.memory_space<vmem>>, vector<1x16xf32>,
        %get3A_194 = vector.shape_cast %get3A_193 : vector<1x16xf32> to vector<16xf32>
        %swap3A_195 = arith.index_cast %scan3A_172 : i32 to index
        %swap3A_196 = arith.constant 32 : index
        %swap3A_197 = tpu.vector_load %arg6[%swap3A_195, %swap3A_196] {strides = array<i32>} : memref<168x128xf32, #tpu.memory_space<vmem>>, vector<1x16xf32>,
        %swap3A_198 = vector.shape_cast %swap3A_197 : vector<1x16xf32> to vector<16xf32>
        %swap3A_199 = vector.shape_cast %get3A_194 : vector<16xf32> to vector<1x16xf32>
        tpu.vector_store %arg6[%swap3A_195, %swap3A_196], %swap3A_199 {strides = array<i32>} : memref<168x128xf32, #tpu.memory_space<vmem>>, vector<1x16xf32>,
        %get3A_200 = arith.index_cast %scan3A_172 : i32 to index
        %get3A_201 = arith.constant 48 : index
        %get3A_202 = tpu.vector_load %arg4[%get3A_200, %get3A_201] {strides = array<i32>} : memref<168x64xf32, #tpu.memory_space<vmem>>, vector<1x16xf32>,
        %get3A_203 = vector.shape_cast %get3A_202 : vector<1x16xf32> to vector<16xf32>
        %swap3A_204 = arith.index_cast %scan3A_172 : i32 to index
        %swap3A_205 = arith.constant 48 : index
        %swap3A_206 = tpu.vector_load %arg6[%swap3A_204, %swap3A_205] {strides = array<i32>} : memref<168x128xf32, #tpu.memory_space<vmem>>, vector<1x16xf32>,
        %swap3A_207 = vector.shape_cast %swap3A_206 : vector<1x16xf32> to vector<16xf32>
        %swap3A_208 = vector.shape_cast %get3A_203 : vector<16xf32> to vector<1x16xf32>
        tpu.vector_store %arg6[%swap3A_204, %swap3A_205], %swap3A_208 {strides = array<i32>} : memref<168x128xf32, #tpu.memory_space<vmem>>, vector<1x16xf32>,
        %scan3A_209 = arith.constant 3 : i32
        %scan3A_210 = arith.addi %scan3A_98, %scan3A_209 : i32
        %get3A_211 = arith.index_cast %scan3A_210 : i32 to index
        %get3A_212 = arith.constant 0 : index
        %get3A_213 = tpu.vector_load %arg4[%get3A_211, %get3A_212] {strides = array<i32>} : memref<168x64xf32, #tpu.memory_space<vmem>>, vector<1x16xf32>,
        %get3A_214 = vector.shape_cast %get3A_213 : vector<1x16xf32> to vector<16xf32>
        %swap3A_215 = arith.index_cast %scan3A_210 : i32 to index
        %swap3A_216 = arith.constant 0 : index
        %swap3A_217 = tpu.vector_load %arg6[%swap3A_215, %swap3A_216] {strides = array<i32>} : memref<168x128xf32, #tpu.memory_space<vmem>>, vector<1x16xf32>,
        %swap3A_218 = vector.shape_cast %swap3A_217 : vector<1x16xf32> to vector<16xf32>
        %swap3A_219 = vector.shape_cast %get3A_214 : vector<16xf32> to vector<1x16xf32>
        tpu.vector_store %arg6[%swap3A_215, %swap3A_216], %swap3A_219 {strides = array<i32>} : memref<168x128xf32, #tpu.memory_space<vmem>>, vector<1x16xf32>,
        %get3A_220 = arith.index_cast %scan3A_210 : i32 to index
        %get3A_221 = arith.constant 16 : index
        %get3A_222 = tpu.vector_load %arg4[%get3A_220, %get3A_221] {strides = array<i32>} : memref<168x64xf32, #tpu.memory_space<vmem>>, vector<1x16xf32>,
        %get3A_223 = vector.shape_cast %get3A_222 : vector<1x16xf32> to vector<16xf32>
        %swap3A_224 = arith.index_cast %scan3A_210 : i32 to index
        %swap3A_225 = arith.constant 16 : index
        %swap3A_226 = tpu.vector_load %arg6[%swap3A_224, %swap3A_225] {strides = array<i32>} : memref<168x128xf32, #tpu.memory_space<vmem>>, vector<1x16xf32>,
        %swap3A_227 = vector.shape_cast %swap3A_226 : vector<1x16xf32> to vector<16xf32>
        %swap3A_228 = vector.shape_cast %get3A_223 : vector<16xf32> to vector<1x16xf32>
        tpu.vector_store %arg6[%swap3A_224, %swap3A_225], %swap3A_228 {strides = array<i32>} : memref<168x128xf32, #tpu.memory_space<vmem>>, vector<1x16xf32>,
        %get3A_229 = arith.index_cast %scan3A_210 : i32 to index
        %get3A_230 = arith.constant 32 : index
        %get3A_231 = tpu.vector_load %arg4[%get3A_229, %get3A_230] {strides = array<i32>} : memref<168x64xf32, #tpu.memory_space<vmem>>, vector<1x16xf32>,
        %get3A_232 = vector.shape_cast %get3A_231 : vector<1x16xf32> to vector<16xf32>
        %swap3A_233 = arith.index_cast %scan3A_210 : i32 to index
        %swap3A_234 = arith.constant 32 : index
        %swap3A_235 = tpu.vector_load %arg6[%swap3A_233, %swap3A_234] {strides = array<i32>} : memref<168x128xf32, #tpu.memory_space<vmem>>, vector<1x16xf32>,
        %swap3A_236 = vector.shape_cast %swap3A_235 : vector<1x16xf32> to vector<16xf32>
        %swap3A_237 = vector.shape_cast %get3A_232 : vector<16xf32> to vector<1x16xf32>
        tpu.vector_store %arg6[%swap3A_233, %swap3A_234], %swap3A_237 {strides = array<i32>} : memref<168x128xf32, #tpu.memory_space<vmem>>, vector<1x16xf32>,
        %get3A_238 = arith.index_cast %scan3A_210 : i32 to index
        %get3A_239 = arith.constant 48 : index
        %get3A_240 = tpu.vector_load %arg4[%get3A_238, %get3A_239] {strides = array<i32>} : memref<168x64xf32, #tpu.memory_space<vmem>>, vector<1x16xf32>,
        %get3A_241 = vector.shape_cast %get3A_240 : vector<1x16xf32> to vector<16xf32>
        %swap3A_242 = arith.index_cast %scan3A_210 : i32 to index
        %swap3A_243 = arith.constant 48 : index
        %swap3A_244 = tpu.vector_load %arg6[%swap3A_242, %swap3A_243] {strides = array<i32>} : memref<168x128xf32, #tpu.memory_space<vmem>>, vector<1x16xf32>,
        %swap3A_245 = vector.shape_cast %swap3A_244 : vector<1x16xf32> to vector<16xf32>
        %swap3A_246 = vector.shape_cast %get3A_241 : vector<16xf32> to vector<1x16xf32>
        tpu.vector_store %arg6[%swap3A_242, %swap3A_243], %swap3A_246 {strides = array<i32>} : memref<168x128xf32, #tpu.memory_space<vmem>>, vector<1x16xf32>,
        %scan3A_247 = arith.constant 4 : i32
        %scan3A_248 = arith.addi %scan3A_98, %scan3A_247 : i32
        %get3A_249 = arith.index_cast %scan3A_248 : i32 to index
        %get3A_250 = arith.constant 0 : index
        %get3A_251 = tpu.vector_load %arg4[%get3A_249, %get3A_250] {strides = array<i32>} : memref<168x64xf32, #tpu.memory_space<vmem>>, vector<1x16xf32>,
        %get3A_252 = vector.shape_cast %get3A_251 : vector<1x16xf32> to vector<16xf32>
        %swap3A_253 = arith.index_cast %scan3A_248 : i32 to index
        %swap3A_254 = arith.constant 0 : index
        %swap3A_255 = tpu.vector_load %arg6[%swap3A_253, %swap3A_254] {strides = array<i32>} : memref<168x128xf32, #tpu.memory_space<vmem>>, vector<1x16xf32>,
        %swap3A_256 = vector.shape_cast %swap3A_255 : vector<1x16xf32> to vector<16xf32>
        %swap3A_257 = vector.shape_cast %get3A_252 : vector<16xf32> to vector<1x16xf32>
        tpu.vector_store %arg6[%swap3A_253, %swap3A_254], %swap3A_257 {strides = array<i32>} : memref<168x128xf32, #tpu.memory_space<vmem>>, vector<1x16xf32>,
        %get3A_258 = arith.index_cast %scan3A_248 : i32 to index
        %get3A_259 = arith.constant 16 : index
        %get3A_260 = tpu.vector_load %arg4[%get3A_258, %get3A_259] {strides = array<i32>} : memref<168x64xf32, #tpu.memory_space<vmem>>, vector<1x16xf32>,
        %get3A_261 = vector.shape_cast %get3A_260 : vector<1x16xf32> to vector<16xf32>
        %swap3A_262 = arith.index_cast %scan3A_248 : i32 to index
        %swap3A_263 = arith.constant 16 : index
        %swap3A_264 = tpu.vector_load %arg6[%swap3A_262, %swap3A_263] {strides = array<i32>} : memref<168x128xf32, #tpu.memory_space<vmem>>, vector<1x16xf32>,
        %swap3A_265 = vector.shape_cast %swap3A_264 : vector<1x16xf32> to vector<16xf32>
        %swap3A_266 = vector.shape_cast %get3A_261 : vector<16xf32> to vector<1x16xf32>
        tpu.vector_store %arg6[%swap3A_262, %swap3A_263], %swap3A_266 {strides = array<i32>} : memref<168x128xf32, #tpu.memory_space<vmem>>, vector<1x16xf32>,
        %get3A_267 = arith.index_cast %scan3A_248 : i32 to index
        %get3A_268 = arith.constant 32 : index
        %get3A_269 = tpu.vector_load %arg4[%get3A_267, %get3A_268] {strides = array<i32>} : memref<168x64xf32, #tpu.memory_space<vmem>>, vector<1x16xf32>,
        %get3A_270 = vector.shape_cast %get3A_269 : vector<1x16xf32> to vector<16xf32>
        %swap3A_271 = arith.index_cast %scan3A_248 : i32 to index
        %swap3A_272 = arith.constant 32 : index
        %swap3A_273 = tpu.vector_load %arg6[%swap3A_271, %swap3A_272] {strides = array<i32>} : memref<168x128xf32, #tpu.memory_space<vmem>>, vector<1x16xf32>,
        %swap3A_274 = vector.shape_cast %swap3A_273 : vector<1x16xf32> to vector<16xf32>
        %swap3A_275 = vector.shape_cast %get3A_270 : vector<16xf32> to vector<1x16xf32>
        tpu.vector_store %arg6[%swap3A_271, %swap3A_272], %swap3A_275 {strides = array<i32>} : memref<168x128xf32, #tpu.memory_space<vmem>>, vector<1x16xf32>,
        %get3A_276 = arith.index_cast %scan3A_248 : i32 to index
        %get3A_277 = arith.constant 48 : index
        %get3A_278 = tpu.vector_load %arg4[%get3A_276, %get3A_277] {strides = array<i32>} : memref<168x64xf32, #tpu.memory_space<vmem>>, vector<1x16xf32>,
        %get3A_279 = vector.shape_cast %get3A_278 : vector<1x16xf32> to vector<16xf32>
        %swap3A_280 = arith.index_cast %scan3A_248 : i32 to index
        %swap3A_281 = arith.constant 48 : index
        %swap3A_282 = tpu.vector_load %arg6[%swap3A_280, %swap3A_281] {strides = array<i32>} : memref<168x128xf32, #tpu.memory_space<vmem>>, vector<1x16xf32>,
        %swap3A_283 = vector.shape_cast %swap3A_282 : vector<1x16xf32> to vector<16xf32>
        %swap3A_284 = vector.shape_cast %get3A_279 : vector<16xf32> to vector<1x16xf32>
        tpu.vector_store %arg6[%swap3A_280, %swap3A_281], %swap3A_284 {strides = array<i32>} : memref<168x128xf32, #tpu.memory_space<vmem>>, vector<1x16xf32>,
        %scan3A_285 = arith.constant 5 : i32
        %scan3A_286 = arith.addi %scan3A_98, %scan3A_285 : i32
        %get3A_287 = arith.index_cast %scan3A_286 : i32 to index
        %get3A_288 = arith.constant 0 : index
        %get3A_289 = tpu.vector_load %arg4[%get3A_287, %get3A_288] {strides = array<i32>} : memref<168x64xf32, #tpu.memory_space<vmem>>, vector<1x16xf32>,
        %get3A_290 = vector.shape_cast %get3A_289 : vector<1x16xf32> to vector<16xf32>
        %swap3A_291 = arith.index_cast %scan3A_286 : i32 to index
        %swap3A_292 = arith.constant 0 : index
        %swap3A_293 = tpu.vector_load %arg6[%swap3A_291, %swap3A_292] {strides = array<i32>} : memref<168x128xf32, #tpu.memory_space<vmem>>, vector<1x16xf32>,
        %swap3A_294 = vector.shape_cast %swap3A_293 : vector<1x16xf32> to vector<16xf32>
        %swap3A_295 = vector.shape_cast %get3A_290 : vector<16xf32> to vector<1x16xf32>
        tpu.vector_store %arg6[%swap3A_291, %swap3A_292], %swap3A_295 {strides = array<i32>} : memref<168x128xf32, #tpu.memory_space<vmem>>, vector<1x16xf32>,
        %get3A_296 = arith.index_cast %scan3A_286 : i32 to index
        %get3A_297 = arith.constant 16 : index
        %get3A_298 = tpu.vector_load %arg4[%get3A_296, %get3A_297] {strides = array<i32>} : memref<168x64xf32, #tpu.memory_space<vmem>>, vector<1x16xf32>,
        %get3A_299 = vector.shape_cast %get3A_298 : vector<1x16xf32> to vector<16xf32>
        %swap3A_300 = arith.index_cast %scan3A_286 : i32 to index
        %swap3A_301 = arith.constant 16 : index
        %swap3A_302 = tpu.vector_load %arg6[%swap3A_300, %swap3A_301] {strides = array<i32>} : memref<168x128xf32, #tpu.memory_space<vmem>>, vector<1x16xf32>,
        %swap3A_303 = vector.shape_cast %swap3A_302 : vector<1x16xf32> to vector<16xf32>
        %swap3A_304 = vector.shape_cast %get3A_299 : vector<16xf32> to vector<1x16xf32>
        tpu.vector_store %arg6[%swap3A_300, %swap3A_301], %swap3A_304 {strides = array<i32>} : memref<168x128xf32, #tpu.memory_space<vmem>>, vector<1x16xf32>,
        %get3A_305 = arith.index_cast %scan3A_286 : i32 to index
        %get3A_306 = arith.constant 32 : index
        %get3A_307 = tpu.vector_load %arg4[%get3A_305, %get3A_306] {strides = array<i32>} : memref<168x64xf32, #tpu.memory_space<vmem>>, vector<1x16xf32>,
        %get3A_308 = vector.shape_cast %get3A_307 : vector<1x16xf32> to vector<16xf32>
        %swap3A_309 = arith.index_cast %scan3A_286 : i32 to index
        %swap3A_310 = arith.constant 32 : index
        %swap3A_311 = tpu.vector_load %arg6[%swap3A_309, %swap3A_310] {strides = array<i32>} : memref<168x128xf32, #tpu.memory_space<vmem>>, vector<1x16xf32>,
        %swap3A_312 = vector.shape_cast %swap3A_311 : vector<1x16xf32> to vector<16xf32>
        %swap3A_313 = vector.shape_cast %get3A_308 : vector<16xf32> to vector<1x16xf32>
        tpu.vector_store %arg6[%swap3A_309, %swap3A_310], %swap3A_313 {strides = array<i32>} : memref<168x128xf32, #tpu.memory_space<vmem>>, vector<1x16xf32>,
        %get3A_314 = arith.index_cast %scan3A_286 : i32 to index
        %get3A_315 = arith.constant 48 : index
        %get3A_316 = tpu.vector_load %arg4[%get3A_314, %get3A_315] {strides = array<i32>} : memref<168x64xf32, #tpu.memory_space<vmem>>, vector<1x16xf32>,
        %get3A_317 = vector.shape_cast %get3A_316 : vector<1x16xf32> to vector<16xf32>
        %swap3A_318 = arith.index_cast %scan3A_286 : i32 to index
        %swap3A_319 = arith.constant 48 : index
        %swap3A_320 = tpu.vector_load %arg6[%swap3A_318, %swap3A_319] {strides = array<i32>} : memref<168x128xf32, #tpu.memory_space<vmem>>, vector<1x16xf32>,
        %swap3A_321 = vector.shape_cast %swap3A_320 : vector<1x16xf32> to vector<16xf32>
        %swap3A_322 = vector.shape_cast %get3A_317 : vector<16xf32> to vector<1x16xf32>
        tpu.vector_store %arg6[%swap3A_318, %swap3A_319], %swap3A_322 {strides = array<i32>} : memref<168x128xf32, #tpu.memory_space<vmem>>, vector<1x16xf32>,
        %scan3A_323 = arith.constant 6 : i32
        %scan3A_324 = arith.addi %scan3A_98, %scan3A_323 : i32
        %get3A_325 = arith.index_cast %scan3A_324 : i32 to index
        %get3A_326 = arith.constant 0 : index
        %get3A_327 = tpu.vector_load %arg4[%get3A_325, %get3A_326] {strides = array<i32>} : memref<168x64xf32, #tpu.memory_space<vmem>>, vector<1x16xf32>,
        %get3A_328 = vector.shape_cast %get3A_327 : vector<1x16xf32> to vector<16xf32>
        %swap3A_329 = arith.index_cast %scan3A_324 : i32 to index
        %swap3A_330 = arith.constant 0 : index
        %swap3A_331 = tpu.vector_load %arg6[%swap3A_329, %swap3A_330] {strides = array<i32>} : memref<168x128xf32, #tpu.memory_space<vmem>>, vector<1x16xf32>,
        %swap3A_332 = vector.shape_cast %swap3A_331 : vector<1x16xf32> to vector<16xf32>
        %swap3A_333 = vector.shape_cast %get3A_328 : vector<16xf32> to vector<1x16xf32>
        tpu.vector_store %arg6[%swap3A_329, %swap3A_330], %swap3A_333 {strides = array<i32>} : memref<168x128xf32, #tpu.memory_space<vmem>>, vector<1x16xf32>,
        %get3A_334 = arith.index_cast %scan3A_324 : i32 to index
        %get3A_335 = arith.constant 16 : index
        %get3A_336 = tpu.vector_load %arg4[%get3A_334, %get3A_335] {strides = array<i32>} : memref<168x64xf32, #tpu.memory_space<vmem>>, vector<1x16xf32>,
        %get3A_337 = vector.shape_cast %get3A_336 : vector<1x16xf32> to vector<16xf32>
        %swap3A_338 = arith.index_cast %scan3A_324 : i32 to index
        %swap3A_339 = arith.constant 16 : index
        %swap3A_340 = tpu.vector_load %arg6[%swap3A_338, %swap3A_339] {strides = array<i32>} : memref<168x128xf32, #tpu.memory_space<vmem>>, vector<1x16xf32>,
        %swap3A_341 = vector.shape_cast %swap3A_340 : vector<1x16xf32> to vector<16xf32>
        %swap3A_342 = vector.shape_cast %get3A_337 : vector<16xf32> to vector<1x16xf32>
        tpu.vector_store %arg6[%swap3A_338, %swap3A_339], %swap3A_342 {strides = array<i32>} : memref<168x128xf32, #tpu.memory_space<vmem>>, vector<1x16xf32>,
        %get3A_343 = arith.index_cast %scan3A_324 : i32 to index
        %get3A_344 = arith.constant 32 : index
        %get3A_345 = tpu.vector_load %arg4[%get3A_343, %get3A_344] {strides = array<i32>} : memref<168x64xf32, #tpu.memory_space<vmem>>, vector<1x16xf32>,
        %get3A_346 = vector.shape_cast %get3A_345 : vector<1x16xf32> to vector<16xf32>
        %swap3A_347 = arith.index_cast %scan3A_324 : i32 to index
        %swap3A_348 = arith.constant 32 : index
        %swap3A_349 = tpu.vector_load %arg6[%swap3A_347, %swap3A_348] {strides = array<i32>} : memref<168x128xf32, #tpu.memory_space<vmem>>, vector<1x16xf32>,
        %swap3A_350 = vector.shape_cast %swap3A_349 : vector<1x16xf32> to vector<16xf32>
        %swap3A_351 = vector.shape_cast %get3A_346 : vector<16xf32> to vector<1x16xf32>
        tpu.vector_store %arg6[%swap3A_347, %swap3A_348], %swap3A_351 {strides = array<i32>} : memref<168x128xf32, #tpu.memory_space<vmem>>, vector<1x16xf32>,
        %get3A_352 = arith.index_cast %scan3A_324 : i32 to index
        %get3A_353 = arith.constant 48 : index
        %get3A_354 = tpu.vector_load %arg4[%get3A_352, %get3A_353] {strides = array<i32>} : memref<168x64xf32, #tpu.memory_space<vmem>>, vector<1x16xf32>,
        %get3A_355 = vector.shape_cast %get3A_354 : vector<1x16xf32> to vector<16xf32>
        %swap3A_356 = arith.index_cast %scan3A_324 : i32 to index
        %swap3A_357 = arith.constant 48 : index
        %swap3A_358 = tpu.vector_load %arg6[%swap3A_356, %swap3A_357] {strides = array<i32>} : memref<168x128xf32, #tpu.memory_space<vmem>>, vector<1x16xf32>,
        %swap3A_359 = vector.shape_cast %swap3A_358 : vector<1x16xf32> to vector<16xf32>
        %swap3A_360 = vector.shape_cast %get3A_355 : vector<16xf32> to vector<1x16xf32>
        tpu.vector_store %arg6[%swap3A_356, %swap3A_357], %swap3A_360 {strides = array<i32>} : memref<168x128xf32, #tpu.memory_space<vmem>>, vector<1x16xf32>,
        %scan3A_361 = arith.constant 7 : i32
        %scan3A_362 = arith.addi %scan3A_98, %scan3A_361 : i32
        %get3A_363 = arith.index_cast %scan3A_362 : i32 to index
        %get3A_364 = arith.constant 0 : index
        %get3A_365 = tpu.vector_load %arg4[%get3A_363, %get3A_364] {strides = array<i32>} : memref<168x64xf32, #tpu.memory_space<vmem>>, vector<1x16xf32>,
        %get3A_366 = vector.shape_cast %get3A_365 : vector<1x16xf32> to vector<16xf32>
        %swap3A_367 = arith.index_cast %scan3A_362 : i32 to index
        %swap3A_368 = arith.constant 0 : index
        %swap3A_369 = tpu.vector_load %arg6[%swap3A_367, %swap3A_368] {strides = array<i32>} : memref<168x128xf32, #tpu.memory_space<vmem>>, vector<1x16xf32>,
        %swap3A_370 = vector.shape_cast %swap3A_369 : vector<1x16xf32> to vector<16xf32>
        %swap3A_371 = vector.shape_cast %get3A_366 : vector<16xf32> to vector<1x16xf32>
        tpu.vector_store %arg6[%swap3A_367, %swap3A_368], %swap3A_371 {strides = array<i32>} : memref<168x128xf32, #tpu.memory_space<vmem>>, vector<1x16xf32>,
        %get3A_372 = arith.index_cast %scan3A_362 : i32 to index
        %get3A_373 = arith.constant 16 : index
        %get3A_374 = tpu.vector_load %arg4[%get3A_372, %get3A_373] {strides = array<i32>} : memref<168x64xf32, #tpu.memory_space<vmem>>, vector<1x16xf32>,
        %get3A_375 = vector.shape_cast %get3A_374 : vector<1x16xf32> to vector<16xf32>
        %swap3A_376 = arith.index_cast %scan3A_362 : i32 to index
        %swap3A_377 = arith.constant 16 : index
        %swap3A_378 = tpu.vector_load %arg6[%swap3A_376, %swap3A_377] {strides = array<i32>} : memref<168x128xf32, #tpu.memory_space<vmem>>, vector<1x16xf32>,
        %swap3A_379 = vector.shape_cast %swap3A_378 : vector<1x16xf32> to vector<16xf32>
        %swap3A_380 = vector.shape_cast %get3A_375 : vector<16xf32> to vector<1x16xf32>
        tpu.vector_store %arg6[%swap3A_376, %swap3A_377], %swap3A_380 {strides = array<i32>} : memref<168x128xf32, #tpu.memory_space<vmem>>, vector<1x16xf32>,
        %get3A_381 = arith.index_cast %scan3A_362 : i32 to index
        %get3A_382 = arith.constant 32 : index
        %get3A_383 = tpu.vector_load %arg4[%get3A_381, %get3A_382] {strides = array<i32>} : memref<168x64xf32, #tpu.memory_space<vmem>>, vector<1x16xf32>,
        %get3A_384 = vector.shape_cast %get3A_383 : vector<1x16xf32> to vector<16xf32>
        %swap3A_385 = arith.index_cast %scan3A_362 : i32 to index
        %swap3A_386 = arith.constant 32 : index
        %swap3A_387 = tpu.vector_load %arg6[%swap3A_385, %swap3A_386] {strides = array<i32>} : memref<168x128xf32, #tpu.memory_space<vmem>>, vector<1x16xf32>,
        %swap3A_388 = vector.shape_cast %swap3A_387 : vector<1x16xf32> to vector<16xf32>
        %swap3A_389 = vector.shape_cast %get3A_384 : vector<16xf32> to vector<1x16xf32>
        tpu.vector_store %arg6[%swap3A_385, %swap3A_386], %swap3A_389 {strides = array<i32>} : memref<168x128xf32, #tpu.memory_space<vmem>>, vector<1x16xf32>,
        %get3A_390 = arith.index_cast %scan3A_362 : i32 to index
        %get3A_391 = arith.constant 48 : index
        %get3A_392 = tpu.vector_load %arg4[%get3A_390, %get3A_391] {strides = array<i32>} : memref<168x64xf32, #tpu.memory_space<vmem>>, vector<1x16xf32>,
        %get3A_393 = vector.shape_cast %get3A_392 : vector<1x16xf32> to vector<16xf32>
        %swap3A_394 = arith.index_cast %scan3A_362 : i32 to index
        %swap3A_395 = arith.constant 48 : index
        %swap3A_396 = tpu.vector_load %arg6[%swap3A_394, %swap3A_395] {strides = array<i32>} : memref<168x128xf32, #tpu.memory_space<vmem>>, vector<1x16xf32>,
        %swap3A_397 = vector.shape_cast %swap3A_396 : vector<1x16xf32> to vector<16xf32>
        %swap3A_398 = vector.shape_cast %get3A_393 : vector<16xf32> to vector<1x16xf32>
        tpu.vector_store %arg6[%swap3A_394, %swap3A_395], %swap3A_398 {strides = array<i32>} : memref<168x128xf32, #tpu.memory_space<vmem>>, vector<1x16xf32>,
      }
      %scan3A_73 = arith.constant 64 : i32
      %add3A_74 = arith.constant 31248 : i32
      %add3A_75 = arith.addi %mul3A_2, %add3A_74 : i32
      %dma_start3A_76 = arith.constant 0 : i32
      %dma_start3A_77 = arith.constant 0 : i32
      %dma_start3A_78 = tpu.memref_slice %arg6[%dma_start3A_76, %dma_start3A_77] : memref<168x128xf32, #tpu.memory_space<vmem>> -> memref<64x128xf32, #tpu.memory_space<vmem>>
      %dma_start3A_79 = arith.constant 0 : i32
      %dma_start3A_80 = tpu.memref_slice %arg3[%add3A_75, %dma_start3A_79] : memref<1000000x128xf32, #tpu.memory_space<hbm>> -> memref<64x128xf32, #tpu.memory_space<hbm>>
      %dma_start3A_81 = arith.constant 0 : i32
      %dma_start3A_82 = tpu.memref_slice %arg3[%add3A_75, %dma_start3A_81] : memref<1000000x128xf32, #tpu.memory_space<hbm>> -> memref<64x128xf32, #tpu.memory_space<hbm>>
      %dma_start3A_83 = arith.constant 0 : i32
      %dma_start3A_84 = arith.constant 0 : i32
      %dma_start3A_85 = tpu.memref_slice %arg6[%dma_start3A_83, %dma_start3A_84] : memref<168x128xf32, #tpu.memory_space<vmem>> -> memref<64x128xf32, #tpu.memory_space<vmem>>
      tpu.enqueue_dma source(%dma_start3A_85 : memref<64x128xf32, #tpu.memory_space<vmem>>) target(%dma_start3A_82 : memref<64x128xf32, #tpu.memory_space<hbm>>) target_semaphore(%arg10 : memref<!tpu.dma_semaphore, #tpu.memory_space<semaphore_mem>>)
      %dma_wait3A_86 = arith.constant 0 : i32
      %dma_wait3A_87 = arith.constant 0 : i32
      %dma_wait3A_88 = tpu.memref_slice %arg6[%dma_wait3A_86, %dma_wait3A_87] : memref<168x128xf32, #tpu.memory_space<vmem>> -> memref<64x128xf32, #tpu.memory_space<vmem>>
      %dma_wait3A_89 = arith.constant 0 : i32
      %dma_wait3A_90 = arith.constant 0 : i32
      %dma_wait3A_91 = tpu.memref_slice %arg3[%dma_wait3A_89, %dma_wait3A_90] : memref<1000000x128xf32, #tpu.memory_space<hbm>> -> memref<64x128xf32, #tpu.memory_space<hbm>>
      %dma_wait3A_92 = arith.constant 0 : i32
      %dma_wait3A_93 = arith.constant 0 : i32
      %dma_wait3A_94 = tpu.memref_slice %arg3[%dma_wait3A_92, %dma_wait3A_93] : memref<1000000x128xf32, #tpu.memory_space<hbm>> -> memref<64x128xf32, #tpu.memory_space<hbm>>
      %dma_wait3A_95 = arith.constant 0 : i32
      %dma_wait3A_96 = arith.constant 0 : i32
      %dma_wait3A_97 = tpu.memref_slice %arg6[%dma_wait3A_95, %dma_wait3A_96] : memref<168x128xf32, #tpu.memory_space<vmem>> -> memref<64x128xf32, #tpu.memory_space<vmem>>
      tpu.wait_dma2 semaphore(%arg10 : memref<!tpu.dma_semaphore, #tpu.memory_space<semaphore_mem>>) src(%dma_wait3A_97 : memref<64x128xf32, #tpu.memory_space<vmem>>) dst(%dma_wait3A_94 : memref<64x128xf32, #tpu.memory_space<hbm>>)
    } else {
    }
    return
  }
}

#map = affine_map<(d0, d1) -> (0)>
#map1 = affine_map<(d0, d1) -> (0, 0)>
module attributes {stable_mosaic.version = 14 : i64} {
  func.func @_embed_kernel(%arg0: i32, %arg1: i32, %arg2: memref<819200xi32, #tpu.memory_space<hbm>>, %arg3: memref<20992xf32, #tpu.memory_space<hbm>>, %arg4: memref<1000000x128xf32, #tpu.memory_space<hbm>>, %arg5: memref<819200x64xf32, #tpu.memory_space<hbm>>, %arg6: memref<128xi32, #tpu.memory_space<vmem>>, %arg7: memref<128xi32, #tpu.memory_space<vmem>>, %arg8: memref<128xi32, #tpu.memory_space<vmem>>, %arg9: memref<128xi32, #tpu.memory_space<vmem>>, %arg10: memref<128x128xf32, #tpu.memory_space<vmem>>, %arg11: memref<128x128xf32, #tpu.memory_space<vmem>>, %arg12: memref<128x128xf32, #tpu.memory_space<vmem>>, %arg13: memref<128x128xf32, #tpu.memory_space<vmem>>, %arg14: memref<128x64xf32, #tpu.memory_space<vmem>>, %arg15: memref<128x64xf32, #tpu.memory_space<vmem>>, %arg16: memref<20992xf32, #tpu.memory_space<vmem>>, %arg17: memref<!tpu.dma_semaphore, #tpu.memory_space<semaphore_mem>>, %arg18: memref<!tpu.dma_semaphore, #tpu.memory_space<semaphore_mem>>, %arg19: memref<!tpu.dma_semaphore, #tpu.memory_space<semaphore_mem>>, %arg20: memref<!tpu.dma_semaphore, #tpu.memory_space<semaphore_mem>>, %arg21: memref<!tpu.dma_semaphore, #tpu.memory_space<semaphore_mem>>, %arg22: memref<!tpu.dma_semaphore, #tpu.memory_space<semaphore_mem>>, %arg23: memref<!tpu.dma_semaphore, #tpu.memory_space<semaphore_mem>>, %arg24: memref<!tpu.dma_semaphore, #tpu.memory_space<semaphore_mem>>, %arg25: memref<!tpu.dma_semaphore, #tpu.memory_space<semaphore_mem>>, %arg26: memref<!tpu.dma_semaphore, #tpu.memory_space<semaphore_mem>>) attributes {dimension_semantics = [#tpu.dimension_semantics<core_parallel>, #tpu.dimension_semantics<subcore_parallel>], iteration_bounds = array<i64: 2, 16>, scalar_prefetch = 0 : i64, scratch_operands = 21 : i64, tpu.core_type = #tpu.core_type<sc_vector_subcore>, window_params = [{transform_indices = #map}, {transform_indices = #map}, {transform_indices = #map1}, {transform_indices = #map1}]} {
    %mul3A = arith.constant 2 : i32
    %mul3A_0 = arith.muli %arg1, %mul3A : i32
    %add3A = arith.addi %mul3A_0, %arg0 : i32
    %mul3A_1 = arith.constant 25600 : i32
    %mul3A_2 = arith.muli %add3A, %mul3A_1 : i32
    "tpu.region"() ({
      %run_scoped3A = tpu.sem_alloc : memref<!tpu.dma_semaphore, #tpu.memory_space<semaphore_mem>>
      tpu.enqueue_dma source(%arg3 : memref<20992xf32, #tpu.memory_space<hbm>>) target(%arg16 : memref<20992xf32, #tpu.memory_space<vmem>>) target_semaphore(%run_scoped3A : memref<!tpu.dma_semaphore, #tpu.memory_space<semaphore_mem>>)
      tpu.wait_dma2 semaphore(%run_scoped3A : memref<!tpu.dma_semaphore, #tpu.memory_space<semaphore_mem>>) src(%arg3 : memref<20992xf32, #tpu.memory_space<hbm>>) dst(%arg16 : memref<20992xf32, #tpu.memory_space<vmem>>)
      tpu.yield
    }) : () -> ()
    %add3A_3 = arith.constant 0 : i32
    %add3A_4 = arith.addi %mul3A_2, %add3A_3 : i32
    %dma_start3A = tpu.memref_slice %arg2[%add3A_4] : memref<819200xi32, #tpu.memory_space<hbm>> -> memref<128xi32, #tpu.memory_space<hbm>>
    %dma_start3A_5 = tpu.memref_slice %arg2[%add3A_4] : memref<819200xi32, #tpu.memory_space<hbm>> -> memref<128xi32, #tpu.memory_space<hbm>>
    tpu.enqueue_dma source(%dma_start3A_5 : memref<128xi32, #tpu.memory_space<hbm>>) target(%arg6 : memref<128xi32, #tpu.memory_space<vmem>>) target_semaphore(%arg17 : memref<!tpu.dma_semaphore, #tpu.memory_space<semaphore_mem>>)
    %dma_wait3A = arith.constant 0 : i32
    %dma_wait3A_6 = tpu.memref_slice %arg2[%dma_wait3A] : memref<819200xi32, #tpu.memory_space<hbm>> -> memref<128xi32, #tpu.memory_space<hbm>>
    %dma_wait3A_7 = arith.constant 0 : i32
    %dma_wait3A_8 = tpu.memref_slice %arg2[%dma_wait3A_7] : memref<819200xi32, #tpu.memory_space<hbm>> -> memref<128xi32, #tpu.memory_space<hbm>>
    tpu.wait_dma2 semaphore(%arg17 : memref<!tpu.dma_semaphore, #tpu.memory_space<semaphore_mem>>) src(%dma_wait3A_8 : memref<128xi32, #tpu.memory_space<hbm>>) dst(%arg6 : memref<128xi32, #tpu.memory_space<vmem>>)
    %dma_start3A_9 = arith.constant 0 : i32
    %dma_start3A_10 = arith.constant 0 : i32
    %dma_start3A_11 = tpu.memref_slice %arg4[%dma_start3A_9, %dma_start3A_10] : memref<1000000x128xf32, #tpu.memory_space<hbm>> -> memref<1000000x128xf32, #tpu.memory_space<hbm>>
    tpu.enqueue_indirect_dma source(%dma_start3A_11 : memref<1000000x128xf32, #tpu.memory_space<hbm>>) target(%arg10 : memref<128x128xf32, #tpu.memory_space<vmem>>) offsets(%arg6 : memref<128xi32, #tpu.memory_space<vmem>>) semaphore(%arg21 : memref<!tpu.dma_semaphore, #tpu.memory_space<semaphore_mem>>)
    %add3A_12 = arith.constant 128 : i32
    %add3A_13 = arith.addi %mul3A_2, %add3A_12 : i32
    %dma_start3A_14 = tpu.memref_slice %arg2[%add3A_13] : memref<819200xi32, #tpu.memory_space<hbm>> -> memref<128xi32, #tpu.memory_space<hbm>>
    %dma_start3A_15 = tpu.memref_slice %arg2[%add3A_13] : memref<819200xi32, #tpu.memory_space<hbm>> -> memref<128xi32, #tpu.memory_space<hbm>>
    tpu.enqueue_dma source(%dma_start3A_15 : memref<128xi32, #tpu.memory_space<hbm>>) target(%arg7 : memref<128xi32, #tpu.memory_space<vmem>>) target_semaphore(%arg18 : memref<!tpu.dma_semaphore, #tpu.memory_space<semaphore_mem>>)
    %scan3A = arith.constant 0 : i32
    %scan3A_16 = arith.constant 0 : i32
    %scan3A_17 = arith.constant 50 : i32
    %scan3A_18 = arith.addi %scan3A_16, %scan3A_17 : i32
    %scan3A_19 = arith.constant 1 : i32
    scf.for %scan3A_33 = %scan3A_16 to %scan3A_18 step %scan3A_19  : i32 {
      %mul3A_34 = arith.constant 4 : i32
      %mul3A_35 = arith.muli %scan3A_33, %mul3A_34 : i32
      %add3A_36 = arith.constant 0 : i32
      %add3A_37 = arith.addi %mul3A_35, %add3A_36 : i32
      %add3A_38 = arith.constant 1 : i32
      %add3A_39 = arith.addi %add3A_37, %add3A_38 : i32
      %lt3A = arith.constant 200 : i32
      %lt3A_40 = arith.cmpi slt, %add3A_39, %lt3A : i32
      %convert_element_type3A = arith.extui %lt3A_40 : i1 to i32
      %cond3A = arith.constant 0 : i32
      %cond3A_41 = arith.cmpi ne, %convert_element_type3A, %cond3A : i32
      scf.if %cond3A_41 {
        %dma_wait3A_221 = arith.constant 0 : i32
        %dma_wait3A_222 = tpu.memref_slice %arg2[%dma_wait3A_221] : memref<819200xi32, #tpu.memory_space<hbm>> -> memref<128xi32, #tpu.memory_space<hbm>>
        %dma_wait3A_223 = arith.constant 0 : i32
        %dma_wait3A_224 = tpu.memref_slice %arg2[%dma_wait3A_223] : memref<819200xi32, #tpu.memory_space<hbm>> -> memref<128xi32, #tpu.memory_space<hbm>>
        tpu.wait_dma2 semaphore(%arg18 : memref<!tpu.dma_semaphore, #tpu.memory_space<semaphore_mem>>) src(%dma_wait3A_224 : memref<128xi32, #tpu.memory_space<hbm>>) dst(%arg7 : memref<128xi32, #tpu.memory_space<vmem>>)
        %dma_start3A_225 = arith.constant 0 : i32
        %dma_start3A_226 = arith.constant 0 : i32
        %dma_start3A_227 = tpu.memref_slice %arg4[%dma_start3A_225, %dma_start3A_226] : memref<1000000x128xf32, #tpu.memory_space<hbm>> -> memref<1000000x128xf32, #tpu.memory_space<hbm>>
        tpu.enqueue_indirect_dma source(%dma_start3A_227 : memref<1000000x128xf32, #tpu.memory_space<hbm>>) target(%arg11 : memref<128x128xf32, #tpu.memory_space<vmem>>) offsets(%arg7 : memref<128xi32, #tpu.memory_space<vmem>>) semaphore(%arg22 : memref<!tpu.dma_semaphore, #tpu.memory_space<semaphore_mem>>)
      } else {
      }
      %add3A_42 = arith.constant 2 : i32
      %add3A_43 = arith.addi %add3A_37, %add3A_42 : i32
      %lt3A_44 = arith.constant 200 : i32
      %lt3A_45 = arith.cmpi slt, %add3A_43, %lt3A_44 : i32
      %convert_element_type3A_46 = arith.extui %lt3A_45 : i1 to i32
      %cond3A_47 = arith.constant 0 : i32
      %cond3A_48 = arith.cmpi ne, %convert_element_type3A_46, %cond3A_47 : i32
      scf.if %cond3A_48 {
        %add3A_221 = arith.constant 2 : i32
        %add3A_222 = arith.addi %add3A_37, %add3A_221 : i32
        %mul3A_223 = arith.constant 128 : i32
        %mul3A_224 = arith.muli %add3A_222, %mul3A_223 : i32
        %add3A_225 = arith.addi %mul3A_2, %mul3A_224 : i32
        %dma_start3A_226 = tpu.memref_slice %arg2[%add3A_225] : memref<819200xi32, #tpu.memory_space<hbm>> -> memref<128xi32, #tpu.memory_space<hbm>>
        %dma_start3A_227 = tpu.memref_slice %arg2[%add3A_225] : memref<819200xi32, #tpu.memory_space<hbm>> -> memref<128xi32, #tpu.memory_space<hbm>>
        tpu.enqueue_dma source(%dma_start3A_227 : memref<128xi32, #tpu.memory_space<hbm>>) target(%arg8 : memref<128xi32, #tpu.memory_space<vmem>>) target_semaphore(%arg19 : memref<!tpu.dma_semaphore, #tpu.memory_space<semaphore_mem>>)
      } else {
      }
      %dma_wait3A_49 = arith.constant 0 : i32
      %dma_wait3A_50 = arith.constant 0 : i32
      %dma_wait3A_51 = tpu.memref_slice %arg4[%dma_wait3A_49, %dma_wait3A_50] : memref<1000000x128xf32, #tpu.memory_space<hbm>> -> memref<128x128xf32, #tpu.memory_space<hbm>>
      %dma_wait3A_52 = arith.constant 0 : i32
      %dma_wait3A_53 = arith.constant 0 : i32
      %dma_wait3A_54 = tpu.memref_slice %arg4[%dma_wait3A_52, %dma_wait3A_53] : memref<1000000x128xf32, #tpu.memory_space<hbm>> -> memref<128x128xf32, #tpu.memory_space<hbm>>
      tpu.wait_dma2 semaphore(%arg21 : memref<!tpu.dma_semaphore, #tpu.memory_space<semaphore_mem>>) src(%dma_wait3A_54 : memref<128x128xf32, #tpu.memory_space<hbm>>) dst(%arg10 : memref<128x128xf32, #tpu.memory_space<vmem>>)
      %ge3A = arith.constant 2 : i32
      %ge3A_55 = arith.cmpi sge, %add3A_37, %ge3A : i32
      %convert_element_type3A_56 = arith.extui %ge3A_55 : i1 to i32
      %cond3A_57 = arith.constant 0 : i32
      %cond3A_58 = arith.cmpi ne, %convert_element_type3A_56, %cond3A_57 : i32
      scf.if %cond3A_58 {
        %dma_wait3A_221 = arith.constant 0 : i32
        %dma_wait3A_222 = arith.constant 0 : i32
        %dma_wait3A_223 = tpu.memref_slice %arg5[%dma_wait3A_221, %dma_wait3A_222] : memref<819200x64xf32, #tpu.memory_space<hbm>> -> memref<128x64xf32, #tpu.memory_space<hbm>>
        %dma_wait3A_224 = arith.constant 0 : i32
        %dma_wait3A_225 = arith.constant 0 : i32
        %dma_wait3A_226 = tpu.memref_slice %arg5[%dma_wait3A_224, %dma_wait3A_225] : memref<819200x64xf32, #tpu.memory_space<hbm>> -> memref<128x64xf32, #tpu.memory_space<hbm>>
        tpu.wait_dma2 semaphore(%arg25 : memref<!tpu.dma_semaphore, #tpu.memory_space<semaphore_mem>>) src(%arg14 : memref<128x64xf32, #tpu.memory_space<vmem>>) dst(%dma_wait3A_226 : memref<128x64xf32, #tpu.memory_space<hbm>>)
      } else {
      }
      %mul3A_59 = arith.constant 128 : i32
      %mul3A_60 = arith.muli %add3A_37, %mul3A_59 : i32
      %rem3A = arith.constant 200 : i32
      %rem3A_61 = arith.remsi %mul3A_60, %rem3A : i32
      %mul3A_62 = arith.constant 64 : i32
      %mul3A_63 = arith.muli %rem3A_61, %mul3A_62 : i32
      %scan3A_64 = arith.constant 0 : i32
      %scan3A_65 = arith.constant 128 : i32
      %scan3A_66 = arith.addi %scan3A_64, %scan3A_65 : i32
      %scan3A_67 = arith.constant 8 : i32
      %scan3A_68 = scf.for %scan3A_221 = %scan3A_64 to %scan3A_66 step %scan3A_67 iter_args(%scan3A_222 = %mul3A_63) -> (i32)  : i32 {
        %get3A = arith.index_cast %scan3A_221 : i32 to index
        %get3A_223 = arith.constant 0 : index
        %get3A_224 = tpu.vector_load %arg10[%get3A, %get3A_223] {strides = array<i32>} : memref<128x128xf32, #tpu.memory_space<vmem>>, vector<1x16xf32>,
        %get3A_225 = vector.shape_cast %get3A_224 : vector<1x16xf32> to vector<16xf32>
        %mul3A_226 = arith.constant 8.000000e+00 : f32
        %mul3A_227 = vector.broadcast %mul3A_226 : f32 to vector<16xf32>
        %mul3A_228 = arith.mulf %get3A_225, %mul3A_227 : vector<16xf32>
        %add3A_229 = arith.constant 0 : i32
        %add3A_230 = arith.addi %scan3A_222, %add3A_229 : i32
        %get3A_231 = arith.index_cast %add3A_230 : i32 to index
        %get3A_232 = tpu.vector_load %arg16[%get3A_231] {strides = array<i32>} : memref<20992xf32, #tpu.memory_space<vmem>>, vector<16xf32>,
        %get3A_233 = vector.shape_cast %get3A_232 : vector<16xf32> to vector<16xf32>
        %add3A_234 = arith.addf %mul3A_228, %get3A_233 : vector<16xf32>
        %swap3A = arith.index_cast %scan3A_221 : i32 to index
        %swap3A_235 = arith.constant 0 : index
        %swap3A_236 = tpu.vector_load %arg14[%swap3A, %swap3A_235] {strides = array<i32>} : memref<128x64xf32, #tpu.memory_space<vmem>>, vector<1x16xf32>,
        %swap3A_237 = vector.shape_cast %swap3A_236 : vector<1x16xf32> to vector<16xf32>
        %swap3A_238 = vector.shape_cast %add3A_234 : vector<16xf32> to vector<1x16xf32>
        tpu.vector_store %arg14[%swap3A, %swap3A_235], %swap3A_238 {strides = array<i32>} : memref<128x64xf32, #tpu.memory_space<vmem>>, vector<1x16xf32>,
        %get3A_239 = arith.index_cast %scan3A_221 : i32 to index
        %get3A_240 = arith.constant 16 : index
        %get3A_241 = tpu.vector_load %arg10[%get3A_239, %get3A_240] {strides = array<i32>} : memref<128x128xf32, #tpu.memory_space<vmem>>, vector<1x16xf32>,
        %get3A_242 = vector.shape_cast %get3A_241 : vector<1x16xf32> to vector<16xf32>
        %mul3A_243 = arith.constant 8.000000e+00 : f32
        %mul3A_244 = vector.broadcast %mul3A_243 : f32 to vector<16xf32>
        %mul3A_245 = arith.mulf %get3A_242, %mul3A_244 : vector<16xf32>
        %add3A_246 = arith.constant 16 : i32
        %add3A_247 = arith.addi %scan3A_222, %add3A_246 : i32
        %get3A_248 = arith.index_cast %add3A_247 : i32 to index
        %get3A_249 = tpu.vector_load %arg16[%get3A_248] {strides = array<i32>} : memref<20992xf32, #tpu.memory_space<vmem>>, vector<16xf32>,
        %get3A_250 = vector.shape_cast %get3A_249 : vector<16xf32> to vector<16xf32>
        %add3A_251 = arith.addf %mul3A_245, %get3A_250 : vector<16xf32>
        %swap3A_252 = arith.index_cast %scan3A_221 : i32 to index
        %swap3A_253 = arith.constant 16 : index
        %swap3A_254 = tpu.vector_load %arg14[%swap3A_252, %swap3A_253] {strides = array<i32>} : memref<128x64xf32, #tpu.memory_space<vmem>>, vector<1x16xf32>,
        %swap3A_255 = vector.shape_cast %swap3A_254 : vector<1x16xf32> to vector<16xf32>
        %swap3A_256 = vector.shape_cast %add3A_251 : vector<16xf32> to vector<1x16xf32>
        tpu.vector_store %arg14[%swap3A_252, %swap3A_253], %swap3A_256 {strides = array<i32>} : memref<128x64xf32, #tpu.memory_space<vmem>>, vector<1x16xf32>,
        %get3A_257 = arith.index_cast %scan3A_221 : i32 to index
        %get3A_258 = arith.constant 32 : index
        %get3A_259 = tpu.vector_load %arg10[%get3A_257, %get3A_258] {strides = array<i32>} : memref<128x128xf32, #tpu.memory_space<vmem>>, vector<1x16xf32>,
        %get3A_260 = vector.shape_cast %get3A_259 : vector<1x16xf32> to vector<16xf32>
        %mul3A_261 = arith.constant 8.000000e+00 : f32
        %mul3A_262 = vector.broadcast %mul3A_261 : f32 to vector<16xf32>
        %mul3A_263 = arith.mulf %get3A_260, %mul3A_262 : vector<16xf32>
        %add3A_264 = arith.constant 32 : i32
        %add3A_265 = arith.addi %scan3A_222, %add3A_264 : i32
        %get3A_266 = arith.index_cast %add3A_265 : i32 to index
        %get3A_267 = tpu.vector_load %arg16[%get3A_266] {strides = array<i32>} : memref<20992xf32, #tpu.memory_space<vmem>>, vector<16xf32>,
        %get3A_268 = vector.shape_cast %get3A_267 : vector<16xf32> to vector<16xf32>
        %add3A_269 = arith.addf %mul3A_263, %get3A_268 : vector<16xf32>
        %swap3A_270 = arith.index_cast %scan3A_221 : i32 to index
        %swap3A_271 = arith.constant 32 : index
        %swap3A_272 = tpu.vector_load %arg14[%swap3A_270, %swap3A_271] {strides = array<i32>} : memref<128x64xf32, #tpu.memory_space<vmem>>, vector<1x16xf32>,
        %swap3A_273 = vector.shape_cast %swap3A_272 : vector<1x16xf32> to vector<16xf32>
        %swap3A_274 = vector.shape_cast %add3A_269 : vector<16xf32> to vector<1x16xf32>
        tpu.vector_store %arg14[%swap3A_270, %swap3A_271], %swap3A_274 {strides = array<i32>} : memref<128x64xf32, #tpu.memory_space<vmem>>, vector<1x16xf32>,
        %get3A_275 = arith.index_cast %scan3A_221 : i32 to index
        %get3A_276 = arith.constant 48 : index
        %get3A_277 = tpu.vector_load %arg10[%get3A_275, %get3A_276] {strides = array<i32>} : memref<128x128xf32, #tpu.memory_space<vmem>>, vector<1x16xf32>,
        %get3A_278 = vector.shape_cast %get3A_277 : vector<1x16xf32> to vector<16xf32>
        %mul3A_279 = arith.constant 8.000000e+00 : f32
        %mul3A_280 = vector.broadcast %mul3A_279 : f32 to vector<16xf32>
        %mul3A_281 = arith.mulf %get3A_278, %mul3A_280 : vector<16xf32>
        %add3A_282 = arith.constant 48 : i32
        %add3A_283 = arith.addi %scan3A_222, %add3A_282 : i32
        %get3A_284 = arith.index_cast %add3A_283 : i32 to index
        %get3A_285 = tpu.vector_load %arg16[%get3A_284] {strides = array<i32>} : memref<20992xf32, #tpu.memory_space<vmem>>, vector<16xf32>,
        %get3A_286 = vector.shape_cast %get3A_285 : vector<16xf32> to vector<16xf32>
        %add3A_287 = arith.addf %mul3A_281, %get3A_286 : vector<16xf32>
        %swap3A_288 = arith.index_cast %scan3A_221 : i32 to index
        %swap3A_289 = arith.constant 48 : index
        %swap3A_290 = tpu.vector_load %arg14[%swap3A_288, %swap3A_289] {strides = array<i32>} : memref<128x64xf32, #tpu.memory_space<vmem>>, vector<1x16xf32>,
        %swap3A_291 = vector.shape_cast %swap3A_290 : vector<1x16xf32> to vector<16xf32>
        %swap3A_292 = vector.shape_cast %add3A_287 : vector<16xf32> to vector<1x16xf32>
        tpu.vector_store %arg14[%swap3A_288, %swap3A_289], %swap3A_292 {strides = array<i32>} : memref<128x64xf32, #tpu.memory_space<vmem>>, vector<1x16xf32>,
        %add3A_293 = arith.constant 64 : i32
        %add3A_294 = arith.addi %scan3A_222, %add3A_293 : i32
        %scan3A_295 = arith.constant 1 : i32
        %scan3A_296 = arith.addi %scan3A_221, %scan3A_295 : i32
        %get3A_297 = arith.index_cast %scan3A_296 : i32 to index
        %get3A_298 = arith.constant 0 : index
        %get3A_299 = tpu.vector_load %arg10[%get3A_297, %get3A_298] {strides = array<i32>} : memref<128x128xf32, #tpu.memory_space<vmem>>, vector<1x16xf32>,
        %get3A_300 = vector.shape_cast %get3A_299 : vector<1x16xf32> to vector<16xf32>
        %mul3A_301 = arith.constant 8.000000e+00 : f32
        %mul3A_302 = vector.broadcast %mul3A_301 : f32 to vector<16xf32>
        %mul3A_303 = arith.mulf %get3A_300, %mul3A_302 : vector<16xf32>
        %add3A_304 = arith.constant 0 : i32
        %add3A_305 = arith.addi %add3A_294, %add3A_304 : i32
        %get3A_306 = arith.index_cast %add3A_305 : i32 to index
        %get3A_307 = tpu.vector_load %arg16[%get3A_306] {strides = array<i32>} : memref<20992xf32, #tpu.memory_space<vmem>>, vector<16xf32>,
        %get3A_308 = vector.shape_cast %get3A_307 : vector<16xf32> to vector<16xf32>
        %add3A_309 = arith.addf %mul3A_303, %get3A_308 : vector<16xf32>
        %swap3A_310 = arith.index_cast %scan3A_296 : i32 to index
        %swap3A_311 = arith.constant 0 : index
        %swap3A_312 = tpu.vector_load %arg14[%swap3A_310, %swap3A_311] {strides = array<i32>} : memref<128x64xf32, #tpu.memory_space<vmem>>, vector<1x16xf32>,
        %swap3A_313 = vector.shape_cast %swap3A_312 : vector<1x16xf32> to vector<16xf32>
        %swap3A_314 = vector.shape_cast %add3A_309 : vector<16xf32> to vector<1x16xf32>
        tpu.vector_store %arg14[%swap3A_310, %swap3A_311], %swap3A_314 {strides = array<i32>} : memref<128x64xf32, #tpu.memory_space<vmem>>, vector<1x16xf32>,
        %get3A_315 = arith.index_cast %scan3A_296 : i32 to index
        %get3A_316 = arith.constant 16 : index
        %get3A_317 = tpu.vector_load %arg10[%get3A_315, %get3A_316] {strides = array<i32>} : memref<128x128xf32, #tpu.memory_space<vmem>>, vector<1x16xf32>,
        %get3A_318 = vector.shape_cast %get3A_317 : vector<1x16xf32> to vector<16xf32>
        %mul3A_319 = arith.constant 8.000000e+00 : f32
        %mul3A_320 = vector.broadcast %mul3A_319 : f32 to vector<16xf32>
        %mul3A_321 = arith.mulf %get3A_318, %mul3A_320 : vector<16xf32>
        %add3A_322 = arith.constant 16 : i32
        %add3A_323 = arith.addi %add3A_294, %add3A_322 : i32
        %get3A_324 = arith.index_cast %add3A_323 : i32 to index
        %get3A_325 = tpu.vector_load %arg16[%get3A_324] {strides = array<i32>} : memref<20992xf32, #tpu.memory_space<vmem>>, vector<16xf32>,
        %get3A_326 = vector.shape_cast %get3A_325 : vector<16xf32> to vector<16xf32>
        %add3A_327 = arith.addf %mul3A_321, %get3A_326 : vector<16xf32>
        %swap3A_328 = arith.index_cast %scan3A_296 : i32 to index
        %swap3A_329 = arith.constant 16 : index
        %swap3A_330 = tpu.vector_load %arg14[%swap3A_328, %swap3A_329] {strides = array<i32>} : memref<128x64xf32, #tpu.memory_space<vmem>>, vector<1x16xf32>,
        %swap3A_331 = vector.shape_cast %swap3A_330 : vector<1x16xf32> to vector<16xf32>
        %swap3A_332 = vector.shape_cast %add3A_327 : vector<16xf32> to vector<1x16xf32>
        tpu.vector_store %arg14[%swap3A_328, %swap3A_329], %swap3A_332 {strides = array<i32>} : memref<128x64xf32, #tpu.memory_space<vmem>>, vector<1x16xf32>,
        %get3A_333 = arith.index_cast %scan3A_296 : i32 to index
        %get3A_334 = arith.constant 32 : index
        %get3A_335 = tpu.vector_load %arg10[%get3A_333, %get3A_334] {strides = array<i32>} : memref<128x128xf32, #tpu.memory_space<vmem>>, vector<1x16xf32>,
        %get3A_336 = vector.shape_cast %get3A_335 : vector<1x16xf32> to vector<16xf32>
        %mul3A_337 = arith.constant 8.000000e+00 : f32
        %mul3A_338 = vector.broadcast %mul3A_337 : f32 to vector<16xf32>
        %mul3A_339 = arith.mulf %get3A_336, %mul3A_338 : vector<16xf32>
        %add3A_340 = arith.constant 32 : i32
        %add3A_341 = arith.addi %add3A_294, %add3A_340 : i32
        %get3A_342 = arith.index_cast %add3A_341 : i32 to index
        %get3A_343 = tpu.vector_load %arg16[%get3A_342] {strides = array<i32>} : memref<20992xf32, #tpu.memory_space<vmem>>, vector<16xf32>,
        %get3A_344 = vector.shape_cast %get3A_343 : vector<16xf32> to vector<16xf32>
        %add3A_345 = arith.addf %mul3A_339, %get3A_344 : vector<16xf32>
        %swap3A_346 = arith.index_cast %scan3A_296 : i32 to index
        %swap3A_347 = arith.constant 32 : index
        %swap3A_348 = tpu.vector_load %arg14[%swap3A_346, %swap3A_347] {strides = array<i32>} : memref<128x64xf32, #tpu.memory_space<vmem>>, vector<1x16xf32>,
        %swap3A_349 = vector.shape_cast %swap3A_348 : vector<1x16xf32> to vector<16xf32>
        %swap3A_350 = vector.shape_cast %add3A_345 : vector<16xf32> to vector<1x16xf32>
        tpu.vector_store %arg14[%swap3A_346, %swap3A_347], %swap3A_350 {strides = array<i32>} : memref<128x64xf32, #tpu.memory_space<vmem>>, vector<1x16xf32>,
        %get3A_351 = arith.index_cast %scan3A_296 : i32 to index
        %get3A_352 = arith.constant 48 : index
        %get3A_353 = tpu.vector_load %arg10[%get3A_351, %get3A_352] {strides = array<i32>} : memref<128x128xf32, #tpu.memory_space<vmem>>, vector<1x16xf32>,
        %get3A_354 = vector.shape_cast %get3A_353 : vector<1x16xf32> to vector<16xf32>
        %mul3A_355 = arith.constant 8.000000e+00 : f32
        %mul3A_356 = vector.broadcast %mul3A_355 : f32 to vector<16xf32>
        %mul3A_357 = arith.mulf %get3A_354, %mul3A_356 : vector<16xf32>
        %add3A_358 = arith.constant 48 : i32
        %add3A_359 = arith.addi %add3A_294, %add3A_358 : i32
        %get3A_360 = arith.index_cast %add3A_359 : i32 to index
        %get3A_361 = tpu.vector_load %arg16[%get3A_360] {strides = array<i32>} : memref<20992xf32, #tpu.memory_space<vmem>>, vector<16xf32>,
        %get3A_362 = vector.shape_cast %get3A_361 : vector<16xf32> to vector<16xf32>
        %add3A_363 = arith.addf %mul3A_357, %get3A_362 : vector<16xf32>
        %swap3A_364 = arith.index_cast %scan3A_296 : i32 to index
        %swap3A_365 = arith.constant 48 : index
        %swap3A_366 = tpu.vector_load %arg14[%swap3A_364, %swap3A_365] {strides = array<i32>} : memref<128x64xf32, #tpu.memory_space<vmem>>, vector<1x16xf32>,
        %swap3A_367 = vector.shape_cast %swap3A_366 : vector<1x16xf32> to vector<16xf32>
        %swap3A_368 = vector.shape_cast %add3A_363 : vector<16xf32> to vector<1x16xf32>
        tpu.vector_store %arg14[%swap3A_364, %swap3A_365], %swap3A_368 {strides = array<i32>} : memref<128x64xf32, #tpu.memory_space<vmem>>, vector<1x16xf32>,
        %add3A_369 = arith.constant 64 : i32
        %add3A_370 = arith.addi %add3A_294, %add3A_369 : i32
        %scan3A_371 = arith.constant 2 : i32
        %scan3A_372 = arith.addi %scan3A_221, %scan3A_371 : i32
        %get3A_373 = arith.index_cast %scan3A_372 : i32 to index
        %get3A_374 = arith.constant 0 : index
        %get3A_375 = tpu.vector_load %arg10[%get3A_373, %get3A_374] {strides = array<i32>} : memref<128x128xf32, #tpu.memory_space<vmem>>, vector<1x16xf32>,
        %get3A_376 = vector.shape_cast %get3A_375 : vector<1x16xf32> to vector<16xf32>
        %mul3A_377 = arith.constant 8.000000e+00 : f32
        %mul3A_378 = vector.broadcast %mul3A_377 : f32 to vector<16xf32>
        %mul3A_379 = arith.mulf %get3A_376, %mul3A_378 : vector<16xf32>
        %add3A_380 = arith.constant 0 : i32
        %add3A_381 = arith.addi %add3A_370, %add3A_380 : i32
        %get3A_382 = arith.index_cast %add3A_381 : i32 to index
        %get3A_383 = tpu.vector_load %arg16[%get3A_382] {strides = array<i32>} : memref<20992xf32, #tpu.memory_space<vmem>>, vector<16xf32>,
        %get3A_384 = vector.shape_cast %get3A_383 : vector<16xf32> to vector<16xf32>
        %add3A_385 = arith.addf %mul3A_379, %get3A_384 : vector<16xf32>
        %swap3A_386 = arith.index_cast %scan3A_372 : i32 to index
        %swap3A_387 = arith.constant 0 : index
        %swap3A_388 = tpu.vector_load %arg14[%swap3A_386, %swap3A_387] {strides = array<i32>} : memref<128x64xf32, #tpu.memory_space<vmem>>, vector<1x16xf32>,
        %swap3A_389 = vector.shape_cast %swap3A_388 : vector<1x16xf32> to vector<16xf32>
        %swap3A_390 = vector.shape_cast %add3A_385 : vector<16xf32> to vector<1x16xf32>
        tpu.vector_store %arg14[%swap3A_386, %swap3A_387], %swap3A_390 {strides = array<i32>} : memref<128x64xf32, #tpu.memory_space<vmem>>, vector<1x16xf32>,
        %get3A_391 = arith.index_cast %scan3A_372 : i32 to index
        %get3A_392 = arith.constant 16 : index
        %get3A_393 = tpu.vector_load %arg10[%get3A_391, %get3A_392] {strides = array<i32>} : memref<128x128xf32, #tpu.memory_space<vmem>>, vector<1x16xf32>,
        %get3A_394 = vector.shape_cast %get3A_393 : vector<1x16xf32> to vector<16xf32>
        %mul3A_395 = arith.constant 8.000000e+00 : f32
        %mul3A_396 = vector.broadcast %mul3A_395 : f32 to vector<16xf32>
        %mul3A_397 = arith.mulf %get3A_394, %mul3A_396 : vector<16xf32>
        %add3A_398 = arith.constant 16 : i32
        %add3A_399 = arith.addi %add3A_370, %add3A_398 : i32
        %get3A_400 = arith.index_cast %add3A_399 : i32 to index
        %get3A_401 = tpu.vector_load %arg16[%get3A_400] {strides = array<i32>} : memref<20992xf32, #tpu.memory_space<vmem>>, vector<16xf32>,
        %get3A_402 = vector.shape_cast %get3A_401 : vector<16xf32> to vector<16xf32>
        %add3A_403 = arith.addf %mul3A_397, %get3A_402 : vector<16xf32>
        %swap3A_404 = arith.index_cast %scan3A_372 : i32 to index
        %swap3A_405 = arith.constant 16 : index
        %swap3A_406 = tpu.vector_load %arg14[%swap3A_404, %swap3A_405] {strides = array<i32>} : memref<128x64xf32, #tpu.memory_space<vmem>>, vector<1x16xf32>,
        %swap3A_407 = vector.shape_cast %swap3A_406 : vector<1x16xf32> to vector<16xf32>
        %swap3A_408 = vector.shape_cast %add3A_403 : vector<16xf32> to vector<1x16xf32>
        tpu.vector_store %arg14[%swap3A_404, %swap3A_405], %swap3A_408 {strides = array<i32>} : memref<128x64xf32, #tpu.memory_space<vmem>>, vector<1x16xf32>,
        %get3A_409 = arith.index_cast %scan3A_372 : i32 to index
        %get3A_410 = arith.constant 32 : index
        %get3A_411 = tpu.vector_load %arg10[%get3A_409, %get3A_410] {strides = array<i32>} : memref<128x128xf32, #tpu.memory_space<vmem>>, vector<1x16xf32>,
        %get3A_412 = vector.shape_cast %get3A_411 : vector<1x16xf32> to vector<16xf32>
        %mul3A_413 = arith.constant 8.000000e+00 : f32
        %mul3A_414 = vector.broadcast %mul3A_413 : f32 to vector<16xf32>
        %mul3A_415 = arith.mulf %get3A_412, %mul3A_414 : vector<16xf32>
        %add3A_416 = arith.constant 32 : i32
        %add3A_417 = arith.addi %add3A_370, %add3A_416 : i32
        %get3A_418 = arith.index_cast %add3A_417 : i32 to index
        %get3A_419 = tpu.vector_load %arg16[%get3A_418] {strides = array<i32>} : memref<20992xf32, #tpu.memory_space<vmem>>, vector<16xf32>,
        %get3A_420 = vector.shape_cast %get3A_419 : vector<16xf32> to vector<16xf32>
        %add3A_421 = arith.addf %mul3A_415, %get3A_420 : vector<16xf32>
        %swap3A_422 = arith.index_cast %scan3A_372 : i32 to index
        %swap3A_423 = arith.constant 32 : index
        %swap3A_424 = tpu.vector_load %arg14[%swap3A_422, %swap3A_423] {strides = array<i32>} : memref<128x64xf32, #tpu.memory_space<vmem>>, vector<1x16xf32>,
        %swap3A_425 = vector.shape_cast %swap3A_424 : vector<1x16xf32> to vector<16xf32>
        %swap3A_426 = vector.shape_cast %add3A_421 : vector<16xf32> to vector<1x16xf32>
        tpu.vector_store %arg14[%swap3A_422, %swap3A_423], %swap3A_426 {strides = array<i32>} : memref<128x64xf32, #tpu.memory_space<vmem>>, vector<1x16xf32>,
        %get3A_427 = arith.index_cast %scan3A_372 : i32 to index
        %get3A_428 = arith.constant 48 : index
        %get3A_429 = tpu.vector_load %arg10[%get3A_427, %get3A_428] {strides = array<i32>} : memref<128x128xf32, #tpu.memory_space<vmem>>, vector<1x16xf32>,
        %get3A_430 = vector.shape_cast %get3A_429 : vector<1x16xf32> to vector<16xf32>
        %mul3A_431 = arith.constant 8.000000e+00 : f32
        %mul3A_432 = vector.broadcast %mul3A_431 : f32 to vector<16xf32>
        %mul3A_433 = arith.mulf %get3A_430, %mul3A_432 : vector<16xf32>
        %add3A_434 = arith.constant 48 : i32
        %add3A_435 = arith.addi %add3A_370, %add3A_434 : i32
        %get3A_436 = arith.index_cast %add3A_435 : i32 to index
        %get3A_437 = tpu.vector_load %arg16[%get3A_436] {strides = array<i32>} : memref<20992xf32, #tpu.memory_space<vmem>>, vector<16xf32>,
        %get3A_438 = vector.shape_cast %get3A_437 : vector<16xf32> to vector<16xf32>
        %add3A_439 = arith.addf %mul3A_433, %get3A_438 : vector<16xf32>
        %swap3A_440 = arith.index_cast %scan3A_372 : i32 to index
        %swap3A_441 = arith.constant 48 : index
        %swap3A_442 = tpu.vector_load %arg14[%swap3A_440, %swap3A_441] {strides = array<i32>} : memref<128x64xf32, #tpu.memory_space<vmem>>, vector<1x16xf32>,
        %swap3A_443 = vector.shape_cast %swap3A_442 : vector<1x16xf32> to vector<16xf32>
        %swap3A_444 = vector.shape_cast %add3A_439 : vector<16xf32> to vector<1x16xf32>
        tpu.vector_store %arg14[%swap3A_440, %swap3A_441], %swap3A_444 {strides = array<i32>} : memref<128x64xf32, #tpu.memory_space<vmem>>, vector<1x16xf32>,
        %add3A_445 = arith.constant 64 : i32
        %add3A_446 = arith.addi %add3A_370, %add3A_445 : i32
        %scan3A_447 = arith.constant 3 : i32
        %scan3A_448 = arith.addi %scan3A_221, %scan3A_447 : i32
        %get3A_449 = arith.index_cast %scan3A_448 : i32 to index
        %get3A_450 = arith.constant 0 : index
        %get3A_451 = tpu.vector_load %arg10[%get3A_449, %get3A_450] {strides = array<i32>} : memref<128x128xf32, #tpu.memory_space<vmem>>, vector<1x16xf32>,
        %get3A_452 = vector.shape_cast %get3A_451 : vector<1x16xf32> to vector<16xf32>
        %mul3A_453 = arith.constant 8.000000e+00 : f32
        %mul3A_454 = vector.broadcast %mul3A_453 : f32 to vector<16xf32>
        %mul3A_455 = arith.mulf %get3A_452, %mul3A_454 : vector<16xf32>
        %add3A_456 = arith.constant 0 : i32
        %add3A_457 = arith.addi %add3A_446, %add3A_456 : i32
        %get3A_458 = arith.index_cast %add3A_457 : i32 to index
        %get3A_459 = tpu.vector_load %arg16[%get3A_458] {strides = array<i32>} : memref<20992xf32, #tpu.memory_space<vmem>>, vector<16xf32>,
        %get3A_460 = vector.shape_cast %get3A_459 : vector<16xf32> to vector<16xf32>
        %add3A_461 = arith.addf %mul3A_455, %get3A_460 : vector<16xf32>
        %swap3A_462 = arith.index_cast %scan3A_448 : i32 to index
        %swap3A_463 = arith.constant 0 : index
        %swap3A_464 = tpu.vector_load %arg14[%swap3A_462, %swap3A_463] {strides = array<i32>} : memref<128x64xf32, #tpu.memory_space<vmem>>, vector<1x16xf32>,
        %swap3A_465 = vector.shape_cast %swap3A_464 : vector<1x16xf32> to vector<16xf32>
        %swap3A_466 = vector.shape_cast %add3A_461 : vector<16xf32> to vector<1x16xf32>
        tpu.vector_store %arg14[%swap3A_462, %swap3A_463], %swap3A_466 {strides = array<i32>} : memref<128x64xf32, #tpu.memory_space<vmem>>, vector<1x16xf32>,
        %get3A_467 = arith.index_cast %scan3A_448 : i32 to index
        %get3A_468 = arith.constant 16 : index
        %get3A_469 = tpu.vector_load %arg10[%get3A_467, %get3A_468] {strides = array<i32>} : memref<128x128xf32, #tpu.memory_space<vmem>>, vector<1x16xf32>,
        %get3A_470 = vector.shape_cast %get3A_469 : vector<1x16xf32> to vector<16xf32>
        %mul3A_471 = arith.constant 8.000000e+00 : f32
        %mul3A_472 = vector.broadcast %mul3A_471 : f32 to vector<16xf32>
        %mul3A_473 = arith.mulf %get3A_470, %mul3A_472 : vector<16xf32>
        %add3A_474 = arith.constant 16 : i32
        %add3A_475 = arith.addi %add3A_446, %add3A_474 : i32
        %get3A_476 = arith.index_cast %add3A_475 : i32 to index
        %get3A_477 = tpu.vector_load %arg16[%get3A_476] {strides = array<i32>} : memref<20992xf32, #tpu.memory_space<vmem>>, vector<16xf32>,
        %get3A_478 = vector.shape_cast %get3A_477 : vector<16xf32> to vector<16xf32>
        %add3A_479 = arith.addf %mul3A_473, %get3A_478 : vector<16xf32>
        %swap3A_480 = arith.index_cast %scan3A_448 : i32 to index
        %swap3A_481 = arith.constant 16 : index
        %swap3A_482 = tpu.vector_load %arg14[%swap3A_480, %swap3A_481] {strides = array<i32>} : memref<128x64xf32, #tpu.memory_space<vmem>>, vector<1x16xf32>,
        %swap3A_483 = vector.shape_cast %swap3A_482 : vector<1x16xf32> to vector<16xf32>
        %swap3A_484 = vector.shape_cast %add3A_479 : vector<16xf32> to vector<1x16xf32>
        tpu.vector_store %arg14[%swap3A_480, %swap3A_481], %swap3A_484 {strides = array<i32>} : memref<128x64xf32, #tpu.memory_space<vmem>>, vector<1x16xf32>,
        %get3A_485 = arith.index_cast %scan3A_448 : i32 to index
        %get3A_486 = arith.constant 32 : index
        %get3A_487 = tpu.vector_load %arg10[%get3A_485, %get3A_486] {strides = array<i32>} : memref<128x128xf32, #tpu.memory_space<vmem>>, vector<1x16xf32>,
        %get3A_488 = vector.shape_cast %get3A_487 : vector<1x16xf32> to vector<16xf32>
        %mul3A_489 = arith.constant 8.000000e+00 : f32
        %mul3A_490 = vector.broadcast %mul3A_489 : f32 to vector<16xf32>
        %mul3A_491 = arith.mulf %get3A_488, %mul3A_490 : vector<16xf32>
        %add3A_492 = arith.constant 32 : i32
        %add3A_493 = arith.addi %add3A_446, %add3A_492 : i32
        %get3A_494 = arith.index_cast %add3A_493 : i32 to index
        %get3A_495 = tpu.vector_load %arg16[%get3A_494] {strides = array<i32>} : memref<20992xf32, #tpu.memory_space<vmem>>, vector<16xf32>,
        %get3A_496 = vector.shape_cast %get3A_495 : vector<16xf32> to vector<16xf32>
        %add3A_497 = arith.addf %mul3A_491, %get3A_496 : vector<16xf32>
        %swap3A_498 = arith.index_cast %scan3A_448 : i32 to index
        %swap3A_499 = arith.constant 32 : index
        %swap3A_500 = tpu.vector_load %arg14[%swap3A_498, %swap3A_499] {strides = array<i32>} : memref<128x64xf32, #tpu.memory_space<vmem>>, vector<1x16xf32>,
        %swap3A_501 = vector.shape_cast %swap3A_500 : vector<1x16xf32> to vector<16xf32>
        %swap3A_502 = vector.shape_cast %add3A_497 : vector<16xf32> to vector<1x16xf32>
        tpu.vector_store %arg14[%swap3A_498, %swap3A_499], %swap3A_502 {strides = array<i32>} : memref<128x64xf32, #tpu.memory_space<vmem>>, vector<1x16xf32>,
        %get3A_503 = arith.index_cast %scan3A_448 : i32 to index
        %get3A_504 = arith.constant 48 : index
        %get3A_505 = tpu.vector_load %arg10[%get3A_503, %get3A_504] {strides = array<i32>} : memref<128x128xf32, #tpu.memory_space<vmem>>, vector<1x16xf32>,
        %get3A_506 = vector.shape_cast %get3A_505 : vector<1x16xf32> to vector<16xf32>
        %mul3A_507 = arith.constant 8.000000e+00 : f32
        %mul3A_508 = vector.broadcast %mul3A_507 : f32 to vector<16xf32>
        %mul3A_509 = arith.mulf %get3A_506, %mul3A_508 : vector<16xf32>
        %add3A_510 = arith.constant 48 : i32
        %add3A_511 = arith.addi %add3A_446, %add3A_510 : i32
        %get3A_512 = arith.index_cast %add3A_511 : i32 to index
        %get3A_513 = tpu.vector_load %arg16[%get3A_512] {strides = array<i32>} : memref<20992xf32, #tpu.memory_space<vmem>>, vector<16xf32>,
        %get3A_514 = vector.shape_cast %get3A_513 : vector<16xf32> to vector<16xf32>
        %add3A_515 = arith.addf %mul3A_509, %get3A_514 : vector<16xf32>
        %swap3A_516 = arith.index_cast %scan3A_448 : i32 to index
        %swap3A_517 = arith.constant 48 : index
        %swap3A_518 = tpu.vector_load %arg14[%swap3A_516, %swap3A_517] {strides = array<i32>} : memref<128x64xf32, #tpu.memory_space<vmem>>, vector<1x16xf32>,
        %swap3A_519 = vector.shape_cast %swap3A_518 : vector<1x16xf32> to vector<16xf32>
        %swap3A_520 = vector.shape_cast %add3A_515 : vector<16xf32> to vector<1x16xf32>
        tpu.vector_store %arg14[%swap3A_516, %swap3A_517], %swap3A_520 {strides = array<i32>} : memref<128x64xf32, #tpu.memory_space<vmem>>, vector<1x16xf32>,
        %add3A_521 = arith.constant 64 : i32
        %add3A_522 = arith.addi %add3A_446, %add3A_521 : i32
        %scan3A_523 = arith.constant 4 : i32
        %scan3A_524 = arith.addi %scan3A_221, %scan3A_523 : i32
        %get3A_525 = arith.index_cast %scan3A_524 : i32 to index
        %get3A_526 = arith.constant 0 : index
        %get3A_527 = tpu.vector_load %arg10[%get3A_525, %get3A_526] {strides = array<i32>} : memref<128x128xf32, #tpu.memory_space<vmem>>, vector<1x16xf32>,
        %get3A_528 = vector.shape_cast %get3A_527 : vector<1x16xf32> to vector<16xf32>
        %mul3A_529 = arith.constant 8.000000e+00 : f32
        %mul3A_530 = vector.broadcast %mul3A_529 : f32 to vector<16xf32>
        %mul3A_531 = arith.mulf %get3A_528, %mul3A_530 : vector<16xf32>
        %add3A_532 = arith.constant 0 : i32
        %add3A_533 = arith.addi %add3A_522, %add3A_532 : i32
        %get3A_534 = arith.index_cast %add3A_533 : i32 to index
        %get3A_535 = tpu.vector_load %arg16[%get3A_534] {strides = array<i32>} : memref<20992xf32, #tpu.memory_space<vmem>>, vector<16xf32>,
        %get3A_536 = vector.shape_cast %get3A_535 : vector<16xf32> to vector<16xf32>
        %add3A_537 = arith.addf %mul3A_531, %get3A_536 : vector<16xf32>
        %swap3A_538 = arith.index_cast %scan3A_524 : i32 to index
        %swap3A_539 = arith.constant 0 : index
        %swap3A_540 = tpu.vector_load %arg14[%swap3A_538, %swap3A_539] {strides = array<i32>} : memref<128x64xf32, #tpu.memory_space<vmem>>, vector<1x16xf32>,
        %swap3A_541 = vector.shape_cast %swap3A_540 : vector<1x16xf32> to vector<16xf32>
        %swap3A_542 = vector.shape_cast %add3A_537 : vector<16xf32> to vector<1x16xf32>
        tpu.vector_store %arg14[%swap3A_538, %swap3A_539], %swap3A_542 {strides = array<i32>} : memref<128x64xf32, #tpu.memory_space<vmem>>, vector<1x16xf32>,
        %get3A_543 = arith.index_cast %scan3A_524 : i32 to index
        %get3A_544 = arith.constant 16 : index
        %get3A_545 = tpu.vector_load %arg10[%get3A_543, %get3A_544] {strides = array<i32>} : memref<128x128xf32, #tpu.memory_space<vmem>>, vector<1x16xf32>,
        %get3A_546 = vector.shape_cast %get3A_545 : vector<1x16xf32> to vector<16xf32>
        %mul3A_547 = arith.constant 8.000000e+00 : f32
        %mul3A_548 = vector.broadcast %mul3A_547 : f32 to vector<16xf32>
        %mul3A_549 = arith.mulf %get3A_546, %mul3A_548 : vector<16xf32>
        %add3A_550 = arith.constant 16 : i32
        %add3A_551 = arith.addi %add3A_522, %add3A_550 : i32
        %get3A_552 = arith.index_cast %add3A_551 : i32 to index
        %get3A_553 = tpu.vector_load %arg16[%get3A_552] {strides = array<i32>} : memref<20992xf32, #tpu.memory_space<vmem>>, vector<16xf32>,
        %get3A_554 = vector.shape_cast %get3A_553 : vector<16xf32> to vector<16xf32>
        %add3A_555 = arith.addf %mul3A_549, %get3A_554 : vector<16xf32>
        %swap3A_556 = arith.index_cast %scan3A_524 : i32 to index
        %swap3A_557 = arith.constant 16 : index
        %swap3A_558 = tpu.vector_load %arg14[%swap3A_556, %swap3A_557] {strides = array<i32>} : memref<128x64xf32, #tpu.memory_space<vmem>>, vector<1x16xf32>,
        %swap3A_559 = vector.shape_cast %swap3A_558 : vector<1x16xf32> to vector<16xf32>
        %swap3A_560 = vector.shape_cast %add3A_555 : vector<16xf32> to vector<1x16xf32>
        tpu.vector_store %arg14[%swap3A_556, %swap3A_557], %swap3A_560 {strides = array<i32>} : memref<128x64xf32, #tpu.memory_space<vmem>>, vector<1x16xf32>,
        %get3A_561 = arith.index_cast %scan3A_524 : i32 to index
        %get3A_562 = arith.constant 32 : index
        %get3A_563 = tpu.vector_load %arg10[%get3A_561, %get3A_562] {strides = array<i32>} : memref<128x128xf32, #tpu.memory_space<vmem>>, vector<1x16xf32>,
        %get3A_564 = vector.shape_cast %get3A_563 : vector<1x16xf32> to vector<16xf32>
        %mul3A_565 = arith.constant 8.000000e+00 : f32
        %mul3A_566 = vector.broadcast %mul3A_565 : f32 to vector<16xf32>
        %mul3A_567 = arith.mulf %get3A_564, %mul3A_566 : vector<16xf32>
        %add3A_568 = arith.constant 32 : i32
        %add3A_569 = arith.addi %add3A_522, %add3A_568 : i32
        %get3A_570 = arith.index_cast %add3A_569 : i32 to index
        %get3A_571 = tpu.vector_load %arg16[%get3A_570] {strides = array<i32>} : memref<20992xf32, #tpu.memory_space<vmem>>, vector<16xf32>,
        %get3A_572 = vector.shape_cast %get3A_571 : vector<16xf32> to vector<16xf32>
        %add3A_573 = arith.addf %mul3A_567, %get3A_572 : vector<16xf32>
        %swap3A_574 = arith.index_cast %scan3A_524 : i32 to index
        %swap3A_575 = arith.constant 32 : index
        %swap3A_576 = tpu.vector_load %arg14[%swap3A_574, %swap3A_575] {strides = array<i32>} : memref<128x64xf32, #tpu.memory_space<vmem>>, vector<1x16xf32>,
        %swap3A_577 = vector.shape_cast %swap3A_576 : vector<1x16xf32> to vector<16xf32>
        %swap3A_578 = vector.shape_cast %add3A_573 : vector<16xf32> to vector<1x16xf32>
        tpu.vector_store %arg14[%swap3A_574, %swap3A_575], %swap3A_578 {strides = array<i32>} : memref<128x64xf32, #tpu.memory_space<vmem>>, vector<1x16xf32>,
        %get3A_579 = arith.index_cast %scan3A_524 : i32 to index
        %get3A_580 = arith.constant 48 : index
        %get3A_581 = tpu.vector_load %arg10[%get3A_579, %get3A_580] {strides = array<i32>} : memref<128x128xf32, #tpu.memory_space<vmem>>, vector<1x16xf32>,
        %get3A_582 = vector.shape_cast %get3A_581 : vector<1x16xf32> to vector<16xf32>
        %mul3A_583 = arith.constant 8.000000e+00 : f32
        %mul3A_584 = vector.broadcast %mul3A_583 : f32 to vector<16xf32>
        %mul3A_585 = arith.mulf %get3A_582, %mul3A_584 : vector<16xf32>
        %add3A_586 = arith.constant 48 : i32
        %add3A_587 = arith.addi %add3A_522, %add3A_586 : i32
        %get3A_588 = arith.index_cast %add3A_587 : i32 to index
        %get3A_589 = tpu.vector_load %arg16[%get3A_588] {strides = array<i32>} : memref<20992xf32, #tpu.memory_space<vmem>>, vector<16xf32>,
        %get3A_590 = vector.shape_cast %get3A_589 : vector<16xf32> to vector<16xf32>
        %add3A_591 = arith.addf %mul3A_585, %get3A_590 : vector<16xf32>
        %swap3A_592 = arith.index_cast %scan3A_524 : i32 to index
        %swap3A_593 = arith.constant 48 : index
        %swap3A_594 = tpu.vector_load %arg14[%swap3A_592, %swap3A_593] {strides = array<i32>} : memref<128x64xf32, #tpu.memory_space<vmem>>, vector<1x16xf32>,
        %swap3A_595 = vector.shape_cast %swap3A_594 : vector<1x16xf32> to vector<16xf32>
        %swap3A_596 = vector.shape_cast %add3A_591 : vector<16xf32> to vector<1x16xf32>
        tpu.vector_store %arg14[%swap3A_592, %swap3A_593], %swap3A_596 {strides = array<i32>} : memref<128x64xf32, #tpu.memory_space<vmem>>, vector<1x16xf32>,
        %add3A_597 = arith.constant 64 : i32
        %add3A_598 = arith.addi %add3A_522, %add3A_597 : i32
        %scan3A_599 = arith.constant 5 : i32
        %scan3A_600 = arith.addi %scan3A_221, %scan3A_599 : i32
        %get3A_601 = arith.index_cast %scan3A_600 : i32 to index
        %get3A_602 = arith.constant 0 : index
        %get3A_603 = tpu.vector_load %arg10[%get3A_601, %get3A_602] {strides = array<i32>} : memref<128x128xf32, #tpu.memory_space<vmem>>, vector<1x16xf32>,
        %get3A_604 = vector.shape_cast %get3A_603 : vector<1x16xf32> to vector<16xf32>
        %mul3A_605 = arith.constant 8.000000e+00 : f32
        %mul3A_606 = vector.broadcast %mul3A_605 : f32 to vector<16xf32>
        %mul3A_607 = arith.mulf %get3A_604, %mul3A_606 : vector<16xf32>
        %add3A_608 = arith.constant 0 : i32
        %add3A_609 = arith.addi %add3A_598, %add3A_608 : i32
        %get3A_610 = arith.index_cast %add3A_609 : i32 to index
        %get3A_611 = tpu.vector_load %arg16[%get3A_610] {strides = array<i32>} : memref<20992xf32, #tpu.memory_space<vmem>>, vector<16xf32>,
        %get3A_612 = vector.shape_cast %get3A_611 : vector<16xf32> to vector<16xf32>
        %add3A_613 = arith.addf %mul3A_607, %get3A_612 : vector<16xf32>
        %swap3A_614 = arith.index_cast %scan3A_600 : i32 to index
        %swap3A_615 = arith.constant 0 : index
        %swap3A_616 = tpu.vector_load %arg14[%swap3A_614, %swap3A_615] {strides = array<i32>} : memref<128x64xf32, #tpu.memory_space<vmem>>, vector<1x16xf32>,
        %swap3A_617 = vector.shape_cast %swap3A_616 : vector<1x16xf32> to vector<16xf32>
        %swap3A_618 = vector.shape_cast %add3A_613 : vector<16xf32> to vector<1x16xf32>
        tpu.vector_store %arg14[%swap3A_614, %swap3A_615], %swap3A_618 {strides = array<i32>} : memref<128x64xf32, #tpu.memory_space<vmem>>, vector<1x16xf32>,
        %get3A_619 = arith.index_cast %scan3A_600 : i32 to index
        %get3A_620 = arith.constant 16 : index
        %get3A_621 = tpu.vector_load %arg10[%get3A_619, %get3A_620] {strides = array<i32>} : memref<128x128xf32, #tpu.memory_space<vmem>>, vector<1x16xf32>,
        %get3A_622 = vector.shape_cast %get3A_621 : vector<1x16xf32> to vector<16xf32>
        %mul3A_623 = arith.constant 8.000000e+00 : f32
        %mul3A_624 = vector.broadcast %mul3A_623 : f32 to vector<16xf32>
        %mul3A_625 = arith.mulf %get3A_622, %mul3A_624 : vector<16xf32>
        %add3A_626 = arith.constant 16 : i32
        %add3A_627 = arith.addi %add3A_598, %add3A_626 : i32
        %get3A_628 = arith.index_cast %add3A_627 : i32 to index
        %get3A_629 = tpu.vector_load %arg16[%get3A_628] {strides = array<i32>} : memref<20992xf32, #tpu.memory_space<vmem>>, vector<16xf32>,
        %get3A_630 = vector.shape_cast %get3A_629 : vector<16xf32> to vector<16xf32>
        %add3A_631 = arith.addf %mul3A_625, %get3A_630 : vector<16xf32>
        %swap3A_632 = arith.index_cast %scan3A_600 : i32 to index
        %swap3A_633 = arith.constant 16 : index
        %swap3A_634 = tpu.vector_load %arg14[%swap3A_632, %swap3A_633] {strides = array<i32>} : memref<128x64xf32, #tpu.memory_space<vmem>>, vector<1x16xf32>,
        %swap3A_635 = vector.shape_cast %swap3A_634 : vector<1x16xf32> to vector<16xf32>
        %swap3A_636 = vector.shape_cast %add3A_631 : vector<16xf32> to vector<1x16xf32>
        tpu.vector_store %arg14[%swap3A_632, %swap3A_633], %swap3A_636 {strides = array<i32>} : memref<128x64xf32, #tpu.memory_space<vmem>>, vector<1x16xf32>,
        %get3A_637 = arith.index_cast %scan3A_600 : i32 to index
        %get3A_638 = arith.constant 32 : index
        %get3A_639 = tpu.vector_load %arg10[%get3A_637, %get3A_638] {strides = array<i32>} : memref<128x128xf32, #tpu.memory_space<vmem>>, vector<1x16xf32>,
        %get3A_640 = vector.shape_cast %get3A_639 : vector<1x16xf32> to vector<16xf32>
        %mul3A_641 = arith.constant 8.000000e+00 : f32
        %mul3A_642 = vector.broadcast %mul3A_641 : f32 to vector<16xf32>
        %mul3A_643 = arith.mulf %get3A_640, %mul3A_642 : vector<16xf32>
        %add3A_644 = arith.constant 32 : i32
        %add3A_645 = arith.addi %add3A_598, %add3A_644 : i32
        %get3A_646 = arith.index_cast %add3A_645 : i32 to index
        %get3A_647 = tpu.vector_load %arg16[%get3A_646] {strides = array<i32>} : memref<20992xf32, #tpu.memory_space<vmem>>, vector<16xf32>,
        %get3A_648 = vector.shape_cast %get3A_647 : vector<16xf32> to vector<16xf32>
        %add3A_649 = arith.addf %mul3A_643, %get3A_648 : vector<16xf32>
        %swap3A_650 = arith.index_cast %scan3A_600 : i32 to index
        %swap3A_651 = arith.constant 32 : index
        %swap3A_652 = tpu.vector_load %arg14[%swap3A_650, %swap3A_651] {strides = array<i32>} : memref<128x64xf32, #tpu.memory_space<vmem>>, vector<1x16xf32>,
        %swap3A_653 = vector.shape_cast %swap3A_652 : vector<1x16xf32> to vector<16xf32>
        %swap3A_654 = vector.shape_cast %add3A_649 : vector<16xf32> to vector<1x16xf32>
        tpu.vector_store %arg14[%swap3A_650, %swap3A_651], %swap3A_654 {strides = array<i32>} : memref<128x64xf32, #tpu.memory_space<vmem>>, vector<1x16xf32>,
        %get3A_655 = arith.index_cast %scan3A_600 : i32 to index
        %get3A_656 = arith.constant 48 : index
        %get3A_657 = tpu.vector_load %arg10[%get3A_655, %get3A_656] {strides = array<i32>} : memref<128x128xf32, #tpu.memory_space<vmem>>, vector<1x16xf32>,
        %get3A_658 = vector.shape_cast %get3A_657 : vector<1x16xf32> to vector<16xf32>
        %mul3A_659 = arith.constant 8.000000e+00 : f32
        %mul3A_660 = vector.broadcast %mul3A_659 : f32 to vector<16xf32>
        %mul3A_661 = arith.mulf %get3A_658, %mul3A_660 : vector<16xf32>
        %add3A_662 = arith.constant 48 : i32
        %add3A_663 = arith.addi %add3A_598, %add3A_662 : i32
        %get3A_664 = arith.index_cast %add3A_663 : i32 to index
        %get3A_665 = tpu.vector_load %arg16[%get3A_664] {strides = array<i32>} : memref<20992xf32, #tpu.memory_space<vmem>>, vector<16xf32>,
        %get3A_666 = vector.shape_cast %get3A_665 : vector<16xf32> to vector<16xf32>
        %add3A_667 = arith.addf %mul3A_661, %get3A_666 : vector<16xf32>
        %swap3A_668 = arith.index_cast %scan3A_600 : i32 to index
        %swap3A_669 = arith.constant 48 : index
        %swap3A_670 = tpu.vector_load %arg14[%swap3A_668, %swap3A_669] {strides = array<i32>} : memref<128x64xf32, #tpu.memory_space<vmem>>, vector<1x16xf32>,
        %swap3A_671 = vector.shape_cast %swap3A_670 : vector<1x16xf32> to vector<16xf32>
        %swap3A_672 = vector.shape_cast %add3A_667 : vector<16xf32> to vector<1x16xf32>
        tpu.vector_store %arg14[%swap3A_668, %swap3A_669], %swap3A_672 {strides = array<i32>} : memref<128x64xf32, #tpu.memory_space<vmem>>, vector<1x16xf32>,
        %add3A_673 = arith.constant 64 : i32
        %add3A_674 = arith.addi %add3A_598, %add3A_673 : i32
        %scan3A_675 = arith.constant 6 : i32
        %scan3A_676 = arith.addi %scan3A_221, %scan3A_675 : i32
        %get3A_677 = arith.index_cast %scan3A_676 : i32 to index
        %get3A_678 = arith.constant 0 : index
        %get3A_679 = tpu.vector_load %arg10[%get3A_677, %get3A_678] {strides = array<i32>} : memref<128x128xf32, #tpu.memory_space<vmem>>, vector<1x16xf32>,
        %get3A_680 = vector.shape_cast %get3A_679 : vector<1x16xf32> to vector<16xf32>
        %mul3A_681 = arith.constant 8.000000e+00 : f32
        %mul3A_682 = vector.broadcast %mul3A_681 : f32 to vector<16xf32>
        %mul3A_683 = arith.mulf %get3A_680, %mul3A_682 : vector<16xf32>
        %add3A_684 = arith.constant 0 : i32
        %add3A_685 = arith.addi %add3A_674, %add3A_684 : i32
        %get3A_686 = arith.index_cast %add3A_685 : i32 to index
        %get3A_687 = tpu.vector_load %arg16[%get3A_686] {strides = array<i32>} : memref<20992xf32, #tpu.memory_space<vmem>>, vector<16xf32>,
        %get3A_688 = vector.shape_cast %get3A_687 : vector<16xf32> to vector<16xf32>
        %add3A_689 = arith.addf %mul3A_683, %get3A_688 : vector<16xf32>
        %swap3A_690 = arith.index_cast %scan3A_676 : i32 to index
        %swap3A_691 = arith.constant 0 : index
        %swap3A_692 = tpu.vector_load %arg14[%swap3A_690, %swap3A_691] {strides = array<i32>} : memref<128x64xf32, #tpu.memory_space<vmem>>, vector<1x16xf32>,
        %swap3A_693 = vector.shape_cast %swap3A_692 : vector<1x16xf32> to vector<16xf32>
        %swap3A_694 = vector.shape_cast %add3A_689 : vector<16xf32> to vector<1x16xf32>
        tpu.vector_store %arg14[%swap3A_690, %swap3A_691], %swap3A_694 {strides = array<i32>} : memref<128x64xf32, #tpu.memory_space<vmem>>, vector<1x16xf32>,
        %get3A_695 = arith.index_cast %scan3A_676 : i32 to index
        %get3A_696 = arith.constant 16 : index
        %get3A_697 = tpu.vector_load %arg10[%get3A_695, %get3A_696] {strides = array<i32>} : memref<128x128xf32, #tpu.memory_space<vmem>>, vector<1x16xf32>,
        %get3A_698 = vector.shape_cast %get3A_697 : vector<1x16xf32> to vector<16xf32>
        %mul3A_699 = arith.constant 8.000000e+00 : f32
        %mul3A_700 = vector.broadcast %mul3A_699 : f32 to vector<16xf32>
        %mul3A_701 = arith.mulf %get3A_698, %mul3A_700 : vector<16xf32>
        %add3A_702 = arith.constant 16 : i32
        %add3A_703 = arith.addi %add3A_674, %add3A_702 : i32
        %get3A_704 = arith.index_cast %add3A_703 : i32 to index
        %get3A_705 = tpu.vector_load %arg16[%get3A_704] {strides = array<i32>} : memref<20992xf32, #tpu.memory_space<vmem>>, vector<16xf32>,
        %get3A_706 = vector.shape_cast %get3A_705 : vector<16xf32> to vector<16xf32>
        %add3A_707 = arith.addf %mul3A_701, %get3A_706 : vector<16xf32>
        %swap3A_708 = arith.index_cast %scan3A_676 : i32 to index
        %swap3A_709 = arith.constant 16 : index
        %swap3A_710 = tpu.vector_load %arg14[%swap3A_708, %swap3A_709] {strides = array<i32>} : memref<128x64xf32, #tpu.memory_space<vmem>>, vector<1x16xf32>,
        %swap3A_711 = vector.shape_cast %swap3A_710 : vector<1x16xf32> to vector<16xf32>
        %swap3A_712 = vector.shape_cast %add3A_707 : vector<16xf32> to vector<1x16xf32>
        tpu.vector_store %arg14[%swap3A_708, %swap3A_709], %swap3A_712 {strides = array<i32>} : memref<128x64xf32, #tpu.memory_space<vmem>>, vector<1x16xf32>,
        %get3A_713 = arith.index_cast %scan3A_676 : i32 to index
        %get3A_714 = arith.constant 32 : index
        %get3A_715 = tpu.vector_load %arg10[%get3A_713, %get3A_714] {strides = array<i32>} : memref<128x128xf32, #tpu.memory_space<vmem>>, vector<1x16xf32>,
        %get3A_716 = vector.shape_cast %get3A_715 : vector<1x16xf32> to vector<16xf32>
        %mul3A_717 = arith.constant 8.000000e+00 : f32
        %mul3A_718 = vector.broadcast %mul3A_717 : f32 to vector<16xf32>
        %mul3A_719 = arith.mulf %get3A_716, %mul3A_718 : vector<16xf32>
        %add3A_720 = arith.constant 32 : i32
        %add3A_721 = arith.addi %add3A_674, %add3A_720 : i32
        %get3A_722 = arith.index_cast %add3A_721 : i32 to index
        %get3A_723 = tpu.vector_load %arg16[%get3A_722] {strides = array<i32>} : memref<20992xf32, #tpu.memory_space<vmem>>, vector<16xf32>,
        %get3A_724 = vector.shape_cast %get3A_723 : vector<16xf32> to vector<16xf32>
        %add3A_725 = arith.addf %mul3A_719, %get3A_724 : vector<16xf32>
        %swap3A_726 = arith.index_cast %scan3A_676 : i32 to index
        %swap3A_727 = arith.constant 32 : index
        %swap3A_728 = tpu.vector_load %arg14[%swap3A_726, %swap3A_727] {strides = array<i32>} : memref<128x64xf32, #tpu.memory_space<vmem>>, vector<1x16xf32>,
        %swap3A_729 = vector.shape_cast %swap3A_728 : vector<1x16xf32> to vector<16xf32>
        %swap3A_730 = vector.shape_cast %add3A_725 : vector<16xf32> to vector<1x16xf32>
        tpu.vector_store %arg14[%swap3A_726, %swap3A_727], %swap3A_730 {strides = array<i32>} : memref<128x64xf32, #tpu.memory_space<vmem>>, vector<1x16xf32>,
        %get3A_731 = arith.index_cast %scan3A_676 : i32 to index
        %get3A_732 = arith.constant 48 : index
        %get3A_733 = tpu.vector_load %arg10[%get3A_731, %get3A_732] {strides = array<i32>} : memref<128x128xf32, #tpu.memory_space<vmem>>, vector<1x16xf32>,
        %get3A_734 = vector.shape_cast %get3A_733 : vector<1x16xf32> to vector<16xf32>
        %mul3A_735 = arith.constant 8.000000e+00 : f32
        %mul3A_736 = vector.broadcast %mul3A_735 : f32 to vector<16xf32>
        %mul3A_737 = arith.mulf %get3A_734, %mul3A_736 : vector<16xf32>
        %add3A_738 = arith.constant 48 : i32
        %add3A_739 = arith.addi %add3A_674, %add3A_738 : i32
        %get3A_740 = arith.index_cast %add3A_739 : i32 to index
        %get3A_741 = tpu.vector_load %arg16[%get3A_740] {strides = array<i32>} : memref<20992xf32, #tpu.memory_space<vmem>>, vector<16xf32>,
        %get3A_742 = vector.shape_cast %get3A_741 : vector<16xf32> to vector<16xf32>
        %add3A_743 = arith.addf %mul3A_737, %get3A_742 : vector<16xf32>
        %swap3A_744 = arith.index_cast %scan3A_676 : i32 to index
        %swap3A_745 = arith.constant 48 : index
        %swap3A_746 = tpu.vector_load %arg14[%swap3A_744, %swap3A_745] {strides = array<i32>} : memref<128x64xf32, #tpu.memory_space<vmem>>, vector<1x16xf32>,
        %swap3A_747 = vector.shape_cast %swap3A_746 : vector<1x16xf32> to vector<16xf32>
        %swap3A_748 = vector.shape_cast %add3A_743 : vector<16xf32> to vector<1x16xf32>
        tpu.vector_store %arg14[%swap3A_744, %swap3A_745], %swap3A_748 {strides = array<i32>} : memref<128x64xf32, #tpu.memory_space<vmem>>, vector<1x16xf32>,
        %add3A_749 = arith.constant 64 : i32
        %add3A_750 = arith.addi %add3A_674, %add3A_749 : i32
        %scan3A_751 = arith.constant 7 : i32
        %scan3A_752 = arith.addi %scan3A_221, %scan3A_751 : i32
        %get3A_753 = arith.index_cast %scan3A_752 : i32 to index
        %get3A_754 = arith.constant 0 : index
        %get3A_755 = tpu.vector_load %arg10[%get3A_753, %get3A_754] {strides = array<i32>} : memref<128x128xf32, #tpu.memory_space<vmem>>, vector<1x16xf32>,
        %get3A_756 = vector.shape_cast %get3A_755 : vector<1x16xf32> to vector<16xf32>
        %mul3A_757 = arith.constant 8.000000e+00 : f32
        %mul3A_758 = vector.broadcast %mul3A_757 : f32 to vector<16xf32>
        %mul3A_759 = arith.mulf %get3A_756, %mul3A_758 : vector<16xf32>
        %add3A_760 = arith.constant 0 : i32
        %add3A_761 = arith.addi %add3A_750, %add3A_760 : i32
        %get3A_762 = arith.index_cast %add3A_761 : i32 to index
        %get3A_763 = tpu.vector_load %arg16[%get3A_762] {strides = array<i32>} : memref<20992xf32, #tpu.memory_space<vmem>>, vector<16xf32>,
        %get3A_764 = vector.shape_cast %get3A_763 : vector<16xf32> to vector<16xf32>
        %add3A_765 = arith.addf %mul3A_759, %get3A_764 : vector<16xf32>
        %swap3A_766 = arith.index_cast %scan3A_752 : i32 to index
        %swap3A_767 = arith.constant 0 : index
        %swap3A_768 = tpu.vector_load %arg14[%swap3A_766, %swap3A_767] {strides = array<i32>} : memref<128x64xf32, #tpu.memory_space<vmem>>, vector<1x16xf32>,
        %swap3A_769 = vector.shape_cast %swap3A_768 : vector<1x16xf32> to vector<16xf32>
        %swap3A_770 = vector.shape_cast %add3A_765 : vector<16xf32> to vector<1x16xf32>
        tpu.vector_store %arg14[%swap3A_766, %swap3A_767], %swap3A_770 {strides = array<i32>} : memref<128x64xf32, #tpu.memory_space<vmem>>, vector<1x16xf32>,
        %get3A_771 = arith.index_cast %scan3A_752 : i32 to index
        %get3A_772 = arith.constant 16 : index
        %get3A_773 = tpu.vector_load %arg10[%get3A_771, %get3A_772] {strides = array<i32>} : memref<128x128xf32, #tpu.memory_space<vmem>>, vector<1x16xf32>,
        %get3A_774 = vector.shape_cast %get3A_773 : vector<1x16xf32> to vector<16xf32>
        %mul3A_775 = arith.constant 8.000000e+00 : f32
        %mul3A_776 = vector.broadcast %mul3A_775 : f32 to vector<16xf32>
        %mul3A_777 = arith.mulf %get3A_774, %mul3A_776 : vector<16xf32>
        %add3A_778 = arith.constant 16 : i32
        %add3A_779 = arith.addi %add3A_750, %add3A_778 : i32
        %get3A_780 = arith.index_cast %add3A_779 : i32 to index
        %get3A_781 = tpu.vector_load %arg16[%get3A_780] {strides = array<i32>} : memref<20992xf32, #tpu.memory_space<vmem>>, vector<16xf32>,
        %get3A_782 = vector.shape_cast %get3A_781 : vector<16xf32> to vector<16xf32>
        %add3A_783 = arith.addf %mul3A_777, %get3A_782 : vector<16xf32>
        %swap3A_784 = arith.index_cast %scan3A_752 : i32 to index
        %swap3A_785 = arith.constant 16 : index
        %swap3A_786 = tpu.vector_load %arg14[%swap3A_784, %swap3A_785] {strides = array<i32>} : memref<128x64xf32, #tpu.memory_space<vmem>>, vector<1x16xf32>,
        %swap3A_787 = vector.shape_cast %swap3A_786 : vector<1x16xf32> to vector<16xf32>
        %swap3A_788 = vector.shape_cast %add3A_783 : vector<16xf32> to vector<1x16xf32>
        tpu.vector_store %arg14[%swap3A_784, %swap3A_785], %swap3A_788 {strides = array<i32>} : memref<128x64xf32, #tpu.memory_space<vmem>>, vector<1x16xf32>,
        %get3A_789 = arith.index_cast %scan3A_752 : i32 to index
        %get3A_790 = arith.constant 32 : index
        %get3A_791 = tpu.vector_load %arg10[%get3A_789, %get3A_790] {strides = array<i32>} : memref<128x128xf32, #tpu.memory_space<vmem>>, vector<1x16xf32>,
        %get3A_792 = vector.shape_cast %get3A_791 : vector<1x16xf32> to vector<16xf32>
        %mul3A_793 = arith.constant 8.000000e+00 : f32
        %mul3A_794 = vector.broadcast %mul3A_793 : f32 to vector<16xf32>
        %mul3A_795 = arith.mulf %get3A_792, %mul3A_794 : vector<16xf32>
        %add3A_796 = arith.constant 32 : i32
        %add3A_797 = arith.addi %add3A_750, %add3A_796 : i32
        %get3A_798 = arith.index_cast %add3A_797 : i32 to index
        %get3A_799 = tpu.vector_load %arg16[%get3A_798] {strides = array<i32>} : memref<20992xf32, #tpu.memory_space<vmem>>, vector<16xf32>,
        %get3A_800 = vector.shape_cast %get3A_799 : vector<16xf32> to vector<16xf32>
        %add3A_801 = arith.addf %mul3A_795, %get3A_800 : vector<16xf32>
        %swap3A_802 = arith.index_cast %scan3A_752 : i32 to index
        %swap3A_803 = arith.constant 32 : index
        %swap3A_804 = tpu.vector_load %arg14[%swap3A_802, %swap3A_803] {strides = array<i32>} : memref<128x64xf32, #tpu.memory_space<vmem>>, vector<1x16xf32>,
        %swap3A_805 = vector.shape_cast %swap3A_804 : vector<1x16xf32> to vector<16xf32>
        %swap3A_806 = vector.shape_cast %add3A_801 : vector<16xf32> to vector<1x16xf32>
        tpu.vector_store %arg14[%swap3A_802, %swap3A_803], %swap3A_806 {strides = array<i32>} : memref<128x64xf32, #tpu.memory_space<vmem>>, vector<1x16xf32>,
        %get3A_807 = arith.index_cast %scan3A_752 : i32 to index
        %get3A_808 = arith.constant 48 : index
        %get3A_809 = tpu.vector_load %arg10[%get3A_807, %get3A_808] {strides = array<i32>} : memref<128x128xf32, #tpu.memory_space<vmem>>, vector<1x16xf32>,
        %get3A_810 = vector.shape_cast %get3A_809 : vector<1x16xf32> to vector<16xf32>
        %mul3A_811 = arith.constant 8.000000e+00 : f32
        %mul3A_812 = vector.broadcast %mul3A_811 : f32 to vector<16xf32>
        %mul3A_813 = arith.mulf %get3A_810, %mul3A_812 : vector<16xf32>
        %add3A_814 = arith.constant 48 : i32
        %add3A_815 = arith.addi %add3A_750, %add3A_814 : i32
        %get3A_816 = arith.index_cast %add3A_815 : i32 to index
        %get3A_817 = tpu.vector_load %arg16[%get3A_816] {strides = array<i32>} : memref<20992xf32, #tpu.memory_space<vmem>>, vector<16xf32>,
        %get3A_818 = vector.shape_cast %get3A_817 : vector<16xf32> to vector<16xf32>
        %add3A_819 = arith.addf %mul3A_813, %get3A_818 : vector<16xf32>
        %swap3A_820 = arith.index_cast %scan3A_752 : i32 to index
        %swap3A_821 = arith.constant 48 : index
        %swap3A_822 = tpu.vector_load %arg14[%swap3A_820, %swap3A_821] {strides = array<i32>} : memref<128x64xf32, #tpu.memory_space<vmem>>, vector<1x16xf32>,
        %swap3A_823 = vector.shape_cast %swap3A_822 : vector<1x16xf32> to vector<16xf32>
        %swap3A_824 = vector.shape_cast %add3A_819 : vector<16xf32> to vector<1x16xf32>
        tpu.vector_store %arg14[%swap3A_820, %swap3A_821], %swap3A_824 {strides = array<i32>} : memref<128x64xf32, #tpu.memory_space<vmem>>, vector<1x16xf32>,
        %add3A_825 = arith.constant 64 : i32
        %add3A_826 = arith.addi %add3A_750, %add3A_825 : i32
        scf.yield %add3A_826 : i32
      }
      %scan3A_69 = arith.constant 128 : i32
      %mul3A_70 = arith.constant 128 : i32
      %mul3A_71 = arith.muli %add3A_37, %mul3A_70 : i32
      %add3A_72 = arith.addi %mul3A_2, %mul3A_71 : i32
      %dma_start3A_73 = arith.constant 0 : i32
      %dma_start3A_74 = tpu.memref_slice %arg5[%add3A_72, %dma_start3A_73] : memref<819200x64xf32, #tpu.memory_space<hbm>> -> memref<128x64xf32, #tpu.memory_space<hbm>>
      %dma_start3A_75 = arith.constant 0 : i32
      %dma_start3A_76 = tpu.memref_slice %arg5[%add3A_72, %dma_start3A_75] : memref<819200x64xf32, #tpu.memory_space<hbm>> -> memref<128x64xf32, #tpu.memory_space<hbm>>
      tpu.enqueue_dma source(%arg14 : memref<128x64xf32, #tpu.memory_space<vmem>>) target(%dma_start3A_76 : memref<128x64xf32, #tpu.memory_space<hbm>>) target_semaphore(%arg25 : memref<!tpu.dma_semaphore, #tpu.memory_space<semaphore_mem>>)
      %mul3A_77 = arith.constant 4 : i32
      %mul3A_78 = arith.muli %scan3A_33, %mul3A_77 : i32
      %add3A_79 = arith.constant 1 : i32
      %add3A_80 = arith.addi %mul3A_78, %add3A_79 : i32
      %add3A_81 = arith.constant 1 : i32
      %add3A_82 = arith.addi %add3A_80, %add3A_81 : i32
      %lt3A_83 = arith.constant 200 : i32
      %lt3A_84 = arith.cmpi slt, %add3A_82, %lt3A_83 : i32
      %convert_element_type3A_85 = arith.extui %lt3A_84 : i1 to i32
      %cond3A_86 = arith.constant 0 : i32
      %cond3A_87 = arith.cmpi ne, %convert_element_type3A_85, %cond3A_86 : i32
      scf.if %cond3A_87 {
        %dma_wait3A_221 = arith.constant 0 : i32
        %dma_wait3A_222 = tpu.memref_slice %arg2[%dma_wait3A_221] : memref<819200xi32, #tpu.memory_space<hbm>> -> memref<128xi32, #tpu.memory_space<hbm>>
        %dma_wait3A_223 = arith.constant 0 : i32
        %dma_wait3A_224 = tpu.memref_slice %arg2[%dma_wait3A_223] : memref<819200xi32, #tpu.memory_space<hbm>> -> memref<128xi32, #tpu.memory_space<hbm>>
        tpu.wait_dma2 semaphore(%arg19 : memref<!tpu.dma_semaphore, #tpu.memory_space<semaphore_mem>>) src(%dma_wait3A_224 : memref<128xi32, #tpu.memory_space<hbm>>) dst(%arg8 : memref<128xi32, #tpu.memory_space<vmem>>)
        %dma_start3A_225 = arith.constant 0 : i32
        %dma_start3A_226 = arith.constant 0 : i32
        %dma_start3A_227 = tpu.memref_slice %arg4[%dma_start3A_225, %dma_start3A_226] : memref<1000000x128xf32, #tpu.memory_space<hbm>> -> memref<1000000x128xf32, #tpu.memory_space<hbm>>
        tpu.enqueue_indirect_dma source(%dma_start3A_227 : memref<1000000x128xf32, #tpu.memory_space<hbm>>) target(%arg12 : memref<128x128xf32, #tpu.memory_space<vmem>>) offsets(%arg8 : memref<128xi32, #tpu.memory_space<vmem>>) semaphore(%arg23 : memref<!tpu.dma_semaphore, #tpu.memory_space<semaphore_mem>>)
      } else {
      }
      %add3A_88 = arith.constant 2 : i32
      %add3A_89 = arith.addi %add3A_80, %add3A_88 : i32
      %lt3A_90 = arith.constant 200 : i32
      %lt3A_91 = arith.cmpi slt, %add3A_89, %lt3A_90 : i32
      %convert_element_type3A_92 = arith.extui %lt3A_91 : i1 to i32
      %cond3A_93 = arith.constant 0 : i32
      %cond3A_94 = arith.cmpi ne, %convert_element_type3A_92, %cond3A_93 : i32
      scf.if %cond3A_94 {
        %add3A_221 = arith.constant 2 : i32
        %add3A_222 = arith.addi %add3A_80, %add3A_221 : i32
        %mul3A_223 = arith.constant 128 : i32
        %mul3A_224 = arith.muli %add3A_222, %mul3A_223 : i32
        %add3A_225 = arith.addi %mul3A_2, %mul3A_224 : i32
        %dma_start3A_226 = tpu.memref_slice %arg2[%add3A_225] : memref<819200xi32, #tpu.memory_space<hbm>> -> memref<128xi32, #tpu.memory_space<hbm>>
        %dma_start3A_227 = tpu.memref_slice %arg2[%add3A_225] : memref<819200xi32, #tpu.memory_space<hbm>> -> memref<128xi32, #tpu.memory_space<hbm>>
        tpu.enqueue_dma source(%dma_start3A_227 : memref<128xi32, #tpu.memory_space<hbm>>) target(%arg9 : memref<128xi32, #tpu.memory_space<vmem>>) target_semaphore(%arg20 : memref<!tpu.dma_semaphore, #tpu.memory_space<semaphore_mem>>)
      } else {
      }
      %dma_wait3A_95 = arith.constant 0 : i32
      %dma_wait3A_96 = arith.constant 0 : i32
      %dma_wait3A_97 = tpu.memref_slice %arg4[%dma_wait3A_95, %dma_wait3A_96] : memref<1000000x128xf32, #tpu.memory_space<hbm>> -> memref<128x128xf32, #tpu.memory_space<hbm>>
      %dma_wait3A_98 = arith.constant 0 : i32
      %dma_wait3A_99 = arith.constant 0 : i32
      %dma_wait3A_100 = tpu.memref_slice %arg4[%dma_wait3A_98, %dma_wait3A_99] : memref<1000000x128xf32, #tpu.memory_space<hbm>> -> memref<128x128xf32, #tpu.memory_space<hbm>>
      tpu.wait_dma2 semaphore(%arg22 : memref<!tpu.dma_semaphore, #tpu.memory_space<semaphore_mem>>) src(%dma_wait3A_100 : memref<128x128xf32, #tpu.memory_space<hbm>>) dst(%arg11 : memref<128x128xf32, #tpu.memory_space<vmem>>)
      %ge3A_101 = arith.constant 2 : i32
      %ge3A_102 = arith.cmpi sge, %add3A_80, %ge3A_101 : i32
      %convert_element_type3A_103 = arith.extui %ge3A_102 : i1 to i32
      %cond3A_104 = arith.constant 0 : i32
      %cond3A_105 = arith.cmpi ne, %convert_element_type3A_103, %cond3A_104 : i32
      scf.if %cond3A_105 {
        %dma_wait3A_221 = arith.constant 0 : i32
        %dma_wait3A_222 = arith.constant 0 : i32
        %dma_wait3A_223 = tpu.memref_slice %arg5[%dma_wait3A_221, %dma_wait3A_222] : memref<819200x64xf32, #tpu.memory_space<hbm>> -> memref<128x64xf32, #tpu.memory_space<hbm>>
        %dma_wait3A_224 = arith.constant 0 : i32
        %dma_wait3A_225 = arith.constant 0 : i32
        %dma_wait3A_226 = tpu.memref_slice %arg5[%dma_wait3A_224, %dma_wait3A_225] : memref<819200x64xf32, #tpu.memory_space<hbm>> -> memref<128x64xf32, #tpu.memory_space<hbm>>
        tpu.wait_dma2 semaphore(%arg26 : memref<!tpu.dma_semaphore, #tpu.memory_space<semaphore_mem>>) src(%arg15 : memref<128x64xf32, #tpu.memory_space<vmem>>) dst(%dma_wait3A_226 : memref<128x64xf32, #tpu.memory_space<hbm>>)
      } else {
      }
      %mul3A_106 = arith.constant 128 : i32
      %mul3A_107 = arith.muli %add3A_80, %mul3A_106 : i32
      %rem3A_108 = arith.constant 200 : i32
      %rem3A_109 = arith.remsi %mul3A_107, %rem3A_108 : i32
      %mul3A_110 = arith.constant 64 : i32
      %mul3A_111 = arith.muli %rem3A_109, %mul3A_110 : i32
      %scan3A_112 = arith.constant 0 : i32
      %scan3A_113 = arith.constant 128 : i32
      %scan3A_114 = arith.addi %scan3A_112, %scan3A_113 : i32
      %scan3A_115 = arith.constant 8 : i32
      %scan3A_116 = scf.for %scan3A_221 = %scan3A_112 to %scan3A_114 step %scan3A_115 iter_args(%scan3A_222 = %mul3A_111) -> (i32)  : i32 {
        %get3A = arith.index_cast %scan3A_221 : i32 to index
        %get3A_223 = arith.constant 0 : index
        %get3A_224 = tpu.vector_load %arg11[%get3A, %get3A_223] {strides = array<i32>} : memref<128x128xf32, #tpu.memory_space<vmem>>, vector<1x16xf32>,
        %get3A_225 = vector.shape_cast %get3A_224 : vector<1x16xf32> to vector<16xf32>
        %mul3A_226 = arith.constant 8.000000e+00 : f32
        %mul3A_227 = vector.broadcast %mul3A_226 : f32 to vector<16xf32>
        %mul3A_228 = arith.mulf %get3A_225, %mul3A_227 : vector<16xf32>
        %add3A_229 = arith.constant 0 : i32
        %add3A_230 = arith.addi %scan3A_222, %add3A_229 : i32
        %get3A_231 = arith.index_cast %add3A_230 : i32 to index
        %get3A_232 = tpu.vector_load %arg16[%get3A_231] {strides = array<i32>} : memref<20992xf32, #tpu.memory_space<vmem>>, vector<16xf32>,
        %get3A_233 = vector.shape_cast %get3A_232 : vector<16xf32> to vector<16xf32>
        %add3A_234 = arith.addf %mul3A_228, %get3A_233 : vector<16xf32>
        %swap3A = arith.index_cast %scan3A_221 : i32 to index
        %swap3A_235 = arith.constant 0 : index
        %swap3A_236 = tpu.vector_load %arg15[%swap3A, %swap3A_235] {strides = array<i32>} : memref<128x64xf32, #tpu.memory_space<vmem>>, vector<1x16xf32>,
        %swap3A_237 = vector.shape_cast %swap3A_236 : vector<1x16xf32> to vector<16xf32>
        %swap3A_238 = vector.shape_cast %add3A_234 : vector<16xf32> to vector<1x16xf32>
        tpu.vector_store %arg15[%swap3A, %swap3A_235], %swap3A_238 {strides = array<i32>} : memref<128x64xf32, #tpu.memory_space<vmem>>, vector<1x16xf32>,
        %get3A_239 = arith.index_cast %scan3A_221 : i32 to index
        %get3A_240 = arith.constant 16 : index
        %get3A_241 = tpu.vector_load %arg11[%get3A_239, %get3A_240] {strides = array<i32>} : memref<128x128xf32, #tpu.memory_space<vmem>>, vector<1x16xf32>,
        %get3A_242 = vector.shape_cast %get3A_241 : vector<1x16xf32> to vector<16xf32>
        %mul3A_243 = arith.constant 8.000000e+00 : f32
        %mul3A_244 = vector.broadcast %mul3A_243 : f32 to vector<16xf32>
        %mul3A_245 = arith.mulf %get3A_242, %mul3A_244 : vector<16xf32>
        %add3A_246 = arith.constant 16 : i32
        %add3A_247 = arith.addi %scan3A_222, %add3A_246 : i32
        %get3A_248 = arith.index_cast %add3A_247 : i32 to index
        %get3A_249 = tpu.vector_load %arg16[%get3A_248] {strides = array<i32>} : memref<20992xf32, #tpu.memory_space<vmem>>, vector<16xf32>,
        %get3A_250 = vector.shape_cast %get3A_249 : vector<16xf32> to vector<16xf32>
        %add3A_251 = arith.addf %mul3A_245, %get3A_250 : vector<16xf32>
        %swap3A_252 = arith.index_cast %scan3A_221 : i32 to index
        %swap3A_253 = arith.constant 16 : index
        %swap3A_254 = tpu.vector_load %arg15[%swap3A_252, %swap3A_253] {strides = array<i32>} : memref<128x64xf32, #tpu.memory_space<vmem>>, vector<1x16xf32>,
        %swap3A_255 = vector.shape_cast %swap3A_254 : vector<1x16xf32> to vector<16xf32>
        %swap3A_256 = vector.shape_cast %add3A_251 : vector<16xf32> to vector<1x16xf32>
        tpu.vector_store %arg15[%swap3A_252, %swap3A_253], %swap3A_256 {strides = array<i32>} : memref<128x64xf32, #tpu.memory_space<vmem>>, vector<1x16xf32>,
        %get3A_257 = arith.index_cast %scan3A_221 : i32 to index
        %get3A_258 = arith.constant 32 : index
        %get3A_259 = tpu.vector_load %arg11[%get3A_257, %get3A_258] {strides = array<i32>} : memref<128x128xf32, #tpu.memory_space<vmem>>, vector<1x16xf32>,
        %get3A_260 = vector.shape_cast %get3A_259 : vector<1x16xf32> to vector<16xf32>
        %mul3A_261 = arith.constant 8.000000e+00 : f32
        %mul3A_262 = vector.broadcast %mul3A_261 : f32 to vector<16xf32>
        %mul3A_263 = arith.mulf %get3A_260, %mul3A_262 : vector<16xf32>
        %add3A_264 = arith.constant 32 : i32
        %add3A_265 = arith.addi %scan3A_222, %add3A_264 : i32
        %get3A_266 = arith.index_cast %add3A_265 : i32 to index
        %get3A_267 = tpu.vector_load %arg16[%get3A_266] {strides = array<i32>} : memref<20992xf32, #tpu.memory_space<vmem>>, vector<16xf32>,
        %get3A_268 = vector.shape_cast %get3A_267 : vector<16xf32> to vector<16xf32>
        %add3A_269 = arith.addf %mul3A_263, %get3A_268 : vector<16xf32>
        %swap3A_270 = arith.index_cast %scan3A_221 : i32 to index
        %swap3A_271 = arith.constant 32 : index
        %swap3A_272 = tpu.vector_load %arg15[%swap3A_270, %swap3A_271] {strides = array<i32>} : memref<128x64xf32, #tpu.memory_space<vmem>>, vector<1x16xf32>,
        %swap3A_273 = vector.shape_cast %swap3A_272 : vector<1x16xf32> to vector<16xf32>
        %swap3A_274 = vector.shape_cast %add3A_269 : vector<16xf32> to vector<1x16xf32>
        tpu.vector_store %arg15[%swap3A_270, %swap3A_271], %swap3A_274 {strides = array<i32>} : memref<128x64xf32, #tpu.memory_space<vmem>>, vector<1x16xf32>,
        %get3A_275 = arith.index_cast %scan3A_221 : i32 to index
        %get3A_276 = arith.constant 48 : index
        %get3A_277 = tpu.vector_load %arg11[%get3A_275, %get3A_276] {strides = array<i32>} : memref<128x128xf32, #tpu.memory_space<vmem>>, vector<1x16xf32>,
        %get3A_278 = vector.shape_cast %get3A_277 : vector<1x16xf32> to vector<16xf32>
        %mul3A_279 = arith.constant 8.000000e+00 : f32
        %mul3A_280 = vector.broadcast %mul3A_279 : f32 to vector<16xf32>
        %mul3A_281 = arith.mulf %get3A_278, %mul3A_280 : vector<16xf32>
        %add3A_282 = arith.constant 48 : i32
        %add3A_283 = arith.addi %scan3A_222, %add3A_282 : i32
        %get3A_284 = arith.index_cast %add3A_283 : i32 to index
        %get3A_285 = tpu.vector_load %arg16[%get3A_284] {strides = array<i32>} : memref<20992xf32, #tpu.memory_space<vmem>>, vector<16xf32>,
        %get3A_286 = vector.shape_cast %get3A_285 : vector<16xf32> to vector<16xf32>
        %add3A_287 = arith.addf %mul3A_281, %get3A_286 : vector<16xf32>
        %swap3A_288 = arith.index_cast %scan3A_221 : i32 to index
        %swap3A_289 = arith.constant 48 : index
        %swap3A_290 = tpu.vector_load %arg15[%swap3A_288, %swap3A_289] {strides = array<i32>} : memref<128x64xf32, #tpu.memory_space<vmem>>, vector<1x16xf32>,
        %swap3A_291 = vector.shape_cast %swap3A_290 : vector<1x16xf32> to vector<16xf32>
        %swap3A_292 = vector.shape_cast %add3A_287 : vector<16xf32> to vector<1x16xf32>
        tpu.vector_store %arg15[%swap3A_288, %swap3A_289], %swap3A_292 {strides = array<i32>} : memref<128x64xf32, #tpu.memory_space<vmem>>, vector<1x16xf32>,
        %add3A_293 = arith.constant 64 : i32
        %add3A_294 = arith.addi %scan3A_222, %add3A_293 : i32
        %scan3A_295 = arith.constant 1 : i32
        %scan3A_296 = arith.addi %scan3A_221, %scan3A_295 : i32
        %get3A_297 = arith.index_cast %scan3A_296 : i32 to index
        %get3A_298 = arith.constant 0 : index
        %get3A_299 = tpu.vector_load %arg11[%get3A_297, %get3A_298] {strides = array<i32>} : memref<128x128xf32, #tpu.memory_space<vmem>>, vector<1x16xf32>,
        %get3A_300 = vector.shape_cast %get3A_299 : vector<1x16xf32> to vector<16xf32>
        %mul3A_301 = arith.constant 8.000000e+00 : f32
        %mul3A_302 = vector.broadcast %mul3A_301 : f32 to vector<16xf32>
        %mul3A_303 = arith.mulf %get3A_300, %mul3A_302 : vector<16xf32>
        %add3A_304 = arith.constant 0 : i32
        %add3A_305 = arith.addi %add3A_294, %add3A_304 : i32
        %get3A_306 = arith.index_cast %add3A_305 : i32 to index
        %get3A_307 = tpu.vector_load %arg16[%get3A_306] {strides = array<i32>} : memref<20992xf32, #tpu.memory_space<vmem>>, vector<16xf32>,
        %get3A_308 = vector.shape_cast %get3A_307 : vector<16xf32> to vector<16xf32>
        %add3A_309 = arith.addf %mul3A_303, %get3A_308 : vector<16xf32>
        %swap3A_310 = arith.index_cast %scan3A_296 : i32 to index
        %swap3A_311 = arith.constant 0 : index
        %swap3A_312 = tpu.vector_load %arg15[%swap3A_310, %swap3A_311] {strides = array<i32>} : memref<128x64xf32, #tpu.memory_space<vmem>>, vector<1x16xf32>,
        %swap3A_313 = vector.shape_cast %swap3A_312 : vector<1x16xf32> to vector<16xf32>
        %swap3A_314 = vector.shape_cast %add3A_309 : vector<16xf32> to vector<1x16xf32>
        tpu.vector_store %arg15[%swap3A_310, %swap3A_311], %swap3A_314 {strides = array<i32>} : memref<128x64xf32, #tpu.memory_space<vmem>>, vector<1x16xf32>,
        %get3A_315 = arith.index_cast %scan3A_296 : i32 to index
        %get3A_316 = arith.constant 16 : index
        %get3A_317 = tpu.vector_load %arg11[%get3A_315, %get3A_316] {strides = array<i32>} : memref<128x128xf32, #tpu.memory_space<vmem>>, vector<1x16xf32>,
        %get3A_318 = vector.shape_cast %get3A_317 : vector<1x16xf32> to vector<16xf32>
        %mul3A_319 = arith.constant 8.000000e+00 : f32
        %mul3A_320 = vector.broadcast %mul3A_319 : f32 to vector<16xf32>
        %mul3A_321 = arith.mulf %get3A_318, %mul3A_320 : vector<16xf32>
        %add3A_322 = arith.constant 16 : i32
        %add3A_323 = arith.addi %add3A_294, %add3A_322 : i32
        %get3A_324 = arith.index_cast %add3A_323 : i32 to index
        %get3A_325 = tpu.vector_load %arg16[%get3A_324] {strides = array<i32>} : memref<20992xf32, #tpu.memory_space<vmem>>, vector<16xf32>,
        %get3A_326 = vector.shape_cast %get3A_325 : vector<16xf32> to vector<16xf32>
        %add3A_327 = arith.addf %mul3A_321, %get3A_326 : vector<16xf32>
        %swap3A_328 = arith.index_cast %scan3A_296 : i32 to index
        %swap3A_329 = arith.constant 16 : index
        %swap3A_330 = tpu.vector_load %arg15[%swap3A_328, %swap3A_329] {strides = array<i32>} : memref<128x64xf32, #tpu.memory_space<vmem>>, vector<1x16xf32>,
        %swap3A_331 = vector.shape_cast %swap3A_330 : vector<1x16xf32> to vector<16xf32>
        %swap3A_332 = vector.shape_cast %add3A_327 : vector<16xf32> to vector<1x16xf32>
        tpu.vector_store %arg15[%swap3A_328, %swap3A_329], %swap3A_332 {strides = array<i32>} : memref<128x64xf32, #tpu.memory_space<vmem>>, vector<1x16xf32>,
        %get3A_333 = arith.index_cast %scan3A_296 : i32 to index
        %get3A_334 = arith.constant 32 : index
        %get3A_335 = tpu.vector_load %arg11[%get3A_333, %get3A_334] {strides = array<i32>} : memref<128x128xf32, #tpu.memory_space<vmem>>, vector<1x16xf32>,
        %get3A_336 = vector.shape_cast %get3A_335 : vector<1x16xf32> to vector<16xf32>
        %mul3A_337 = arith.constant 8.000000e+00 : f32
        %mul3A_338 = vector.broadcast %mul3A_337 : f32 to vector<16xf32>
        %mul3A_339 = arith.mulf %get3A_336, %mul3A_338 : vector<16xf32>
        %add3A_340 = arith.constant 32 : i32
        %add3A_341 = arith.addi %add3A_294, %add3A_340 : i32
        %get3A_342 = arith.index_cast %add3A_341 : i32 to index
        %get3A_343 = tpu.vector_load %arg16[%get3A_342] {strides = array<i32>} : memref<20992xf32, #tpu.memory_space<vmem>>, vector<16xf32>,
        %get3A_344 = vector.shape_cast %get3A_343 : vector<16xf32> to vector<16xf32>
        %add3A_345 = arith.addf %mul3A_339, %get3A_344 : vector<16xf32>
        %swap3A_346 = arith.index_cast %scan3A_296 : i32 to index
        %swap3A_347 = arith.constant 32 : index
        %swap3A_348 = tpu.vector_load %arg15[%swap3A_346, %swap3A_347] {strides = array<i32>} : memref<128x64xf32, #tpu.memory_space<vmem>>, vector<1x16xf32>,
        %swap3A_349 = vector.shape_cast %swap3A_348 : vector<1x16xf32> to vector<16xf32>
        %swap3A_350 = vector.shape_cast %add3A_345 : vector<16xf32> to vector<1x16xf32>
        tpu.vector_store %arg15[%swap3A_346, %swap3A_347], %swap3A_350 {strides = array<i32>} : memref<128x64xf32, #tpu.memory_space<vmem>>, vector<1x16xf32>,
        %get3A_351 = arith.index_cast %scan3A_296 : i32 to index
        %get3A_352 = arith.constant 48 : index
        %get3A_353 = tpu.vector_load %arg11[%get3A_351, %get3A_352] {strides = array<i32>} : memref<128x128xf32, #tpu.memory_space<vmem>>, vector<1x16xf32>,
        %get3A_354 = vector.shape_cast %get3A_353 : vector<1x16xf32> to vector<16xf32>
        %mul3A_355 = arith.constant 8.000000e+00 : f32
        %mul3A_356 = vector.broadcast %mul3A_355 : f32 to vector<16xf32>
        %mul3A_357 = arith.mulf %get3A_354, %mul3A_356 : vector<16xf32>
        %add3A_358 = arith.constant 48 : i32
        %add3A_359 = arith.addi %add3A_294, %add3A_358 : i32
        %get3A_360 = arith.index_cast %add3A_359 : i32 to index
        %get3A_361 = tpu.vector_load %arg16[%get3A_360] {strides = array<i32>} : memref<20992xf32, #tpu.memory_space<vmem>>, vector<16xf32>,
        %get3A_362 = vector.shape_cast %get3A_361 : vector<16xf32> to vector<16xf32>
        %add3A_363 = arith.addf %mul3A_357, %get3A_362 : vector<16xf32>
        %swap3A_364 = arith.index_cast %scan3A_296 : i32 to index
        %swap3A_365 = arith.constant 48 : index
        %swap3A_366 = tpu.vector_load %arg15[%swap3A_364, %swap3A_365] {strides = array<i32>} : memref<128x64xf32, #tpu.memory_space<vmem>>, vector<1x16xf32>,
        %swap3A_367 = vector.shape_cast %swap3A_366 : vector<1x16xf32> to vector<16xf32>
        %swap3A_368 = vector.shape_cast %add3A_363 : vector<16xf32> to vector<1x16xf32>
        tpu.vector_store %arg15[%swap3A_364, %swap3A_365], %swap3A_368 {strides = array<i32>} : memref<128x64xf32, #tpu.memory_space<vmem>>, vector<1x16xf32>,
        %add3A_369 = arith.constant 64 : i32
        %add3A_370 = arith.addi %add3A_294, %add3A_369 : i32
        %scan3A_371 = arith.constant 2 : i32
        %scan3A_372 = arith.addi %scan3A_221, %scan3A_371 : i32
        %get3A_373 = arith.index_cast %scan3A_372 : i32 to index
        %get3A_374 = arith.constant 0 : index
        %get3A_375 = tpu.vector_load %arg11[%get3A_373, %get3A_374] {strides = array<i32>} : memref<128x128xf32, #tpu.memory_space<vmem>>, vector<1x16xf32>,
        %get3A_376 = vector.shape_cast %get3A_375 : vector<1x16xf32> to vector<16xf32>
        %mul3A_377 = arith.constant 8.000000e+00 : f32
        %mul3A_378 = vector.broadcast %mul3A_377 : f32 to vector<16xf32>
        %mul3A_379 = arith.mulf %get3A_376, %mul3A_378 : vector<16xf32>
        %add3A_380 = arith.constant 0 : i32
        %add3A_381 = arith.addi %add3A_370, %add3A_380 : i32
        %get3A_382 = arith.index_cast %add3A_381 : i32 to index
        %get3A_383 = tpu.vector_load %arg16[%get3A_382] {strides = array<i32>} : memref<20992xf32, #tpu.memory_space<vmem>>, vector<16xf32>,
        %get3A_384 = vector.shape_cast %get3A_383 : vector<16xf32> to vector<16xf32>
        %add3A_385 = arith.addf %mul3A_379, %get3A_384 : vector<16xf32>
        %swap3A_386 = arith.index_cast %scan3A_372 : i32 to index
        %swap3A_387 = arith.constant 0 : index
        %swap3A_388 = tpu.vector_load %arg15[%swap3A_386, %swap3A_387] {strides = array<i32>} : memref<128x64xf32, #tpu.memory_space<vmem>>, vector<1x16xf32>,
        %swap3A_389 = vector.shape_cast %swap3A_388 : vector<1x16xf32> to vector<16xf32>
        %swap3A_390 = vector.shape_cast %add3A_385 : vector<16xf32> to vector<1x16xf32>
        tpu.vector_store %arg15[%swap3A_386, %swap3A_387], %swap3A_390 {strides = array<i32>} : memref<128x64xf32, #tpu.memory_space<vmem>>, vector<1x16xf32>,
        %get3A_391 = arith.index_cast %scan3A_372 : i32 to index
        %get3A_392 = arith.constant 16 : index
        %get3A_393 = tpu.vector_load %arg11[%get3A_391, %get3A_392] {strides = array<i32>} : memref<128x128xf32, #tpu.memory_space<vmem>>, vector<1x16xf32>,
        %get3A_394 = vector.shape_cast %get3A_393 : vector<1x16xf32> to vector<16xf32>
        %mul3A_395 = arith.constant 8.000000e+00 : f32
        %mul3A_396 = vector.broadcast %mul3A_395 : f32 to vector<16xf32>
        %mul3A_397 = arith.mulf %get3A_394, %mul3A_396 : vector<16xf32>
        %add3A_398 = arith.constant 16 : i32
        %add3A_399 = arith.addi %add3A_370, %add3A_398 : i32
        %get3A_400 = arith.index_cast %add3A_399 : i32 to index
        %get3A_401 = tpu.vector_load %arg16[%get3A_400] {strides = array<i32>} : memref<20992xf32, #tpu.memory_space<vmem>>, vector<16xf32>,
        %get3A_402 = vector.shape_cast %get3A_401 : vector<16xf32> to vector<16xf32>
        %add3A_403 = arith.addf %mul3A_397, %get3A_402 : vector<16xf32>
        %swap3A_404 = arith.index_cast %scan3A_372 : i32 to index
        %swap3A_405 = arith.constant 16 : index
        %swap3A_406 = tpu.vector_load %arg15[%swap3A_404, %swap3A_405] {strides = array<i32>} : memref<128x64xf32, #tpu.memory_space<vmem>>, vector<1x16xf32>,
        %swap3A_407 = vector.shape_cast %swap3A_406 : vector<1x16xf32> to vector<16xf32>
        %swap3A_408 = vector.shape_cast %add3A_403 : vector<16xf32> to vector<1x16xf32>
        tpu.vector_store %arg15[%swap3A_404, %swap3A_405], %swap3A_408 {strides = array<i32>} : memref<128x64xf32, #tpu.memory_space<vmem>>, vector<1x16xf32>,
        %get3A_409 = arith.index_cast %scan3A_372 : i32 to index
        %get3A_410 = arith.constant 32 : index
        %get3A_411 = tpu.vector_load %arg11[%get3A_409, %get3A_410] {strides = array<i32>} : memref<128x128xf32, #tpu.memory_space<vmem>>, vector<1x16xf32>,
        %get3A_412 = vector.shape_cast %get3A_411 : vector<1x16xf32> to vector<16xf32>
        %mul3A_413 = arith.constant 8.000000e+00 : f32
        %mul3A_414 = vector.broadcast %mul3A_413 : f32 to vector<16xf32>
        %mul3A_415 = arith.mulf %get3A_412, %mul3A_414 : vector<16xf32>
        %add3A_416 = arith.constant 32 : i32
        %add3A_417 = arith.addi %add3A_370, %add3A_416 : i32
        %get3A_418 = arith.index_cast %add3A_417 : i32 to index
        %get3A_419 = tpu.vector_load %arg16[%get3A_418] {strides = array<i32>} : memref<20992xf32, #tpu.memory_space<vmem>>, vector<16xf32>,
        %get3A_420 = vector.shape_cast %get3A_419 : vector<16xf32> to vector<16xf32>
        %add3A_421 = arith.addf %mul3A_415, %get3A_420 : vector<16xf32>
        %swap3A_422 = arith.index_cast %scan3A_372 : i32 to index
        %swap3A_423 = arith.constant 32 : index
        %swap3A_424 = tpu.vector_load %arg15[%swap3A_422, %swap3A_423] {strides = array<i32>} : memref<128x64xf32, #tpu.memory_space<vmem>>, vector<1x16xf32>,
        %swap3A_425 = vector.shape_cast %swap3A_424 : vector<1x16xf32> to vector<16xf32>
        %swap3A_426 = vector.shape_cast %add3A_421 : vector<16xf32> to vector<1x16xf32>
        tpu.vector_store %arg15[%swap3A_422, %swap3A_423], %swap3A_426 {strides = array<i32>} : memref<128x64xf32, #tpu.memory_space<vmem>>, vector<1x16xf32>,
        %get3A_427 = arith.index_cast %scan3A_372 : i32 to index
        %get3A_428 = arith.constant 48 : index
        %get3A_429 = tpu.vector_load %arg11[%get3A_427, %get3A_428] {strides = array<i32>} : memref<128x128xf32, #tpu.memory_space<vmem>>, vector<1x16xf32>,
        %get3A_430 = vector.shape_cast %get3A_429 : vector<1x16xf32> to vector<16xf32>
        %mul3A_431 = arith.constant 8.000000e+00 : f32
        %mul3A_432 = vector.broadcast %mul3A_431 : f32 to vector<16xf32>
        %mul3A_433 = arith.mulf %get3A_430, %mul3A_432 : vector<16xf32>
        %add3A_434 = arith.constant 48 : i32
        %add3A_435 = arith.addi %add3A_370, %add3A_434 : i32
        %get3A_436 = arith.index_cast %add3A_435 : i32 to index
        %get3A_437 = tpu.vector_load %arg16[%get3A_436] {strides = array<i32>} : memref<20992xf32, #tpu.memory_space<vmem>>, vector<16xf32>,
        %get3A_438 = vector.shape_cast %get3A_437 : vector<16xf32> to vector<16xf32>
        %add3A_439 = arith.addf %mul3A_433, %get3A_438 : vector<16xf32>
        %swap3A_440 = arith.index_cast %scan3A_372 : i32 to index
        %swap3A_441 = arith.constant 48 : index
        %swap3A_442 = tpu.vector_load %arg15[%swap3A_440, %swap3A_441] {strides = array<i32>} : memref<128x64xf32, #tpu.memory_space<vmem>>, vector<1x16xf32>,
        %swap3A_443 = vector.shape_cast %swap3A_442 : vector<1x16xf32> to vector<16xf32>
        %swap3A_444 = vector.shape_cast %add3A_439 : vector<16xf32> to vector<1x16xf32>
        tpu.vector_store %arg15[%swap3A_440, %swap3A_441], %swap3A_444 {strides = array<i32>} : memref<128x64xf32, #tpu.memory_space<vmem>>, vector<1x16xf32>,
        %add3A_445 = arith.constant 64 : i32
        %add3A_446 = arith.addi %add3A_370, %add3A_445 : i32
        %scan3A_447 = arith.constant 3 : i32
        %scan3A_448 = arith.addi %scan3A_221, %scan3A_447 : i32
        %get3A_449 = arith.index_cast %scan3A_448 : i32 to index
        %get3A_450 = arith.constant 0 : index
        %get3A_451 = tpu.vector_load %arg11[%get3A_449, %get3A_450] {strides = array<i32>} : memref<128x128xf32, #tpu.memory_space<vmem>>, vector<1x16xf32>,
        %get3A_452 = vector.shape_cast %get3A_451 : vector<1x16xf32> to vector<16xf32>
        %mul3A_453 = arith.constant 8.000000e+00 : f32
        %mul3A_454 = vector.broadcast %mul3A_453 : f32 to vector<16xf32>
        %mul3A_455 = arith.mulf %get3A_452, %mul3A_454 : vector<16xf32>
        %add3A_456 = arith.constant 0 : i32
        %add3A_457 = arith.addi %add3A_446, %add3A_456 : i32
        %get3A_458 = arith.index_cast %add3A_457 : i32 to index
        %get3A_459 = tpu.vector_load %arg16[%get3A_458] {strides = array<i32>} : memref<20992xf32, #tpu.memory_space<vmem>>, vector<16xf32>,
        %get3A_460 = vector.shape_cast %get3A_459 : vector<16xf32> to vector<16xf32>
        %add3A_461 = arith.addf %mul3A_455, %get3A_460 : vector<16xf32>
        %swap3A_462 = arith.index_cast %scan3A_448 : i32 to index
        %swap3A_463 = arith.constant 0 : index
        %swap3A_464 = tpu.vector_load %arg15[%swap3A_462, %swap3A_463] {strides = array<i32>} : memref<128x64xf32, #tpu.memory_space<vmem>>, vector<1x16xf32>,
        %swap3A_465 = vector.shape_cast %swap3A_464 : vector<1x16xf32> to vector<16xf32>
        %swap3A_466 = vector.shape_cast %add3A_461 : vector<16xf32> to vector<1x16xf32>
        tpu.vector_store %arg15[%swap3A_462, %swap3A_463], %swap3A_466 {strides = array<i32>} : memref<128x64xf32, #tpu.memory_space<vmem>>, vector<1x16xf32>,
        %get3A_467 = arith.index_cast %scan3A_448 : i32 to index
        %get3A_468 = arith.constant 16 : index
        %get3A_469 = tpu.vector_load %arg11[%get3A_467, %get3A_468] {strides = array<i32>} : memref<128x128xf32, #tpu.memory_space<vmem>>, vector<1x16xf32>,
        %get3A_470 = vector.shape_cast %get3A_469 : vector<1x16xf32> to vector<16xf32>
        %mul3A_471 = arith.constant 8.000000e+00 : f32
        %mul3A_472 = vector.broadcast %mul3A_471 : f32 to vector<16xf32>
        %mul3A_473 = arith.mulf %get3A_470, %mul3A_472 : vector<16xf32>
        %add3A_474 = arith.constant 16 : i32
        %add3A_475 = arith.addi %add3A_446, %add3A_474 : i32
        %get3A_476 = arith.index_cast %add3A_475 : i32 to index
        %get3A_477 = tpu.vector_load %arg16[%get3A_476] {strides = array<i32>} : memref<20992xf32, #tpu.memory_space<vmem>>, vector<16xf32>,
        %get3A_478 = vector.shape_cast %get3A_477 : vector<16xf32> to vector<16xf32>
        %add3A_479 = arith.addf %mul3A_473, %get3A_478 : vector<16xf32>
        %swap3A_480 = arith.index_cast %scan3A_448 : i32 to index
        %swap3A_481 = arith.constant 16 : index
        %swap3A_482 = tpu.vector_load %arg15[%swap3A_480, %swap3A_481] {strides = array<i32>} : memref<128x64xf32, #tpu.memory_space<vmem>>, vector<1x16xf32>,
        %swap3A_483 = vector.shape_cast %swap3A_482 : vector<1x16xf32> to vector<16xf32>
        %swap3A_484 = vector.shape_cast %add3A_479 : vector<16xf32> to vector<1x16xf32>
        tpu.vector_store %arg15[%swap3A_480, %swap3A_481], %swap3A_484 {strides = array<i32>} : memref<128x64xf32, #tpu.memory_space<vmem>>, vector<1x16xf32>,
        %get3A_485 = arith.index_cast %scan3A_448 : i32 to index
        %get3A_486 = arith.constant 32 : index
        %get3A_487 = tpu.vector_load %arg11[%get3A_485, %get3A_486] {strides = array<i32>} : memref<128x128xf32, #tpu.memory_space<vmem>>, vector<1x16xf32>,
        %get3A_488 = vector.shape_cast %get3A_487 : vector<1x16xf32> to vector<16xf32>
        %mul3A_489 = arith.constant 8.000000e+00 : f32
        %mul3A_490 = vector.broadcast %mul3A_489 : f32 to vector<16xf32>
        %mul3A_491 = arith.mulf %get3A_488, %mul3A_490 : vector<16xf32>
        %add3A_492 = arith.constant 32 : i32
        %add3A_493 = arith.addi %add3A_446, %add3A_492 : i32
        %get3A_494 = arith.index_cast %add3A_493 : i32 to index
        %get3A_495 = tpu.vector_load %arg16[%get3A_494] {strides = array<i32>} : memref<20992xf32, #tpu.memory_space<vmem>>, vector<16xf32>,
        %get3A_496 = vector.shape_cast %get3A_495 : vector<16xf32> to vector<16xf32>
        %add3A_497 = arith.addf %mul3A_491, %get3A_496 : vector<16xf32>
        %swap3A_498 = arith.index_cast %scan3A_448 : i32 to index
        %swap3A_499 = arith.constant 32 : index
        %swap3A_500 = tpu.vector_load %arg15[%swap3A_498, %swap3A_499] {strides = array<i32>} : memref<128x64xf32, #tpu.memory_space<vmem>>, vector<1x16xf32>,
        %swap3A_501 = vector.shape_cast %swap3A_500 : vector<1x16xf32> to vector<16xf32>
        %swap3A_502 = vector.shape_cast %add3A_497 : vector<16xf32> to vector<1x16xf32>
        tpu.vector_store %arg15[%swap3A_498, %swap3A_499], %swap3A_502 {strides = array<i32>} : memref<128x64xf32, #tpu.memory_space<vmem>>, vector<1x16xf32>,
        %get3A_503 = arith.index_cast %scan3A_448 : i32 to index
        %get3A_504 = arith.constant 48 : index
        %get3A_505 = tpu.vector_load %arg11[%get3A_503, %get3A_504] {strides = array<i32>} : memref<128x128xf32, #tpu.memory_space<vmem>>, vector<1x16xf32>,
        %get3A_506 = vector.shape_cast %get3A_505 : vector<1x16xf32> to vector<16xf32>
        %mul3A_507 = arith.constant 8.000000e+00 : f32
        %mul3A_508 = vector.broadcast %mul3A_507 : f32 to vector<16xf32>
        %mul3A_509 = arith.mulf %get3A_506, %mul3A_508 : vector<16xf32>
        %add3A_510 = arith.constant 48 : i32
        %add3A_511 = arith.addi %add3A_446, %add3A_510 : i32
        %get3A_512 = arith.index_cast %add3A_511 : i32 to index
        %get3A_513 = tpu.vector_load %arg16[%get3A_512] {strides = array<i32>} : memref<20992xf32, #tpu.memory_space<vmem>>, vector<16xf32>,
        %get3A_514 = vector.shape_cast %get3A_513 : vector<16xf32> to vector<16xf32>
        %add3A_515 = arith.addf %mul3A_509, %get3A_514 : vector<16xf32>
        %swap3A_516 = arith.index_cast %scan3A_448 : i32 to index
        %swap3A_517 = arith.constant 48 : index
        %swap3A_518 = tpu.vector_load %arg15[%swap3A_516, %swap3A_517] {strides = array<i32>} : memref<128x64xf32, #tpu.memory_space<vmem>>, vector<1x16xf32>,
        %swap3A_519 = vector.shape_cast %swap3A_518 : vector<1x16xf32> to vector<16xf32>
        %swap3A_520 = vector.shape_cast %add3A_515 : vector<16xf32> to vector<1x16xf32>
        tpu.vector_store %arg15[%swap3A_516, %swap3A_517], %swap3A_520 {strides = array<i32>} : memref<128x64xf32, #tpu.memory_space<vmem>>, vector<1x16xf32>,
        %add3A_521 = arith.constant 64 : i32
        %add3A_522 = arith.addi %add3A_446, %add3A_521 : i32
        %scan3A_523 = arith.constant 4 : i32
        %scan3A_524 = arith.addi %scan3A_221, %scan3A_523 : i32
        %get3A_525 = arith.index_cast %scan3A_524 : i32 to index
        %get3A_526 = arith.constant 0 : index
        %get3A_527 = tpu.vector_load %arg11[%get3A_525, %get3A_526] {strides = array<i32>} : memref<128x128xf32, #tpu.memory_space<vmem>>, vector<1x16xf32>,
        %get3A_528 = vector.shape_cast %get3A_527 : vector<1x16xf32> to vector<16xf32>
        %mul3A_529 = arith.constant 8.000000e+00 : f32
        %mul3A_530 = vector.broadcast %mul3A_529 : f32 to vector<16xf32>
        %mul3A_531 = arith.mulf %get3A_528, %mul3A_530 : vector<16xf32>
        %add3A_532 = arith.constant 0 : i32
        %add3A_533 = arith.addi %add3A_522, %add3A_532 : i32
        %get3A_534 = arith.index_cast %add3A_533 : i32 to index
        %get3A_535 = tpu.vector_load %arg16[%get3A_534] {strides = array<i32>} : memref<20992xf32, #tpu.memory_space<vmem>>, vector<16xf32>,
        %get3A_536 = vector.shape_cast %get3A_535 : vector<16xf32> to vector<16xf32>
        %add3A_537 = arith.addf %mul3A_531, %get3A_536 : vector<16xf32>
        %swap3A_538 = arith.index_cast %scan3A_524 : i32 to index
        %swap3A_539 = arith.constant 0 : index
        %swap3A_540 = tpu.vector_load %arg15[%swap3A_538, %swap3A_539] {strides = array<i32>} : memref<128x64xf32, #tpu.memory_space<vmem>>, vector<1x16xf32>,
        %swap3A_541 = vector.shape_cast %swap3A_540 : vector<1x16xf32> to vector<16xf32>
        %swap3A_542 = vector.shape_cast %add3A_537 : vector<16xf32> to vector<1x16xf32>
        tpu.vector_store %arg15[%swap3A_538, %swap3A_539], %swap3A_542 {strides = array<i32>} : memref<128x64xf32, #tpu.memory_space<vmem>>, vector<1x16xf32>,
        %get3A_543 = arith.index_cast %scan3A_524 : i32 to index
        %get3A_544 = arith.constant 16 : index
        %get3A_545 = tpu.vector_load %arg11[%get3A_543, %get3A_544] {strides = array<i32>} : memref<128x128xf32, #tpu.memory_space<vmem>>, vector<1x16xf32>,
        %get3A_546 = vector.shape_cast %get3A_545 : vector<1x16xf32> to vector<16xf32>
        %mul3A_547 = arith.constant 8.000000e+00 : f32
        %mul3A_548 = vector.broadcast %mul3A_547 : f32 to vector<16xf32>
        %mul3A_549 = arith.mulf %get3A_546, %mul3A_548 : vector<16xf32>
        %add3A_550 = arith.constant 16 : i32
        %add3A_551 = arith.addi %add3A_522, %add3A_550 : i32
        %get3A_552 = arith.index_cast %add3A_551 : i32 to index
        %get3A_553 = tpu.vector_load %arg16[%get3A_552] {strides = array<i32>} : memref<20992xf32, #tpu.memory_space<vmem>>, vector<16xf32>,
        %get3A_554 = vector.shape_cast %get3A_553 : vector<16xf32> to vector<16xf32>
        %add3A_555 = arith.addf %mul3A_549, %get3A_554 : vector<16xf32>
        %swap3A_556 = arith.index_cast %scan3A_524 : i32 to index
        %swap3A_557 = arith.constant 16 : index
        %swap3A_558 = tpu.vector_load %arg15[%swap3A_556, %swap3A_557] {strides = array<i32>} : memref<128x64xf32, #tpu.memory_space<vmem>>, vector<1x16xf32>,
        %swap3A_559 = vector.shape_cast %swap3A_558 : vector<1x16xf32> to vector<16xf32>
        %swap3A_560 = vector.shape_cast %add3A_555 : vector<16xf32> to vector<1x16xf32>
        tpu.vector_store %arg15[%swap3A_556, %swap3A_557], %swap3A_560 {strides = array<i32>} : memref<128x64xf32, #tpu.memory_space<vmem>>, vector<1x16xf32>,
        %get3A_561 = arith.index_cast %scan3A_524 : i32 to index
        %get3A_562 = arith.constant 32 : index
        %get3A_563 = tpu.vector_load %arg11[%get3A_561, %get3A_562] {strides = array<i32>} : memref<128x128xf32, #tpu.memory_space<vmem>>, vector<1x16xf32>,
        %get3A_564 = vector.shape_cast %get3A_563 : vector<1x16xf32> to vector<16xf32>
        %mul3A_565 = arith.constant 8.000000e+00 : f32
        %mul3A_566 = vector.broadcast %mul3A_565 : f32 to vector<16xf32>
        %mul3A_567 = arith.mulf %get3A_564, %mul3A_566 : vector<16xf32>
        %add3A_568 = arith.constant 32 : i32
        %add3A_569 = arith.addi %add3A_522, %add3A_568 : i32
        %get3A_570 = arith.index_cast %add3A_569 : i32 to index
        %get3A_571 = tpu.vector_load %arg16[%get3A_570] {strides = array<i32>} : memref<20992xf32, #tpu.memory_space<vmem>>, vector<16xf32>,
        %get3A_572 = vector.shape_cast %get3A_571 : vector<16xf32> to vector<16xf32>
        %add3A_573 = arith.addf %mul3A_567, %get3A_572 : vector<16xf32>
        %swap3A_574 = arith.index_cast %scan3A_524 : i32 to index
        %swap3A_575 = arith.constant 32 : index
        %swap3A_576 = tpu.vector_load %arg15[%swap3A_574, %swap3A_575] {strides = array<i32>} : memref<128x64xf32, #tpu.memory_space<vmem>>, vector<1x16xf32>,
        %swap3A_577 = vector.shape_cast %swap3A_576 : vector<1x16xf32> to vector<16xf32>
        %swap3A_578 = vector.shape_cast %add3A_573 : vector<16xf32> to vector<1x16xf32>
        tpu.vector_store %arg15[%swap3A_574, %swap3A_575], %swap3A_578 {strides = array<i32>} : memref<128x64xf32, #tpu.memory_space<vmem>>, vector<1x16xf32>,
        %get3A_579 = arith.index_cast %scan3A_524 : i32 to index
        %get3A_580 = arith.constant 48 : index
        %get3A_581 = tpu.vector_load %arg11[%get3A_579, %get3A_580] {strides = array<i32>} : memref<128x128xf32, #tpu.memory_space<vmem>>, vector<1x16xf32>,
        %get3A_582 = vector.shape_cast %get3A_581 : vector<1x16xf32> to vector<16xf32>
        %mul3A_583 = arith.constant 8.000000e+00 : f32
        %mul3A_584 = vector.broadcast %mul3A_583 : f32 to vector<16xf32>
        %mul3A_585 = arith.mulf %get3A_582, %mul3A_584 : vector<16xf32>
        %add3A_586 = arith.constant 48 : i32
        %add3A_587 = arith.addi %add3A_522, %add3A_586 : i32
        %get3A_588 = arith.index_cast %add3A_587 : i32 to index
        %get3A_589 = tpu.vector_load %arg16[%get3A_588] {strides = array<i32>} : memref<20992xf32, #tpu.memory_space<vmem>>, vector<16xf32>,
        %get3A_590 = vector.shape_cast %get3A_589 : vector<16xf32> to vector<16xf32>
        %add3A_591 = arith.addf %mul3A_585, %get3A_590 : vector<16xf32>
        %swap3A_592 = arith.index_cast %scan3A_524 : i32 to index
        %swap3A_593 = arith.constant 48 : index
        %swap3A_594 = tpu.vector_load %arg15[%swap3A_592, %swap3A_593] {strides = array<i32>} : memref<128x64xf32, #tpu.memory_space<vmem>>, vector<1x16xf32>,
        %swap3A_595 = vector.shape_cast %swap3A_594 : vector<1x16xf32> to vector<16xf32>
        %swap3A_596 = vector.shape_cast %add3A_591 : vector<16xf32> to vector<1x16xf32>
        tpu.vector_store %arg15[%swap3A_592, %swap3A_593], %swap3A_596 {strides = array<i32>} : memref<128x64xf32, #tpu.memory_space<vmem>>, vector<1x16xf32>,
        %add3A_597 = arith.constant 64 : i32
        %add3A_598 = arith.addi %add3A_522, %add3A_597 : i32
        %scan3A_599 = arith.constant 5 : i32
        %scan3A_600 = arith.addi %scan3A_221, %scan3A_599 : i32
        %get3A_601 = arith.index_cast %scan3A_600 : i32 to index
        %get3A_602 = arith.constant 0 : index
        %get3A_603 = tpu.vector_load %arg11[%get3A_601, %get3A_602] {strides = array<i32>} : memref<128x128xf32, #tpu.memory_space<vmem>>, vector<1x16xf32>,
        %get3A_604 = vector.shape_cast %get3A_603 : vector<1x16xf32> to vector<16xf32>
        %mul3A_605 = arith.constant 8.000000e+00 : f32
        %mul3A_606 = vector.broadcast %mul3A_605 : f32 to vector<16xf32>
        %mul3A_607 = arith.mulf %get3A_604, %mul3A_606 : vector<16xf32>
        %add3A_608 = arith.constant 0 : i32
        %add3A_609 = arith.addi %add3A_598, %add3A_608 : i32
        %get3A_610 = arith.index_cast %add3A_609 : i32 to index
        %get3A_611 = tpu.vector_load %arg16[%get3A_610] {strides = array<i32>} : memref<20992xf32, #tpu.memory_space<vmem>>, vector<16xf32>,
        %get3A_612 = vector.shape_cast %get3A_611 : vector<16xf32> to vector<16xf32>
        %add3A_613 = arith.addf %mul3A_607, %get3A_612 : vector<16xf32>
        %swap3A_614 = arith.index_cast %scan3A_600 : i32 to index
        %swap3A_615 = arith.constant 0 : index
        %swap3A_616 = tpu.vector_load %arg15[%swap3A_614, %swap3A_615] {strides = array<i32>} : memref<128x64xf32, #tpu.memory_space<vmem>>, vector<1x16xf32>,
        %swap3A_617 = vector.shape_cast %swap3A_616 : vector<1x16xf32> to vector<16xf32>
        %swap3A_618 = vector.shape_cast %add3A_613 : vector<16xf32> to vector<1x16xf32>
        tpu.vector_store %arg15[%swap3A_614, %swap3A_615], %swap3A_618 {strides = array<i32>} : memref<128x64xf32, #tpu.memory_space<vmem>>, vector<1x16xf32>,
        %get3A_619 = arith.index_cast %scan3A_600 : i32 to index
        %get3A_620 = arith.constant 16 : index
        %get3A_621 = tpu.vector_load %arg11[%get3A_619, %get3A_620] {strides = array<i32>} : memref<128x128xf32, #tpu.memory_space<vmem>>, vector<1x16xf32>,
        %get3A_622 = vector.shape_cast %get3A_621 : vector<1x16xf32> to vector<16xf32>
        %mul3A_623 = arith.constant 8.000000e+00 : f32
        %mul3A_624 = vector.broadcast %mul3A_623 : f32 to vector<16xf32>
        %mul3A_625 = arith.mulf %get3A_622, %mul3A_624 : vector<16xf32>
        %add3A_626 = arith.constant 16 : i32
        %add3A_627 = arith.addi %add3A_598, %add3A_626 : i32
        %get3A_628 = arith.index_cast %add3A_627 : i32 to index
        %get3A_629 = tpu.vector_load %arg16[%get3A_628] {strides = array<i32>} : memref<20992xf32, #tpu.memory_space<vmem>>, vector<16xf32>,
        %get3A_630 = vector.shape_cast %get3A_629 : vector<16xf32> to vector<16xf32>
        %add3A_631 = arith.addf %mul3A_625, %get3A_630 : vector<16xf32>
        %swap3A_632 = arith.index_cast %scan3A_600 : i32 to index
        %swap3A_633 = arith.constant 16 : index
        %swap3A_634 = tpu.vector_load %arg15[%swap3A_632, %swap3A_633] {strides = array<i32>} : memref<128x64xf32, #tpu.memory_space<vmem>>, vector<1x16xf32>,
        %swap3A_635 = vector.shape_cast %swap3A_634 : vector<1x16xf32> to vector<16xf32>
        %swap3A_636 = vector.shape_cast %add3A_631 : vector<16xf32> to vector<1x16xf32>
        tpu.vector_store %arg15[%swap3A_632, %swap3A_633], %swap3A_636 {strides = array<i32>} : memref<128x64xf32, #tpu.memory_space<vmem>>, vector<1x16xf32>,
        %get3A_637 = arith.index_cast %scan3A_600 : i32 to index
        %get3A_638 = arith.constant 32 : index
        %get3A_639 = tpu.vector_load %arg11[%get3A_637, %get3A_638] {strides = array<i32>} : memref<128x128xf32, #tpu.memory_space<vmem>>, vector<1x16xf32>,
        %get3A_640 = vector.shape_cast %get3A_639 : vector<1x16xf32> to vector<16xf32>
        %mul3A_641 = arith.constant 8.000000e+00 : f32
        %mul3A_642 = vector.broadcast %mul3A_641 : f32 to vector<16xf32>
        %mul3A_643 = arith.mulf %get3A_640, %mul3A_642 : vector<16xf32>
        %add3A_644 = arith.constant 32 : i32
        %add3A_645 = arith.addi %add3A_598, %add3A_644 : i32
        %get3A_646 = arith.index_cast %add3A_645 : i32 to index
        %get3A_647 = tpu.vector_load %arg16[%get3A_646] {strides = array<i32>} : memref<20992xf32, #tpu.memory_space<vmem>>, vector<16xf32>,
        %get3A_648 = vector.shape_cast %get3A_647 : vector<16xf32> to vector<16xf32>
        %add3A_649 = arith.addf %mul3A_643, %get3A_648 : vector<16xf32>
        %swap3A_650 = arith.index_cast %scan3A_600 : i32 to index
        %swap3A_651 = arith.constant 32 : index
        %swap3A_652 = tpu.vector_load %arg15[%swap3A_650, %swap3A_651] {strides = array<i32>} : memref<128x64xf32, #tpu.memory_space<vmem>>, vector<1x16xf32>,
        %swap3A_653 = vector.shape_cast %swap3A_652 : vector<1x16xf32> to vector<16xf32>
        %swap3A_654 = vector.shape_cast %add3A_649 : vector<16xf32> to vector<1x16xf32>
        tpu.vector_store %arg15[%swap3A_650, %swap3A_651], %swap3A_654 {strides = array<i32>} : memref<128x64xf32, #tpu.memory_space<vmem>>, vector<1x16xf32>,
        %get3A_655 = arith.index_cast %scan3A_600 : i32 to index
        %get3A_656 = arith.constant 48 : index
        %get3A_657 = tpu.vector_load %arg11[%get3A_655, %get3A_656] {strides = array<i32>} : memref<128x128xf32, #tpu.memory_space<vmem>>, vector<1x16xf32>,
        %get3A_658 = vector.shape_cast %get3A_657 : vector<1x16xf32> to vector<16xf32>
        %mul3A_659 = arith.constant 8.000000e+00 : f32
        %mul3A_660 = vector.broadcast %mul3A_659 : f32 to vector<16xf32>
        %mul3A_661 = arith.mulf %get3A_658, %mul3A_660 : vector<16xf32>
        %add3A_662 = arith.constant 48 : i32
        %add3A_663 = arith.addi %add3A_598, %add3A_662 : i32
        %get3A_664 = arith.index_cast %add3A_663 : i32 to index
        %get3A_665 = tpu.vector_load %arg16[%get3A_664] {strides = array<i32>} : memref<20992xf32, #tpu.memory_space<vmem>>, vector<16xf32>,
        %get3A_666 = vector.shape_cast %get3A_665 : vector<16xf32> to vector<16xf32>
        %add3A_667 = arith.addf %mul3A_661, %get3A_666 : vector<16xf32>
        %swap3A_668 = arith.index_cast %scan3A_600 : i32 to index
        %swap3A_669 = arith.constant 48 : index
        %swap3A_670 = tpu.vector_load %arg15[%swap3A_668, %swap3A_669] {strides = array<i32>} : memref<128x64xf32, #tpu.memory_space<vmem>>, vector<1x16xf32>,
        %swap3A_671 = vector.shape_cast %swap3A_670 : vector<1x16xf32> to vector<16xf32>
        %swap3A_672 = vector.shape_cast %add3A_667 : vector<16xf32> to vector<1x16xf32>
        tpu.vector_store %arg15[%swap3A_668, %swap3A_669], %swap3A_672 {strides = array<i32>} : memref<128x64xf32, #tpu.memory_space<vmem>>, vector<1x16xf32>,
        %add3A_673 = arith.constant 64 : i32
        %add3A_674 = arith.addi %add3A_598, %add3A_673 : i32
        %scan3A_675 = arith.constant 6 : i32
        %scan3A_676 = arith.addi %scan3A_221, %scan3A_675 : i32
        %get3A_677 = arith.index_cast %scan3A_676 : i32 to index
        %get3A_678 = arith.constant 0 : index
        %get3A_679 = tpu.vector_load %arg11[%get3A_677, %get3A_678] {strides = array<i32>} : memref<128x128xf32, #tpu.memory_space<vmem>>, vector<1x16xf32>,
        %get3A_680 = vector.shape_cast %get3A_679 : vector<1x16xf32> to vector<16xf32>
        %mul3A_681 = arith.constant 8.000000e+00 : f32
        %mul3A_682 = vector.broadcast %mul3A_681 : f32 to vector<16xf32>
        %mul3A_683 = arith.mulf %get3A_680, %mul3A_682 : vector<16xf32>
        %add3A_684 = arith.constant 0 : i32
        %add3A_685 = arith.addi %add3A_674, %add3A_684 : i32
        %get3A_686 = arith.index_cast %add3A_685 : i32 to index
        %get3A_687 = tpu.vector_load %arg16[%get3A_686] {strides = array<i32>} : memref<20992xf32, #tpu.memory_space<vmem>>, vector<16xf32>,
        %get3A_688 = vector.shape_cast %get3A_687 : vector<16xf32> to vector<16xf32>
        %add3A_689 = arith.addf %mul3A_683, %get3A_688 : vector<16xf32>
        %swap3A_690 = arith.index_cast %scan3A_676 : i32 to index
        %swap3A_691 = arith.constant 0 : index
        %swap3A_692 = tpu.vector_load %arg15[%swap3A_690, %swap3A_691] {strides = array<i32>} : memref<128x64xf32, #tpu.memory_space<vmem>>, vector<1x16xf32>,
        %swap3A_693 = vector.shape_cast %swap3A_692 : vector<1x16xf32> to vector<16xf32>
        %swap3A_694 = vector.shape_cast %add3A_689 : vector<16xf32> to vector<1x16xf32>
        tpu.vector_store %arg15[%swap3A_690, %swap3A_691], %swap3A_694 {strides = array<i32>} : memref<128x64xf32, #tpu.memory_space<vmem>>, vector<1x16xf32>,
        %get3A_695 = arith.index_cast %scan3A_676 : i32 to index
        %get3A_696 = arith.constant 16 : index
        %get3A_697 = tpu.vector_load %arg11[%get3A_695, %get3A_696] {strides = array<i32>} : memref<128x128xf32, #tpu.memory_space<vmem>>, vector<1x16xf32>,
        %get3A_698 = vector.shape_cast %get3A_697 : vector<1x16xf32> to vector<16xf32>
        %mul3A_699 = arith.constant 8.000000e+00 : f32
        %mul3A_700 = vector.broadcast %mul3A_699 : f32 to vector<16xf32>
        %mul3A_701 = arith.mulf %get3A_698, %mul3A_700 : vector<16xf32>
        %add3A_702 = arith.constant 16 : i32
        %add3A_703 = arith.addi %add3A_674, %add3A_702 : i32
        %get3A_704 = arith.index_cast %add3A_703 : i32 to index
        %get3A_705 = tpu.vector_load %arg16[%get3A_704] {strides = array<i32>} : memref<20992xf32, #tpu.memory_space<vmem>>, vector<16xf32>,
        %get3A_706 = vector.shape_cast %get3A_705 : vector<16xf32> to vector<16xf32>
        %add3A_707 = arith.addf %mul3A_701, %get3A_706 : vector<16xf32>
        %swap3A_708 = arith.index_cast %scan3A_676 : i32 to index
        %swap3A_709 = arith.constant 16 : index
        %swap3A_710 = tpu.vector_load %arg15[%swap3A_708, %swap3A_709] {strides = array<i32>} : memref<128x64xf32, #tpu.memory_space<vmem>>, vector<1x16xf32>,
        %swap3A_711 = vector.shape_cast %swap3A_710 : vector<1x16xf32> to vector<16xf32>
        %swap3A_712 = vector.shape_cast %add3A_707 : vector<16xf32> to vector<1x16xf32>
        tpu.vector_store %arg15[%swap3A_708, %swap3A_709], %swap3A_712 {strides = array<i32>} : memref<128x64xf32, #tpu.memory_space<vmem>>, vector<1x16xf32>,
        %get3A_713 = arith.index_cast %scan3A_676 : i32 to index
        %get3A_714 = arith.constant 32 : index
        %get3A_715 = tpu.vector_load %arg11[%get3A_713, %get3A_714] {strides = array<i32>} : memref<128x128xf32, #tpu.memory_space<vmem>>, vector<1x16xf32>,
        %get3A_716 = vector.shape_cast %get3A_715 : vector<1x16xf32> to vector<16xf32>
        %mul3A_717 = arith.constant 8.000000e+00 : f32
        %mul3A_718 = vector.broadcast %mul3A_717 : f32 to vector<16xf32>
        %mul3A_719 = arith.mulf %get3A_716, %mul3A_718 : vector<16xf32>
        %add3A_720 = arith.constant 32 : i32
        %add3A_721 = arith.addi %add3A_674, %add3A_720 : i32
        %get3A_722 = arith.index_cast %add3A_721 : i32 to index
        %get3A_723 = tpu.vector_load %arg16[%get3A_722] {strides = array<i32>} : memref<20992xf32, #tpu.memory_space<vmem>>, vector<16xf32>,
        %get3A_724 = vector.shape_cast %get3A_723 : vector<16xf32> to vector<16xf32>
        %add3A_725 = arith.addf %mul3A_719, %get3A_724 : vector<16xf32>
        %swap3A_726 = arith.index_cast %scan3A_676 : i32 to index
        %swap3A_727 = arith.constant 32 : index
        %swap3A_728 = tpu.vector_load %arg15[%swap3A_726, %swap3A_727] {strides = array<i32>} : memref<128x64xf32, #tpu.memory_space<vmem>>, vector<1x16xf32>,
        %swap3A_729 = vector.shape_cast %swap3A_728 : vector<1x16xf32> to vector<16xf32>
        %swap3A_730 = vector.shape_cast %add3A_725 : vector<16xf32> to vector<1x16xf32>
        tpu.vector_store %arg15[%swap3A_726, %swap3A_727], %swap3A_730 {strides = array<i32>} : memref<128x64xf32, #tpu.memory_space<vmem>>, vector<1x16xf32>,
        %get3A_731 = arith.index_cast %scan3A_676 : i32 to index
        %get3A_732 = arith.constant 48 : index
        %get3A_733 = tpu.vector_load %arg11[%get3A_731, %get3A_732] {strides = array<i32>} : memref<128x128xf32, #tpu.memory_space<vmem>>, vector<1x16xf32>,
        %get3A_734 = vector.shape_cast %get3A_733 : vector<1x16xf32> to vector<16xf32>
        %mul3A_735 = arith.constant 8.000000e+00 : f32
        %mul3A_736 = vector.broadcast %mul3A_735 : f32 to vector<16xf32>
        %mul3A_737 = arith.mulf %get3A_734, %mul3A_736 : vector<16xf32>
        %add3A_738 = arith.constant 48 : i32
        %add3A_739 = arith.addi %add3A_674, %add3A_738 : i32
        %get3A_740 = arith.index_cast %add3A_739 : i32 to index
        %get3A_741 = tpu.vector_load %arg16[%get3A_740] {strides = array<i32>} : memref<20992xf32, #tpu.memory_space<vmem>>, vector<16xf32>,
        %get3A_742 = vector.shape_cast %get3A_741 : vector<16xf32> to vector<16xf32>
        %add3A_743 = arith.addf %mul3A_737, %get3A_742 : vector<16xf32>
        %swap3A_744 = arith.index_cast %scan3A_676 : i32 to index
        %swap3A_745 = arith.constant 48 : index
        %swap3A_746 = tpu.vector_load %arg15[%swap3A_744, %swap3A_745] {strides = array<i32>} : memref<128x64xf32, #tpu.memory_space<vmem>>, vector<1x16xf32>,
        %swap3A_747 = vector.shape_cast %swap3A_746 : vector<1x16xf32> to vector<16xf32>
        %swap3A_748 = vector.shape_cast %add3A_743 : vector<16xf32> to vector<1x16xf32>
        tpu.vector_store %arg15[%swap3A_744, %swap3A_745], %swap3A_748 {strides = array<i32>} : memref<128x64xf32, #tpu.memory_space<vmem>>, vector<1x16xf32>,
        %add3A_749 = arith.constant 64 : i32
        %add3A_750 = arith.addi %add3A_674, %add3A_749 : i32
        %scan3A_751 = arith.constant 7 : i32
        %scan3A_752 = arith.addi %scan3A_221, %scan3A_751 : i32
        %get3A_753 = arith.index_cast %scan3A_752 : i32 to index
        %get3A_754 = arith.constant 0 : index
        %get3A_755 = tpu.vector_load %arg11[%get3A_753, %get3A_754] {strides = array<i32>} : memref<128x128xf32, #tpu.memory_space<vmem>>, vector<1x16xf32>,
        %get3A_756 = vector.shape_cast %get3A_755 : vector<1x16xf32> to vector<16xf32>
        %mul3A_757 = arith.constant 8.000000e+00 : f32
        %mul3A_758 = vector.broadcast %mul3A_757 : f32 to vector<16xf32>
        %mul3A_759 = arith.mulf %get3A_756, %mul3A_758 : vector<16xf32>
        %add3A_760 = arith.constant 0 : i32
        %add3A_761 = arith.addi %add3A_750, %add3A_760 : i32
        %get3A_762 = arith.index_cast %add3A_761 : i32 to index
        %get3A_763 = tpu.vector_load %arg16[%get3A_762] {strides = array<i32>} : memref<20992xf32, #tpu.memory_space<vmem>>, vector<16xf32>,
        %get3A_764 = vector.shape_cast %get3A_763 : vector<16xf32> to vector<16xf32>
        %add3A_765 = arith.addf %mul3A_759, %get3A_764 : vector<16xf32>
        %swap3A_766 = arith.index_cast %scan3A_752 : i32 to index
        %swap3A_767 = arith.constant 0 : index
        %swap3A_768 = tpu.vector_load %arg15[%swap3A_766, %swap3A_767] {strides = array<i32>} : memref<128x64xf32, #tpu.memory_space<vmem>>, vector<1x16xf32>,
        %swap3A_769 = vector.shape_cast %swap3A_768 : vector<1x16xf32> to vector<16xf32>
        %swap3A_770 = vector.shape_cast %add3A_765 : vector<16xf32> to vector<1x16xf32>
        tpu.vector_store %arg15[%swap3A_766, %swap3A_767], %swap3A_770 {strides = array<i32>} : memref<128x64xf32, #tpu.memory_space<vmem>>, vector<1x16xf32>,
        %get3A_771 = arith.index_cast %scan3A_752 : i32 to index
        %get3A_772 = arith.constant 16 : index
        %get3A_773 = tpu.vector_load %arg11[%get3A_771, %get3A_772] {strides = array<i32>} : memref<128x128xf32, #tpu.memory_space<vmem>>, vector<1x16xf32>,
        %get3A_774 = vector.shape_cast %get3A_773 : vector<1x16xf32> to vector<16xf32>
        %mul3A_775 = arith.constant 8.000000e+00 : f32
        %mul3A_776 = vector.broadcast %mul3A_775 : f32 to vector<16xf32>
        %mul3A_777 = arith.mulf %get3A_774, %mul3A_776 : vector<16xf32>
        %add3A_778 = arith.constant 16 : i32
        %add3A_779 = arith.addi %add3A_750, %add3A_778 : i32
        %get3A_780 = arith.index_cast %add3A_779 : i32 to index
        %get3A_781 = tpu.vector_load %arg16[%get3A_780] {strides = array<i32>} : memref<20992xf32, #tpu.memory_space<vmem>>, vector<16xf32>,
        %get3A_782 = vector.shape_cast %get3A_781 : vector<16xf32> to vector<16xf32>
        %add3A_783 = arith.addf %mul3A_777, %get3A_782 : vector<16xf32>
        %swap3A_784 = arith.index_cast %scan3A_752 : i32 to index
        %swap3A_785 = arith.constant 16 : index
        %swap3A_786 = tpu.vector_load %arg15[%swap3A_784, %swap3A_785] {strides = array<i32>} : memref<128x64xf32, #tpu.memory_space<vmem>>, vector<1x16xf32>,
        %swap3A_787 = vector.shape_cast %swap3A_786 : vector<1x16xf32> to vector<16xf32>
        %swap3A_788 = vector.shape_cast %add3A_783 : vector<16xf32> to vector<1x16xf32>
        tpu.vector_store %arg15[%swap3A_784, %swap3A_785], %swap3A_788 {strides = array<i32>} : memref<128x64xf32, #tpu.memory_space<vmem>>, vector<1x16xf32>,
        %get3A_789 = arith.index_cast %scan3A_752 : i32 to index
        %get3A_790 = arith.constant 32 : index
        %get3A_791 = tpu.vector_load %arg11[%get3A_789, %get3A_790] {strides = array<i32>} : memref<128x128xf32, #tpu.memory_space<vmem>>, vector<1x16xf32>,
        %get3A_792 = vector.shape_cast %get3A_791 : vector<1x16xf32> to vector<16xf32>
        %mul3A_793 = arith.constant 8.000000e+00 : f32
        %mul3A_794 = vector.broadcast %mul3A_793 : f32 to vector<16xf32>
        %mul3A_795 = arith.mulf %get3A_792, %mul3A_794 : vector<16xf32>
        %add3A_796 = arith.constant 32 : i32
        %add3A_797 = arith.addi %add3A_750, %add3A_796 : i32
        %get3A_798 = arith.index_cast %add3A_797 : i32 to index
        %get3A_799 = tpu.vector_load %arg16[%get3A_798] {strides = array<i32>} : memref<20992xf32, #tpu.memory_space<vmem>>, vector<16xf32>,
        %get3A_800 = vector.shape_cast %get3A_799 : vector<16xf32> to vector<16xf32>
        %add3A_801 = arith.addf %mul3A_795, %get3A_800 : vector<16xf32>
        %swap3A_802 = arith.index_cast %scan3A_752 : i32 to index
        %swap3A_803 = arith.constant 32 : index
        %swap3A_804 = tpu.vector_load %arg15[%swap3A_802, %swap3A_803] {strides = array<i32>} : memref<128x64xf32, #tpu.memory_space<vmem>>, vector<1x16xf32>,
        %swap3A_805 = vector.shape_cast %swap3A_804 : vector<1x16xf32> to vector<16xf32>
        %swap3A_806 = vector.shape_cast %add3A_801 : vector<16xf32> to vector<1x16xf32>
        tpu.vector_store %arg15[%swap3A_802, %swap3A_803], %swap3A_806 {strides = array<i32>} : memref<128x64xf32, #tpu.memory_space<vmem>>, vector<1x16xf32>,
        %get3A_807 = arith.index_cast %scan3A_752 : i32 to index
        %get3A_808 = arith.constant 48 : index
        %get3A_809 = tpu.vector_load %arg11[%get3A_807, %get3A_808] {strides = array<i32>} : memref<128x128xf32, #tpu.memory_space<vmem>>, vector<1x16xf32>,
        %get3A_810 = vector.shape_cast %get3A_809 : vector<1x16xf32> to vector<16xf32>
        %mul3A_811 = arith.constant 8.000000e+00 : f32
        %mul3A_812 = vector.broadcast %mul3A_811 : f32 to vector<16xf32>
        %mul3A_813 = arith.mulf %get3A_810, %mul3A_812 : vector<16xf32>
        %add3A_814 = arith.constant 48 : i32
        %add3A_815 = arith.addi %add3A_750, %add3A_814 : i32
        %get3A_816 = arith.index_cast %add3A_815 : i32 to index
        %get3A_817 = tpu.vector_load %arg16[%get3A_816] {strides = array<i32>} : memref<20992xf32, #tpu.memory_space<vmem>>, vector<16xf32>,
        %get3A_818 = vector.shape_cast %get3A_817 : vector<16xf32> to vector<16xf32>
        %add3A_819 = arith.addf %mul3A_813, %get3A_818 : vector<16xf32>
        %swap3A_820 = arith.index_cast %scan3A_752 : i32 to index
        %swap3A_821 = arith.constant 48 : index
        %swap3A_822 = tpu.vector_load %arg15[%swap3A_820, %swap3A_821] {strides = array<i32>} : memref<128x64xf32, #tpu.memory_space<vmem>>, vector<1x16xf32>,
        %swap3A_823 = vector.shape_cast %swap3A_822 : vector<1x16xf32> to vector<16xf32>
        %swap3A_824 = vector.shape_cast %add3A_819 : vector<16xf32> to vector<1x16xf32>
        tpu.vector_store %arg15[%swap3A_820, %swap3A_821], %swap3A_824 {strides = array<i32>} : memref<128x64xf32, #tpu.memory_space<vmem>>, vector<1x16xf32>,
        %add3A_825 = arith.constant 64 : i32
        %add3A_826 = arith.addi %add3A_750, %add3A_825 : i32
        scf.yield %add3A_826 : i32
      }
      %scan3A_117 = arith.constant 128 : i32
      %mul3A_118 = arith.constant 128 : i32
      %mul3A_119 = arith.muli %add3A_80, %mul3A_118 : i32
      %add3A_120 = arith.addi %mul3A_2, %mul3A_119 : i32
      %dma_start3A_121 = arith.constant 0 : i32
      %dma_start3A_122 = tpu.memref_slice %arg5[%add3A_120, %dma_start3A_121] : memref<819200x64xf32, #tpu.memory_space<hbm>> -> memref<128x64xf32, #tpu.memory_space<hbm>>
      %dma_start3A_123 = arith.constant 0 : i32
      %dma_start3A_124 = tpu.memref_slice %arg5[%add3A_120, %dma_start3A_123] : memref<819200x64xf32, #tpu.memory_space<hbm>> -> memref<128x64xf32, #tpu.memory_space<hbm>>
      tpu.enqueue_dma source(%arg15 : memref<128x64xf32, #tpu.memory_space<vmem>>) target(%dma_start3A_124 : memref<128x64xf32, #tpu.memory_space<hbm>>) target_semaphore(%arg26 : memref<!tpu.dma_semaphore, #tpu.memory_space<semaphore_mem>>)
      %mul3A_125 = arith.constant 4 : i32
      %mul3A_126 = arith.muli %scan3A_33, %mul3A_125 : i32
      %add3A_127 = arith.constant 2 : i32
      %add3A_128 = arith.addi %mul3A_126, %add3A_127 : i32
      %add3A_129 = arith.constant 1 : i32
      %add3A_130 = arith.addi %add3A_128, %add3A_129 : i32
      %lt3A_131 = arith.constant 200 : i32
      %lt3A_132 = arith.cmpi slt, %add3A_130, %lt3A_131 : i32
      %convert_element_type3A_133 = arith.extui %lt3A_132 : i1 to i32
      %cond3A_134 = arith.constant 0 : i32
      %cond3A_135 = arith.cmpi ne, %convert_element_type3A_133, %cond3A_134 : i32
      scf.if %cond3A_135 {
        %dma_wait3A_221 = arith.constant 0 : i32
        %dma_wait3A_222 = tpu.memref_slice %arg2[%dma_wait3A_221] : memref<819200xi32, #tpu.memory_space<hbm>> -> memref<128xi32, #tpu.memory_space<hbm>>
        %dma_wait3A_223 = arith.constant 0 : i32
        %dma_wait3A_224 = tpu.memref_slice %arg2[%dma_wait3A_223] : memref<819200xi32, #tpu.memory_space<hbm>> -> memref<128xi32, #tpu.memory_space<hbm>>
        tpu.wait_dma2 semaphore(%arg20 : memref<!tpu.dma_semaphore, #tpu.memory_space<semaphore_mem>>) src(%dma_wait3A_224 : memref<128xi32, #tpu.memory_space<hbm>>) dst(%arg9 : memref<128xi32, #tpu.memory_space<vmem>>)
        %dma_start3A_225 = arith.constant 0 : i32
        %dma_start3A_226 = arith.constant 0 : i32
        %dma_start3A_227 = tpu.memref_slice %arg4[%dma_start3A_225, %dma_start3A_226] : memref<1000000x128xf32, #tpu.memory_space<hbm>> -> memref<1000000x128xf32, #tpu.memory_space<hbm>>
        tpu.enqueue_indirect_dma source(%dma_start3A_227 : memref<1000000x128xf32, #tpu.memory_space<hbm>>) target(%arg13 : memref<128x128xf32, #tpu.memory_space<vmem>>) offsets(%arg9 : memref<128xi32, #tpu.memory_space<vmem>>) semaphore(%arg24 : memref<!tpu.dma_semaphore, #tpu.memory_space<semaphore_mem>>)
      } else {
      }
      %add3A_136 = arith.constant 2 : i32
      %add3A_137 = arith.addi %add3A_128, %add3A_136 : i32
      %lt3A_138 = arith.constant 200 : i32
      %lt3A_139 = arith.cmpi slt, %add3A_137, %lt3A_138 : i32
      %convert_element_type3A_140 = arith.extui %lt3A_139 : i1 to i32
      %cond3A_141 = arith.constant 0 : i32
      %cond3A_142 = arith.cmpi ne, %convert_element_type3A_140, %cond3A_141 : i32
      scf.if %cond3A_142 {
        %add3A_221 = arith.constant 2 : i32
        %add3A_222 = arith.addi %add3A_128, %add3A_221 : i32
        %mul3A_223 = arith.constant 128 : i32
        %mul3A_224 = arith.muli %add3A_222, %mul3A_223 : i32
        %add3A_225 = arith.addi %mul3A_2, %mul3A_224 : i32
        %dma_start3A_226 = tpu.memref_slice %arg2[%add3A_225] : memref<819200xi32, #tpu.memory_space<hbm>> -> memref<128xi32, #tpu.memory_space<hbm>>
        %dma_start3A_227 = tpu.memref_slice %arg2[%add3A_225] : memref<819200xi32, #tpu.memory_space<hbm>> -> memref<128xi32, #tpu.memory_space<hbm>>
        tpu.enqueue_dma source(%dma_start3A_227 : memref<128xi32, #tpu.memory_space<hbm>>) target(%arg6 : memref<128xi32, #tpu.memory_space<vmem>>) target_semaphore(%arg17 : memref<!tpu.dma_semaphore, #tpu.memory_space<semaphore_mem>>)
      } else {
      }
      %dma_wait3A_143 = arith.constant 0 : i32
      %dma_wait3A_144 = arith.constant 0 : i32
      %dma_wait3A_145 = tpu.memref_slice %arg4[%dma_wait3A_143, %dma_wait3A_144] : memref<1000000x128xf32, #tpu.memory_space<hbm>> -> memref<128x128xf32, #tpu.memory_space<hbm>>
      %dma_wait3A_146 = arith.constant 0 : i32
      %dma_wait3A_147 = arith.constant 0 : i32
      %dma_wait3A_148 = tpu.memref_slice %arg4[%dma_wait3A_146, %dma_wait3A_147] : memref<1000000x128xf32, #tpu.memory_space<hbm>> -> memref<128x128xf32, #tpu.memory_space<hbm>>
      tpu.wait_dma2 semaphore(%arg23 : memref<!tpu.dma_semaphore, #tpu.memory_space<semaphore_mem>>) src(%dma_wait3A_148 : memref<128x128xf32, #tpu.memory_space<hbm>>) dst(%arg12 : memref<128x128xf32, #tpu.memory_space<vmem>>)
      %ge3A_149 = arith.constant 2 : i32
      %ge3A_150 = arith.cmpi sge, %add3A_128, %ge3A_149 : i32
      %convert_element_type3A_151 = arith.extui %ge3A_150 : i1 to i32
      %cond3A_152 = arith.constant 0 : i32
      %cond3A_153 = arith.cmpi ne, %convert_element_type3A_151, %cond3A_152 : i32
      scf.if %cond3A_153 {
        %dma_wait3A_221 = arith.constant 0 : i32
        %dma_wait3A_222 = arith.constant 0 : i32
        %dma_wait3A_223 = tpu.memref_slice %arg5[%dma_wait3A_221, %dma_wait3A_222] : memref<819200x64xf32, #tpu.memory_space<hbm>> -> memref<128x64xf32, #tpu.memory_space<hbm>>
        %dma_wait3A_224 = arith.constant 0 : i32
        %dma_wait3A_225 = arith.constant 0 : i32
        %dma_wait3A_226 = tpu.memref_slice %arg5[%dma_wait3A_224, %dma_wait3A_225] : memref<819200x64xf32, #tpu.memory_space<hbm>> -> memref<128x64xf32, #tpu.memory_space<hbm>>
        tpu.wait_dma2 semaphore(%arg25 : memref<!tpu.dma_semaphore, #tpu.memory_space<semaphore_mem>>) src(%arg14 : memref<128x64xf32, #tpu.memory_space<vmem>>) dst(%dma_wait3A_226 : memref<128x64xf32, #tpu.memory_space<hbm>>)
      } else {
      }
      %mul3A_154 = arith.constant 128 : i32
      %mul3A_155 = arith.muli %add3A_128, %mul3A_154 : i32
      %rem3A_156 = arith.constant 200 : i32
      %rem3A_157 = arith.remsi %mul3A_155, %rem3A_156 : i32
      %mul3A_158 = arith.constant 64 : i32
      %mul3A_159 = arith.muli %rem3A_157, %mul3A_158 : i32
      %scan3A_160 = arith.constant 0 : i32
      %scan3A_161 = arith.constant 128 : i32
      %scan3A_162 = arith.addi %scan3A_160, %scan3A_161 : i32
      %scan3A_163 = arith.constant 8 : i32
      %scan3A_164 = scf.for %scan3A_221 = %scan3A_160 to %scan3A_162 step %scan3A_163 iter_args(%scan3A_222 = %mul3A_159) -> (i32)  : i32 {
        %get3A = arith.index_cast %scan3A_221 : i32 to index
        %get3A_223 = arith.constant 0 : index
        %get3A_224 = tpu.vector_load %arg12[%get3A, %get3A_223] {strides = array<i32>} : memref<128x128xf32, #tpu.memory_space<vmem>>, vector<1x16xf32>,
        %get3A_225 = vector.shape_cast %get3A_224 : vector<1x16xf32> to vector<16xf32>
        %mul3A_226 = arith.constant 8.000000e+00 : f32
        %mul3A_227 = vector.broadcast %mul3A_226 : f32 to vector<16xf32>
        %mul3A_228 = arith.mulf %get3A_225, %mul3A_227 : vector<16xf32>
        %add3A_229 = arith.constant 0 : i32
        %add3A_230 = arith.addi %scan3A_222, %add3A_229 : i32
        %get3A_231 = arith.index_cast %add3A_230 : i32 to index
        %get3A_232 = tpu.vector_load %arg16[%get3A_231] {strides = array<i32>} : memref<20992xf32, #tpu.memory_space<vmem>>, vector<16xf32>,
        %get3A_233 = vector.shape_cast %get3A_232 : vector<16xf32> to vector<16xf32>
        %add3A_234 = arith.addf %mul3A_228, %get3A_233 : vector<16xf32>
        %swap3A = arith.index_cast %scan3A_221 : i32 to index
        %swap3A_235 = arith.constant 0 : index
        %swap3A_236 = tpu.vector_load %arg14[%swap3A, %swap3A_235] {strides = array<i32>} : memref<128x64xf32, #tpu.memory_space<vmem>>, vector<1x16xf32>,
        %swap3A_237 = vector.shape_cast %swap3A_236 : vector<1x16xf32> to vector<16xf32>
        %swap3A_238 = vector.shape_cast %add3A_234 : vector<16xf32> to vector<1x16xf32>
        tpu.vector_store %arg14[%swap3A, %swap3A_235], %swap3A_238 {strides = array<i32>} : memref<128x64xf32, #tpu.memory_space<vmem>>, vector<1x16xf32>,
        %get3A_239 = arith.index_cast %scan3A_221 : i32 to index
        %get3A_240 = arith.constant 16 : index
        %get3A_241 = tpu.vector_load %arg12[%get3A_239, %get3A_240] {strides = array<i32>} : memref<128x128xf32, #tpu.memory_space<vmem>>, vector<1x16xf32>,
        %get3A_242 = vector.shape_cast %get3A_241 : vector<1x16xf32> to vector<16xf32>
        %mul3A_243 = arith.constant 8.000000e+00 : f32
        %mul3A_244 = vector.broadcast %mul3A_243 : f32 to vector<16xf32>
        %mul3A_245 = arith.mulf %get3A_242, %mul3A_244 : vector<16xf32>
        %add3A_246 = arith.constant 16 : i32
        %add3A_247 = arith.addi %scan3A_222, %add3A_246 : i32
        %get3A_248 = arith.index_cast %add3A_247 : i32 to index
        %get3A_249 = tpu.vector_load %arg16[%get3A_248] {strides = array<i32>} : memref<20992xf32, #tpu.memory_space<vmem>>, vector<16xf32>,
        %get3A_250 = vector.shape_cast %get3A_249 : vector<16xf32> to vector<16xf32>
        %add3A_251 = arith.addf %mul3A_245, %get3A_250 : vector<16xf32>
        %swap3A_252 = arith.index_cast %scan3A_221 : i32 to index
        %swap3A_253 = arith.constant 16 : index
        %swap3A_254 = tpu.vector_load %arg14[%swap3A_252, %swap3A_253] {strides = array<i32>} : memref<128x64xf32, #tpu.memory_space<vmem>>, vector<1x16xf32>,
        %swap3A_255 = vector.shape_cast %swap3A_254 : vector<1x16xf32> to vector<16xf32>
        %swap3A_256 = vector.shape_cast %add3A_251 : vector<16xf32> to vector<1x16xf32>
        tpu.vector_store %arg14[%swap3A_252, %swap3A_253], %swap3A_256 {strides = array<i32>} : memref<128x64xf32, #tpu.memory_space<vmem>>, vector<1x16xf32>,
        %get3A_257 = arith.index_cast %scan3A_221 : i32 to index
        %get3A_258 = arith.constant 32 : index
        %get3A_259 = tpu.vector_load %arg12[%get3A_257, %get3A_258] {strides = array<i32>} : memref<128x128xf32, #tpu.memory_space<vmem>>, vector<1x16xf32>,
        %get3A_260 = vector.shape_cast %get3A_259 : vector<1x16xf32> to vector<16xf32>
        %mul3A_261 = arith.constant 8.000000e+00 : f32
        %mul3A_262 = vector.broadcast %mul3A_261 : f32 to vector<16xf32>
        %mul3A_263 = arith.mulf %get3A_260, %mul3A_262 : vector<16xf32>
        %add3A_264 = arith.constant 32 : i32
        %add3A_265 = arith.addi %scan3A_222, %add3A_264 : i32
        %get3A_266 = arith.index_cast %add3A_265 : i32 to index
        %get3A_267 = tpu.vector_load %arg16[%get3A_266] {strides = array<i32>} : memref<20992xf32, #tpu.memory_space<vmem>>, vector<16xf32>,
        %get3A_268 = vector.shape_cast %get3A_267 : vector<16xf32> to vector<16xf32>
        %add3A_269 = arith.addf %mul3A_263, %get3A_268 : vector<16xf32>
        %swap3A_270 = arith.index_cast %scan3A_221 : i32 to index
        %swap3A_271 = arith.constant 32 : index
        %swap3A_272 = tpu.vector_load %arg14[%swap3A_270, %swap3A_271] {strides = array<i32>} : memref<128x64xf32, #tpu.memory_space<vmem>>, vector<1x16xf32>,
        %swap3A_273 = vector.shape_cast %swap3A_272 : vector<1x16xf32> to vector<16xf32>
        %swap3A_274 = vector.shape_cast %add3A_269 : vector<16xf32> to vector<1x16xf32>
        tpu.vector_store %arg14[%swap3A_270, %swap3A_271], %swap3A_274 {strides = array<i32>} : memref<128x64xf32, #tpu.memory_space<vmem>>, vector<1x16xf32>,
        %get3A_275 = arith.index_cast %scan3A_221 : i32 to index
        %get3A_276 = arith.constant 48 : index
        %get3A_277 = tpu.vector_load %arg12[%get3A_275, %get3A_276] {strides = array<i32>} : memref<128x128xf32, #tpu.memory_space<vmem>>, vector<1x16xf32>,
        %get3A_278 = vector.shape_cast %get3A_277 : vector<1x16xf32> to vector<16xf32>
        %mul3A_279 = arith.constant 8.000000e+00 : f32
        %mul3A_280 = vector.broadcast %mul3A_279 : f32 to vector<16xf32>
        %mul3A_281 = arith.mulf %get3A_278, %mul3A_280 : vector<16xf32>
        %add3A_282 = arith.constant 48 : i32
        %add3A_283 = arith.addi %scan3A_222, %add3A_282 : i32
        %get3A_284 = arith.index_cast %add3A_283 : i32 to index
        %get3A_285 = tpu.vector_load %arg16[%get3A_284] {strides = array<i32>} : memref<20992xf32, #tpu.memory_space<vmem>>, vector<16xf32>,
        %get3A_286 = vector.shape_cast %get3A_285 : vector<16xf32> to vector<16xf32>
        %add3A_287 = arith.addf %mul3A_281, %get3A_286 : vector<16xf32>
        %swap3A_288 = arith.index_cast %scan3A_221 : i32 to index
        %swap3A_289 = arith.constant 48 : index
        %swap3A_290 = tpu.vector_load %arg14[%swap3A_288, %swap3A_289] {strides = array<i32>} : memref<128x64xf32, #tpu.memory_space<vmem>>, vector<1x16xf32>,
        %swap3A_291 = vector.shape_cast %swap3A_290 : vector<1x16xf32> to vector<16xf32>
        %swap3A_292 = vector.shape_cast %add3A_287 : vector<16xf32> to vector<1x16xf32>
        tpu.vector_store %arg14[%swap3A_288, %swap3A_289], %swap3A_292 {strides = array<i32>} : memref<128x64xf32, #tpu.memory_space<vmem>>, vector<1x16xf32>,
        %add3A_293 = arith.constant 64 : i32
        %add3A_294 = arith.addi %scan3A_222, %add3A_293 : i32
        %scan3A_295 = arith.constant 1 : i32
        %scan3A_296 = arith.addi %scan3A_221, %scan3A_295 : i32
        %get3A_297 = arith.index_cast %scan3A_296 : i32 to index
        %get3A_298 = arith.constant 0 : index
        %get3A_299 = tpu.vector_load %arg12[%get3A_297, %get3A_298] {strides = array<i32>} : memref<128x128xf32, #tpu.memory_space<vmem>>, vector<1x16xf32>,
        %get3A_300 = vector.shape_cast %get3A_299 : vector<1x16xf32> to vector<16xf32>
        %mul3A_301 = arith.constant 8.000000e+00 : f32
        %mul3A_302 = vector.broadcast %mul3A_301 : f32 to vector<16xf32>
        %mul3A_303 = arith.mulf %get3A_300, %mul3A_302 : vector<16xf32>
        %add3A_304 = arith.constant 0 : i32
        %add3A_305 = arith.addi %add3A_294, %add3A_304 : i32
        %get3A_306 = arith.index_cast %add3A_305 : i32 to index
        %get3A_307 = tpu.vector_load %arg16[%get3A_306] {strides = array<i32>} : memref<20992xf32, #tpu.memory_space<vmem>>, vector<16xf32>,
        %get3A_308 = vector.shape_cast %get3A_307 : vector<16xf32> to vector<16xf32>
        %add3A_309 = arith.addf %mul3A_303, %get3A_308 : vector<16xf32>
        %swap3A_310 = arith.index_cast %scan3A_296 : i32 to index
        %swap3A_311 = arith.constant 0 : index
        %swap3A_312 = tpu.vector_load %arg14[%swap3A_310, %swap3A_311] {strides = array<i32>} : memref<128x64xf32, #tpu.memory_space<vmem>>, vector<1x16xf32>,
        %swap3A_313 = vector.shape_cast %swap3A_312 : vector<1x16xf32> to vector<16xf32>
        %swap3A_314 = vector.shape_cast %add3A_309 : vector<16xf32> to vector<1x16xf32>
        tpu.vector_store %arg14[%swap3A_310, %swap3A_311], %swap3A_314 {strides = array<i32>} : memref<128x64xf32, #tpu.memory_space<vmem>>, vector<1x16xf32>,
        %get3A_315 = arith.index_cast %scan3A_296 : i32 to index
        %get3A_316 = arith.constant 16 : index
        %get3A_317 = tpu.vector_load %arg12[%get3A_315, %get3A_316] {strides = array<i32>} : memref<128x128xf32, #tpu.memory_space<vmem>>, vector<1x16xf32>,
        %get3A_318 = vector.shape_cast %get3A_317 : vector<1x16xf32> to vector<16xf32>
        %mul3A_319 = arith.constant 8.000000e+00 : f32
        %mul3A_320 = vector.broadcast %mul3A_319 : f32 to vector<16xf32>
        %mul3A_321 = arith.mulf %get3A_318, %mul3A_320 : vector<16xf32>
        %add3A_322 = arith.constant 16 : i32
        %add3A_323 = arith.addi %add3A_294, %add3A_322 : i32
        %get3A_324 = arith.index_cast %add3A_323 : i32 to index
        %get3A_325 = tpu.vector_load %arg16[%get3A_324] {strides = array<i32>} : memref<20992xf32, #tpu.memory_space<vmem>>, vector<16xf32>,
        %get3A_326 = vector.shape_cast %get3A_325 : vector<16xf32> to vector<16xf32>
        %add3A_327 = arith.addf %mul3A_321, %get3A_326 : vector<16xf32>
        %swap3A_328 = arith.index_cast %scan3A_296 : i32 to index
        %swap3A_329 = arith.constant 16 : index
        %swap3A_330 = tpu.vector_load %arg14[%swap3A_328, %swap3A_329] {strides = array<i32>} : memref<128x64xf32, #tpu.memory_space<vmem>>, vector<1x16xf32>,
        %swap3A_331 = vector.shape_cast %swap3A_330 : vector<1x16xf32> to vector<16xf32>
        %swap3A_332 = vector.shape_cast %add3A_327 : vector<16xf32> to vector<1x16xf32>
        tpu.vector_store %arg14[%swap3A_328, %swap3A_329], %swap3A_332 {strides = array<i32>} : memref<128x64xf32, #tpu.memory_space<vmem>>, vector<1x16xf32>,
        %get3A_333 = arith.index_cast %scan3A_296 : i32 to index
        %get3A_334 = arith.constant 32 : index
        %get3A_335 = tpu.vector_load %arg12[%get3A_333, %get3A_334] {strides = array<i32>} : memref<128x128xf32, #tpu.memory_space<vmem>>, vector<1x16xf32>,
        %get3A_336 = vector.shape_cast %get3A_335 : vector<1x16xf32> to vector<16xf32>
        %mul3A_337 = arith.constant 8.000000e+00 : f32
        %mul3A_338 = vector.broadcast %mul3A_337 : f32 to vector<16xf32>
        %mul3A_339 = arith.mulf %get3A_336, %mul3A_338 : vector<16xf32>
        %add3A_340 = arith.constant 32 : i32
        %add3A_341 = arith.addi %add3A_294, %add3A_340 : i32
        %get3A_342 = arith.index_cast %add3A_341 : i32 to index
        %get3A_343 = tpu.vector_load %arg16[%get3A_342] {strides = array<i32>} : memref<20992xf32, #tpu.memory_space<vmem>>, vector<16xf32>,
        %get3A_344 = vector.shape_cast %get3A_343 : vector<16xf32> to vector<16xf32>
        %add3A_345 = arith.addf %mul3A_339, %get3A_344 : vector<16xf32>
        %swap3A_346 = arith.index_cast %scan3A_296 : i32 to index
        %swap3A_347 = arith.constant 32 : index
        %swap3A_348 = tpu.vector_load %arg14[%swap3A_346, %swap3A_347] {strides = array<i32>} : memref<128x64xf32, #tpu.memory_space<vmem>>, vector<1x16xf32>,
        %swap3A_349 = vector.shape_cast %swap3A_348 : vector<1x16xf32> to vector<16xf32>
        %swap3A_350 = vector.shape_cast %add3A_345 : vector<16xf32> to vector<1x16xf32>
        tpu.vector_store %arg14[%swap3A_346, %swap3A_347], %swap3A_350 {strides = array<i32>} : memref<128x64xf32, #tpu.memory_space<vmem>>, vector<1x16xf32>,
        %get3A_351 = arith.index_cast %scan3A_296 : i32 to index
        %get3A_352 = arith.constant 48 : index
        %get3A_353 = tpu.vector_load %arg12[%get3A_351, %get3A_352] {strides = array<i32>} : memref<128x128xf32, #tpu.memory_space<vmem>>, vector<1x16xf32>,
        %get3A_354 = vector.shape_cast %get3A_353 : vector<1x16xf32> to vector<16xf32>
        %mul3A_355 = arith.constant 8.000000e+00 : f32
        %mul3A_356 = vector.broadcast %mul3A_355 : f32 to vector<16xf32>
        %mul3A_357 = arith.mulf %get3A_354, %mul3A_356 : vector<16xf32>
        %add3A_358 = arith.constant 48 : i32
        %add3A_359 = arith.addi %add3A_294, %add3A_358 : i32
        %get3A_360 = arith.index_cast %add3A_359 : i32 to index
        %get3A_361 = tpu.vector_load %arg16[%get3A_360] {strides = array<i32>} : memref<20992xf32, #tpu.memory_space<vmem>>, vector<16xf32>,
        %get3A_362 = vector.shape_cast %get3A_361 : vector<16xf32> to vector<16xf32>
        %add3A_363 = arith.addf %mul3A_357, %get3A_362 : vector<16xf32>
        %swap3A_364 = arith.index_cast %scan3A_296 : i32 to index
        %swap3A_365 = arith.constant 48 : index
        %swap3A_366 = tpu.vector_load %arg14[%swap3A_364, %swap3A_365] {strides = array<i32>} : memref<128x64xf32, #tpu.memory_space<vmem>>, vector<1x16xf32>,
        %swap3A_367 = vector.shape_cast %swap3A_366 : vector<1x16xf32> to vector<16xf32>
        %swap3A_368 = vector.shape_cast %add3A_363 : vector<16xf32> to vector<1x16xf32>
        tpu.vector_store %arg14[%swap3A_364, %swap3A_365], %swap3A_368 {strides = array<i32>} : memref<128x64xf32, #tpu.memory_space<vmem>>, vector<1x16xf32>,
        %add3A_369 = arith.constant 64 : i32
        %add3A_370 = arith.addi %add3A_294, %add3A_369 : i32
        %scan3A_371 = arith.constant 2 : i32
        %scan3A_372 = arith.addi %scan3A_221, %scan3A_371 : i32
        %get3A_373 = arith.index_cast %scan3A_372 : i32 to index
        %get3A_374 = arith.constant 0 : index
        %get3A_375 = tpu.vector_load %arg12[%get3A_373, %get3A_374] {strides = array<i32>} : memref<128x128xf32, #tpu.memory_space<vmem>>, vector<1x16xf32>,
        %get3A_376 = vector.shape_cast %get3A_375 : vector<1x16xf32> to vector<16xf32>
        %mul3A_377 = arith.constant 8.000000e+00 : f32
        %mul3A_378 = vector.broadcast %mul3A_377 : f32 to vector<16xf32>
        %mul3A_379 = arith.mulf %get3A_376, %mul3A_378 : vector<16xf32>
        %add3A_380 = arith.constant 0 : i32
        %add3A_381 = arith.addi %add3A_370, %add3A_380 : i32
        %get3A_382 = arith.index_cast %add3A_381 : i32 to index
        %get3A_383 = tpu.vector_load %arg16[%get3A_382] {strides = array<i32>} : memref<20992xf32, #tpu.memory_space<vmem>>, vector<16xf32>,
        %get3A_384 = vector.shape_cast %get3A_383 : vector<16xf32> to vector<16xf32>
        %add3A_385 = arith.addf %mul3A_379, %get3A_384 : vector<16xf32>
        %swap3A_386 = arith.index_cast %scan3A_372 : i32 to index
        %swap3A_387 = arith.constant 0 : index
        %swap3A_388 = tpu.vector_load %arg14[%swap3A_386, %swap3A_387] {strides = array<i32>} : memref<128x64xf32, #tpu.memory_space<vmem>>, vector<1x16xf32>,
        %swap3A_389 = vector.shape_cast %swap3A_388 : vector<1x16xf32> to vector<16xf32>
        %swap3A_390 = vector.shape_cast %add3A_385 : vector<16xf32> to vector<1x16xf32>
        tpu.vector_store %arg14[%swap3A_386, %swap3A_387], %swap3A_390 {strides = array<i32>} : memref<128x64xf32, #tpu.memory_space<vmem>>, vector<1x16xf32>,
        %get3A_391 = arith.index_cast %scan3A_372 : i32 to index
        %get3A_392 = arith.constant 16 : index
        %get3A_393 = tpu.vector_load %arg12[%get3A_391, %get3A_392] {strides = array<i32>} : memref<128x128xf32, #tpu.memory_space<vmem>>, vector<1x16xf32>,
        %get3A_394 = vector.shape_cast %get3A_393 : vector<1x16xf32> to vector<16xf32>
        %mul3A_395 = arith.constant 8.000000e+00 : f32
        %mul3A_396 = vector.broadcast %mul3A_395 : f32 to vector<16xf32>
        %mul3A_397 = arith.mulf %get3A_394, %mul3A_396 : vector<16xf32>
        %add3A_398 = arith.constant 16 : i32
        %add3A_399 = arith.addi %add3A_370, %add3A_398 : i32
        %get3A_400 = arith.index_cast %add3A_399 : i32 to index
        %get3A_401 = tpu.vector_load %arg16[%get3A_400] {strides = array<i32>} : memref<20992xf32, #tpu.memory_space<vmem>>, vector<16xf32>,
        %get3A_402 = vector.shape_cast %get3A_401 : vector<16xf32> to vector<16xf32>
        %add3A_403 = arith.addf %mul3A_397, %get3A_402 : vector<16xf32>
        %swap3A_404 = arith.index_cast %scan3A_372 : i32 to index
        %swap3A_405 = arith.constant 16 : index
        %swap3A_406 = tpu.vector_load %arg14[%swap3A_404, %swap3A_405] {strides = array<i32>} : memref<128x64xf32, #tpu.memory_space<vmem>>, vector<1x16xf32>,
        %swap3A_407 = vector.shape_cast %swap3A_406 : vector<1x16xf32> to vector<16xf32>
        %swap3A_408 = vector.shape_cast %add3A_403 : vector<16xf32> to vector<1x16xf32>
        tpu.vector_store %arg14[%swap3A_404, %swap3A_405], %swap3A_408 {strides = array<i32>} : memref<128x64xf32, #tpu.memory_space<vmem>>, vector<1x16xf32>,
        %get3A_409 = arith.index_cast %scan3A_372 : i32 to index
        %get3A_410 = arith.constant 32 : index
        %get3A_411 = tpu.vector_load %arg12[%get3A_409, %get3A_410] {strides = array<i32>} : memref<128x128xf32, #tpu.memory_space<vmem>>, vector<1x16xf32>,
        %get3A_412 = vector.shape_cast %get3A_411 : vector<1x16xf32> to vector<16xf32>
        %mul3A_413 = arith.constant 8.000000e+00 : f32
        %mul3A_414 = vector.broadcast %mul3A_413 : f32 to vector<16xf32>
        %mul3A_415 = arith.mulf %get3A_412, %mul3A_414 : vector<16xf32>
        %add3A_416 = arith.constant 32 : i32
        %add3A_417 = arith.addi %add3A_370, %add3A_416 : i32
        %get3A_418 = arith.index_cast %add3A_417 : i32 to index
        %get3A_419 = tpu.vector_load %arg16[%get3A_418] {strides = array<i32>} : memref<20992xf32, #tpu.memory_space<vmem>>, vector<16xf32>,
        %get3A_420 = vector.shape_cast %get3A_419 : vector<16xf32> to vector<16xf32>
        %add3A_421 = arith.addf %mul3A_415, %get3A_420 : vector<16xf32>
        %swap3A_422 = arith.index_cast %scan3A_372 : i32 to index
        %swap3A_423 = arith.constant 32 : index
        %swap3A_424 = tpu.vector_load %arg14[%swap3A_422, %swap3A_423] {strides = array<i32>} : memref<128x64xf32, #tpu.memory_space<vmem>>, vector<1x16xf32>,
        %swap3A_425 = vector.shape_cast %swap3A_424 : vector<1x16xf32> to vector<16xf32>
        %swap3A_426 = vector.shape_cast %add3A_421 : vector<16xf32> to vector<1x16xf32>
        tpu.vector_store %arg14[%swap3A_422, %swap3A_423], %swap3A_426 {strides = array<i32>} : memref<128x64xf32, #tpu.memory_space<vmem>>, vector<1x16xf32>,
        %get3A_427 = arith.index_cast %scan3A_372 : i32 to index
        %get3A_428 = arith.constant 48 : index
        %get3A_429 = tpu.vector_load %arg12[%get3A_427, %get3A_428] {strides = array<i32>} : memref<128x128xf32, #tpu.memory_space<vmem>>, vector<1x16xf32>,
        %get3A_430 = vector.shape_cast %get3A_429 : vector<1x16xf32> to vector<16xf32>
        %mul3A_431 = arith.constant 8.000000e+00 : f32
        %mul3A_432 = vector.broadcast %mul3A_431 : f32 to vector<16xf32>
        %mul3A_433 = arith.mulf %get3A_430, %mul3A_432 : vector<16xf32>
        %add3A_434 = arith.constant 48 : i32
        %add3A_435 = arith.addi %add3A_370, %add3A_434 : i32
        %get3A_436 = arith.index_cast %add3A_435 : i32 to index
        %get3A_437 = tpu.vector_load %arg16[%get3A_436] {strides = array<i32>} : memref<20992xf32, #tpu.memory_space<vmem>>, vector<16xf32>,
        %get3A_438 = vector.shape_cast %get3A_437 : vector<16xf32> to vector<16xf32>
        %add3A_439 = arith.addf %mul3A_433, %get3A_438 : vector<16xf32>
        %swap3A_440 = arith.index_cast %scan3A_372 : i32 to index
        %swap3A_441 = arith.constant 48 : index
        %swap3A_442 = tpu.vector_load %arg14[%swap3A_440, %swap3A_441] {strides = array<i32>} : memref<128x64xf32, #tpu.memory_space<vmem>>, vector<1x16xf32>,
        %swap3A_443 = vector.shape_cast %swap3A_442 : vector<1x16xf32> to vector<16xf32>
        %swap3A_444 = vector.shape_cast %add3A_439 : vector<16xf32> to vector<1x16xf32>
        tpu.vector_store %arg14[%swap3A_440, %swap3A_441], %swap3A_444 {strides = array<i32>} : memref<128x64xf32, #tpu.memory_space<vmem>>, vector<1x16xf32>,
        %add3A_445 = arith.constant 64 : i32
        %add3A_446 = arith.addi %add3A_370, %add3A_445 : i32
        %scan3A_447 = arith.constant 3 : i32
        %scan3A_448 = arith.addi %scan3A_221, %scan3A_447 : i32
        %get3A_449 = arith.index_cast %scan3A_448 : i32 to index
        %get3A_450 = arith.constant 0 : index
        %get3A_451 = tpu.vector_load %arg12[%get3A_449, %get3A_450] {strides = array<i32>} : memref<128x128xf32, #tpu.memory_space<vmem>>, vector<1x16xf32>,
        %get3A_452 = vector.shape_cast %get3A_451 : vector<1x16xf32> to vector<16xf32>
        %mul3A_453 = arith.constant 8.000000e+00 : f32
        %mul3A_454 = vector.broadcast %mul3A_453 : f32 to vector<16xf32>
        %mul3A_455 = arith.mulf %get3A_452, %mul3A_454 : vector<16xf32>
        %add3A_456 = arith.constant 0 : i32
        %add3A_457 = arith.addi %add3A_446, %add3A_456 : i32
        %get3A_458 = arith.index_cast %add3A_457 : i32 to index
        %get3A_459 = tpu.vector_load %arg16[%get3A_458] {strides = array<i32>} : memref<20992xf32, #tpu.memory_space<vmem>>, vector<16xf32>,
        %get3A_460 = vector.shape_cast %get3A_459 : vector<16xf32> to vector<16xf32>
        %add3A_461 = arith.addf %mul3A_455, %get3A_460 : vector<16xf32>
        %swap3A_462 = arith.index_cast %scan3A_448 : i32 to index
        %swap3A_463 = arith.constant 0 : index
        %swap3A_464 = tpu.vector_load %arg14[%swap3A_462, %swap3A_463] {strides = array<i32>} : memref<128x64xf32, #tpu.memory_space<vmem>>, vector<1x16xf32>,
        %swap3A_465 = vector.shape_cast %swap3A_464 : vector<1x16xf32> to vector<16xf32>
        %swap3A_466 = vector.shape_cast %add3A_461 : vector<16xf32> to vector<1x16xf32>
        tpu.vector_store %arg14[%swap3A_462, %swap3A_463], %swap3A_466 {strides = array<i32>} : memref<128x64xf32, #tpu.memory_space<vmem>>, vector<1x16xf32>,
        %get3A_467 = arith.index_cast %scan3A_448 : i32 to index
        %get3A_468 = arith.constant 16 : index
        %get3A_469 = tpu.vector_load %arg12[%get3A_467, %get3A_468] {strides = array<i32>} : memref<128x128xf32, #tpu.memory_space<vmem>>, vector<1x16xf32>,
        %get3A_470 = vector.shape_cast %get3A_469 : vector<1x16xf32> to vector<16xf32>
        %mul3A_471 = arith.constant 8.000000e+00 : f32
        %mul3A_472 = vector.broadcast %mul3A_471 : f32 to vector<16xf32>
        %mul3A_473 = arith.mulf %get3A_470, %mul3A_472 : vector<16xf32>
        %add3A_474 = arith.constant 16 : i32
        %add3A_475 = arith.addi %add3A_446, %add3A_474 : i32
        %get3A_476 = arith.index_cast %add3A_475 : i32 to index
        %get3A_477 = tpu.vector_load %arg16[%get3A_476] {strides = array<i32>} : memref<20992xf32, #tpu.memory_space<vmem>>, vector<16xf32>,
        %get3A_478 = vector.shape_cast %get3A_477 : vector<16xf32> to vector<16xf32>
        %add3A_479 = arith.addf %mul3A_473, %get3A_478 : vector<16xf32>
        %swap3A_480 = arith.index_cast %scan3A_448 : i32 to index
        %swap3A_481 = arith.constant 16 : index
        %swap3A_482 = tpu.vector_load %arg14[%swap3A_480, %swap3A_481] {strides = array<i32>} : memref<128x64xf32, #tpu.memory_space<vmem>>, vector<1x16xf32>,
        %swap3A_483 = vector.shape_cast %swap3A_482 : vector<1x16xf32> to vector<16xf32>
        %swap3A_484 = vector.shape_cast %add3A_479 : vector<16xf32> to vector<1x16xf32>
        tpu.vector_store %arg14[%swap3A_480, %swap3A_481], %swap3A_484 {strides = array<i32>} : memref<128x64xf32, #tpu.memory_space<vmem>>, vector<1x16xf32>,
        %get3A_485 = arith.index_cast %scan3A_448 : i32 to index
        %get3A_486 = arith.constant 32 : index
        %get3A_487 = tpu.vector_load %arg12[%get3A_485, %get3A_486] {strides = array<i32>} : memref<128x128xf32, #tpu.memory_space<vmem>>, vector<1x16xf32>,
        %get3A_488 = vector.shape_cast %get3A_487 : vector<1x16xf32> to vector<16xf32>
        %mul3A_489 = arith.constant 8.000000e+00 : f32
        %mul3A_490 = vector.broadcast %mul3A_489 : f32 to vector<16xf32>
        %mul3A_491 = arith.mulf %get3A_488, %mul3A_490 : vector<16xf32>
        %add3A_492 = arith.constant 32 : i32
        %add3A_493 = arith.addi %add3A_446, %add3A_492 : i32
        %get3A_494 = arith.index_cast %add3A_493 : i32 to index
        %get3A_495 = tpu.vector_load %arg16[%get3A_494] {strides = array<i32>} : memref<20992xf32, #tpu.memory_space<vmem>>, vector<16xf32>,
        %get3A_496 = vector.shape_cast %get3A_495 : vector<16xf32> to vector<16xf32>
        %add3A_497 = arith.addf %mul3A_491, %get3A_496 : vector<16xf32>
        %swap3A_498 = arith.index_cast %scan3A_448 : i32 to index
        %swap3A_499 = arith.constant 32 : index
        %swap3A_500 = tpu.vector_load %arg14[%swap3A_498, %swap3A_499] {strides = array<i32>} : memref<128x64xf32, #tpu.memory_space<vmem>>, vector<1x16xf32>,
        %swap3A_501 = vector.shape_cast %swap3A_500 : vector<1x16xf32> to vector<16xf32>
        %swap3A_502 = vector.shape_cast %add3A_497 : vector<16xf32> to vector<1x16xf32>
        tpu.vector_store %arg14[%swap3A_498, %swap3A_499], %swap3A_502 {strides = array<i32>} : memref<128x64xf32, #tpu.memory_space<vmem>>, vector<1x16xf32>,
        %get3A_503 = arith.index_cast %scan3A_448 : i32 to index
        %get3A_504 = arith.constant 48 : index
        %get3A_505 = tpu.vector_load %arg12[%get3A_503, %get3A_504] {strides = array<i32>} : memref<128x128xf32, #tpu.memory_space<vmem>>, vector<1x16xf32>,
        %get3A_506 = vector.shape_cast %get3A_505 : vector<1x16xf32> to vector<16xf32>
        %mul3A_507 = arith.constant 8.000000e+00 : f32
        %mul3A_508 = vector.broadcast %mul3A_507 : f32 to vector<16xf32>
        %mul3A_509 = arith.mulf %get3A_506, %mul3A_508 : vector<16xf32>
        %add3A_510 = arith.constant 48 : i32
        %add3A_511 = arith.addi %add3A_446, %add3A_510 : i32
        %get3A_512 = arith.index_cast %add3A_511 : i32 to index
        %get3A_513 = tpu.vector_load %arg16[%get3A_512] {strides = array<i32>} : memref<20992xf32, #tpu.memory_space<vmem>>, vector<16xf32>,
        %get3A_514 = vector.shape_cast %get3A_513 : vector<16xf32> to vector<16xf32>
        %add3A_515 = arith.addf %mul3A_509, %get3A_514 : vector<16xf32>
        %swap3A_516 = arith.index_cast %scan3A_448 : i32 to index
        %swap3A_517 = arith.constant 48 : index
        %swap3A_518 = tpu.vector_load %arg14[%swap3A_516, %swap3A_517] {strides = array<i32>} : memref<128x64xf32, #tpu.memory_space<vmem>>, vector<1x16xf32>,
        %swap3A_519 = vector.shape_cast %swap3A_518 : vector<1x16xf32> to vector<16xf32>
        %swap3A_520 = vector.shape_cast %add3A_515 : vector<16xf32> to vector<1x16xf32>
        tpu.vector_store %arg14[%swap3A_516, %swap3A_517], %swap3A_520 {strides = array<i32>} : memref<128x64xf32, #tpu.memory_space<vmem>>, vector<1x16xf32>,
        %add3A_521 = arith.constant 64 : i32
        %add3A_522 = arith.addi %add3A_446, %add3A_521 : i32
        %scan3A_523 = arith.constant 4 : i32
        %scan3A_524 = arith.addi %scan3A_221, %scan3A_523 : i32
        %get3A_525 = arith.index_cast %scan3A_524 : i32 to index
        %get3A_526 = arith.constant 0 : index
        %get3A_527 = tpu.vector_load %arg12[%get3A_525, %get3A_526] {strides = array<i32>} : memref<128x128xf32, #tpu.memory_space<vmem>>, vector<1x16xf32>,
        %get3A_528 = vector.shape_cast %get3A_527 : vector<1x16xf32> to vector<16xf32>
        %mul3A_529 = arith.constant 8.000000e+00 : f32
        %mul3A_530 = vector.broadcast %mul3A_529 : f32 to vector<16xf32>
        %mul3A_531 = arith.mulf %get3A_528, %mul3A_530 : vector<16xf32>
        %add3A_532 = arith.constant 0 : i32
        %add3A_533 = arith.addi %add3A_522, %add3A_532 : i32
        %get3A_534 = arith.index_cast %add3A_533 : i32 to index
        %get3A_535 = tpu.vector_load %arg16[%get3A_534] {strides = array<i32>} : memref<20992xf32, #tpu.memory_space<vmem>>, vector<16xf32>,
        %get3A_536 = vector.shape_cast %get3A_535 : vector<16xf32> to vector<16xf32>
        %add3A_537 = arith.addf %mul3A_531, %get3A_536 : vector<16xf32>
        %swap3A_538 = arith.index_cast %scan3A_524 : i32 to index
        %swap3A_539 = arith.constant 0 : index
        %swap3A_540 = tpu.vector_load %arg14[%swap3A_538, %swap3A_539] {strides = array<i32>} : memref<128x64xf32, #tpu.memory_space<vmem>>, vector<1x16xf32>,
        %swap3A_541 = vector.shape_cast %swap3A_540 : vector<1x16xf32> to vector<16xf32>
        %swap3A_542 = vector.shape_cast %add3A_537 : vector<16xf32> to vector<1x16xf32>
        tpu.vector_store %arg14[%swap3A_538, %swap3A_539], %swap3A_542 {strides = array<i32>} : memref<128x64xf32, #tpu.memory_space<vmem>>, vector<1x16xf32>,
        %get3A_543 = arith.index_cast %scan3A_524 : i32 to index
        %get3A_544 = arith.constant 16 : index
        %get3A_545 = tpu.vector_load %arg12[%get3A_543, %get3A_544] {strides = array<i32>} : memref<128x128xf32, #tpu.memory_space<vmem>>, vector<1x16xf32>,
        %get3A_546 = vector.shape_cast %get3A_545 : vector<1x16xf32> to vector<16xf32>
        %mul3A_547 = arith.constant 8.000000e+00 : f32
        %mul3A_548 = vector.broadcast %mul3A_547 : f32 to vector<16xf32>
        %mul3A_549 = arith.mulf %get3A_546, %mul3A_548 : vector<16xf32>
        %add3A_550 = arith.constant 16 : i32
        %add3A_551 = arith.addi %add3A_522, %add3A_550 : i32
        %get3A_552 = arith.index_cast %add3A_551 : i32 to index
        %get3A_553 = tpu.vector_load %arg16[%get3A_552] {strides = array<i32>} : memref<20992xf32, #tpu.memory_space<vmem>>, vector<16xf32>,
        %get3A_554 = vector.shape_cast %get3A_553 : vector<16xf32> to vector<16xf32>
        %add3A_555 = arith.addf %mul3A_549, %get3A_554 : vector<16xf32>
        %swap3A_556 = arith.index_cast %scan3A_524 : i32 to index
        %swap3A_557 = arith.constant 16 : index
        %swap3A_558 = tpu.vector_load %arg14[%swap3A_556, %swap3A_557] {strides = array<i32>} : memref<128x64xf32, #tpu.memory_space<vmem>>, vector<1x16xf32>,
        %swap3A_559 = vector.shape_cast %swap3A_558 : vector<1x16xf32> to vector<16xf32>
        %swap3A_560 = vector.shape_cast %add3A_555 : vector<16xf32> to vector<1x16xf32>
        tpu.vector_store %arg14[%swap3A_556, %swap3A_557], %swap3A_560 {strides = array<i32>} : memref<128x64xf32, #tpu.memory_space<vmem>>, vector<1x16xf32>,
        %get3A_561 = arith.index_cast %scan3A_524 : i32 to index
        %get3A_562 = arith.constant 32 : index
        %get3A_563 = tpu.vector_load %arg12[%get3A_561, %get3A_562] {strides = array<i32>} : memref<128x128xf32, #tpu.memory_space<vmem>>, vector<1x16xf32>,
        %get3A_564 = vector.shape_cast %get3A_563 : vector<1x16xf32> to vector<16xf32>
        %mul3A_565 = arith.constant 8.000000e+00 : f32
        %mul3A_566 = vector.broadcast %mul3A_565 : f32 to vector<16xf32>
        %mul3A_567 = arith.mulf %get3A_564, %mul3A_566 : vector<16xf32>
        %add3A_568 = arith.constant 32 : i32
        %add3A_569 = arith.addi %add3A_522, %add3A_568 : i32
        %get3A_570 = arith.index_cast %add3A_569 : i32 to index
        %get3A_571 = tpu.vector_load %arg16[%get3A_570] {strides = array<i32>} : memref<20992xf32, #tpu.memory_space<vmem>>, vector<16xf32>,
        %get3A_572 = vector.shape_cast %get3A_571 : vector<16xf32> to vector<16xf32>
        %add3A_573 = arith.addf %mul3A_567, %get3A_572 : vector<16xf32>
        %swap3A_574 = arith.index_cast %scan3A_524 : i32 to index
        %swap3A_575 = arith.constant 32 : index
        %swap3A_576 = tpu.vector_load %arg14[%swap3A_574, %swap3A_575] {strides = array<i32>} : memref<128x64xf32, #tpu.memory_space<vmem>>, vector<1x16xf32>,
        %swap3A_577 = vector.shape_cast %swap3A_576 : vector<1x16xf32> to vector<16xf32>
        %swap3A_578 = vector.shape_cast %add3A_573 : vector<16xf32> to vector<1x16xf32>
        tpu.vector_store %arg14[%swap3A_574, %swap3A_575], %swap3A_578 {strides = array<i32>} : memref<128x64xf32, #tpu.memory_space<vmem>>, vector<1x16xf32>,
        %get3A_579 = arith.index_cast %scan3A_524 : i32 to index
        %get3A_580 = arith.constant 48 : index
        %get3A_581 = tpu.vector_load %arg12[%get3A_579, %get3A_580] {strides = array<i32>} : memref<128x128xf32, #tpu.memory_space<vmem>>, vector<1x16xf32>,
        %get3A_582 = vector.shape_cast %get3A_581 : vector<1x16xf32> to vector<16xf32>
        %mul3A_583 = arith.constant 8.000000e+00 : f32
        %mul3A_584 = vector.broadcast %mul3A_583 : f32 to vector<16xf32>
        %mul3A_585 = arith.mulf %get3A_582, %mul3A_584 : vector<16xf32>
        %add3A_586 = arith.constant 48 : i32
        %add3A_587 = arith.addi %add3A_522, %add3A_586 : i32
        %get3A_588 = arith.index_cast %add3A_587 : i32 to index
        %get3A_589 = tpu.vector_load %arg16[%get3A_588] {strides = array<i32>} : memref<20992xf32, #tpu.memory_space<vmem>>, vector<16xf32>,
        %get3A_590 = vector.shape_cast %get3A_589 : vector<16xf32> to vector<16xf32>
        %add3A_591 = arith.addf %mul3A_585, %get3A_590 : vector<16xf32>
        %swap3A_592 = arith.index_cast %scan3A_524 : i32 to index
        %swap3A_593 = arith.constant 48 : index
        %swap3A_594 = tpu.vector_load %arg14[%swap3A_592, %swap3A_593] {strides = array<i32>} : memref<128x64xf32, #tpu.memory_space<vmem>>, vector<1x16xf32>,
        %swap3A_595 = vector.shape_cast %swap3A_594 : vector<1x16xf32> to vector<16xf32>
        %swap3A_596 = vector.shape_cast %add3A_591 : vector<16xf32> to vector<1x16xf32>
        tpu.vector_store %arg14[%swap3A_592, %swap3A_593], %swap3A_596 {strides = array<i32>} : memref<128x64xf32, #tpu.memory_space<vmem>>, vector<1x16xf32>,
        %add3A_597 = arith.constant 64 : i32
        %add3A_598 = arith.addi %add3A_522, %add3A_597 : i32
        %scan3A_599 = arith.constant 5 : i32
        %scan3A_600 = arith.addi %scan3A_221, %scan3A_599 : i32
        %get3A_601 = arith.index_cast %scan3A_600 : i32 to index
        %get3A_602 = arith.constant 0 : index
        %get3A_603 = tpu.vector_load %arg12[%get3A_601, %get3A_602] {strides = array<i32>} : memref<128x128xf32, #tpu.memory_space<vmem>>, vector<1x16xf32>,
        %get3A_604 = vector.shape_cast %get3A_603 : vector<1x16xf32> to vector<16xf32>
        %mul3A_605 = arith.constant 8.000000e+00 : f32
        %mul3A_606 = vector.broadcast %mul3A_605 : f32 to vector<16xf32>
        %mul3A_607 = arith.mulf %get3A_604, %mul3A_606 : vector<16xf32>
        %add3A_608 = arith.constant 0 : i32
        %add3A_609 = arith.addi %add3A_598, %add3A_608 : i32
        %get3A_610 = arith.index_cast %add3A_609 : i32 to index
        %get3A_611 = tpu.vector_load %arg16[%get3A_610] {strides = array<i32>} : memref<20992xf32, #tpu.memory_space<vmem>>, vector<16xf32>,
        %get3A_612 = vector.shape_cast %get3A_611 : vector<16xf32> to vector<16xf32>
        %add3A_613 = arith.addf %mul3A_607, %get3A_612 : vector<16xf32>
        %swap3A_614 = arith.index_cast %scan3A_600 : i32 to index
        %swap3A_615 = arith.constant 0 : index
        %swap3A_616 = tpu.vector_load %arg14[%swap3A_614, %swap3A_615] {strides = array<i32>} : memref<128x64xf32, #tpu.memory_space<vmem>>, vector<1x16xf32>,
        %swap3A_617 = vector.shape_cast %swap3A_616 : vector<1x16xf32> to vector<16xf32>
        %swap3A_618 = vector.shape_cast %add3A_613 : vector<16xf32> to vector<1x16xf32>
        tpu.vector_store %arg14[%swap3A_614, %swap3A_615], %swap3A_618 {strides = array<i32>} : memref<128x64xf32, #tpu.memory_space<vmem>>, vector<1x16xf32>,
        %get3A_619 = arith.index_cast %scan3A_600 : i32 to index
        %get3A_620 = arith.constant 16 : index
        %get3A_621 = tpu.vector_load %arg12[%get3A_619, %get3A_620] {strides = array<i32>} : memref<128x128xf32, #tpu.memory_space<vmem>>, vector<1x16xf32>,
        %get3A_622 = vector.shape_cast %get3A_621 : vector<1x16xf32> to vector<16xf32>
        %mul3A_623 = arith.constant 8.000000e+00 : f32
        %mul3A_624 = vector.broadcast %mul3A_623 : f32 to vector<16xf32>
        %mul3A_625 = arith.mulf %get3A_622, %mul3A_624 : vector<16xf32>
        %add3A_626 = arith.constant 16 : i32
        %add3A_627 = arith.addi %add3A_598, %add3A_626 : i32
        %get3A_628 = arith.index_cast %add3A_627 : i32 to index
        %get3A_629 = tpu.vector_load %arg16[%get3A_628] {strides = array<i32>} : memref<20992xf32, #tpu.memory_space<vmem>>, vector<16xf32>,
        %get3A_630 = vector.shape_cast %get3A_629 : vector<16xf32> to vector<16xf32>
        %add3A_631 = arith.addf %mul3A_625, %get3A_630 : vector<16xf32>
        %swap3A_632 = arith.index_cast %scan3A_600 : i32 to index
        %swap3A_633 = arith.constant 16 : index
        %swap3A_634 = tpu.vector_load %arg14[%swap3A_632, %swap3A_633] {strides = array<i32>} : memref<128x64xf32, #tpu.memory_space<vmem>>, vector<1x16xf32>,
        %swap3A_635 = vector.shape_cast %swap3A_634 : vector<1x16xf32> to vector<16xf32>
        %swap3A_636 = vector.shape_cast %add3A_631 : vector<16xf32> to vector<1x16xf32>
        tpu.vector_store %arg14[%swap3A_632, %swap3A_633], %swap3A_636 {strides = array<i32>} : memref<128x64xf32, #tpu.memory_space<vmem>>, vector<1x16xf32>,
        %get3A_637 = arith.index_cast %scan3A_600 : i32 to index
        %get3A_638 = arith.constant 32 : index
        %get3A_639 = tpu.vector_load %arg12[%get3A_637, %get3A_638] {strides = array<i32>} : memref<128x128xf32, #tpu.memory_space<vmem>>, vector<1x16xf32>,
        %get3A_640 = vector.shape_cast %get3A_639 : vector<1x16xf32> to vector<16xf32>
        %mul3A_641 = arith.constant 8.000000e+00 : f32
        %mul3A_642 = vector.broadcast %mul3A_641 : f32 to vector<16xf32>
        %mul3A_643 = arith.mulf %get3A_640, %mul3A_642 : vector<16xf32>
        %add3A_644 = arith.constant 32 : i32
        %add3A_645 = arith.addi %add3A_598, %add3A_644 : i32
        %get3A_646 = arith.index_cast %add3A_645 : i32 to index
        %get3A_647 = tpu.vector_load %arg16[%get3A_646] {strides = array<i32>} : memref<20992xf32, #tpu.memory_space<vmem>>, vector<16xf32>,
        %get3A_648 = vector.shape_cast %get3A_647 : vector<16xf32> to vector<16xf32>
        %add3A_649 = arith.addf %mul3A_643, %get3A_648 : vector<16xf32>
        %swap3A_650 = arith.index_cast %scan3A_600 : i32 to index
        %swap3A_651 = arith.constant 32 : index
        %swap3A_652 = tpu.vector_load %arg14[%swap3A_650, %swap3A_651] {strides = array<i32>} : memref<128x64xf32, #tpu.memory_space<vmem>>, vector<1x16xf32>,
        %swap3A_653 = vector.shape_cast %swap3A_652 : vector<1x16xf32> to vector<16xf32>
        %swap3A_654 = vector.shape_cast %add3A_649 : vector<16xf32> to vector<1x16xf32>
        tpu.vector_store %arg14[%swap3A_650, %swap3A_651], %swap3A_654 {strides = array<i32>} : memref<128x64xf32, #tpu.memory_space<vmem>>, vector<1x16xf32>,
        %get3A_655 = arith.index_cast %scan3A_600 : i32 to index
        %get3A_656 = arith.constant 48 : index
        %get3A_657 = tpu.vector_load %arg12[%get3A_655, %get3A_656] {strides = array<i32>} : memref<128x128xf32, #tpu.memory_space<vmem>>, vector<1x16xf32>,
        %get3A_658 = vector.shape_cast %get3A_657 : vector<1x16xf32> to vector<16xf32>
        %mul3A_659 = arith.constant 8.000000e+00 : f32
        %mul3A_660 = vector.broadcast %mul3A_659 : f32 to vector<16xf32>
        %mul3A_661 = arith.mulf %get3A_658, %mul3A_660 : vector<16xf32>
        %add3A_662 = arith.constant 48 : i32
        %add3A_663 = arith.addi %add3A_598, %add3A_662 : i32
        %get3A_664 = arith.index_cast %add3A_663 : i32 to index
        %get3A_665 = tpu.vector_load %arg16[%get3A_664] {strides = array<i32>} : memref<20992xf32, #tpu.memory_space<vmem>>, vector<16xf32>,
        %get3A_666 = vector.shape_cast %get3A_665 : vector<16xf32> to vector<16xf32>
        %add3A_667 = arith.addf %mul3A_661, %get3A_666 : vector<16xf32>
        %swap3A_668 = arith.index_cast %scan3A_600 : i32 to index
        %swap3A_669 = arith.constant 48 : index
        %swap3A_670 = tpu.vector_load %arg14[%swap3A_668, %swap3A_669] {strides = array<i32>} : memref<128x64xf32, #tpu.memory_space<vmem>>, vector<1x16xf32>,
        %swap3A_671 = vector.shape_cast %swap3A_670 : vector<1x16xf32> to vector<16xf32>
        %swap3A_672 = vector.shape_cast %add3A_667 : vector<16xf32> to vector<1x16xf32>
        tpu.vector_store %arg14[%swap3A_668, %swap3A_669], %swap3A_672 {strides = array<i32>} : memref<128x64xf32, #tpu.memory_space<vmem>>, vector<1x16xf32>,
        %add3A_673 = arith.constant 64 : i32
        %add3A_674 = arith.addi %add3A_598, %add3A_673 : i32
        %scan3A_675 = arith.constant 6 : i32
        %scan3A_676 = arith.addi %scan3A_221, %scan3A_675 : i32
        %get3A_677 = arith.index_cast %scan3A_676 : i32 to index
        %get3A_678 = arith.constant 0 : index
        %get3A_679 = tpu.vector_load %arg12[%get3A_677, %get3A_678] {strides = array<i32>} : memref<128x128xf32, #tpu.memory_space<vmem>>, vector<1x16xf32>,
        %get3A_680 = vector.shape_cast %get3A_679 : vector<1x16xf32> to vector<16xf32>
        %mul3A_681 = arith.constant 8.000000e+00 : f32
        %mul3A_682 = vector.broadcast %mul3A_681 : f32 to vector<16xf32>
        %mul3A_683 = arith.mulf %get3A_680, %mul3A_682 : vector<16xf32>
        %add3A_684 = arith.constant 0 : i32
        %add3A_685 = arith.addi %add3A_674, %add3A_684 : i32
        %get3A_686 = arith.index_cast %add3A_685 : i32 to index
        %get3A_687 = tpu.vector_load %arg16[%get3A_686] {strides = array<i32>} : memref<20992xf32, #tpu.memory_space<vmem>>, vector<16xf32>,
        %get3A_688 = vector.shape_cast %get3A_687 : vector<16xf32> to vector<16xf32>
        %add3A_689 = arith.addf %mul3A_683, %get3A_688 : vector<16xf32>
        %swap3A_690 = arith.index_cast %scan3A_676 : i32 to index
        %swap3A_691 = arith.constant 0 : index
        %swap3A_692 = tpu.vector_load %arg14[%swap3A_690, %swap3A_691] {strides = array<i32>} : memref<128x64xf32, #tpu.memory_space<vmem>>, vector<1x16xf32>,
        %swap3A_693 = vector.shape_cast %swap3A_692 : vector<1x16xf32> to vector<16xf32>
        %swap3A_694 = vector.shape_cast %add3A_689 : vector<16xf32> to vector<1x16xf32>
        tpu.vector_store %arg14[%swap3A_690, %swap3A_691], %swap3A_694 {strides = array<i32>} : memref<128x64xf32, #tpu.memory_space<vmem>>, vector<1x16xf32>,
        %get3A_695 = arith.index_cast %scan3A_676 : i32 to index
        %get3A_696 = arith.constant 16 : index
        %get3A_697 = tpu.vector_load %arg12[%get3A_695, %get3A_696] {strides = array<i32>} : memref<128x128xf32, #tpu.memory_space<vmem>>, vector<1x16xf32>,
        %get3A_698 = vector.shape_cast %get3A_697 : vector<1x16xf32> to vector<16xf32>
        %mul3A_699 = arith.constant 8.000000e+00 : f32
        %mul3A_700 = vector.broadcast %mul3A_699 : f32 to vector<16xf32>
        %mul3A_701 = arith.mulf %get3A_698, %mul3A_700 : vector<16xf32>
        %add3A_702 = arith.constant 16 : i32
        %add3A_703 = arith.addi %add3A_674, %add3A_702 : i32
        %get3A_704 = arith.index_cast %add3A_703 : i32 to index
        %get3A_705 = tpu.vector_load %arg16[%get3A_704] {strides = array<i32>} : memref<20992xf32, #tpu.memory_space<vmem>>, vector<16xf32>,
        %get3A_706 = vector.shape_cast %get3A_705 : vector<16xf32> to vector<16xf32>
        %add3A_707 = arith.addf %mul3A_701, %get3A_706 : vector<16xf32>
        %swap3A_708 = arith.index_cast %scan3A_676 : i32 to index
        %swap3A_709 = arith.constant 16 : index
        %swap3A_710 = tpu.vector_load %arg14[%swap3A_708, %swap3A_709] {strides = array<i32>} : memref<128x64xf32, #tpu.memory_space<vmem>>, vector<1x16xf32>,
        %swap3A_711 = vector.shape_cast %swap3A_710 : vector<1x16xf32> to vector<16xf32>
        %swap3A_712 = vector.shape_cast %add3A_707 : vector<16xf32> to vector<1x16xf32>
        tpu.vector_store %arg14[%swap3A_708, %swap3A_709], %swap3A_712 {strides = array<i32>} : memref<128x64xf32, #tpu.memory_space<vmem>>, vector<1x16xf32>,
        %get3A_713 = arith.index_cast %scan3A_676 : i32 to index
        %get3A_714 = arith.constant 32 : index
        %get3A_715 = tpu.vector_load %arg12[%get3A_713, %get3A_714] {strides = array<i32>} : memref<128x128xf32, #tpu.memory_space<vmem>>, vector<1x16xf32>,
        %get3A_716 = vector.shape_cast %get3A_715 : vector<1x16xf32> to vector<16xf32>
        %mul3A_717 = arith.constant 8.000000e+00 : f32
        %mul3A_718 = vector.broadcast %mul3A_717 : f32 to vector<16xf32>
        %mul3A_719 = arith.mulf %get3A_716, %mul3A_718 : vector<16xf32>
        %add3A_720 = arith.constant 32 : i32
        %add3A_721 = arith.addi %add3A_674, %add3A_720 : i32
        %get3A_722 = arith.index_cast %add3A_721 : i32 to index
        %get3A_723 = tpu.vector_load %arg16[%get3A_722] {strides = array<i32>} : memref<20992xf32, #tpu.memory_space<vmem>>, vector<16xf32>,
        %get3A_724 = vector.shape_cast %get3A_723 : vector<16xf32> to vector<16xf32>
        %add3A_725 = arith.addf %mul3A_719, %get3A_724 : vector<16xf32>
        %swap3A_726 = arith.index_cast %scan3A_676 : i32 to index
        %swap3A_727 = arith.constant 32 : index
        %swap3A_728 = tpu.vector_load %arg14[%swap3A_726, %swap3A_727] {strides = array<i32>} : memref<128x64xf32, #tpu.memory_space<vmem>>, vector<1x16xf32>,
        %swap3A_729 = vector.shape_cast %swap3A_728 : vector<1x16xf32> to vector<16xf32>
        %swap3A_730 = vector.shape_cast %add3A_725 : vector<16xf32> to vector<1x16xf32>
        tpu.vector_store %arg14[%swap3A_726, %swap3A_727], %swap3A_730 {strides = array<i32>} : memref<128x64xf32, #tpu.memory_space<vmem>>, vector<1x16xf32>,
        %get3A_731 = arith.index_cast %scan3A_676 : i32 to index
        %get3A_732 = arith.constant 48 : index
        %get3A_733 = tpu.vector_load %arg12[%get3A_731, %get3A_732] {strides = array<i32>} : memref<128x128xf32, #tpu.memory_space<vmem>>, vector<1x16xf32>,
        %get3A_734 = vector.shape_cast %get3A_733 : vector<1x16xf32> to vector<16xf32>
        %mul3A_735 = arith.constant 8.000000e+00 : f32
        %mul3A_736 = vector.broadcast %mul3A_735 : f32 to vector<16xf32>
        %mul3A_737 = arith.mulf %get3A_734, %mul3A_736 : vector<16xf32>
        %add3A_738 = arith.constant 48 : i32
        %add3A_739 = arith.addi %add3A_674, %add3A_738 : i32
        %get3A_740 = arith.index_cast %add3A_739 : i32 to index
        %get3A_741 = tpu.vector_load %arg16[%get3A_740] {strides = array<i32>} : memref<20992xf32, #tpu.memory_space<vmem>>, vector<16xf32>,
        %get3A_742 = vector.shape_cast %get3A_741 : vector<16xf32> to vector<16xf32>
        %add3A_743 = arith.addf %mul3A_737, %get3A_742 : vector<16xf32>
        %swap3A_744 = arith.index_cast %scan3A_676 : i32 to index
        %swap3A_745 = arith.constant 48 : index
        %swap3A_746 = tpu.vector_load %arg14[%swap3A_744, %swap3A_745] {strides = array<i32>} : memref<128x64xf32, #tpu.memory_space<vmem>>, vector<1x16xf32>,
        %swap3A_747 = vector.shape_cast %swap3A_746 : vector<1x16xf32> to vector<16xf32>
        %swap3A_748 = vector.shape_cast %add3A_743 : vector<16xf32> to vector<1x16xf32>
        tpu.vector_store %arg14[%swap3A_744, %swap3A_745], %swap3A_748 {strides = array<i32>} : memref<128x64xf32, #tpu.memory_space<vmem>>, vector<1x16xf32>,
        %add3A_749 = arith.constant 64 : i32
        %add3A_750 = arith.addi %add3A_674, %add3A_749 : i32
        %scan3A_751 = arith.constant 7 : i32
        %scan3A_752 = arith.addi %scan3A_221, %scan3A_751 : i32
        %get3A_753 = arith.index_cast %scan3A_752 : i32 to index
        %get3A_754 = arith.constant 0 : index
        %get3A_755 = tpu.vector_load %arg12[%get3A_753, %get3A_754] {strides = array<i32>} : memref<128x128xf32, #tpu.memory_space<vmem>>, vector<1x16xf32>,
        %get3A_756 = vector.shape_cast %get3A_755 : vector<1x16xf32> to vector<16xf32>
        %mul3A_757 = arith.constant 8.000000e+00 : f32
        %mul3A_758 = vector.broadcast %mul3A_757 : f32 to vector<16xf32>
        %mul3A_759 = arith.mulf %get3A_756, %mul3A_758 : vector<16xf32>
        %add3A_760 = arith.constant 0 : i32
        %add3A_761 = arith.addi %add3A_750, %add3A_760 : i32
        %get3A_762 = arith.index_cast %add3A_761 : i32 to index
        %get3A_763 = tpu.vector_load %arg16[%get3A_762] {strides = array<i32>} : memref<20992xf32, #tpu.memory_space<vmem>>, vector<16xf32>,
        %get3A_764 = vector.shape_cast %get3A_763 : vector<16xf32> to vector<16xf32>
        %add3A_765 = arith.addf %mul3A_759, %get3A_764 : vector<16xf32>
        %swap3A_766 = arith.index_cast %scan3A_752 : i32 to index
        %swap3A_767 = arith.constant 0 : index
        %swap3A_768 = tpu.vector_load %arg14[%swap3A_766, %swap3A_767] {strides = array<i32>} : memref<128x64xf32, #tpu.memory_space<vmem>>, vector<1x16xf32>,
        %swap3A_769 = vector.shape_cast %swap3A_768 : vector<1x16xf32> to vector<16xf32>
        %swap3A_770 = vector.shape_cast %add3A_765 : vector<16xf32> to vector<1x16xf32>
        tpu.vector_store %arg14[%swap3A_766, %swap3A_767], %swap3A_770 {strides = array<i32>} : memref<128x64xf32, #tpu.memory_space<vmem>>, vector<1x16xf32>,
        %get3A_771 = arith.index_cast %scan3A_752 : i32 to index
        %get3A_772 = arith.constant 16 : index
        %get3A_773 = tpu.vector_load %arg12[%get3A_771, %get3A_772] {strides = array<i32>} : memref<128x128xf32, #tpu.memory_space<vmem>>, vector<1x16xf32>,
        %get3A_774 = vector.shape_cast %get3A_773 : vector<1x16xf32> to vector<16xf32>
        %mul3A_775 = arith.constant 8.000000e+00 : f32
        %mul3A_776 = vector.broadcast %mul3A_775 : f32 to vector<16xf32>
        %mul3A_777 = arith.mulf %get3A_774, %mul3A_776 : vector<16xf32>
        %add3A_778 = arith.constant 16 : i32
        %add3A_779 = arith.addi %add3A_750, %add3A_778 : i32
        %get3A_780 = arith.index_cast %add3A_779 : i32 to index
        %get3A_781 = tpu.vector_load %arg16[%get3A_780] {strides = array<i32>} : memref<20992xf32, #tpu.memory_space<vmem>>, vector<16xf32>,
        %get3A_782 = vector.shape_cast %get3A_781 : vector<16xf32> to vector<16xf32>
        %add3A_783 = arith.addf %mul3A_777, %get3A_782 : vector<16xf32>
        %swap3A_784 = arith.index_cast %scan3A_752 : i32 to index
        %swap3A_785 = arith.constant 16 : index
        %swap3A_786 = tpu.vector_load %arg14[%swap3A_784, %swap3A_785] {strides = array<i32>} : memref<128x64xf32, #tpu.memory_space<vmem>>, vector<1x16xf32>,
        %swap3A_787 = vector.shape_cast %swap3A_786 : vector<1x16xf32> to vector<16xf32>
        %swap3A_788 = vector.shape_cast %add3A_783 : vector<16xf32> to vector<1x16xf32>
        tpu.vector_store %arg14[%swap3A_784, %swap3A_785], %swap3A_788 {strides = array<i32>} : memref<128x64xf32, #tpu.memory_space<vmem>>, vector<1x16xf32>,
        %get3A_789 = arith.index_cast %scan3A_752 : i32 to index
        %get3A_790 = arith.constant 32 : index
        %get3A_791 = tpu.vector_load %arg12[%get3A_789, %get3A_790] {strides = array<i32>} : memref<128x128xf32, #tpu.memory_space<vmem>>, vector<1x16xf32>,
        %get3A_792 = vector.shape_cast %get3A_791 : vector<1x16xf32> to vector<16xf32>
        %mul3A_793 = arith.constant 8.000000e+00 : f32
        %mul3A_794 = vector.broadcast %mul3A_793 : f32 to vector<16xf32>
        %mul3A_795 = arith.mulf %get3A_792, %mul3A_794 : vector<16xf32>
        %add3A_796 = arith.constant 32 : i32
        %add3A_797 = arith.addi %add3A_750, %add3A_796 : i32
        %get3A_798 = arith.index_cast %add3A_797 : i32 to index
        %get3A_799 = tpu.vector_load %arg16[%get3A_798] {strides = array<i32>} : memref<20992xf32, #tpu.memory_space<vmem>>, vector<16xf32>,
        %get3A_800 = vector.shape_cast %get3A_799 : vector<16xf32> to vector<16xf32>
        %add3A_801 = arith.addf %mul3A_795, %get3A_800 : vector<16xf32>
        %swap3A_802 = arith.index_cast %scan3A_752 : i32 to index
        %swap3A_803 = arith.constant 32 : index
        %swap3A_804 = tpu.vector_load %arg14[%swap3A_802, %swap3A_803] {strides = array<i32>} : memref<128x64xf32, #tpu.memory_space<vmem>>, vector<1x16xf32>,
        %swap3A_805 = vector.shape_cast %swap3A_804 : vector<1x16xf32> to vector<16xf32>
        %swap3A_806 = vector.shape_cast %add3A_801 : vector<16xf32> to vector<1x16xf32>
        tpu.vector_store %arg14[%swap3A_802, %swap3A_803], %swap3A_806 {strides = array<i32>} : memref<128x64xf32, #tpu.memory_space<vmem>>, vector<1x16xf32>,
        %get3A_807 = arith.index_cast %scan3A_752 : i32 to index
        %get3A_808 = arith.constant 48 : index
        %get3A_809 = tpu.vector_load %arg12[%get3A_807, %get3A_808] {strides = array<i32>} : memref<128x128xf32, #tpu.memory_space<vmem>>, vector<1x16xf32>,
        %get3A_810 = vector.shape_cast %get3A_809 : vector<1x16xf32> to vector<16xf32>
        %mul3A_811 = arith.constant 8.000000e+00 : f32
        %mul3A_812 = vector.broadcast %mul3A_811 : f32 to vector<16xf32>
        %mul3A_813 = arith.mulf %get3A_810, %mul3A_812 : vector<16xf32>
        %add3A_814 = arith.constant 48 : i32
        %add3A_815 = arith.addi %add3A_750, %add3A_814 : i32
        %get3A_816 = arith.index_cast %add3A_815 : i32 to index
        %get3A_817 = tpu.vector_load %arg16[%get3A_816] {strides = array<i32>} : memref<20992xf32, #tpu.memory_space<vmem>>, vector<16xf32>,
        %get3A_818 = vector.shape_cast %get3A_817 : vector<16xf32> to vector<16xf32>
        %add3A_819 = arith.addf %mul3A_813, %get3A_818 : vector<16xf32>
        %swap3A_820 = arith.index_cast %scan3A_752 : i32 to index
        %swap3A_821 = arith.constant 48 : index
        %swap3A_822 = tpu.vector_load %arg14[%swap3A_820, %swap3A_821] {strides = array<i32>} : memref<128x64xf32, #tpu.memory_space<vmem>>, vector<1x16xf32>,
        %swap3A_823 = vector.shape_cast %swap3A_822 : vector<1x16xf32> to vector<16xf32>
        %swap3A_824 = vector.shape_cast %add3A_819 : vector<16xf32> to vector<1x16xf32>
        tpu.vector_store %arg14[%swap3A_820, %swap3A_821], %swap3A_824 {strides = array<i32>} : memref<128x64xf32, #tpu.memory_space<vmem>>, vector<1x16xf32>,
        %add3A_825 = arith.constant 64 : i32
        %add3A_826 = arith.addi %add3A_750, %add3A_825 : i32
        scf.yield %add3A_826 : i32
      }
      %scan3A_165 = arith.constant 128 : i32
      %mul3A_166 = arith.constant 128 : i32
      %mul3A_167 = arith.muli %add3A_128, %mul3A_166 : i32
      %add3A_168 = arith.addi %mul3A_2, %mul3A_167 : i32
      %dma_start3A_169 = arith.constant 0 : i32
      %dma_start3A_170 = tpu.memref_slice %arg5[%add3A_168, %dma_start3A_169] : memref<819200x64xf32, #tpu.memory_space<hbm>> -> memref<128x64xf32, #tpu.memory_space<hbm>>
      %dma_start3A_171 = arith.constant 0 : i32
      %dma_start3A_172 = tpu.memref_slice %arg5[%add3A_168, %dma_start3A_171] : memref<819200x64xf32, #tpu.memory_space<hbm>> -> memref<128x64xf32, #tpu.memory_space<hbm>>
      tpu.enqueue_dma source(%arg14 : memref<128x64xf32, #tpu.memory_space<vmem>>) target(%dma_start3A_172 : memref<128x64xf32, #tpu.memory_space<hbm>>) target_semaphore(%arg25 : memref<!tpu.dma_semaphore, #tpu.memory_space<semaphore_mem>>)
      %mul3A_173 = arith.constant 4 : i32
      %mul3A_174 = arith.muli %scan3A_33, %mul3A_173 : i32
      %add3A_175 = arith.constant 3 : i32
      %add3A_176 = arith.addi %mul3A_174, %add3A_175 : i32
      %add3A_177 = arith.constant 1 : i32
      %add3A_178 = arith.addi %add3A_176, %add3A_177 : i32
      %lt3A_179 = arith.constant 200 : i32
      %lt3A_180 = arith.cmpi slt, %add3A_178, %lt3A_179 : i32
      %convert_element_type3A_181 = arith.extui %lt3A_180 : i1 to i32
      %cond3A_182 = arith.constant 0 : i32
      %cond3A_183 = arith.cmpi ne, %convert_element_type3A_181, %cond3A_182 : i32
      scf.if %cond3A_183 {
        %dma_wait3A_221 = arith.constant 0 : i32
        %dma_wait3A_222 = tpu.memref_slice %arg2[%dma_wait3A_221] : memref<819200xi32, #tpu.memory_space<hbm>> -> memref<128xi32, #tpu.memory_space<hbm>>
        %dma_wait3A_223 = arith.constant 0 : i32
        %dma_wait3A_224 = tpu.memref_slice %arg2[%dma_wait3A_223] : memref<819200xi32, #tpu.memory_space<hbm>> -> memref<128xi32, #tpu.memory_space<hbm>>
        tpu.wait_dma2 semaphore(%arg17 : memref<!tpu.dma_semaphore, #tpu.memory_space<semaphore_mem>>) src(%dma_wait3A_224 : memref<128xi32, #tpu.memory_space<hbm>>) dst(%arg6 : memref<128xi32, #tpu.memory_space<vmem>>)
        %dma_start3A_225 = arith.constant 0 : i32
        %dma_start3A_226 = arith.constant 0 : i32
        %dma_start3A_227 = tpu.memref_slice %arg4[%dma_start3A_225, %dma_start3A_226] : memref<1000000x128xf32, #tpu.memory_space<hbm>> -> memref<1000000x128xf32, #tpu.memory_space<hbm>>
        tpu.enqueue_indirect_dma source(%dma_start3A_227 : memref<1000000x128xf32, #tpu.memory_space<hbm>>) target(%arg10 : memref<128x128xf32, #tpu.memory_space<vmem>>) offsets(%arg6 : memref<128xi32, #tpu.memory_space<vmem>>) semaphore(%arg21 : memref<!tpu.dma_semaphore, #tpu.memory_space<semaphore_mem>>)
      } else {
      }
      %add3A_184 = arith.constant 2 : i32
      %add3A_185 = arith.addi %add3A_176, %add3A_184 : i32
      %lt3A_186 = arith.constant 200 : i32
      %lt3A_187 = arith.cmpi slt, %add3A_185, %lt3A_186 : i32
      %convert_element_type3A_188 = arith.extui %lt3A_187 : i1 to i32
      %cond3A_189 = arith.constant 0 : i32
      %cond3A_190 = arith.cmpi ne, %convert_element_type3A_188, %cond3A_189 : i32
      scf.if %cond3A_190 {
        %add3A_221 = arith.constant 2 : i32
        %add3A_222 = arith.addi %add3A_176, %add3A_221 : i32
        %mul3A_223 = arith.constant 128 : i32
        %mul3A_224 = arith.muli %add3A_222, %mul3A_223 : i32
        %add3A_225 = arith.addi %mul3A_2, %mul3A_224 : i32
        %dma_start3A_226 = tpu.memref_slice %arg2[%add3A_225] : memref<819200xi32, #tpu.memory_space<hbm>> -> memref<128xi32, #tpu.memory_space<hbm>>
        %dma_start3A_227 = tpu.memref_slice %arg2[%add3A_225] : memref<819200xi32, #tpu.memory_space<hbm>> -> memref<128xi32, #tpu.memory_space<hbm>>
        tpu.enqueue_dma source(%dma_start3A_227 : memref<128xi32, #tpu.memory_space<hbm>>) target(%arg7 : memref<128xi32, #tpu.memory_space<vmem>>) target_semaphore(%arg18 : memref<!tpu.dma_semaphore, #tpu.memory_space<semaphore_mem>>)
      } else {
      }
      %dma_wait3A_191 = arith.constant 0 : i32
      %dma_wait3A_192 = arith.constant 0 : i32
      %dma_wait3A_193 = tpu.memref_slice %arg4[%dma_wait3A_191, %dma_wait3A_192] : memref<1000000x128xf32, #tpu.memory_space<hbm>> -> memref<128x128xf32, #tpu.memory_space<hbm>>
      %dma_wait3A_194 = arith.constant 0 : i32
      %dma_wait3A_195 = arith.constant 0 : i32
      %dma_wait3A_196 = tpu.memref_slice %arg4[%dma_wait3A_194, %dma_wait3A_195] : memref<1000000x128xf32, #tpu.memory_space<hbm>> -> memref<128x128xf32, #tpu.memory_space<hbm>>
      tpu.wait_dma2 semaphore(%arg24 : memref<!tpu.dma_semaphore, #tpu.memory_space<semaphore_mem>>) src(%dma_wait3A_196 : memref<128x128xf32, #tpu.memory_space<hbm>>) dst(%arg13 : memref<128x128xf32, #tpu.memory_space<vmem>>)
      %ge3A_197 = arith.constant 2 : i32
      %ge3A_198 = arith.cmpi sge, %add3A_176, %ge3A_197 : i32
      %convert_element_type3A_199 = arith.extui %ge3A_198 : i1 to i32
      %cond3A_200 = arith.constant 0 : i32
      %cond3A_201 = arith.cmpi ne, %convert_element_type3A_199, %cond3A_200 : i32
      scf.if %cond3A_201 {
        %dma_wait3A_221 = arith.constant 0 : i32
        %dma_wait3A_222 = arith.constant 0 : i32
        %dma_wait3A_223 = tpu.memref_slice %arg5[%dma_wait3A_221, %dma_wait3A_222] : memref<819200x64xf32, #tpu.memory_space<hbm>> -> memref<128x64xf32, #tpu.memory_space<hbm>>
        %dma_wait3A_224 = arith.constant 0 : i32
        %dma_wait3A_225 = arith.constant 0 : i32
        %dma_wait3A_226 = tpu.memref_slice %arg5[%dma_wait3A_224, %dma_wait3A_225] : memref<819200x64xf32, #tpu.memory_space<hbm>> -> memref<128x64xf32, #tpu.memory_space<hbm>>
        tpu.wait_dma2 semaphore(%arg26 : memref<!tpu.dma_semaphore, #tpu.memory_space<semaphore_mem>>) src(%arg15 : memref<128x64xf32, #tpu.memory_space<vmem>>) dst(%dma_wait3A_226 : memref<128x64xf32, #tpu.memory_space<hbm>>)
      } else {
      }
      %mul3A_202 = arith.constant 128 : i32
      %mul3A_203 = arith.muli %add3A_176, %mul3A_202 : i32
      %rem3A_204 = arith.constant 200 : i32
      %rem3A_205 = arith.remsi %mul3A_203, %rem3A_204 : i32
      %mul3A_206 = arith.constant 64 : i32
      %mul3A_207 = arith.muli %rem3A_205, %mul3A_206 : i32
      %scan3A_208 = arith.constant 0 : i32
      %scan3A_209 = arith.constant 128 : i32
      %scan3A_210 = arith.addi %scan3A_208, %scan3A_209 : i32
      %scan3A_211 = arith.constant 8 : i32
      %scan3A_212 = scf.for %scan3A_221 = %scan3A_208 to %scan3A_210 step %scan3A_211 iter_args(%scan3A_222 = %mul3A_207) -> (i32)  : i32 {
        %get3A = arith.index_cast %scan3A_221 : i32 to index
        %get3A_223 = arith.constant 0 : index
        %get3A_224 = tpu.vector_load %arg13[%get3A, %get3A_223] {strides = array<i32>} : memref<128x128xf32, #tpu.memory_space<vmem>>, vector<1x16xf32>,
        %get3A_225 = vector.shape_cast %get3A_224 : vector<1x16xf32> to vector<16xf32>
        %mul3A_226 = arith.constant 8.000000e+00 : f32
        %mul3A_227 = vector.broadcast %mul3A_226 : f32 to vector<16xf32>
        %mul3A_228 = arith.mulf %get3A_225, %mul3A_227 : vector<16xf32>
        %add3A_229 = arith.constant 0 : i32
        %add3A_230 = arith.addi %scan3A_222, %add3A_229 : i32
        %get3A_231 = arith.index_cast %add3A_230 : i32 to index
        %get3A_232 = tpu.vector_load %arg16[%get3A_231] {strides = array<i32>} : memref<20992xf32, #tpu.memory_space<vmem>>, vector<16xf32>,
        %get3A_233 = vector.shape_cast %get3A_232 : vector<16xf32> to vector<16xf32>
        %add3A_234 = arith.addf %mul3A_228, %get3A_233 : vector<16xf32>
        %swap3A = arith.index_cast %scan3A_221 : i32 to index
        %swap3A_235 = arith.constant 0 : index
        %swap3A_236 = tpu.vector_load %arg15[%swap3A, %swap3A_235] {strides = array<i32>} : memref<128x64xf32, #tpu.memory_space<vmem>>, vector<1x16xf32>,
        %swap3A_237 = vector.shape_cast %swap3A_236 : vector<1x16xf32> to vector<16xf32>
        %swap3A_238 = vector.shape_cast %add3A_234 : vector<16xf32> to vector<1x16xf32>
        tpu.vector_store %arg15[%swap3A, %swap3A_235], %swap3A_238 {strides = array<i32>} : memref<128x64xf32, #tpu.memory_space<vmem>>, vector<1x16xf32>,
        %get3A_239 = arith.index_cast %scan3A_221 : i32 to index
        %get3A_240 = arith.constant 16 : index
        %get3A_241 = tpu.vector_load %arg13[%get3A_239, %get3A_240] {strides = array<i32>} : memref<128x128xf32, #tpu.memory_space<vmem>>, vector<1x16xf32>,
        %get3A_242 = vector.shape_cast %get3A_241 : vector<1x16xf32> to vector<16xf32>
        %mul3A_243 = arith.constant 8.000000e+00 : f32
        %mul3A_244 = vector.broadcast %mul3A_243 : f32 to vector<16xf32>
        %mul3A_245 = arith.mulf %get3A_242, %mul3A_244 : vector<16xf32>
        %add3A_246 = arith.constant 16 : i32
        %add3A_247 = arith.addi %scan3A_222, %add3A_246 : i32
        %get3A_248 = arith.index_cast %add3A_247 : i32 to index
        %get3A_249 = tpu.vector_load %arg16[%get3A_248] {strides = array<i32>} : memref<20992xf32, #tpu.memory_space<vmem>>, vector<16xf32>,
        %get3A_250 = vector.shape_cast %get3A_249 : vector<16xf32> to vector<16xf32>
        %add3A_251 = arith.addf %mul3A_245, %get3A_250 : vector<16xf32>
        %swap3A_252 = arith.index_cast %scan3A_221 : i32 to index
        %swap3A_253 = arith.constant 16 : index
        %swap3A_254 = tpu.vector_load %arg15[%swap3A_252, %swap3A_253] {strides = array<i32>} : memref<128x64xf32, #tpu.memory_space<vmem>>, vector<1x16xf32>,
        %swap3A_255 = vector.shape_cast %swap3A_254 : vector<1x16xf32> to vector<16xf32>
        %swap3A_256 = vector.shape_cast %add3A_251 : vector<16xf32> to vector<1x16xf32>
        tpu.vector_store %arg15[%swap3A_252, %swap3A_253], %swap3A_256 {strides = array<i32>} : memref<128x64xf32, #tpu.memory_space<vmem>>, vector<1x16xf32>,
        %get3A_257 = arith.index_cast %scan3A_221 : i32 to index
        %get3A_258 = arith.constant 32 : index
        %get3A_259 = tpu.vector_load %arg13[%get3A_257, %get3A_258] {strides = array<i32>} : memref<128x128xf32, #tpu.memory_space<vmem>>, vector<1x16xf32>,
        %get3A_260 = vector.shape_cast %get3A_259 : vector<1x16xf32> to vector<16xf32>
        %mul3A_261 = arith.constant 8.000000e+00 : f32
        %mul3A_262 = vector.broadcast %mul3A_261 : f32 to vector<16xf32>
        %mul3A_263 = arith.mulf %get3A_260, %mul3A_262 : vector<16xf32>
        %add3A_264 = arith.constant 32 : i32
        %add3A_265 = arith.addi %scan3A_222, %add3A_264 : i32
        %get3A_266 = arith.index_cast %add3A_265 : i32 to index
        %get3A_267 = tpu.vector_load %arg16[%get3A_266] {strides = array<i32>} : memref<20992xf32, #tpu.memory_space<vmem>>, vector<16xf32>,
        %get3A_268 = vector.shape_cast %get3A_267 : vector<16xf32> to vector<16xf32>
        %add3A_269 = arith.addf %mul3A_263, %get3A_268 : vector<16xf32>
        %swap3A_270 = arith.index_cast %scan3A_221 : i32 to index
        %swap3A_271 = arith.constant 32 : index
        %swap3A_272 = tpu.vector_load %arg15[%swap3A_270, %swap3A_271] {strides = array<i32>} : memref<128x64xf32, #tpu.memory_space<vmem>>, vector<1x16xf32>,
        %swap3A_273 = vector.shape_cast %swap3A_272 : vector<1x16xf32> to vector<16xf32>
        %swap3A_274 = vector.shape_cast %add3A_269 : vector<16xf32> to vector<1x16xf32>
        tpu.vector_store %arg15[%swap3A_270, %swap3A_271], %swap3A_274 {strides = array<i32>} : memref<128x64xf32, #tpu.memory_space<vmem>>, vector<1x16xf32>,
        %get3A_275 = arith.index_cast %scan3A_221 : i32 to index
        %get3A_276 = arith.constant 48 : index
        %get3A_277 = tpu.vector_load %arg13[%get3A_275, %get3A_276] {strides = array<i32>} : memref<128x128xf32, #tpu.memory_space<vmem>>, vector<1x16xf32>,
        %get3A_278 = vector.shape_cast %get3A_277 : vector<1x16xf32> to vector<16xf32>
        %mul3A_279 = arith.constant 8.000000e+00 : f32
        %mul3A_280 = vector.broadcast %mul3A_279 : f32 to vector<16xf32>
        %mul3A_281 = arith.mulf %get3A_278, %mul3A_280 : vector<16xf32>
        %add3A_282 = arith.constant 48 : i32
        %add3A_283 = arith.addi %scan3A_222, %add3A_282 : i32
        %get3A_284 = arith.index_cast %add3A_283 : i32 to index
        %get3A_285 = tpu.vector_load %arg16[%get3A_284] {strides = array<i32>} : memref<20992xf32, #tpu.memory_space<vmem>>, vector<16xf32>,
        %get3A_286 = vector.shape_cast %get3A_285 : vector<16xf32> to vector<16xf32>
        %add3A_287 = arith.addf %mul3A_281, %get3A_286 : vector<16xf32>
        %swap3A_288 = arith.index_cast %scan3A_221 : i32 to index
        %swap3A_289 = arith.constant 48 : index
        %swap3A_290 = tpu.vector_load %arg15[%swap3A_288, %swap3A_289] {strides = array<i32>} : memref<128x64xf32, #tpu.memory_space<vmem>>, vector<1x16xf32>,
        %swap3A_291 = vector.shape_cast %swap3A_290 : vector<1x16xf32> to vector<16xf32>
        %swap3A_292 = vector.shape_cast %add3A_287 : vector<16xf32> to vector<1x16xf32>
        tpu.vector_store %arg15[%swap3A_288, %swap3A_289], %swap3A_292 {strides = array<i32>} : memref<128x64xf32, #tpu.memory_space<vmem>>, vector<1x16xf32>,
        %add3A_293 = arith.constant 64 : i32
        %add3A_294 = arith.addi %scan3A_222, %add3A_293 : i32
        %scan3A_295 = arith.constant 1 : i32
        %scan3A_296 = arith.addi %scan3A_221, %scan3A_295 : i32
        %get3A_297 = arith.index_cast %scan3A_296 : i32 to index
        %get3A_298 = arith.constant 0 : index
        %get3A_299 = tpu.vector_load %arg13[%get3A_297, %get3A_298] {strides = array<i32>} : memref<128x128xf32, #tpu.memory_space<vmem>>, vector<1x16xf32>,
        %get3A_300 = vector.shape_cast %get3A_299 : vector<1x16xf32> to vector<16xf32>
        %mul3A_301 = arith.constant 8.000000e+00 : f32
        %mul3A_302 = vector.broadcast %mul3A_301 : f32 to vector<16xf32>
        %mul3A_303 = arith.mulf %get3A_300, %mul3A_302 : vector<16xf32>
        %add3A_304 = arith.constant 0 : i32
        %add3A_305 = arith.addi %add3A_294, %add3A_304 : i32
        %get3A_306 = arith.index_cast %add3A_305 : i32 to index
        %get3A_307 = tpu.vector_load %arg16[%get3A_306] {strides = array<i32>} : memref<20992xf32, #tpu.memory_space<vmem>>, vector<16xf32>,
        %get3A_308 = vector.shape_cast %get3A_307 : vector<16xf32> to vector<16xf32>
        %add3A_309 = arith.addf %mul3A_303, %get3A_308 : vector<16xf32>
        %swap3A_310 = arith.index_cast %scan3A_296 : i32 to index
        %swap3A_311 = arith.constant 0 : index
        %swap3A_312 = tpu.vector_load %arg15[%swap3A_310, %swap3A_311] {strides = array<i32>} : memref<128x64xf32, #tpu.memory_space<vmem>>, vector<1x16xf32>,
        %swap3A_313 = vector.shape_cast %swap3A_312 : vector<1x16xf32> to vector<16xf32>
        %swap3A_314 = vector.shape_cast %add3A_309 : vector<16xf32> to vector<1x16xf32>
        tpu.vector_store %arg15[%swap3A_310, %swap3A_311], %swap3A_314 {strides = array<i32>} : memref<128x64xf32, #tpu.memory_space<vmem>>, vector<1x16xf32>,
        %get3A_315 = arith.index_cast %scan3A_296 : i32 to index
        %get3A_316 = arith.constant 16 : index
        %get3A_317 = tpu.vector_load %arg13[%get3A_315, %get3A_316] {strides = array<i32>} : memref<128x128xf32, #tpu.memory_space<vmem>>, vector<1x16xf32>,
        %get3A_318 = vector.shape_cast %get3A_317 : vector<1x16xf32> to vector<16xf32>
        %mul3A_319 = arith.constant 8.000000e+00 : f32
        %mul3A_320 = vector.broadcast %mul3A_319 : f32 to vector<16xf32>
        %mul3A_321 = arith.mulf %get3A_318, %mul3A_320 : vector<16xf32>
        %add3A_322 = arith.constant 16 : i32
        %add3A_323 = arith.addi %add3A_294, %add3A_322 : i32
        %get3A_324 = arith.index_cast %add3A_323 : i32 to index
        %get3A_325 = tpu.vector_load %arg16[%get3A_324] {strides = array<i32>} : memref<20992xf32, #tpu.memory_space<vmem>>, vector<16xf32>,
        %get3A_326 = vector.shape_cast %get3A_325 : vector<16xf32> to vector<16xf32>
        %add3A_327 = arith.addf %mul3A_321, %get3A_326 : vector<16xf32>
        %swap3A_328 = arith.index_cast %scan3A_296 : i32 to index
        %swap3A_329 = arith.constant 16 : index
        %swap3A_330 = tpu.vector_load %arg15[%swap3A_328, %swap3A_329] {strides = array<i32>} : memref<128x64xf32, #tpu.memory_space<vmem>>, vector<1x16xf32>,
        %swap3A_331 = vector.shape_cast %swap3A_330 : vector<1x16xf32> to vector<16xf32>
        %swap3A_332 = vector.shape_cast %add3A_327 : vector<16xf32> to vector<1x16xf32>
        tpu.vector_store %arg15[%swap3A_328, %swap3A_329], %swap3A_332 {strides = array<i32>} : memref<128x64xf32, #tpu.memory_space<vmem>>, vector<1x16xf32>,
        %get3A_333 = arith.index_cast %scan3A_296 : i32 to index
        %get3A_334 = arith.constant 32 : index
        %get3A_335 = tpu.vector_load %arg13[%get3A_333, %get3A_334] {strides = array<i32>} : memref<128x128xf32, #tpu.memory_space<vmem>>, vector<1x16xf32>,
        %get3A_336 = vector.shape_cast %get3A_335 : vector<1x16xf32> to vector<16xf32>
        %mul3A_337 = arith.constant 8.000000e+00 : f32
        %mul3A_338 = vector.broadcast %mul3A_337 : f32 to vector<16xf32>
        %mul3A_339 = arith.mulf %get3A_336, %mul3A_338 : vector<16xf32>
        %add3A_340 = arith.constant 32 : i32
        %add3A_341 = arith.addi %add3A_294, %add3A_340 : i32
        %get3A_342 = arith.index_cast %add3A_341 : i32 to index
        %get3A_343 = tpu.vector_load %arg16[%get3A_342] {strides = array<i32>} : memref<20992xf32, #tpu.memory_space<vmem>>, vector<16xf32>,
        %get3A_344 = vector.shape_cast %get3A_343 : vector<16xf32> to vector<16xf32>
        %add3A_345 = arith.addf %mul3A_339, %get3A_344 : vector<16xf32>
        %swap3A_346 = arith.index_cast %scan3A_296 : i32 to index
        %swap3A_347 = arith.constant 32 : index
        %swap3A_348 = tpu.vector_load %arg15[%swap3A_346, %swap3A_347] {strides = array<i32>} : memref<128x64xf32, #tpu.memory_space<vmem>>, vector<1x16xf32>,
        %swap3A_349 = vector.shape_cast %swap3A_348 : vector<1x16xf32> to vector<16xf32>
        %swap3A_350 = vector.shape_cast %add3A_345 : vector<16xf32> to vector<1x16xf32>
        tpu.vector_store %arg15[%swap3A_346, %swap3A_347], %swap3A_350 {strides = array<i32>} : memref<128x64xf32, #tpu.memory_space<vmem>>, vector<1x16xf32>,
        %get3A_351 = arith.index_cast %scan3A_296 : i32 to index
        %get3A_352 = arith.constant 48 : index
        %get3A_353 = tpu.vector_load %arg13[%get3A_351, %get3A_352] {strides = array<i32>} : memref<128x128xf32, #tpu.memory_space<vmem>>, vector<1x16xf32>,
        %get3A_354 = vector.shape_cast %get3A_353 : vector<1x16xf32> to vector<16xf32>
        %mul3A_355 = arith.constant 8.000000e+00 : f32
        %mul3A_356 = vector.broadcast %mul3A_355 : f32 to vector<16xf32>
        %mul3A_357 = arith.mulf %get3A_354, %mul3A_356 : vector<16xf32>
        %add3A_358 = arith.constant 48 : i32
        %add3A_359 = arith.addi %add3A_294, %add3A_358 : i32
        %get3A_360 = arith.index_cast %add3A_359 : i32 to index
        %get3A_361 = tpu.vector_load %arg16[%get3A_360] {strides = array<i32>} : memref<20992xf32, #tpu.memory_space<vmem>>, vector<16xf32>,
        %get3A_362 = vector.shape_cast %get3A_361 : vector<16xf32> to vector<16xf32>
        %add3A_363 = arith.addf %mul3A_357, %get3A_362 : vector<16xf32>
        %swap3A_364 = arith.index_cast %scan3A_296 : i32 to index
        %swap3A_365 = arith.constant 48 : index
        %swap3A_366 = tpu.vector_load %arg15[%swap3A_364, %swap3A_365] {strides = array<i32>} : memref<128x64xf32, #tpu.memory_space<vmem>>, vector<1x16xf32>,
        %swap3A_367 = vector.shape_cast %swap3A_366 : vector<1x16xf32> to vector<16xf32>
        %swap3A_368 = vector.shape_cast %add3A_363 : vector<16xf32> to vector<1x16xf32>
        tpu.vector_store %arg15[%swap3A_364, %swap3A_365], %swap3A_368 {strides = array<i32>} : memref<128x64xf32, #tpu.memory_space<vmem>>, vector<1x16xf32>,
        %add3A_369 = arith.constant 64 : i32
        %add3A_370 = arith.addi %add3A_294, %add3A_369 : i32
        %scan3A_371 = arith.constant 2 : i32
        %scan3A_372 = arith.addi %scan3A_221, %scan3A_371 : i32
        %get3A_373 = arith.index_cast %scan3A_372 : i32 to index
        %get3A_374 = arith.constant 0 : index
        %get3A_375 = tpu.vector_load %arg13[%get3A_373, %get3A_374] {strides = array<i32>} : memref<128x128xf32, #tpu.memory_space<vmem>>, vector<1x16xf32>,
        %get3A_376 = vector.shape_cast %get3A_375 : vector<1x16xf32> to vector<16xf32>
        %mul3A_377 = arith.constant 8.000000e+00 : f32
        %mul3A_378 = vector.broadcast %mul3A_377 : f32 to vector<16xf32>
        %mul3A_379 = arith.mulf %get3A_376, %mul3A_378 : vector<16xf32>
        %add3A_380 = arith.constant 0 : i32
        %add3A_381 = arith.addi %add3A_370, %add3A_380 : i32
        %get3A_382 = arith.index_cast %add3A_381 : i32 to index
        %get3A_383 = tpu.vector_load %arg16[%get3A_382] {strides = array<i32>} : memref<20992xf32, #tpu.memory_space<vmem>>, vector<16xf32>,
        %get3A_384 = vector.shape_cast %get3A_383 : vector<16xf32> to vector<16xf32>
        %add3A_385 = arith.addf %mul3A_379, %get3A_384 : vector<16xf32>
        %swap3A_386 = arith.index_cast %scan3A_372 : i32 to index
        %swap3A_387 = arith.constant 0 : index
        %swap3A_388 = tpu.vector_load %arg15[%swap3A_386, %swap3A_387] {strides = array<i32>} : memref<128x64xf32, #tpu.memory_space<vmem>>, vector<1x16xf32>,
        %swap3A_389 = vector.shape_cast %swap3A_388 : vector<1x16xf32> to vector<16xf32>
        %swap3A_390 = vector.shape_cast %add3A_385 : vector<16xf32> to vector<1x16xf32>
        tpu.vector_store %arg15[%swap3A_386, %swap3A_387], %swap3A_390 {strides = array<i32>} : memref<128x64xf32, #tpu.memory_space<vmem>>, vector<1x16xf32>,
        %get3A_391 = arith.index_cast %scan3A_372 : i32 to index
        %get3A_392 = arith.constant 16 : index
        %get3A_393 = tpu.vector_load %arg13[%get3A_391, %get3A_392] {strides = array<i32>} : memref<128x128xf32, #tpu.memory_space<vmem>>, vector<1x16xf32>,
        %get3A_394 = vector.shape_cast %get3A_393 : vector<1x16xf32> to vector<16xf32>
        %mul3A_395 = arith.constant 8.000000e+00 : f32
        %mul3A_396 = vector.broadcast %mul3A_395 : f32 to vector<16xf32>
        %mul3A_397 = arith.mulf %get3A_394, %mul3A_396 : vector<16xf32>
        %add3A_398 = arith.constant 16 : i32
        %add3A_399 = arith.addi %add3A_370, %add3A_398 : i32
        %get3A_400 = arith.index_cast %add3A_399 : i32 to index
        %get3A_401 = tpu.vector_load %arg16[%get3A_400] {strides = array<i32>} : memref<20992xf32, #tpu.memory_space<vmem>>, vector<16xf32>,
        %get3A_402 = vector.shape_cast %get3A_401 : vector<16xf32> to vector<16xf32>
        %add3A_403 = arith.addf %mul3A_397, %get3A_402 : vector<16xf32>
        %swap3A_404 = arith.index_cast %scan3A_372 : i32 to index
        %swap3A_405 = arith.constant 16 : index
        %swap3A_406 = tpu.vector_load %arg15[%swap3A_404, %swap3A_405] {strides = array<i32>} : memref<128x64xf32, #tpu.memory_space<vmem>>, vector<1x16xf32>,
        %swap3A_407 = vector.shape_cast %swap3A_406 : vector<1x16xf32> to vector<16xf32>
        %swap3A_408 = vector.shape_cast %add3A_403 : vector<16xf32> to vector<1x16xf32>
        tpu.vector_store %arg15[%swap3A_404, %swap3A_405], %swap3A_408 {strides = array<i32>} : memref<128x64xf32, #tpu.memory_space<vmem>>, vector<1x16xf32>,
        %get3A_409 = arith.index_cast %scan3A_372 : i32 to index
        %get3A_410 = arith.constant 32 : index
        %get3A_411 = tpu.vector_load %arg13[%get3A_409, %get3A_410] {strides = array<i32>} : memref<128x128xf32, #tpu.memory_space<vmem>>, vector<1x16xf32>,
        %get3A_412 = vector.shape_cast %get3A_411 : vector<1x16xf32> to vector<16xf32>
        %mul3A_413 = arith.constant 8.000000e+00 : f32
        %mul3A_414 = vector.broadcast %mul3A_413 : f32 to vector<16xf32>
        %mul3A_415 = arith.mulf %get3A_412, %mul3A_414 : vector<16xf32>
        %add3A_416 = arith.constant 32 : i32
        %add3A_417 = arith.addi %add3A_370, %add3A_416 : i32
        %get3A_418 = arith.index_cast %add3A_417 : i32 to index
        %get3A_419 = tpu.vector_load %arg16[%get3A_418] {strides = array<i32>} : memref<20992xf32, #tpu.memory_space<vmem>>, vector<16xf32>,
        %get3A_420 = vector.shape_cast %get3A_419 : vector<16xf32> to vector<16xf32>
        %add3A_421 = arith.addf %mul3A_415, %get3A_420 : vector<16xf32>
        %swap3A_422 = arith.index_cast %scan3A_372 : i32 to index
        %swap3A_423 = arith.constant 32 : index
        %swap3A_424 = tpu.vector_load %arg15[%swap3A_422, %swap3A_423] {strides = array<i32>} : memref<128x64xf32, #tpu.memory_space<vmem>>, vector<1x16xf32>,
        %swap3A_425 = vector.shape_cast %swap3A_424 : vector<1x16xf32> to vector<16xf32>
        %swap3A_426 = vector.shape_cast %add3A_421 : vector<16xf32> to vector<1x16xf32>
        tpu.vector_store %arg15[%swap3A_422, %swap3A_423], %swap3A_426 {strides = array<i32>} : memref<128x64xf32, #tpu.memory_space<vmem>>, vector<1x16xf32>,
        %get3A_427 = arith.index_cast %scan3A_372 : i32 to index
        %get3A_428 = arith.constant 48 : index
        %get3A_429 = tpu.vector_load %arg13[%get3A_427, %get3A_428] {strides = array<i32>} : memref<128x128xf32, #tpu.memory_space<vmem>>, vector<1x16xf32>,
        %get3A_430 = vector.shape_cast %get3A_429 : vector<1x16xf32> to vector<16xf32>
        %mul3A_431 = arith.constant 8.000000e+00 : f32
        %mul3A_432 = vector.broadcast %mul3A_431 : f32 to vector<16xf32>
        %mul3A_433 = arith.mulf %get3A_430, %mul3A_432 : vector<16xf32>
        %add3A_434 = arith.constant 48 : i32
        %add3A_435 = arith.addi %add3A_370, %add3A_434 : i32
        %get3A_436 = arith.index_cast %add3A_435 : i32 to index
        %get3A_437 = tpu.vector_load %arg16[%get3A_436] {strides = array<i32>} : memref<20992xf32, #tpu.memory_space<vmem>>, vector<16xf32>,
        %get3A_438 = vector.shape_cast %get3A_437 : vector<16xf32> to vector<16xf32>
        %add3A_439 = arith.addf %mul3A_433, %get3A_438 : vector<16xf32>
        %swap3A_440 = arith.index_cast %scan3A_372 : i32 to index
        %swap3A_441 = arith.constant 48 : index
        %swap3A_442 = tpu.vector_load %arg15[%swap3A_440, %swap3A_441] {strides = array<i32>} : memref<128x64xf32, #tpu.memory_space<vmem>>, vector<1x16xf32>,
        %swap3A_443 = vector.shape_cast %swap3A_442 : vector<1x16xf32> to vector<16xf32>
        %swap3A_444 = vector.shape_cast %add3A_439 : vector<16xf32> to vector<1x16xf32>
        tpu.vector_store %arg15[%swap3A_440, %swap3A_441], %swap3A_444 {strides = array<i32>} : memref<128x64xf32, #tpu.memory_space<vmem>>, vector<1x16xf32>,
        %add3A_445 = arith.constant 64 : i32
        %add3A_446 = arith.addi %add3A_370, %add3A_445 : i32
        %scan3A_447 = arith.constant 3 : i32
        %scan3A_448 = arith.addi %scan3A_221, %scan3A_447 : i32
        %get3A_449 = arith.index_cast %scan3A_448 : i32 to index
        %get3A_450 = arith.constant 0 : index
        %get3A_451 = tpu.vector_load %arg13[%get3A_449, %get3A_450] {strides = array<i32>} : memref<128x128xf32, #tpu.memory_space<vmem>>, vector<1x16xf32>,
        %get3A_452 = vector.shape_cast %get3A_451 : vector<1x16xf32> to vector<16xf32>
        %mul3A_453 = arith.constant 8.000000e+00 : f32
        %mul3A_454 = vector.broadcast %mul3A_453 : f32 to vector<16xf32>
        %mul3A_455 = arith.mulf %get3A_452, %mul3A_454 : vector<16xf32>
        %add3A_456 = arith.constant 0 : i32
        %add3A_457 = arith.addi %add3A_446, %add3A_456 : i32
        %get3A_458 = arith.index_cast %add3A_457 : i32 to index
        %get3A_459 = tpu.vector_load %arg16[%get3A_458] {strides = array<i32>} : memref<20992xf32, #tpu.memory_space<vmem>>, vector<16xf32>,
        %get3A_460 = vector.shape_cast %get3A_459 : vector<16xf32> to vector<16xf32>
        %add3A_461 = arith.addf %mul3A_455, %get3A_460 : vector<16xf32>
        %swap3A_462 = arith.index_cast %scan3A_448 : i32 to index
        %swap3A_463 = arith.constant 0 : index
        %swap3A_464 = tpu.vector_load %arg15[%swap3A_462, %swap3A_463] {strides = array<i32>} : memref<128x64xf32, #tpu.memory_space<vmem>>, vector<1x16xf32>,
        %swap3A_465 = vector.shape_cast %swap3A_464 : vector<1x16xf32> to vector<16xf32>
        %swap3A_466 = vector.shape_cast %add3A_461 : vector<16xf32> to vector<1x16xf32>
        tpu.vector_store %arg15[%swap3A_462, %swap3A_463], %swap3A_466 {strides = array<i32>} : memref<128x64xf32, #tpu.memory_space<vmem>>, vector<1x16xf32>,
        %get3A_467 = arith.index_cast %scan3A_448 : i32 to index
        %get3A_468 = arith.constant 16 : index
        %get3A_469 = tpu.vector_load %arg13[%get3A_467, %get3A_468] {strides = array<i32>} : memref<128x128xf32, #tpu.memory_space<vmem>>, vector<1x16xf32>,
        %get3A_470 = vector.shape_cast %get3A_469 : vector<1x16xf32> to vector<16xf32>
        %mul3A_471 = arith.constant 8.000000e+00 : f32
        %mul3A_472 = vector.broadcast %mul3A_471 : f32 to vector<16xf32>
        %mul3A_473 = arith.mulf %get3A_470, %mul3A_472 : vector<16xf32>
        %add3A_474 = arith.constant 16 : i32
        %add3A_475 = arith.addi %add3A_446, %add3A_474 : i32
        %get3A_476 = arith.index_cast %add3A_475 : i32 to index
        %get3A_477 = tpu.vector_load %arg16[%get3A_476] {strides = array<i32>} : memref<20992xf32, #tpu.memory_space<vmem>>, vector<16xf32>,
        %get3A_478 = vector.shape_cast %get3A_477 : vector<16xf32> to vector<16xf32>
        %add3A_479 = arith.addf %mul3A_473, %get3A_478 : vector<16xf32>
        %swap3A_480 = arith.index_cast %scan3A_448 : i32 to index
        %swap3A_481 = arith.constant 16 : index
        %swap3A_482 = tpu.vector_load %arg15[%swap3A_480, %swap3A_481] {strides = array<i32>} : memref<128x64xf32, #tpu.memory_space<vmem>>, vector<1x16xf32>,
        %swap3A_483 = vector.shape_cast %swap3A_482 : vector<1x16xf32> to vector<16xf32>
        %swap3A_484 = vector.shape_cast %add3A_479 : vector<16xf32> to vector<1x16xf32>
        tpu.vector_store %arg15[%swap3A_480, %swap3A_481], %swap3A_484 {strides = array<i32>} : memref<128x64xf32, #tpu.memory_space<vmem>>, vector<1x16xf32>,
        %get3A_485 = arith.index_cast %scan3A_448 : i32 to index
        %get3A_486 = arith.constant 32 : index
        %get3A_487 = tpu.vector_load %arg13[%get3A_485, %get3A_486] {strides = array<i32>} : memref<128x128xf32, #tpu.memory_space<vmem>>, vector<1x16xf32>,
        %get3A_488 = vector.shape_cast %get3A_487 : vector<1x16xf32> to vector<16xf32>
        %mul3A_489 = arith.constant 8.000000e+00 : f32
        %mul3A_490 = vector.broadcast %mul3A_489 : f32 to vector<16xf32>
        %mul3A_491 = arith.mulf %get3A_488, %mul3A_490 : vector<16xf32>
        %add3A_492 = arith.constant 32 : i32
        %add3A_493 = arith.addi %add3A_446, %add3A_492 : i32
        %get3A_494 = arith.index_cast %add3A_493 : i32 to index
        %get3A_495 = tpu.vector_load %arg16[%get3A_494] {strides = array<i32>} : memref<20992xf32, #tpu.memory_space<vmem>>, vector<16xf32>,
        %get3A_496 = vector.shape_cast %get3A_495 : vector<16xf32> to vector<16xf32>
        %add3A_497 = arith.addf %mul3A_491, %get3A_496 : vector<16xf32>
        %swap3A_498 = arith.index_cast %scan3A_448 : i32 to index
        %swap3A_499 = arith.constant 32 : index
        %swap3A_500 = tpu.vector_load %arg15[%swap3A_498, %swap3A_499] {strides = array<i32>} : memref<128x64xf32, #tpu.memory_space<vmem>>, vector<1x16xf32>,
        %swap3A_501 = vector.shape_cast %swap3A_500 : vector<1x16xf32> to vector<16xf32>
        %swap3A_502 = vector.shape_cast %add3A_497 : vector<16xf32> to vector<1x16xf32>
        tpu.vector_store %arg15[%swap3A_498, %swap3A_499], %swap3A_502 {strides = array<i32>} : memref<128x64xf32, #tpu.memory_space<vmem>>, vector<1x16xf32>,
        %get3A_503 = arith.index_cast %scan3A_448 : i32 to index
        %get3A_504 = arith.constant 48 : index
        %get3A_505 = tpu.vector_load %arg13[%get3A_503, %get3A_504] {strides = array<i32>} : memref<128x128xf32, #tpu.memory_space<vmem>>, vector<1x16xf32>,
        %get3A_506 = vector.shape_cast %get3A_505 : vector<1x16xf32> to vector<16xf32>
        %mul3A_507 = arith.constant 8.000000e+00 : f32
        %mul3A_508 = vector.broadcast %mul3A_507 : f32 to vector<16xf32>
        %mul3A_509 = arith.mulf %get3A_506, %mul3A_508 : vector<16xf32>
        %add3A_510 = arith.constant 48 : i32
        %add3A_511 = arith.addi %add3A_446, %add3A_510 : i32
        %get3A_512 = arith.index_cast %add3A_511 : i32 to index
        %get3A_513 = tpu.vector_load %arg16[%get3A_512] {strides = array<i32>} : memref<20992xf32, #tpu.memory_space<vmem>>, vector<16xf32>,
        %get3A_514 = vector.shape_cast %get3A_513 : vector<16xf32> to vector<16xf32>
        %add3A_515 = arith.addf %mul3A_509, %get3A_514 : vector<16xf32>
        %swap3A_516 = arith.index_cast %scan3A_448 : i32 to index
        %swap3A_517 = arith.constant 48 : index
        %swap3A_518 = tpu.vector_load %arg15[%swap3A_516, %swap3A_517] {strides = array<i32>} : memref<128x64xf32, #tpu.memory_space<vmem>>, vector<1x16xf32>,
        %swap3A_519 = vector.shape_cast %swap3A_518 : vector<1x16xf32> to vector<16xf32>
        %swap3A_520 = vector.shape_cast %add3A_515 : vector<16xf32> to vector<1x16xf32>
        tpu.vector_store %arg15[%swap3A_516, %swap3A_517], %swap3A_520 {strides = array<i32>} : memref<128x64xf32, #tpu.memory_space<vmem>>, vector<1x16xf32>,
        %add3A_521 = arith.constant 64 : i32
        %add3A_522 = arith.addi %add3A_446, %add3A_521 : i32
        %scan3A_523 = arith.constant 4 : i32
        %scan3A_524 = arith.addi %scan3A_221, %scan3A_523 : i32
        %get3A_525 = arith.index_cast %scan3A_524 : i32 to index
        %get3A_526 = arith.constant 0 : index
        %get3A_527 = tpu.vector_load %arg13[%get3A_525, %get3A_526] {strides = array<i32>} : memref<128x128xf32, #tpu.memory_space<vmem>>, vector<1x16xf32>,
        %get3A_528 = vector.shape_cast %get3A_527 : vector<1x16xf32> to vector<16xf32>
        %mul3A_529 = arith.constant 8.000000e+00 : f32
        %mul3A_530 = vector.broadcast %mul3A_529 : f32 to vector<16xf32>
        %mul3A_531 = arith.mulf %get3A_528, %mul3A_530 : vector<16xf32>
        %add3A_532 = arith.constant 0 : i32
        %add3A_533 = arith.addi %add3A_522, %add3A_532 : i32
        %get3A_534 = arith.index_cast %add3A_533 : i32 to index
        %get3A_535 = tpu.vector_load %arg16[%get3A_534] {strides = array<i32>} : memref<20992xf32, #tpu.memory_space<vmem>>, vector<16xf32>,
        %get3A_536 = vector.shape_cast %get3A_535 : vector<16xf32> to vector<16xf32>
        %add3A_537 = arith.addf %mul3A_531, %get3A_536 : vector<16xf32>
        %swap3A_538 = arith.index_cast %scan3A_524 : i32 to index
        %swap3A_539 = arith.constant 0 : index
        %swap3A_540 = tpu.vector_load %arg15[%swap3A_538, %swap3A_539] {strides = array<i32>} : memref<128x64xf32, #tpu.memory_space<vmem>>, vector<1x16xf32>,
        %swap3A_541 = vector.shape_cast %swap3A_540 : vector<1x16xf32> to vector<16xf32>
        %swap3A_542 = vector.shape_cast %add3A_537 : vector<16xf32> to vector<1x16xf32>
        tpu.vector_store %arg15[%swap3A_538, %swap3A_539], %swap3A_542 {strides = array<i32>} : memref<128x64xf32, #tpu.memory_space<vmem>>, vector<1x16xf32>,
        %get3A_543 = arith.index_cast %scan3A_524 : i32 to index
        %get3A_544 = arith.constant 16 : index
        %get3A_545 = tpu.vector_load %arg13[%get3A_543, %get3A_544] {strides = array<i32>} : memref<128x128xf32, #tpu.memory_space<vmem>>, vector<1x16xf32>,
        %get3A_546 = vector.shape_cast %get3A_545 : vector<1x16xf32> to vector<16xf32>
        %mul3A_547 = arith.constant 8.000000e+00 : f32
        %mul3A_548 = vector.broadcast %mul3A_547 : f32 to vector<16xf32>
        %mul3A_549 = arith.mulf %get3A_546, %mul3A_548 : vector<16xf32>
        %add3A_550 = arith.constant 16 : i32
        %add3A_551 = arith.addi %add3A_522, %add3A_550 : i32
        %get3A_552 = arith.index_cast %add3A_551 : i32 to index
        %get3A_553 = tpu.vector_load %arg16[%get3A_552] {strides = array<i32>} : memref<20992xf32, #tpu.memory_space<vmem>>, vector<16xf32>,
        %get3A_554 = vector.shape_cast %get3A_553 : vector<16xf32> to vector<16xf32>
        %add3A_555 = arith.addf %mul3A_549, %get3A_554 : vector<16xf32>
        %swap3A_556 = arith.index_cast %scan3A_524 : i32 to index
        %swap3A_557 = arith.constant 16 : index
        %swap3A_558 = tpu.vector_load %arg15[%swap3A_556, %swap3A_557] {strides = array<i32>} : memref<128x64xf32, #tpu.memory_space<vmem>>, vector<1x16xf32>,
        %swap3A_559 = vector.shape_cast %swap3A_558 : vector<1x16xf32> to vector<16xf32>
        %swap3A_560 = vector.shape_cast %add3A_555 : vector<16xf32> to vector<1x16xf32>
        tpu.vector_store %arg15[%swap3A_556, %swap3A_557], %swap3A_560 {strides = array<i32>} : memref<128x64xf32, #tpu.memory_space<vmem>>, vector<1x16xf32>,
        %get3A_561 = arith.index_cast %scan3A_524 : i32 to index
        %get3A_562 = arith.constant 32 : index
        %get3A_563 = tpu.vector_load %arg13[%get3A_561, %get3A_562] {strides = array<i32>} : memref<128x128xf32, #tpu.memory_space<vmem>>, vector<1x16xf32>,
        %get3A_564 = vector.shape_cast %get3A_563 : vector<1x16xf32> to vector<16xf32>
        %mul3A_565 = arith.constant 8.000000e+00 : f32
        %mul3A_566 = vector.broadcast %mul3A_565 : f32 to vector<16xf32>
        %mul3A_567 = arith.mulf %get3A_564, %mul3A_566 : vector<16xf32>
        %add3A_568 = arith.constant 32 : i32
        %add3A_569 = arith.addi %add3A_522, %add3A_568 : i32
        %get3A_570 = arith.index_cast %add3A_569 : i32 to index
        %get3A_571 = tpu.vector_load %arg16[%get3A_570] {strides = array<i32>} : memref<20992xf32, #tpu.memory_space<vmem>>, vector<16xf32>,
        %get3A_572 = vector.shape_cast %get3A_571 : vector<16xf32> to vector<16xf32>
        %add3A_573 = arith.addf %mul3A_567, %get3A_572 : vector<16xf32>
        %swap3A_574 = arith.index_cast %scan3A_524 : i32 to index
        %swap3A_575 = arith.constant 32 : index
        %swap3A_576 = tpu.vector_load %arg15[%swap3A_574, %swap3A_575] {strides = array<i32>} : memref<128x64xf32, #tpu.memory_space<vmem>>, vector<1x16xf32>,
        %swap3A_577 = vector.shape_cast %swap3A_576 : vector<1x16xf32> to vector<16xf32>
        %swap3A_578 = vector.shape_cast %add3A_573 : vector<16xf32> to vector<1x16xf32>
        tpu.vector_store %arg15[%swap3A_574, %swap3A_575], %swap3A_578 {strides = array<i32>} : memref<128x64xf32, #tpu.memory_space<vmem>>, vector<1x16xf32>,
        %get3A_579 = arith.index_cast %scan3A_524 : i32 to index
        %get3A_580 = arith.constant 48 : index
        %get3A_581 = tpu.vector_load %arg13[%get3A_579, %get3A_580] {strides = array<i32>} : memref<128x128xf32, #tpu.memory_space<vmem>>, vector<1x16xf32>,
        %get3A_582 = vector.shape_cast %get3A_581 : vector<1x16xf32> to vector<16xf32>
        %mul3A_583 = arith.constant 8.000000e+00 : f32
        %mul3A_584 = vector.broadcast %mul3A_583 : f32 to vector<16xf32>
        %mul3A_585 = arith.mulf %get3A_582, %mul3A_584 : vector<16xf32>
        %add3A_586 = arith.constant 48 : i32
        %add3A_587 = arith.addi %add3A_522, %add3A_586 : i32
        %get3A_588 = arith.index_cast %add3A_587 : i32 to index
        %get3A_589 = tpu.vector_load %arg16[%get3A_588] {strides = array<i32>} : memref<20992xf32, #tpu.memory_space<vmem>>, vector<16xf32>,
        %get3A_590 = vector.shape_cast %get3A_589 : vector<16xf32> to vector<16xf32>
        %add3A_591 = arith.addf %mul3A_585, %get3A_590 : vector<16xf32>
        %swap3A_592 = arith.index_cast %scan3A_524 : i32 to index
        %swap3A_593 = arith.constant 48 : index
        %swap3A_594 = tpu.vector_load %arg15[%swap3A_592, %swap3A_593] {strides = array<i32>} : memref<128x64xf32, #tpu.memory_space<vmem>>, vector<1x16xf32>,
        %swap3A_595 = vector.shape_cast %swap3A_594 : vector<1x16xf32> to vector<16xf32>
        %swap3A_596 = vector.shape_cast %add3A_591 : vector<16xf32> to vector<1x16xf32>
        tpu.vector_store %arg15[%swap3A_592, %swap3A_593], %swap3A_596 {strides = array<i32>} : memref<128x64xf32, #tpu.memory_space<vmem>>, vector<1x16xf32>,
        %add3A_597 = arith.constant 64 : i32
        %add3A_598 = arith.addi %add3A_522, %add3A_597 : i32
        %scan3A_599 = arith.constant 5 : i32
        %scan3A_600 = arith.addi %scan3A_221, %scan3A_599 : i32
        %get3A_601 = arith.index_cast %scan3A_600 : i32 to index
        %get3A_602 = arith.constant 0 : index
        %get3A_603 = tpu.vector_load %arg13[%get3A_601, %get3A_602] {strides = array<i32>} : memref<128x128xf32, #tpu.memory_space<vmem>>, vector<1x16xf32>,
        %get3A_604 = vector.shape_cast %get3A_603 : vector<1x16xf32> to vector<16xf32>
        %mul3A_605 = arith.constant 8.000000e+00 : f32
        %mul3A_606 = vector.broadcast %mul3A_605 : f32 to vector<16xf32>
        %mul3A_607 = arith.mulf %get3A_604, %mul3A_606 : vector<16xf32>
        %add3A_608 = arith.constant 0 : i32
        %add3A_609 = arith.addi %add3A_598, %add3A_608 : i32
        %get3A_610 = arith.index_cast %add3A_609 : i32 to index
        %get3A_611 = tpu.vector_load %arg16[%get3A_610] {strides = array<i32>} : memref<20992xf32, #tpu.memory_space<vmem>>, vector<16xf32>,
        %get3A_612 = vector.shape_cast %get3A_611 : vector<16xf32> to vector<16xf32>
        %add3A_613 = arith.addf %mul3A_607, %get3A_612 : vector<16xf32>
        %swap3A_614 = arith.index_cast %scan3A_600 : i32 to index
        %swap3A_615 = arith.constant 0 : index
        %swap3A_616 = tpu.vector_load %arg15[%swap3A_614, %swap3A_615] {strides = array<i32>} : memref<128x64xf32, #tpu.memory_space<vmem>>, vector<1x16xf32>,
        %swap3A_617 = vector.shape_cast %swap3A_616 : vector<1x16xf32> to vector<16xf32>
        %swap3A_618 = vector.shape_cast %add3A_613 : vector<16xf32> to vector<1x16xf32>
        tpu.vector_store %arg15[%swap3A_614, %swap3A_615], %swap3A_618 {strides = array<i32>} : memref<128x64xf32, #tpu.memory_space<vmem>>, vector<1x16xf32>,
        %get3A_619 = arith.index_cast %scan3A_600 : i32 to index
        %get3A_620 = arith.constant 16 : index
        %get3A_621 = tpu.vector_load %arg13[%get3A_619, %get3A_620] {strides = array<i32>} : memref<128x128xf32, #tpu.memory_space<vmem>>, vector<1x16xf32>,
        %get3A_622 = vector.shape_cast %get3A_621 : vector<1x16xf32> to vector<16xf32>
        %mul3A_623 = arith.constant 8.000000e+00 : f32
        %mul3A_624 = vector.broadcast %mul3A_623 : f32 to vector<16xf32>
        %mul3A_625 = arith.mulf %get3A_622, %mul3A_624 : vector<16xf32>
        %add3A_626 = arith.constant 16 : i32
        %add3A_627 = arith.addi %add3A_598, %add3A_626 : i32
        %get3A_628 = arith.index_cast %add3A_627 : i32 to index
        %get3A_629 = tpu.vector_load %arg16[%get3A_628] {strides = array<i32>} : memref<20992xf32, #tpu.memory_space<vmem>>, vector<16xf32>,
        %get3A_630 = vector.shape_cast %get3A_629 : vector<16xf32> to vector<16xf32>
        %add3A_631 = arith.addf %mul3A_625, %get3A_630 : vector<16xf32>
        %swap3A_632 = arith.index_cast %scan3A_600 : i32 to index
        %swap3A_633 = arith.constant 16 : index
        %swap3A_634 = tpu.vector_load %arg15[%swap3A_632, %swap3A_633] {strides = array<i32>} : memref<128x64xf32, #tpu.memory_space<vmem>>, vector<1x16xf32>,
        %swap3A_635 = vector.shape_cast %swap3A_634 : vector<1x16xf32> to vector<16xf32>
        %swap3A_636 = vector.shape_cast %add3A_631 : vector<16xf32> to vector<1x16xf32>
        tpu.vector_store %arg15[%swap3A_632, %swap3A_633], %swap3A_636 {strides = array<i32>} : memref<128x64xf32, #tpu.memory_space<vmem>>, vector<1x16xf32>,
        %get3A_637 = arith.index_cast %scan3A_600 : i32 to index
        %get3A_638 = arith.constant 32 : index
        %get3A_639 = tpu.vector_load %arg13[%get3A_637, %get3A_638] {strides = array<i32>} : memref<128x128xf32, #tpu.memory_space<vmem>>, vector<1x16xf32>,
        %get3A_640 = vector.shape_cast %get3A_639 : vector<1x16xf32> to vector<16xf32>
        %mul3A_641 = arith.constant 8.000000e+00 : f32
        %mul3A_642 = vector.broadcast %mul3A_641 : f32 to vector<16xf32>
        %mul3A_643 = arith.mulf %get3A_640, %mul3A_642 : vector<16xf32>
        %add3A_644 = arith.constant 32 : i32
        %add3A_645 = arith.addi %add3A_598, %add3A_644 : i32
        %get3A_646 = arith.index_cast %add3A_645 : i32 to index
        %get3A_647 = tpu.vector_load %arg16[%get3A_646] {strides = array<i32>} : memref<20992xf32, #tpu.memory_space<vmem>>, vector<16xf32>,
        %get3A_648 = vector.shape_cast %get3A_647 : vector<16xf32> to vector<16xf32>
        %add3A_649 = arith.addf %mul3A_643, %get3A_648 : vector<16xf32>
        %swap3A_650 = arith.index_cast %scan3A_600 : i32 to index
        %swap3A_651 = arith.constant 32 : index
        %swap3A_652 = tpu.vector_load %arg15[%swap3A_650, %swap3A_651] {strides = array<i32>} : memref<128x64xf32, #tpu.memory_space<vmem>>, vector<1x16xf32>,
        %swap3A_653 = vector.shape_cast %swap3A_652 : vector<1x16xf32> to vector<16xf32>
        %swap3A_654 = vector.shape_cast %add3A_649 : vector<16xf32> to vector<1x16xf32>
        tpu.vector_store %arg15[%swap3A_650, %swap3A_651], %swap3A_654 {strides = array<i32>} : memref<128x64xf32, #tpu.memory_space<vmem>>, vector<1x16xf32>,
        %get3A_655 = arith.index_cast %scan3A_600 : i32 to index
        %get3A_656 = arith.constant 48 : index
        %get3A_657 = tpu.vector_load %arg13[%get3A_655, %get3A_656] {strides = array<i32>} : memref<128x128xf32, #tpu.memory_space<vmem>>, vector<1x16xf32>,
        %get3A_658 = vector.shape_cast %get3A_657 : vector<1x16xf32> to vector<16xf32>
        %mul3A_659 = arith.constant 8.000000e+00 : f32
        %mul3A_660 = vector.broadcast %mul3A_659 : f32 to vector<16xf32>
        %mul3A_661 = arith.mulf %get3A_658, %mul3A_660 : vector<16xf32>
        %add3A_662 = arith.constant 48 : i32
        %add3A_663 = arith.addi %add3A_598, %add3A_662 : i32
        %get3A_664 = arith.index_cast %add3A_663 : i32 to index
        %get3A_665 = tpu.vector_load %arg16[%get3A_664] {strides = array<i32>} : memref<20992xf32, #tpu.memory_space<vmem>>, vector<16xf32>,
        %get3A_666 = vector.shape_cast %get3A_665 : vector<16xf32> to vector<16xf32>
        %add3A_667 = arith.addf %mul3A_661, %get3A_666 : vector<16xf32>
        %swap3A_668 = arith.index_cast %scan3A_600 : i32 to index
        %swap3A_669 = arith.constant 48 : index
        %swap3A_670 = tpu.vector_load %arg15[%swap3A_668, %swap3A_669] {strides = array<i32>} : memref<128x64xf32, #tpu.memory_space<vmem>>, vector<1x16xf32>,
        %swap3A_671 = vector.shape_cast %swap3A_670 : vector<1x16xf32> to vector<16xf32>
        %swap3A_672 = vector.shape_cast %add3A_667 : vector<16xf32> to vector<1x16xf32>
        tpu.vector_store %arg15[%swap3A_668, %swap3A_669], %swap3A_672 {strides = array<i32>} : memref<128x64xf32, #tpu.memory_space<vmem>>, vector<1x16xf32>,
        %add3A_673 = arith.constant 64 : i32
        %add3A_674 = arith.addi %add3A_598, %add3A_673 : i32
        %scan3A_675 = arith.constant 6 : i32
        %scan3A_676 = arith.addi %scan3A_221, %scan3A_675 : i32
        %get3A_677 = arith.index_cast %scan3A_676 : i32 to index
        %get3A_678 = arith.constant 0 : index
        %get3A_679 = tpu.vector_load %arg13[%get3A_677, %get3A_678] {strides = array<i32>} : memref<128x128xf32, #tpu.memory_space<vmem>>, vector<1x16xf32>,
        %get3A_680 = vector.shape_cast %get3A_679 : vector<1x16xf32> to vector<16xf32>
        %mul3A_681 = arith.constant 8.000000e+00 : f32
        %mul3A_682 = vector.broadcast %mul3A_681 : f32 to vector<16xf32>
        %mul3A_683 = arith.mulf %get3A_680, %mul3A_682 : vector<16xf32>
        %add3A_684 = arith.constant 0 : i32
        %add3A_685 = arith.addi %add3A_674, %add3A_684 : i32
        %get3A_686 = arith.index_cast %add3A_685 : i32 to index
        %get3A_687 = tpu.vector_load %arg16[%get3A_686] {strides = array<i32>} : memref<20992xf32, #tpu.memory_space<vmem>>, vector<16xf32>,
        %get3A_688 = vector.shape_cast %get3A_687 : vector<16xf32> to vector<16xf32>
        %add3A_689 = arith.addf %mul3A_683, %get3A_688 : vector<16xf32>
        %swap3A_690 = arith.index_cast %scan3A_676 : i32 to index
        %swap3A_691 = arith.constant 0 : index
        %swap3A_692 = tpu.vector_load %arg15[%swap3A_690, %swap3A_691] {strides = array<i32>} : memref<128x64xf32, #tpu.memory_space<vmem>>, vector<1x16xf32>,
        %swap3A_693 = vector.shape_cast %swap3A_692 : vector<1x16xf32> to vector<16xf32>
        %swap3A_694 = vector.shape_cast %add3A_689 : vector<16xf32> to vector<1x16xf32>
        tpu.vector_store %arg15[%swap3A_690, %swap3A_691], %swap3A_694 {strides = array<i32>} : memref<128x64xf32, #tpu.memory_space<vmem>>, vector<1x16xf32>,
        %get3A_695 = arith.index_cast %scan3A_676 : i32 to index
        %get3A_696 = arith.constant 16 : index
        %get3A_697 = tpu.vector_load %arg13[%get3A_695, %get3A_696] {strides = array<i32>} : memref<128x128xf32, #tpu.memory_space<vmem>>, vector<1x16xf32>,
        %get3A_698 = vector.shape_cast %get3A_697 : vector<1x16xf32> to vector<16xf32>
        %mul3A_699 = arith.constant 8.000000e+00 : f32
        %mul3A_700 = vector.broadcast %mul3A_699 : f32 to vector<16xf32>
        %mul3A_701 = arith.mulf %get3A_698, %mul3A_700 : vector<16xf32>
        %add3A_702 = arith.constant 16 : i32
        %add3A_703 = arith.addi %add3A_674, %add3A_702 : i32
        %get3A_704 = arith.index_cast %add3A_703 : i32 to index
        %get3A_705 = tpu.vector_load %arg16[%get3A_704] {strides = array<i32>} : memref<20992xf32, #tpu.memory_space<vmem>>, vector<16xf32>,
        %get3A_706 = vector.shape_cast %get3A_705 : vector<16xf32> to vector<16xf32>
        %add3A_707 = arith.addf %mul3A_701, %get3A_706 : vector<16xf32>
        %swap3A_708 = arith.index_cast %scan3A_676 : i32 to index
        %swap3A_709 = arith.constant 16 : index
        %swap3A_710 = tpu.vector_load %arg15[%swap3A_708, %swap3A_709] {strides = array<i32>} : memref<128x64xf32, #tpu.memory_space<vmem>>, vector<1x16xf32>,
        %swap3A_711 = vector.shape_cast %swap3A_710 : vector<1x16xf32> to vector<16xf32>
        %swap3A_712 = vector.shape_cast %add3A_707 : vector<16xf32> to vector<1x16xf32>
        tpu.vector_store %arg15[%swap3A_708, %swap3A_709], %swap3A_712 {strides = array<i32>} : memref<128x64xf32, #tpu.memory_space<vmem>>, vector<1x16xf32>,
        %get3A_713 = arith.index_cast %scan3A_676 : i32 to index
        %get3A_714 = arith.constant 32 : index
        %get3A_715 = tpu.vector_load %arg13[%get3A_713, %get3A_714] {strides = array<i32>} : memref<128x128xf32, #tpu.memory_space<vmem>>, vector<1x16xf32>,
        %get3A_716 = vector.shape_cast %get3A_715 : vector<1x16xf32> to vector<16xf32>
        %mul3A_717 = arith.constant 8.000000e+00 : f32
        %mul3A_718 = vector.broadcast %mul3A_717 : f32 to vector<16xf32>
        %mul3A_719 = arith.mulf %get3A_716, %mul3A_718 : vector<16xf32>
        %add3A_720 = arith.constant 32 : i32
        %add3A_721 = arith.addi %add3A_674, %add3A_720 : i32
        %get3A_722 = arith.index_cast %add3A_721 : i32 to index
        %get3A_723 = tpu.vector_load %arg16[%get3A_722] {strides = array<i32>} : memref<20992xf32, #tpu.memory_space<vmem>>, vector<16xf32>,
        %get3A_724 = vector.shape_cast %get3A_723 : vector<16xf32> to vector<16xf32>
        %add3A_725 = arith.addf %mul3A_719, %get3A_724 : vector<16xf32>
        %swap3A_726 = arith.index_cast %scan3A_676 : i32 to index
        %swap3A_727 = arith.constant 32 : index
        %swap3A_728 = tpu.vector_load %arg15[%swap3A_726, %swap3A_727] {strides = array<i32>} : memref<128x64xf32, #tpu.memory_space<vmem>>, vector<1x16xf32>,
        %swap3A_729 = vector.shape_cast %swap3A_728 : vector<1x16xf32> to vector<16xf32>
        %swap3A_730 = vector.shape_cast %add3A_725 : vector<16xf32> to vector<1x16xf32>
        tpu.vector_store %arg15[%swap3A_726, %swap3A_727], %swap3A_730 {strides = array<i32>} : memref<128x64xf32, #tpu.memory_space<vmem>>, vector<1x16xf32>,
        %get3A_731 = arith.index_cast %scan3A_676 : i32 to index
        %get3A_732 = arith.constant 48 : index
        %get3A_733 = tpu.vector_load %arg13[%get3A_731, %get3A_732] {strides = array<i32>} : memref<128x128xf32, #tpu.memory_space<vmem>>, vector<1x16xf32>,
        %get3A_734 = vector.shape_cast %get3A_733 : vector<1x16xf32> to vector<16xf32>
        %mul3A_735 = arith.constant 8.000000e+00 : f32
        %mul3A_736 = vector.broadcast %mul3A_735 : f32 to vector<16xf32>
        %mul3A_737 = arith.mulf %get3A_734, %mul3A_736 : vector<16xf32>
        %add3A_738 = arith.constant 48 : i32
        %add3A_739 = arith.addi %add3A_674, %add3A_738 : i32
        %get3A_740 = arith.index_cast %add3A_739 : i32 to index
        %get3A_741 = tpu.vector_load %arg16[%get3A_740] {strides = array<i32>} : memref<20992xf32, #tpu.memory_space<vmem>>, vector<16xf32>,
        %get3A_742 = vector.shape_cast %get3A_741 : vector<16xf32> to vector<16xf32>
        %add3A_743 = arith.addf %mul3A_737, %get3A_742 : vector<16xf32>
        %swap3A_744 = arith.index_cast %scan3A_676 : i32 to index
        %swap3A_745 = arith.constant 48 : index
        %swap3A_746 = tpu.vector_load %arg15[%swap3A_744, %swap3A_745] {strides = array<i32>} : memref<128x64xf32, #tpu.memory_space<vmem>>, vector<1x16xf32>,
        %swap3A_747 = vector.shape_cast %swap3A_746 : vector<1x16xf32> to vector<16xf32>
        %swap3A_748 = vector.shape_cast %add3A_743 : vector<16xf32> to vector<1x16xf32>
        tpu.vector_store %arg15[%swap3A_744, %swap3A_745], %swap3A_748 {strides = array<i32>} : memref<128x64xf32, #tpu.memory_space<vmem>>, vector<1x16xf32>,
        %add3A_749 = arith.constant 64 : i32
        %add3A_750 = arith.addi %add3A_674, %add3A_749 : i32
        %scan3A_751 = arith.constant 7 : i32
        %scan3A_752 = arith.addi %scan3A_221, %scan3A_751 : i32
        %get3A_753 = arith.index_cast %scan3A_752 : i32 to index
        %get3A_754 = arith.constant 0 : index
        %get3A_755 = tpu.vector_load %arg13[%get3A_753, %get3A_754] {strides = array<i32>} : memref<128x128xf32, #tpu.memory_space<vmem>>, vector<1x16xf32>,
        %get3A_756 = vector.shape_cast %get3A_755 : vector<1x16xf32> to vector<16xf32>
        %mul3A_757 = arith.constant 8.000000e+00 : f32
        %mul3A_758 = vector.broadcast %mul3A_757 : f32 to vector<16xf32>
        %mul3A_759 = arith.mulf %get3A_756, %mul3A_758 : vector<16xf32>
        %add3A_760 = arith.constant 0 : i32
        %add3A_761 = arith.addi %add3A_750, %add3A_760 : i32
        %get3A_762 = arith.index_cast %add3A_761 : i32 to index
        %get3A_763 = tpu.vector_load %arg16[%get3A_762] {strides = array<i32>} : memref<20992xf32, #tpu.memory_space<vmem>>, vector<16xf32>,
        %get3A_764 = vector.shape_cast %get3A_763 : vector<16xf32> to vector<16xf32>
        %add3A_765 = arith.addf %mul3A_759, %get3A_764 : vector<16xf32>
        %swap3A_766 = arith.index_cast %scan3A_752 : i32 to index
        %swap3A_767 = arith.constant 0 : index
        %swap3A_768 = tpu.vector_load %arg15[%swap3A_766, %swap3A_767] {strides = array<i32>} : memref<128x64xf32, #tpu.memory_space<vmem>>, vector<1x16xf32>,
        %swap3A_769 = vector.shape_cast %swap3A_768 : vector<1x16xf32> to vector<16xf32>
        %swap3A_770 = vector.shape_cast %add3A_765 : vector<16xf32> to vector<1x16xf32>
        tpu.vector_store %arg15[%swap3A_766, %swap3A_767], %swap3A_770 {strides = array<i32>} : memref<128x64xf32, #tpu.memory_space<vmem>>, vector<1x16xf32>,
        %get3A_771 = arith.index_cast %scan3A_752 : i32 to index
        %get3A_772 = arith.constant 16 : index
        %get3A_773 = tpu.vector_load %arg13[%get3A_771, %get3A_772] {strides = array<i32>} : memref<128x128xf32, #tpu.memory_space<vmem>>, vector<1x16xf32>,
        %get3A_774 = vector.shape_cast %get3A_773 : vector<1x16xf32> to vector<16xf32>
        %mul3A_775 = arith.constant 8.000000e+00 : f32
        %mul3A_776 = vector.broadcast %mul3A_775 : f32 to vector<16xf32>
        %mul3A_777 = arith.mulf %get3A_774, %mul3A_776 : vector<16xf32>
        %add3A_778 = arith.constant 16 : i32
        %add3A_779 = arith.addi %add3A_750, %add3A_778 : i32
        %get3A_780 = arith.index_cast %add3A_779 : i32 to index
        %get3A_781 = tpu.vector_load %arg16[%get3A_780] {strides = array<i32>} : memref<20992xf32, #tpu.memory_space<vmem>>, vector<16xf32>,
        %get3A_782 = vector.shape_cast %get3A_781 : vector<16xf32> to vector<16xf32>
        %add3A_783 = arith.addf %mul3A_777, %get3A_782 : vector<16xf32>
        %swap3A_784 = arith.index_cast %scan3A_752 : i32 to index
        %swap3A_785 = arith.constant 16 : index
        %swap3A_786 = tpu.vector_load %arg15[%swap3A_784, %swap3A_785] {strides = array<i32>} : memref<128x64xf32, #tpu.memory_space<vmem>>, vector<1x16xf32>,
        %swap3A_787 = vector.shape_cast %swap3A_786 : vector<1x16xf32> to vector<16xf32>
        %swap3A_788 = vector.shape_cast %add3A_783 : vector<16xf32> to vector<1x16xf32>
        tpu.vector_store %arg15[%swap3A_784, %swap3A_785], %swap3A_788 {strides = array<i32>} : memref<128x64xf32, #tpu.memory_space<vmem>>, vector<1x16xf32>,
        %get3A_789 = arith.index_cast %scan3A_752 : i32 to index
        %get3A_790 = arith.constant 32 : index
        %get3A_791 = tpu.vector_load %arg13[%get3A_789, %get3A_790] {strides = array<i32>} : memref<128x128xf32, #tpu.memory_space<vmem>>, vector<1x16xf32>,
        %get3A_792 = vector.shape_cast %get3A_791 : vector<1x16xf32> to vector<16xf32>
        %mul3A_793 = arith.constant 8.000000e+00 : f32
        %mul3A_794 = vector.broadcast %mul3A_793 : f32 to vector<16xf32>
        %mul3A_795 = arith.mulf %get3A_792, %mul3A_794 : vector<16xf32>
        %add3A_796 = arith.constant 32 : i32
        %add3A_797 = arith.addi %add3A_750, %add3A_796 : i32
        %get3A_798 = arith.index_cast %add3A_797 : i32 to index
        %get3A_799 = tpu.vector_load %arg16[%get3A_798] {strides = array<i32>} : memref<20992xf32, #tpu.memory_space<vmem>>, vector<16xf32>,
        %get3A_800 = vector.shape_cast %get3A_799 : vector<16xf32> to vector<16xf32>
        %add3A_801 = arith.addf %mul3A_795, %get3A_800 : vector<16xf32>
        %swap3A_802 = arith.index_cast %scan3A_752 : i32 to index
        %swap3A_803 = arith.constant 32 : index
        %swap3A_804 = tpu.vector_load %arg15[%swap3A_802, %swap3A_803] {strides = array<i32>} : memref<128x64xf32, #tpu.memory_space<vmem>>, vector<1x16xf32>,
        %swap3A_805 = vector.shape_cast %swap3A_804 : vector<1x16xf32> to vector<16xf32>
        %swap3A_806 = vector.shape_cast %add3A_801 : vector<16xf32> to vector<1x16xf32>
        tpu.vector_store %arg15[%swap3A_802, %swap3A_803], %swap3A_806 {strides = array<i32>} : memref<128x64xf32, #tpu.memory_space<vmem>>, vector<1x16xf32>,
        %get3A_807 = arith.index_cast %scan3A_752 : i32 to index
        %get3A_808 = arith.constant 48 : index
        %get3A_809 = tpu.vector_load %arg13[%get3A_807, %get3A_808] {strides = array<i32>} : memref<128x128xf32, #tpu.memory_space<vmem>>, vector<1x16xf32>,
        %get3A_810 = vector.shape_cast %get3A_809 : vector<1x16xf32> to vector<16xf32>
        %mul3A_811 = arith.constant 8.000000e+00 : f32
        %mul3A_812 = vector.broadcast %mul3A_811 : f32 to vector<16xf32>
        %mul3A_813 = arith.mulf %get3A_810, %mul3A_812 : vector<16xf32>
        %add3A_814 = arith.constant 48 : i32
        %add3A_815 = arith.addi %add3A_750, %add3A_814 : i32
        %get3A_816 = arith.index_cast %add3A_815 : i32 to index
        %get3A_817 = tpu.vector_load %arg16[%get3A_816] {strides = array<i32>} : memref<20992xf32, #tpu.memory_space<vmem>>, vector<16xf32>,
        %get3A_818 = vector.shape_cast %get3A_817 : vector<16xf32> to vector<16xf32>
        %add3A_819 = arith.addf %mul3A_813, %get3A_818 : vector<16xf32>
        %swap3A_820 = arith.index_cast %scan3A_752 : i32 to index
        %swap3A_821 = arith.constant 48 : index
        %swap3A_822 = tpu.vector_load %arg15[%swap3A_820, %swap3A_821] {strides = array<i32>} : memref<128x64xf32, #tpu.memory_space<vmem>>, vector<1x16xf32>,
        %swap3A_823 = vector.shape_cast %swap3A_822 : vector<1x16xf32> to vector<16xf32>
        %swap3A_824 = vector.shape_cast %add3A_819 : vector<16xf32> to vector<1x16xf32>
        tpu.vector_store %arg15[%swap3A_820, %swap3A_821], %swap3A_824 {strides = array<i32>} : memref<128x64xf32, #tpu.memory_space<vmem>>, vector<1x16xf32>,
        %add3A_825 = arith.constant 64 : i32
        %add3A_826 = arith.addi %add3A_750, %add3A_825 : i32
        scf.yield %add3A_826 : i32
      }
      %scan3A_213 = arith.constant 128 : i32
      %mul3A_214 = arith.constant 128 : i32
      %mul3A_215 = arith.muli %add3A_176, %mul3A_214 : i32
      %add3A_216 = arith.addi %mul3A_2, %mul3A_215 : i32
      %dma_start3A_217 = arith.constant 0 : i32
      %dma_start3A_218 = tpu.memref_slice %arg5[%add3A_216, %dma_start3A_217] : memref<819200x64xf32, #tpu.memory_space<hbm>> -> memref<128x64xf32, #tpu.memory_space<hbm>>
      %dma_start3A_219 = arith.constant 0 : i32
      %dma_start3A_220 = tpu.memref_slice %arg5[%add3A_216, %dma_start3A_219] : memref<819200x64xf32, #tpu.memory_space<hbm>> -> memref<128x64xf32, #tpu.memory_space<hbm>>
      tpu.enqueue_dma source(%arg15 : memref<128x64xf32, #tpu.memory_space<vmem>>) target(%dma_start3A_220 : memref<128x64xf32, #tpu.memory_space<hbm>>) target_semaphore(%arg26 : memref<!tpu.dma_semaphore, #tpu.memory_space<semaphore_mem>>)
    }
    %scan3A_20 = arith.constant 50 : i32
    %dma_wait3A_21 = arith.constant 0 : i32
    %dma_wait3A_22 = arith.constant 0 : i32
    %dma_wait3A_23 = tpu.memref_slice %arg5[%dma_wait3A_21, %dma_wait3A_22] : memref<819200x64xf32, #tpu.memory_space<hbm>> -> memref<128x64xf32, #tpu.memory_space<hbm>>
    %dma_wait3A_24 = arith.constant 0 : i32
    %dma_wait3A_25 = arith.constant 0 : i32
    %dma_wait3A_26 = tpu.memref_slice %arg5[%dma_wait3A_24, %dma_wait3A_25] : memref<819200x64xf32, #tpu.memory_space<hbm>> -> memref<128x64xf32, #tpu.memory_space<hbm>>
    tpu.wait_dma2 semaphore(%arg25 : memref<!tpu.dma_semaphore, #tpu.memory_space<semaphore_mem>>) src(%arg14 : memref<128x64xf32, #tpu.memory_space<vmem>>) dst(%dma_wait3A_26 : memref<128x64xf32, #tpu.memory_space<hbm>>)
    %dma_wait3A_27 = arith.constant 0 : i32
    %dma_wait3A_28 = arith.constant 0 : i32
    %dma_wait3A_29 = tpu.memref_slice %arg5[%dma_wait3A_27, %dma_wait3A_28] : memref<819200x64xf32, #tpu.memory_space<hbm>> -> memref<128x64xf32, #tpu.memory_space<hbm>>
    %dma_wait3A_30 = arith.constant 0 : i32
    %dma_wait3A_31 = arith.constant 0 : i32
    %dma_wait3A_32 = tpu.memref_slice %arg5[%dma_wait3A_30, %dma_wait3A_31] : memref<819200x64xf32, #tpu.memory_space<hbm>> -> memref<128x64xf32, #tpu.memory_space<hbm>>
    tpu.wait_dma2 semaphore(%arg26 : memref<!tpu.dma_semaphore, #tpu.memory_space<semaphore_mem>>) src(%arg15 : memref<128x64xf32, #tpu.memory_space<vmem>>) dst(%dma_wait3A_32 : memref<128x64xf32, #tpu.memory_space<hbm>>)
    return
  }
}

</mosaic_0001>

<sc_bundles>
// kernel: kernel.4.cloned.1.call-start
scs
__scs_entry_jumppad:
0x0: {  	(pc) =	sbr.rel $0x88, $3  }
0x1: {  	(tag) =	ssettag $0x0;
	lr =	simm.s32 $0x1  }
0x2: {  	[smem:$0x3F9E] =	sst lr;
	_ =	strace $0xD0000000  }
0x3: {  	_ = 	snop  }
0x4: {  	_ = 	snop  }
0x5: {  	_ = 	snop  }
0x6: {  	_ = 	snop  }
0x7: {  	_ = 	snop  }
__scs_overlays_trampoline_lowered:
0x8: {  	[smem:$0x3FAD] =	sst s0  }
0x9: {  	[smem:$0x3FAE] =	sst s1  }
0xa: {  	[smem:$0x3FAF] =	sst s2  }
0xb: {  	[smem:$0x3FB0] =	sst s3  }
0xc: {  	[smem:$0x3FB1] =	sst s4  }
0xd: {  	[smem:$0x3FB2] =	sst s5  }
0xe: {  	[smem:$0x3FB3] =	sst s6  }
0xf: {  	[smem:$0x3FB4] =	sst s7  }
0x10: {  	[smem:$0x3FB5] =	sst s8  }
0x11: {  	[smem:$0x3FB6] =	sst s9;
	s0 =	simm.s32 @!p0 $0x0  }
0x12: {  	s1 =	sld [smem:$0x3F9C];
	s0 =	simm.s32 @p0 $0x1  }
0x13: {  	[smem:$0x3FB7] =	sst s0;
	s0 =	simm.s32 @!p1 $0x0  }
0x14: {  	s2 =	sld [smem:$0x3F9B];
	s0 =	simm.s32 @p1 $0x1  }
0x15: {  	[smem:$0x3FB8] =	sst s0;
	s0 =	simm.s32 @!p2 $0x0  }
0x16: {  	s3 =	sld [smem:$0x3FDB];
	s0 =	simm.s32 @p2 $0x1  }
0x17: {  	s4 =	simm.s32 $0x1BF5;
	[smem:$0x3FBA] =	sst s0  }
0x18: {  	s0 =	sld [smem:$0x3F9D];
	_ =	swait.ge [sflag:s4], $0x0  }
0x19: {  	s7 =	sld [smem:$0x3F9E]  }
0x1a: {  	s8 =	sadd.s32 $0xFFFFE003, lr  }
0x1b: {  	s9 =	sadd.s32 $0xFFFFFEF7, lr;
	s5 =	simm.s32 $0xFFFFFFFF;
	p2 =	slt.u32 s8, $0xFFFFF086  }
0x1c: {  	p1 =	slt.u32 s9, $0xF7A;
	s5 =	simm.s32 @!p2 $0x0  }
0x1d: {  	s5 =	simm.s32 @p1 $0x1;
	p0 =	seq.s32 s7, s2  }
0x1e: {  	s7 =	smul.u32 @!p0 $0xF7A, s2;
	p2 =	seq.s32 @!p0 s5, $0x0  }
0x1f: {  	s9 =	smul.u32 $0xF7A, s1;
	s8 =	simm.s32 @!p0 $0x1BF5;
	p2 =	por !p2, p0  }
0x20: {  	[sflag:s8] =	ssyncset.s32 @!p0 $0xFFFFF086;
	s6 =	sadd.s32 @!p0 s3, s7;
	s7 =	simm.s32 @!p0 $0x108  }
0x21: {  	s3 =	sadd.s32 s3, s9;
	s6 =	sadd.s32 @!p0 $0x88, s6;
	s7 =	simm.s32 @p2 $0x1082  }
0x22: {  	[simem:s7], [sflag:s8] =	dma.local @!p0 [hbm:s6], $0xF7A  }
0x23: {  	s9 =	sor.u32 $0xD0000000, s2;
	s6 =	simm.s32 $0x108;
	_ =	swait.ge @!p0 [sflag:s8], $0x0  }
0x24: {  	s3 =	sadd.s32 $0x88, s3;
	s6 =	simm.s32 @!p1 $0x1082;
	[sflag:s4] =	ssyncset.s32 $0xFFFFF086  }
0x25: {  	[simem:s6], [sflag:s4] =	dma.local [hbm:s3], $0xF7A  }
0x26: {  	[smem:$0x3F9E] =	sst s1;
	(tag) =	ssettag s2;
	_ =	strace s9  }
0x27: {  	s1 =	sld [smem:$0x3FAE]  }
0x28: {  	s2 =	sld [smem:$0x3FAF]  }
0x29: {  	s4 =	sld [smem:$0x3FB1]  }
0x2a: {  	p0 =	seq.s32 s5, $0x0;
	s5 =	sld [smem:$0x3FB2]  }
0x2b: {  	s6 =	sld [smem:$0x3FB3]  }
0x2c: {  	s7 =	sld [smem:$0x3FB4]  }
0x2d: {  	s3 =	simm.s32 $0x108;
	s8 =	sld [smem:$0x3FB5]  }
0x2e: {  	s3 =	simm.s32 @!p0 $0x1082;
	s9 =	sld [smem:$0x3FB6]  }
0x2f: {  	lr =	sadd.s32 s0, s3;
	s0 =	sld [smem:$0x3FAD]  }
0x30: {  	s3 =	sld [smem:$0x3FB0]  }
0x31: {  	[smem:$0x3FB9] =	sst s10  }
0x32: {  	s10 =	sld [smem:$0x3FB7];
	_ =	sdelay $0x3  }
0x33: {  	p0 =	seq.s32 s10, $0x1;
	s10 =	sld [smem:$0x3FB9];
	_ =	sdelay $0x3  }
0x34: {  	[smem:$0x3FB9] =	sst s10  }
0x35: {  	s10 =	sld [smem:$0x3FB8];
	_ =	sdelay $0x3  }
0x36: {  	p1 =	seq.s32 s10, $0x1;
	s10 =	sld [smem:$0x3FB9];
	_ =	sdelay $0x3  }
0x37: {  	[smem:$0x3FB9] =	sst s10  }
0x38: {  	s10 =	sld [smem:$0x3FBA]  }
0x39: {  	_ = 	snop;
	(pc) =	sbr.ind lr, $3  }
0x3a: {  	_ = 	snop  }
0x3b: {  	_ = 	snop  }
0x3c: {  	p2 =	seq.s32 s10, $0x1;
	s10 =	sld [smem:$0x3FB9]  }
0x3d: {  	_ =	shalt  }
0x3e: {  	_ =	shalt  }
0x3f: {  	_ =	shalt  }
0x40: {  	_ =	shalt  }
0x41: {  	_ =	shalt  }
0x42: {  	_ =	shalt  }
0x43: {  	_ =	shalt  }
0x44: {  	_ =	shalt  }
0x45: {  	_ =	shalt  }
0x46: {  	_ =	shalt  }
0x47: {  	_ =	shalt  }
0x48: {  	_ =	shalt  }
0x49: {  	_ =	shalt  }
0x4a: {  	_ =	shalt  }
0x4b: {  	_ =	shalt  }
0x4c: {  	_ =	shalt  }
0x4d: {  	_ =	shalt  }
0x4e: {  	_ =	shalt  }
0x4f: {  	_ =	shalt  }
0x50: {  	_ =	shalt  }
0x51: {  	_ =	shalt  }
0x52: {  	_ =	shalt  }
0x53: {  	_ =	shalt  }
0x54: {  	_ =	shalt  }
0x55: {  	_ =	shalt  }
0x56: {  	_ =	shalt  }
0x57: {  	_ =	shalt  }
0x58: {  	_ =	shalt  }
0x59: {  	_ =	shalt  }
0x5a: {  	_ =	shalt  }
0x5b: {  	_ =	shalt  }
0x5c: {  	_ =	shalt  }
0x5d: {  	_ =	shalt  }
0x5e: {  	_ =	shalt  }
0x5f: {  	_ =	shalt  }
0x60: {  	_ =	shalt  }
0x61: {  	_ =	shalt  }
0x62: {  	_ =	shalt  }
0x63: {  	_ =	shalt  }
0x64: {  	_ =	shalt  }
0x65: {  	_ =	shalt  }
0x66: {  	_ =	shalt  }
0x67: {  	_ =	shalt  }
0x68: {  	_ =	shalt  }
0x69: {  	_ =	shalt  }
0x6a: {  	_ =	shalt  }
0x6b: {  	_ =	shalt  }
0x6c: {  	_ =	shalt  }
0x6d: {  	_ =	shalt  }
0x6e: {  	_ =	shalt  }
0x6f: {  	_ =	shalt  }
0x70: {  	_ =	shalt  }
0x71: {  	_ =	shalt  }
0x72: {  	_ =	shalt  }
0x73: {  	_ =	shalt  }
0x74: {  	_ =	shalt  }
0x75: {  	_ =	shalt  }
0x76: {  	_ =	shalt  }
0x77: {  	_ =	shalt  }
0x78: {  	_ =	shalt  }
0x79: {  	_ =	shalt  }
0x7a: {  	_ =	shalt  }
0x7b: {  	_ =	shalt  }
0x7c: {  	_ =	shalt  }
0x7d: {  	_ =	shalt  }
0x7e: {  	_ =	shalt  }
0x7f: {  	_ =	shalt  }
0x80: {  	_ =	shalt  }
0x81: {  	_ =	shalt  }
0x82: {  	_ =	shalt  }
0x83: {  	_ =	shalt  }
0x84: {  	_ =	shalt  }
0x85: {  	_ =	shalt  }
0x86: {  	_ =	shalt  }
0x87: {  	_ =	shalt  }
.Lfunc_end0:
.L_simem_size_0:
called_computation.1_lowered:
.L_overlay_start_0:
0x88: {  	s2 =	sld [smem:$0x3FD9]  }
0x89: {  	s3 =	sld [smem:$0x3FFE];
	_ =	sdelay $0x1  }
0x8a: {  	s1 =	srdreg.scid  }
0x8b: {  	s0 =	sand.u32 $0x1, s1  }
0x8c: {  	s16 =	sshll.u32 s0, $0xA;
	s2 =	sadd.s32 s3, s2  }
0x8d: {  	s2 =	sadd.s32 s2, s16  }
0x8e: {  	[smem:$0x3FC5] =	sst s2  }
0x8f: {  	_ = 	snop  }
0x90: {  	(tm) =	ssettm $0x1  }
0x91: {  	s17 =	sld [smem:$0x3FFB];
	_ =	sdelay $0x3  }
0x92: {  	_ =	strace s17  }
0x93: {  	s2 =	sld [smem:$0x3FFC];
	_ =	sdelay $0x3  }
0x94: {  	_ =	strace s2  }
0x95: {  	s2 =	sld [smem:$0x3FFD];
	_ =	sdelay $0x3  }
0x96: {  	_ =	strace s2  }
0x97: {  	_ =	strace $0x8FFFFFFF  }
0x98: {  	s18 =	sld [smem:$0x3FDB];
	_ =	sdelay $0x1  }
0x99: {  	s19 =	simm.s32 $_scs_section_size  }
0x9a: {  	s4 =	simm.s32 $_size__tile_overlayer_lowered;
	s5 =	simm.s32 $_tile_overlayer_lowered  }
0x9b: {  	s22 =	simm.s32 $0x1BFF;
	s21 =	sshll.u32 s5, $0x1;
	s2 =	sadd.s32 s19, s18  }
0x9c: {  	s6 =	simm.s32 $0x0;
	s20 =	sshll.u32 s4, $0x1;
	s4 =	sadd.s32 s21, s2  }
0x9d: {  	[timem:s6], [sflag:s22] =	dma.local [hbm:s4], s20  }
0x9e: {  	_ =	swait.ge [sflag:s22], s20  }
0x9f: {  	s3 =	ssub.s32 $0x0, s20;
	[sflag:s22] =	ssyncset.done $0x0  }
0xa0: {  	[sflag:s22] =	ssyncadd.s32 s3;
	_ =	sdelay $0x1  }
0xa1: {  	s23 =	simm.s32 $0x1B8B  }
0xa2: {  	_ =	swait.ge [sflag:s23], $0x1  }
0xa3: {  	[sflag:s23] =	ssyncset.done $0x0  }
0xa4: {  	s25 =	simm.s32 $0x1B8E;
	s24 =	sld [smem:$0x3FFE];
	[sflag:s23] =	ssyncadd.s32 $0xFFFFFFFF  }
0xa5: {  	s26 =	simm.s32 $execute0_lowered;
	[smem:$0x3FD2] =	sst s25  }
0xa6: {  	s4 =	sshll.u32 s26, $0x1;
	_ =	strace $0x80000046;
	[dreg:$0x1] =	wrdreg $0xFFFFFFFF  }
0xa7: {  	s28 =	simm.s32 $_size_execute0_lowered;
	s2 =	sadd.s32 s2, s4;
	[dreg:$0x0] =	wrdreg $0x0  }
0xa8: {  	s4 =	sshll.u32 s28, $0x1;
	[dreg:$0x2] =	wrdreg s2  }
0xa9: {  	[dreg:$0x3] =	wrdreg s4  }
0xaa: {  	[dreg:$0x4] =	wrdreg $0xC0  }
0xab: {  	_ =	task [dreg:s6], $0x5FFFF  }
0xac: {  	[dreg:$0x1] =	wrdreg $0xFFFFFFFF  }
0xad: {  	[dreg:$0x0] =	wrdreg $0x60  }
0xae: {  	[dreg:$0x2] =	wrdreg s24  }
0xaf: {  	[dreg:$0x3] =	wrdreg $0x9  }
0xb0: {  	_ =	task.clear_ibuf [dreg:s6], $0x4FFFF;
	_ =	strace $0x90000046  }
0xb1: {  	s29 =	simm.s32 $0x9;
	_ =	strace $0x80000048  }
0xb2: {  	_ =	swait.ge [sflag:s29], $0x1  }
0xb3: {  	[sflag:s29] =	ssyncadd.s32 $0xFFFFFFFF  }
0xb4: {  	_ =	strace $0x90000048  }
0xb5: {  	_ =	sfence  }
0xb6: {  	s30 =	sld [smem:$0x0];
	_ =	sdelay $0x2  }
0xb7: {  	s31 =	sshll.u32 s1, $0xD;
	s1 =	sshrl.u32 s1, $0x2  }
0xb8: {  	s3 =	sand.u32 $0x4000, s31;
	s1 =	sadd.s32 s1, s30  }
0xb9: {  	s0 =	sor.u32 s3, s0;
	s1 =	sshll.u32 s1, $0x11  }
0xba: {  	s0 =	sor.u32 s1, s0  }
0xbb: {  	s0 =	sadd.s32 $0x8F2B, s0  }
0xbc: {  	[sflag:s0] =	ssyncadd.remote.s32 $0x1  }
0xbd: {  	_ =	sfence.sel $0xFFFF  }
0xbe: {  	[dreg:$0x0] =	wrdreg $0xFFFFFFFF;
	(pc) =	sbr.abs _section_cstart, $3  }
0xbf: {  	[dreg:$0x1] =	wrdreg $0xFFFFFFFF  }
0xc0: {  	_ =	task.clear_ibuf [dreg:s6], $0x2FFFF;
	_ =	strace $0x9FFFFFFF  }
0xc1: {  	(tm) =	ssettm $0x7FFFFFFF  }
tec
execute0_lowered:
.L_overlay_start_1:
0x0: {  	(tag) =	ssettag $0x1  }
0x1: {  	s1 =	srdreg.scid  }
0x2: {  	s0 =	stileid.u32;
	s10 =	rddreg [dreg:$0x0]  }
0x3: {  	s2 =	simm.s32 $0x0;
	s12 =	simm.s32 $0x5400;
	s13 =	simm.s32 $0x1  }
0x4: {  	s14 =	simm.s32 $0xA800;
	s15 =	simm.s32 $0x2;
	s16 =	simm.s32 $0x4  }
0x5: {  	s17 =	simm.s32 $0xFC00;
	s3 =	sand.u32 $0x1, s1;
	s1 =	rddreg [dreg:$0x1]  }
0x6: {  	s19 =	simm.s32 $0x0;
	s4 =	sshll.u32 s0, $0x1;
	[smem:$0x7FF] =	sst s2  }
0x7: {  	s5 =	sadd.s32 $0xF43400, s10;
	s9 =	sadd.s32 $0xF43000, s10;
	s18 =	sor.u32 s3, s4  }
.Ltmp0:
0x8: {  	s6 =	ssub.s32 $0x2, s3;
	_ =	strace $0x80000047;
	(pc) =	sbr.rel .LBB2_1-.Ltmp0, $4  }
0x9: {  	s4 =	sadd.s32 $0x1000, s10;
	s10 =	sadd.s32 $0x1E85400, s10;
	s8 =	smul.u32 $0x7A100, s18  }
0xa: {  	s3 =	smul.u32 $0x7A10, s18;
	s7 =	sshrl.u32 s6, $0x1;
	p0 =	sne.s32 s18, $0x1F  }
0xb: {  	s18 =	simm.s32 $0x3;
	s11 =	ssub.s32 s6, s7;
	s6 =	sadd.s32 s4, s8  }
0xc: {  	s7 =	sadd.s32 $0xA8, s3;
	s8 =	sadd.s32 $0x150, s3;
	s11 =	smax.u32 s11, $0x1  }
.LBB2_15:
0xd: {  	s19 =	sadd.s32 $0x1, s19  }
0xe: {  	p1 =	sne.s32 s19, s11  }
.Ltmp1:
0xf: {  	_ = 	snop;
	(pc) =	sbr.rel @!p1 .LBB2_16-.Ltmp1, $1  }
0x10: {  	_ =	sdelay $0x3  }
.LBB2_1:
0x11: {  	[tilespmem:s2], [sflag:$0x1] =	stream.linear.gather [hbm4b:s6+s2], $0x5400, $0x38;
	[tilespmem:$0x15000] =	vst v63  }
0x12: {  	s20 =	simm.s32 $0x0  }
.LBB2_2:
0x13: {  	s22 =	smul.u32 $0x150, s20;
	_ =	sdelay $0x1  }
0x14: {  	s21 =	sadd.s32 s22, s7  }
0x15: {  	s21 =	sshll.u32 s21, $0x4  }
0x16: {  	s23 =	sadd.s32 s4, s21  }
0x17: {  	[tilespmem:s12], [sflag:$0x2] =	stream.linear.gather [hbm4b:s23+s2], $0x5400, $0x38;
	[tilespmem:$0x15000] =	vst v63  }
0x18: {  	_ =	swait.ge [sflag:s13], $0x5400  }
0x19: {  	p1 =	seq.s32 s20, $0x0;
	[sflag:s13] =	ssyncset.done $0x0  }
0x1a: {  	s23 =	simm.s32 @!p1 $0x3;
	[sflag:s13] =	ssyncadd.s32 $0xFFFFAC00  }
0x1b: {  	_ =	swait.ge @!p1 [sflag:s23], $0x5400  }
0x1c: {  	[sflag:s23] =	ssyncset.done @!p1 $0x0  }
0x1d: {  	s24 =	simm.s32 $0x200;
	[sflag:s23] =	ssyncadd.s32 @!p1 $0xFFFFAC00  }
0x1e: {  	v0 =	vld [tilespmem:s24+$0xFFFFFE00];
	_ =	sdelay $0x3  }
0x1f: {  	s23 =	simm.s32 $0xAA00  }
0x20: {  	[tilespmem:s23+$0xFFFFFE00] =	vst v0  }
0x21: {  	v0 =	vld [tilespmem:s24+$0xFFFFFE10];
	_ =	sdelay $0x4  }
0x22: {  	[tilespmem:s23+$0xFFFFFE10] =	vst v0  }
0x23: {  	v0 =	vld [tilespmem:s24+$0xFFFFFE20];
	_ =	sdelay $0x4  }
0x24: {  	[tilespmem:s23+$0xFFFFFE20] =	vst v0  }
0x25: {  	v0 =	vld [tilespmem:s24+$0xFFFFFE30];
	_ =	sdelay $0x4  }
0x26: {  	[tilespmem:s23+$0xFFFFFE30] =	vst v0  }
0x27: {  	v0 =	vld [tilespmem:s24+$0xFFFFFE80];
	_ =	sdelay $0x4  }
0x28: {  	[tilespmem:s23+$0xFFFFFE80] =	vst v0  }
0x29: {  	v0 =	vld [tilespmem:s24+$0xFFFFFE90];
	_ =	sdelay $0x4  }
0x2a: {  	[tilespmem:s23+$0xFFFFFE90] =	vst v0  }
0x2b: {  	v0 =	vld [tilespmem:s24+$0xFFFFFEA0];
	_ =	sdelay $0x4  }
0x2c: {  	[tilespmem:s23+$0xFFFFFEA0] =	vst v0  }
0x2d: {  	v0 =	vld [tilespmem:s24+$0xFFFFFEB0];
	_ =	sdelay $0x4  }
0x2e: {  	[tilespmem:s23+$0xFFFFFEB0] =	vst v0  }
0x2f: {  	v0 =	vld [tilespmem:s24+$0xFFFFFF00];
	_ =	sdelay $0x4  }
0x30: {  	[tilespmem:s23+$0xFFFFFF00] =	vst v0  }
0x31: {  	v0 =	vld [tilespmem:s24+$0xFFFFFF10];
	_ =	sdelay $0x4  }
0x32: {  	[tilespmem:s23+$0xFFFFFF10] =	vst v0  }
0x33: {  	v0 =	vld [tilespmem:s24+$0xFFFFFF20];
	_ =	sdelay $0x4  }
0x34: {  	[tilespmem:s23+$0xFFFFFF20] =	vst v0  }
0x35: {  	v0 =	vld [tilespmem:s24+$0xFFFFFF30];
	_ =	sdelay $0x4  }
0x36: {  	[tilespmem:s23+$0xFFFFFF30] =	vst v0  }
0x37: {  	v0 =	vld [tilespmem:s24+$0xFFFFFF80];
	_ =	sdelay $0x4  }
0x38: {  	[tilespmem:s23+$0xFFFFFF80] =	vst v0  }
0x39: {  	v0 =	vld [tilespmem:s24+$0xFFFFFF90];
	_ =	sdelay $0x4  }
0x3a: {  	[tilespmem:s23+$0xFFFFFF90] =	vst v0  }
0x3b: {  	v0 =	vld [tilespmem:s24+$0xFFFFFFA0];
	_ =	sdelay $0x4  }
0x3c: {  	[tilespmem:s23+$0xFFFFFFA0] =	vst v0  }
0x3d: {  	v0 =	vld [tilespmem:s24+$0xFFFFFFB0];
	_ =	sdelay $0x4  }
0x3e: {  	[tilespmem:s23+$0xFFFFFFB0] =	vst v0  }
0x3f: {  	v0 =	vld [tilespmem:s24+$0x0];
	_ =	sdelay $0x4  }
0x40: {  	[tilespmem:s23+$0x0] =	vst v0  }
0x41: {  	v0 =	vld [tilespmem:s24+$0x10];
	_ =	sdelay $0x4  }
0x42: {  	[tilespmem:s23+$0x10] =	vst v0  }
0x43: {  	v0 =	vld [tilespmem:s24+$0x20];
	_ =	sdelay $0x4  }
0x44: {  	[tilespmem:s23+$0x20] =	vst v0  }
0x45: {  	v0 =	vld [tilespmem:s24+$0x30];
	_ =	sdelay $0x4  }
0x46: {  	[tilespmem:s23+$0x30] =	vst v0  }
0x47: {  	v0 =	vld [tilespmem:s24+$0x80];
	_ =	sdelay $0x4  }
0x48: {  	[tilespmem:s23+$0x80] =	vst v0  }
0x49: {  	v0 =	vld [tilespmem:s24+$0x90];
	_ =	sdelay $0x4  }
0x4a: {  	[tilespmem:s23+$0x90] =	vst v0  }
0x4b: {  	v0 =	vld [tilespmem:s24+$0xA0];
	_ =	sdelay $0x4  }
0x4c: {  	[tilespmem:s23+$0xA0] =	vst v0  }
0x4d: {  	v0 =	vld [tilespmem:s24+$0xB0];
	_ =	sdelay $0x4  }
0x4e: {  	[tilespmem:s23+$0xB0] =	vst v0  }
0x4f: {  	v0 =	vld [tilespmem:s24+$0x100];
	_ =	sdelay $0x4  }
0x50: {  	[tilespmem:s23+$0x100] =	vst v0  }
0x51: {  	v0 =	vld [tilespmem:s24+$0x110];
	_ =	sdelay $0x4  }
0x52: {  	[tilespmem:s23+$0x110] =	vst v0  }
0x53: {  	v0 =	vld [tilespmem:s24+$0x120];
	_ =	sdelay $0x4  }
0x54: {  	[tilespmem:s23+$0x120] =	vst v0  }
0x55: {  	v0 =	vld [tilespmem:s24+$0x130];
	_ =	sdelay $0x4  }
0x56: {  	[tilespmem:s23+$0x130] =	vst v0  }
0x57: {  	v0 =	vld [tilespmem:s24+$0x180];
	_ =	sdelay $0x4  }
0x58: {  	[tilespmem:s23+$0x180] =	vst v0  }
0x59: {  	v0 =	vld [tilespmem:s24+$0x190];
	_ =	sdelay $0x4  }
0x5a: {  	[tilespmem:s23+$0x190] =	vst v0  }
0x5b: {  	v0 =	vld [tilespmem:s24+$0x1A0];
	_ =	sdelay $0x4  }
0x5c: {  	[tilespmem:s23+$0x1A0] =	vst v0  }
0x5d: {  	v0 =	vld [tilespmem:s24+$0x1B0];
	_ =	sdelay $0x4  }
0x5e: {  	s25 =	simm.s32 $0x600;
	s24 =	simm.s32 $0x0;
	[tilespmem:s23+$0x1B0] =	vst v0  }
.LBB2_3:
0x5f: {  	v0 =	vld [tilespmem:s25+$0xFFFFFE00];
	s24 =	sadd.s32 $0x8, s24  }
0x60: {  	p2 =	slt.u32 s24, $0xA0;
	_ =	sdelay $0x2  }
0x61: {  	s23 =	sadd.s32 $0x400, s23  }
0x62: {  	[tilespmem:s23+$0xFFFFFE00] =	vst v0  }
0x63: {  	v0 =	vld [tilespmem:s25+$0xFFFFFE10];
	_ =	sdelay $0x4  }
0x64: {  	[tilespmem:s23+$0xFFFFFE10] =	vst v0  }
0x65: {  	v0 =	vld [tilespmem:s25+$0xFFFFFE20];
	_ =	sdelay $0x4  }
0x66: {  	[tilespmem:s23+$0xFFFFFE20] =	vst v0  }
0x67: {  	v0 =	vld [tilespmem:s25+$0xFFFFFE30];
	_ =	sdelay $0x4  }
0x68: {  	[tilespmem:s23+$0xFFFFFE30] =	vst v0  }
0x69: {  	v0 =	vld [tilespmem:s25+$0xFFFFFE80];
	_ =	sdelay $0x4  }
0x6a: {  	[tilespmem:s23+$0xFFFFFE80] =	vst v0  }
0x6b: {  	v0 =	vld [tilespmem:s25+$0xFFFFFE90];
	_ =	sdelay $0x4  }
0x6c: {  	[tilespmem:s23+$0xFFFFFE90] =	vst v0  }
0x6d: {  	v0 =	vld [tilespmem:s25+$0xFFFFFEA0];
	_ =	sdelay $0x4  }
0x6e: {  	[tilespmem:s23+$0xFFFFFEA0] =	vst v0  }
0x6f: {  	v0 =	vld [tilespmem:s25+$0xFFFFFEB0];
	_ =	sdelay $0x4  }
0x70: {  	[tilespmem:s23+$0xFFFFFEB0] =	vst v0  }
0x71: {  	v0 =	vld [tilespmem:s25+$0xFFFFFF00];
	_ =	sdelay $0x4  }
0x72: {  	[tilespmem:s23+$0xFFFFFF00] =	vst v0  }
0x73: {  	v0 =	vld [tilespmem:s25+$0xFFFFFF10];
	_ =	sdelay $0x4  }
0x74: {  	[tilespmem:s23+$0xFFFFFF10] =	vst v0  }
0x75: {  	v0 =	vld [tilespmem:s25+$0xFFFFFF20];
	_ =	sdelay $0x4  }
0x76: {  	[tilespmem:s23+$0xFFFFFF20] =	vst v0  }
0x77: {  	v0 =	vld [tilespmem:s25+$0xFFFFFF30];
	_ =	sdelay $0x4  }
0x78: {  	[tilespmem:s23+$0xFFFFFF30] =	vst v0  }
0x79: {  	v0 =	vld [tilespmem:s25+$0xFFFFFF80];
	_ =	sdelay $0x4  }
0x7a: {  	[tilespmem:s23+$0xFFFFFF80] =	vst v0  }
0x7b: {  	v0 =	vld [tilespmem:s25+$0xFFFFFF90];
	_ =	sdelay $0x4  }
0x7c: {  	[tilespmem:s23+$0xFFFFFF90] =	vst v0  }
0x7d: {  	v0 =	vld [tilespmem:s25+$0xFFFFFFA0];
	_ =	sdelay $0x4  }
0x7e: {  	[tilespmem:s23+$0xFFFFFFA0] =	vst v0  }
0x7f: {  	v0 =	vld [tilespmem:s25+$0xFFFFFFB0];
	_ =	sdelay $0x4  }
0x80: {  	[tilespmem:s23+$0xFFFFFFB0] =	vst v0  }
0x81: {  	v0 =	vld [tilespmem:s25+$0x0];
	_ =	sdelay $0x4  }
0x82: {  	[tilespmem:s23+$0x0] =	vst v0  }
0x83: {  	v0 =	vld [tilespmem:s25+$0x10];
	_ =	sdelay $0x4  }
0x84: {  	[tilespmem:s23+$0x10] =	vst v0  }
0x85: {  	v0 =	vld [tilespmem:s25+$0x20];
	_ =	sdelay $0x4  }
0x86: {  	[tilespmem:s23+$0x20] =	vst v0  }
0x87: {  	v0 =	vld [tilespmem:s25+$0x30];
	_ =	sdelay $0x4  }
0x88: {  	[tilespmem:s23+$0x30] =	vst v0  }
0x89: {  	v0 =	vld [tilespmem:s25+$0x80];
	_ =	sdelay $0x4  }
0x8a: {  	[tilespmem:s23+$0x80] =	vst v0  }
0x8b: {  	v0 =	vld [tilespmem:s25+$0x90];
	_ =	sdelay $0x4  }
0x8c: {  	[tilespmem:s23+$0x90] =	vst v0  }
0x8d: {  	v0 =	vld [tilespmem:s25+$0xA0];
	_ =	sdelay $0x4  }
0x8e: {  	[tilespmem:s23+$0xA0] =	vst v0  }
0x8f: {  	v0 =	vld [tilespmem:s25+$0xB0];
	_ =	sdelay $0x4  }
0x90: {  	[tilespmem:s23+$0xB0] =	vst v0  }
0x91: {  	v0 =	vld [tilespmem:s25+$0x100];
	_ =	sdelay $0x4  }
0x92: {  	[tilespmem:s23+$0x100] =	vst v0  }
0x93: {  	v0 =	vld [tilespmem:s25+$0x110];
	_ =	sdelay $0x4  }
0x94: {  	[tilespmem:s23+$0x110] =	vst v0  }
0x95: {  	v0 =	vld [tilespmem:s25+$0x120];
	_ =	sdelay $0x4  }
0x96: {  	[tilespmem:s23+$0x120] =	vst v0  }
0x97: {  	v0 =	vld [tilespmem:s25+$0x130];
	_ =	sdelay $0x4  }
0x98: {  	[tilespmem:s23+$0x130] =	vst v0  }
0x99: {  	v0 =	vld [tilespmem:s25+$0x180];
	_ =	sdelay $0x4  }
0x9a: {  	[tilespmem:s23+$0x180] =	vst v0  }
0x9b: {  	v0 =	vld [tilespmem:s25+$0x190];
	_ =	sdelay $0x4  }
0x9c: {  	[tilespmem:s23+$0x190] =	vst v0  }
0x9d: {  	v0 =	vld [tilespmem:s25+$0x1A0];
	_ =	sdelay $0x4  }
0x9e: {  	[tilespmem:s23+$0x1A0] =	vst v0  }
0x9f: {  	v0 =	vld [tilespmem:s25+$0x1B0]  }
.Ltmp2:
0xa0: {  	(pc) =	sbr.rel @p2 .LBB2_3-.Ltmp2, $2  }
0xa1: {  	_ =	sdelay $0x2  }
0xa2: {  	s25 =	sadd.s32 $0x400, s25;
	[tilespmem:s23+$0x1B0] =	vst v0  }
0xa3: {  	p2 =	sne.s32 s20, $0x5C  }
.Ltmp3:
0xa4: {  	_ = 	snop;
	(pc) =	sbr.rel @p2 .LBB2_6-.Ltmp3, $4  }
0xa5: {  	s23 =	sadd.s32 s3, s22  }
0xa6: {  	s23 =	sshll.u32 s23, $0x4  }
0xa7: {  	s23 =	sadd.s32 s5, s23  }
0xa8: {  	[hbm4b:s23+s2] =	stream.linear.scatter [tilespmem:s14], [sflag:$0x3], $0x5400, $0x38;
	[tilespmem:$0x15000] =	vst v63  }
.Ltmp4:
0xa9: {  	(pc) =	sbr.rel .LBB2_7-.Ltmp4, $4  }
0xaa: {  	_ = 	snop  }
0xab: {  	_ =	swait.ge [sflag:s15], $0x5400  }
0xac: {  	[sflag:s15] =	ssyncset.done $0x0  }
0xad: {  	[sflag:s15] =	ssyncadd.s32 $0xFFFFAC00  }
.LBB2_6:
0xae: {  	s22 =	sadd.s32 s22, s8  }
0xaf: {  	s22 =	sshll.u32 s22, $0x4  }
.Ltmp5:
0xb0: {  	s22 =	sadd.s32 s4, s22;
	(pc) =	sbr.rel @p1 .LBB2_8-.Ltmp5, $4  }
0xb1: {  	[tilespmem:s2], [sflag:$0x1] =	stream.linear.gather [hbm4b:s22+s2], $0x5400, $0x38;
	[tilespmem:$0x15000] =	vst v63  }
0xb2: {  	_ =	swait.ge [sflag:s15], $0x5400  }
0xb3: {  	[sflag:s15] =	ssyncset.done $0x0  }
0xb4: {  	[sflag:s15] =	ssyncadd.s32 $0xFFFFAC00  }
.LBB2_7:
0xb5: {  	_ =	swait.ge [sflag:s16], $0x5400  }
0xb6: {  	[sflag:s16] =	ssyncset.done $0x0  }
0xb7: {  	[sflag:s16] =	ssyncadd.s32 $0xFFFFAC00  }
.LBB2_8:
0xb8: {  	s23 =	simm.s32 $0x5600  }
0xb9: {  	v0 =	vld [tilespmem:s23+$0xFFFFFE00];
	_ =	sdelay $0x3  }
0xba: {  	s22 =	simm.s32 $0xFE00  }
0xbb: {  	[tilespmem:s22+$0xFFFFFE00] =	vst v0  }
0xbc: {  	v0 =	vld [tilespmem:s23+$0xFFFFFE10];
	_ =	sdelay $0x4  }
0xbd: {  	[tilespmem:s22+$0xFFFFFE10] =	vst v0  }
0xbe: {  	v0 =	vld [tilespmem:s23+$0xFFFFFE20];
	_ =	sdelay $0x4  }
0xbf: {  	[tilespmem:s22+$0xFFFFFE20] =	vst v0  }
0xc0: {  	v0 =	vld [tilespmem:s23+$0xFFFFFE30];
	_ =	sdelay $0x4  }
0xc1: {  	[tilespmem:s22+$0xFFFFFE30] =	vst v0  }
0xc2: {  	v0 =	vld [tilespmem:s23+$0xFFFFFE80];
	_ =	sdelay $0x4  }
0xc3: {  	[tilespmem:s22+$0xFFFFFE80] =	vst v0  }
0xc4: {  	v0 =	vld [tilespmem:s23+$0xFFFFFE90];
	_ =	sdelay $0x4  }
0xc5: {  	[tilespmem:s22+$0xFFFFFE90] =	vst v0  }
0xc6: {  	v0 =	vld [tilespmem:s23+$0xFFFFFEA0];
	_ =	sdelay $0x4  }
0xc7: {  	[tilespmem:s22+$0xFFFFFEA0] =	vst v0  }
0xc8: {  	v0 =	vld [tilespmem:s23+$0xFFFFFEB0];
	_ =	sdelay $0x4  }
0xc9: {  	[tilespmem:s22+$0xFFFFFEB0] =	vst v0  }
0xca: {  	v0 =	vld [tilespmem:s23+$0xFFFFFF00];
	_ =	sdelay $0x4  }
0xcb: {  	[tilespmem:s22+$0xFFFFFF00] =	vst v0  }
0xcc: {  	v0 =	vld [tilespmem:s23+$0xFFFFFF10];
	_ =	sdelay $0x4  }
0xcd: {  	[tilespmem:s22+$0xFFFFFF10] =	vst v0  }
0xce: {  	v0 =	vld [tilespmem:s23+$0xFFFFFF20];
	_ =	sdelay $0x4  }
0xcf: {  	[tilespmem:s22+$0xFFFFFF20] =	vst v0  }
0xd0: {  	v0 =	vld [tilespmem:s23+$0xFFFFFF30];
	_ =	sdelay $0x4  }
0xd1: {  	[tilespmem:s22+$0xFFFFFF30] =	vst v0  }
0xd2: {  	v0 =	vld [tilespmem:s23+$0xFFFFFF80];
	_ =	sdelay $0x4  }
0xd3: {  	[tilespmem:s22+$0xFFFFFF80] =	vst v0  }
0xd4: {  	v0 =	vld [tilespmem:s23+$0xFFFFFF90];
	_ =	sdelay $0x4  }
0xd5: {  	[tilespmem:s22+$0xFFFFFF90] =	vst v0  }
0xd6: {  	v0 =	vld [tilespmem:s23+$0xFFFFFFA0];
	_ =	sdelay $0x4  }
0xd7: {  	[tilespmem:s22+$0xFFFFFFA0] =	vst v0  }
0xd8: {  	v0 =	vld [tilespmem:s23+$0xFFFFFFB0];
	_ =	sdelay $0x4  }
0xd9: {  	[tilespmem:s22+$0xFFFFFFB0] =	vst v0  }
0xda: {  	v0 =	vld [tilespmem:s23+$0x0];
	_ =	sdelay $0x4  }
0xdb: {  	[tilespmem:s22+$0x0] =	vst v0  }
0xdc: {  	v0 =	vld [tilespmem:s23+$0x10];
	_ =	sdelay $0x4  }
0xdd: {  	[tilespmem:s22+$0x10] =	vst v0  }
0xde: {  	v0 =	vld [tilespmem:s23+$0x20];
	_ =	sdelay $0x4  }
0xdf: {  	[tilespmem:s22+$0x20] =	vst v0  }
0xe0: {  	v0 =	vld [tilespmem:s23+$0x30];
	_ =	sdelay $0x4  }
0xe1: {  	[tilespmem:s22+$0x30] =	vst v0  }
0xe2: {  	v0 =	vld [tilespmem:s23+$0x80];
	_ =	sdelay $0x4  }
0xe3: {  	[tilespmem:s22+$0x80] =	vst v0  }
0xe4: {  	v0 =	vld [tilespmem:s23+$0x90];
	_ =	sdelay $0x4  }
0xe5: {  	[tilespmem:s22+$0x90] =	vst v0  }
0xe6: {  	v0 =	vld [tilespmem:s23+$0xA0];
	_ =	sdelay $0x4  }
0xe7: {  	[tilespmem:s22+$0xA0] =	vst v0  }
0xe8: {  	v0 =	vld [tilespmem:s23+$0xB0];
	_ =	sdelay $0x4  }
0xe9: {  	[tilespmem:s22+$0xB0] =	vst v0  }
0xea: {  	v0 =	vld [tilespmem:s23+$0x100];
	_ =	sdelay $0x4  }
0xeb: {  	[tilespmem:s22+$0x100] =	vst v0  }
0xec: {  	v0 =	vld [tilespmem:s23+$0x110];
	_ =	sdelay $0x4  }
0xed: {  	[tilespmem:s22+$0x110] =	vst v0  }
0xee: {  	v0 =	vld [tilespmem:s23+$0x120];
	_ =	sdelay $0x4  }
0xef: {  	[tilespmem:s22+$0x120] =	vst v0  }
0xf0: {  	v0 =	vld [tilespmem:s23+$0x130];
	_ =	sdelay $0x4  }
0xf1: {  	[tilespmem:s22+$0x130] =	vst v0  }
0xf2: {  	v0 =	vld [tilespmem:s23+$0x180];
	_ =	sdelay $0x4  }
0xf3: {  	[tilespmem:s22+$0x180] =	vst v0  }
0xf4: {  	v0 =	vld [tilespmem:s23+$0x190];
	_ =	sdelay $0x4  }
0xf5: {  	[tilespmem:s22+$0x190] =	vst v0  }
0xf6: {  	v0 =	vld [tilespmem:s23+$0x1A0];
	_ =	sdelay $0x4  }
0xf7: {  	[tilespmem:s22+$0x1A0] =	vst v0  }
0xf8: {  	v0 =	vld [tilespmem:s23+$0x1B0];
	_ =	sdelay $0x4  }
0xf9: {  	s24 =	simm.s32 $0x5A00;
	s23 =	simm.s32 $0x0;
	[tilespmem:s22+$0x1B0] =	vst v0  }
.LBB2_9:
0xfa: {  	v0 =	vld [tilespmem:s24+$0xFFFFFE00];
	s23 =	sadd.s32 $0x8, s23  }
0xfb: {  	p1 =	slt.u32 s23, $0xA0;
	_ =	sdelay $0x2  }
0xfc: {  	s22 =	sadd.s32 $0x400, s22  }
0xfd: {  	[tilespmem:s22+$0xFFFFFE00] =	vst v0  }
0xfe: {  	v0 =	vld [tilespmem:s24+$0xFFFFFE10];
	_ =	sdelay $0x4  }
0xff: {  	[tilespmem:s22+$0xFFFFFE10] =	vst v0  }
0x100: {  	v0 =	vld [tilespmem:s24+$0xFFFFFE20];
	_ =	sdelay $0x4  }
0x101: {  	[tilespmem:s22+$0xFFFFFE20] =	vst v0  }
0x102: {  	v0 =	vld [tilespmem:s24+$0xFFFFFE30];
	_ =	sdelay $0x4  }
0x103: {  	[tilespmem:s22+$0xFFFFFE30] =	vst v0  }
0x104: {  	v0 =	vld [tilespmem:s24+$0xFFFFFE80];
	_ =	sdelay $0x4  }
0x105: {  	[tilespmem:s22+$0xFFFFFE80] =	vst v0  }
0x106: {  	v0 =	vld [tilespmem:s24+$0xFFFFFE90];
	_ =	sdelay $0x4  }
0x107: {  	[tilespmem:s22+$0xFFFFFE90] =	vst v0  }
0x108: {  	v0 =	vld [tilespmem:s24+$0xFFFFFEA0];
	_ =	sdelay $0x4  }
0x109: {  	[tilespmem:s22+$0xFFFFFEA0] =	vst v0  }
0x10a: {  	v0 =	vld [tilespmem:s24+$0xFFFFFEB0];
	_ =	sdelay $0x4  }
0x10b: {  	[tilespmem:s22+$0xFFFFFEB0] =	vst v0  }
0x10c: {  	v0 =	vld [tilespmem:s24+$0xFFFFFF00];
	_ =	sdelay $0x4  }
0x10d: {  	[tilespmem:s22+$0xFFFFFF00] =	vst v0  }
0x10e: {  	v0 =	vld [tilespmem:s24+$0xFFFFFF10];
	_ =	sdelay $0x4  }
0x10f: {  	[tilespmem:s22+$0xFFFFFF10] =	vst v0  }
0x110: {  	v0 =	vld [tilespmem:s24+$0xFFFFFF20];
	_ =	sdelay $0x4  }
0x111: {  	[tilespmem:s22+$0xFFFFFF20] =	vst v0  }
0x112: {  	v0 =	vld [tilespmem:s24+$0xFFFFFF30];
	_ =	sdelay $0x4  }
0x113: {  	[tilespmem:s22+$0xFFFFFF30] =	vst v0  }
0x114: {  	v0 =	vld [tilespmem:s24+$0xFFFFFF80];
	_ =	sdelay $0x4  }
0x115: {  	[tilespmem:s22+$0xFFFFFF80] =	vst v0  }
0x116: {  	v0 =	vld [tilespmem:s24+$0xFFFFFF90];
	_ =	sdelay $0x4  }
0x117: {  	[tilespmem:s22+$0xFFFFFF90] =	vst v0  }
0x118: {  	v0 =	vld [tilespmem:s24+$0xFFFFFFA0];
	_ =	sdelay $0x4  }
0x119: {  	[tilespmem:s22+$0xFFFFFFA0] =	vst v0  }
0x11a: {  	v0 =	vld [tilespmem:s24+$0xFFFFFFB0];
	_ =	sdelay $0x4  }
0x11b: {  	[tilespmem:s22+$0xFFFFFFB0] =	vst v0  }
0x11c: {  	v0 =	vld [tilespmem:s24+$0x0];
	_ =	sdelay $0x4  }
0x11d: {  	[tilespmem:s22+$0x0] =	vst v0  }
0x11e: {  	v0 =	vld [tilespmem:s24+$0x10];
	_ =	sdelay $0x4  }
0x11f: {  	[tilespmem:s22+$0x10] =	vst v0  }
0x120: {  	v0 =	vld [tilespmem:s24+$0x20];
	_ =	sdelay $0x4  }
0x121: {  	[tilespmem:s22+$0x20] =	vst v0  }
0x122: {  	v0 =	vld [tilespmem:s24+$0x30];
	_ =	sdelay $0x4  }
0x123: {  	[tilespmem:s22+$0x30] =	vst v0  }
0x124: {  	v0 =	vld [tilespmem:s24+$0x80];
	_ =	sdelay $0x4  }
0x125: {  	[tilespmem:s22+$0x80] =	vst v0  }
0x126: {  	v0 =	vld [tilespmem:s24+$0x90];
	_ =	sdelay $0x4  }
0x127: {  	[tilespmem:s22+$0x90] =	vst v0  }
0x128: {  	v0 =	vld [tilespmem:s24+$0xA0];
	_ =	sdelay $0x4  }
0x129: {  	[tilespmem:s22+$0xA0] =	vst v0  }
0x12a: {  	v0 =	vld [tilespmem:s24+$0xB0];
	_ =	sdelay $0x4  }
0x12b: {  	[tilespmem:s22+$0xB0] =	vst v0  }
0x12c: {  	v0 =	vld [tilespmem:s24+$0x100];
	_ =	sdelay $0x4  }
0x12d: {  	[tilespmem:s22+$0x100] =	vst v0  }
0x12e: {  	v0 =	vld [tilespmem:s24+$0x110];
	_ =	sdelay $0x4  }
0x12f: {  	[tilespmem:s22+$0x110] =	vst v0  }
0x130: {  	v0 =	vld [tilespmem:s24+$0x120];
	_ =	sdelay $0x4  }
0x131: {  	[tilespmem:s22+$0x120] =	vst v0  }
0x132: {  	v0 =	vld [tilespmem:s24+$0x130];
	_ =	sdelay $0x4  }
0x133: {  	[tilespmem:s22+$0x130] =	vst v0  }
0x134: {  	v0 =	vld [tilespmem:s24+$0x180];
	_ =	sdelay $0x4  }
0x135: {  	[tilespmem:s22+$0x180] =	vst v0  }
0x136: {  	v0 =	vld [tilespmem:s24+$0x190];
	_ =	sdelay $0x4  }
0x137: {  	[tilespmem:s22+$0x190] =	vst v0  }
0x138: {  	v0 =	vld [tilespmem:s24+$0x1A0];
	_ =	sdelay $0x4  }
0x139: {  	[tilespmem:s22+$0x1A0] =	vst v0  }
0x13a: {  	v0 =	vld [tilespmem:s24+$0x1B0]  }
.Ltmp6:
0x13b: {  	(pc) =	sbr.rel @p1 .LBB2_9-.Ltmp6, $2  }
0x13c: {  	_ =	sdelay $0x2  }
0x13d: {  	s24 =	sadd.s32 $0x400, s24;
	[tilespmem:s22+$0x1B0] =	vst v0  }
0x13e: {  	s20 =	sadd.s32 $0x1, s20  }
0x13f: {  	p1 =	sne.s32 s20, $0x5D  }
.Ltmp7:
0x140: {  	_ = 	snop;
	(pc) =	sbr.rel @p1 .LBB2_2-.Ltmp7, $3  }
0x141: {  	_ =	sdelay $0x1  }
0x142: {  	s21 =	sadd.s32 s5, s21  }
0x143: {  	[hbm4b:s21+s2] =	stream.linear.scatter [tilespmem:s17], [sflag:$0x4], $0x5400, $0x38;
	[tilespmem:$0x15000] =	vst v63  }
0x144: {  	_ =	swait.ge [sflag:s18], $0x5400  }
.Ltmp8:
0x145: {  	[sflag:s18] =	ssyncset.done $0x0;
	(pc) =	sbr.rel @p0 .LBB2_15-.Ltmp8, $4  }
0x146: {  	[sflag:s18] =	ssyncadd.s32 $0xFFFFAC00  }
0x147: {  	_ =	swait.ge [sflag:s16], $0x5400  }
0x148: {  	[sflag:s16] =	ssyncset.done $0x0  }
0x149: {  	[sflag:s16] =	ssyncadd.s32 $0xFFFFAC00  }
0x14a: {  	[tilespmem:s2], [sflag:$0x1] =	stream.linear.gather [hbm4b:s9+s2], $0x2000, $0x38;
	[tilespmem:$0x15000] =	vst v63  }
0x14b: {  	_ =	swait.ge [sflag:s13], $0x2000  }
0x14c: {  	[sflag:s13] =	ssyncset.done $0x0  }
0x14d: {  	s21 =	simm.s32 $0x200;
	[sflag:s13] =	ssyncadd.s32 $0xFFFFE000  }
0x14e: {  	v0 =	vld [tilespmem:s21+$0xFFFFFE00];
	_ =	sdelay $0x3  }
0x14f: {  	s20 =	simm.s32 $0xAA00  }
0x150: {  	[tilespmem:s20+$0xFFFFFE00] =	vst v0  }
0x151: {  	v0 =	vld [tilespmem:s21+$0xFFFFFE10];
	_ =	sdelay $0x4  }
0x152: {  	[tilespmem:s20+$0xFFFFFE10] =	vst v0  }
0x153: {  	v0 =	vld [tilespmem:s21+$0xFFFFFE20];
	_ =	sdelay $0x4  }
0x154: {  	[tilespmem:s20+$0xFFFFFE20] =	vst v0  }
0x155: {  	v0 =	vld [tilespmem:s21+$0xFFFFFE30];
	_ =	sdelay $0x4  }
0x156: {  	[tilespmem:s20+$0xFFFFFE30] =	vst v0  }
0x157: {  	v0 =	vld [tilespmem:s21+$0xFFFFFE80];
	_ =	sdelay $0x4  }
0x158: {  	[tilespmem:s20+$0xFFFFFE80] =	vst v0  }
0x159: {  	v0 =	vld [tilespmem:s21+$0xFFFFFE90];
	_ =	sdelay $0x4  }
0x15a: {  	[tilespmem:s20+$0xFFFFFE90] =	vst v0  }
0x15b: {  	v0 =	vld [tilespmem:s21+$0xFFFFFEA0];
	_ =	sdelay $0x4  }
0x15c: {  	[tilespmem:s20+$0xFFFFFEA0] =	vst v0  }
0x15d: {  	v0 =	vld [tilespmem:s21+$0xFFFFFEB0];
	_ =	sdelay $0x4  }
0x15e: {  	[tilespmem:s20+$0xFFFFFEB0] =	vst v0  }
0x15f: {  	v0 =	vld [tilespmem:s21+$0xFFFFFF00];
	_ =	sdelay $0x4  }
0x160: {  	[tilespmem:s20+$0xFFFFFF00] =	vst v0  }
0x161: {  	v0 =	vld [tilespmem:s21+$0xFFFFFF10];
	_ =	sdelay $0x4  }
0x162: {  	[tilespmem:s20+$0xFFFFFF10] =	vst v0  }
0x163: {  	v0 =	vld [tilespmem:s21+$0xFFFFFF20];
	_ =	sdelay $0x4  }
0x164: {  	[tilespmem:s20+$0xFFFFFF20] =	vst v0  }
0x165: {  	v0 =	vld [tilespmem:s21+$0xFFFFFF30];
	_ =	sdelay $0x4  }
0x166: {  	[tilespmem:s20+$0xFFFFFF30] =	vst v0  }
0x167: {  	v0 =	vld [tilespmem:s21+$0xFFFFFF80];
	_ =	sdelay $0x4  }
0x168: {  	[tilespmem:s20+$0xFFFFFF80] =	vst v0  }
0x169: {  	v0 =	vld [tilespmem:s21+$0xFFFFFF90];
	_ =	sdelay $0x4  }
0x16a: {  	[tilespmem:s20+$0xFFFFFF90] =	vst v0  }
0x16b: {  	v0 =	vld [tilespmem:s21+$0xFFFFFFA0];
	_ =	sdelay $0x4  }
0x16c: {  	[tilespmem:s20+$0xFFFFFFA0] =	vst v0  }
0x16d: {  	v0 =	vld [tilespmem:s21+$0xFFFFFFB0];
	_ =	sdelay $0x4  }
0x16e: {  	[tilespmem:s20+$0xFFFFFFB0] =	vst v0  }
0x16f: {  	v0 =	vld [tilespmem:s21+$0x0];
	_ =	sdelay $0x4  }
0x170: {  	[tilespmem:s20+$0x0] =	vst v0  }
0x171: {  	v0 =	vld [tilespmem:s21+$0x10];
	_ =	sdelay $0x4  }
0x172: {  	[tilespmem:s20+$0x10] =	vst v0  }
0x173: {  	v0 =	vld [tilespmem:s21+$0x20];
	_ =	sdelay $0x4  }
0x174: {  	[tilespmem:s20+$0x20] =	vst v0  }
0x175: {  	v0 =	vld [tilespmem:s21+$0x30];
	_ =	sdelay $0x4  }
0x176: {  	[tilespmem:s20+$0x30] =	vst v0  }
0x177: {  	v0 =	vld [tilespmem:s21+$0x80];
	_ =	sdelay $0x4  }
0x178: {  	[tilespmem:s20+$0x80] =	vst v0  }
0x179: {  	v0 =	vld [tilespmem:s21+$0x90];
	_ =	sdelay $0x4  }
0x17a: {  	[tilespmem:s20+$0x90] =	vst v0  }
0x17b: {  	v0 =	vld [tilespmem:s21+$0xA0];
	_ =	sdelay $0x4  }
0x17c: {  	[tilespmem:s20+$0xA0] =	vst v0  }
0x17d: {  	v0 =	vld [tilespmem:s21+$0xB0];
	_ =	sdelay $0x4  }
0x17e: {  	[tilespmem:s20+$0xB0] =	vst v0  }
0x17f: {  	v0 =	vld [tilespmem:s21+$0x100];
	_ =	sdelay $0x4  }
0x180: {  	[tilespmem:s20+$0x100] =	vst v0  }
0x181: {  	v0 =	vld [tilespmem:s21+$0x110];
	_ =	sdelay $0x4  }
0x182: {  	[tilespmem:s20+$0x110] =	vst v0  }
0x183: {  	v0 =	vld [tilespmem:s21+$0x120];
	_ =	sdelay $0x4  }
0x184: {  	[tilespmem:s20+$0x120] =	vst v0  }
0x185: {  	v0 =	vld [tilespmem:s21+$0x130];
	_ =	sdelay $0x4  }
0x186: {  	[tilespmem:s20+$0x130] =	vst v0  }
0x187: {  	v0 =	vld [tilespmem:s21+$0x180];
	_ =	sdelay $0x4  }
0x188: {  	[tilespmem:s20+$0x180] =	vst v0  }
0x189: {  	v0 =	vld [tilespmem:s21+$0x190];
	_ =	sdelay $0x4  }
0x18a: {  	[tilespmem:s20+$0x190] =	vst v0  }
0x18b: {  	v0 =	vld [tilespmem:s21+$0x1A0];
	_ =	sdelay $0x4  }
0x18c: {  	[tilespmem:s20+$0x1A0] =	vst v0  }
0x18d: {  	v0 =	vld [tilespmem:s21+$0x1B0];
	_ =	sdelay $0x4  }
0x18e: {  	s22 =	simm.s32 $0x600;
	s21 =	simm.s32 $0x0;
	[tilespmem:s20+$0x1B0] =	vst v0  }
.LBB2_13:
0x18f: {  	v0 =	vld [tilespmem:s22+$0xFFFFFE00];
	s21 =	sadd.s32 $0x8, s21  }
0x190: {  	p1 =	slt.u32 s21, $0x38;
	_ =	sdelay $0x2  }
0x191: {  	s20 =	sadd.s32 $0x400, s20  }
0x192: {  	[tilespmem:s20+$0xFFFFFE00] =	vst v0  }
0x193: {  	v0 =	vld [tilespmem:s22+$0xFFFFFE10];
	_ =	sdelay $0x4  }
0x194: {  	[tilespmem:s20+$0xFFFFFE10] =	vst v0  }
0x195: {  	v0 =	vld [tilespmem:s22+$0xFFFFFE20];
	_ =	sdelay $0x4  }
0x196: {  	[tilespmem:s20+$0xFFFFFE20] =	vst v0  }
0x197: {  	v0 =	vld [tilespmem:s22+$0xFFFFFE30];
	_ =	sdelay $0x4  }
0x198: {  	[tilespmem:s20+$0xFFFFFE30] =	vst v0  }
0x199: {  	v0 =	vld [tilespmem:s22+$0xFFFFFE80];
	_ =	sdelay $0x4  }
0x19a: {  	[tilespmem:s20+$0xFFFFFE80] =	vst v0  }
0x19b: {  	v0 =	vld [tilespmem:s22+$0xFFFFFE90];
	_ =	sdelay $0x4  }
0x19c: {  	[tilespmem:s20+$0xFFFFFE90] =	vst v0  }
0x19d: {  	v0 =	vld [tilespmem:s22+$0xFFFFFEA0];
	_ =	sdelay $0x4  }
0x19e: {  	[tilespmem:s20+$0xFFFFFEA0] =	vst v0  }
0x19f: {  	v0 =	vld [tilespmem:s22+$0xFFFFFEB0];
	_ =	sdelay $0x4  }
0x1a0: {  	[tilespmem:s20+$0xFFFFFEB0] =	vst v0  }
0x1a1: {  	v0 =	vld [tilespmem:s22+$0xFFFFFF00];
	_ =	sdelay $0x4  }
0x1a2: {  	[tilespmem:s20+$0xFFFFFF00] =	vst v0  }
0x1a3: {  	v0 =	vld [tilespmem:s22+$0xFFFFFF10];
	_ =	sdelay $0x4  }
0x1a4: {  	[tilespmem:s20+$0xFFFFFF10] =	vst v0  }
0x1a5: {  	v0 =	vld [tilespmem:s22+$0xFFFFFF20];
	_ =	sdelay $0x4  }
0x1a6: {  	[tilespmem:s20+$0xFFFFFF20] =	vst v0  }
0x1a7: {  	v0 =	vld [tilespmem:s22+$0xFFFFFF30];
	_ =	sdelay $0x4  }
0x1a8: {  	[tilespmem:s20+$0xFFFFFF30] =	vst v0  }
0x1a9: {  	v0 =	vld [tilespmem:s22+$0xFFFFFF80];
	_ =	sdelay $0x4  }
0x1aa: {  	[tilespmem:s20+$0xFFFFFF80] =	vst v0  }
0x1ab: {  	v0 =	vld [tilespmem:s22+$0xFFFFFF90];
	_ =	sdelay $0x4  }
0x1ac: {  	[tilespmem:s20+$0xFFFFFF90] =	vst v0  }
0x1ad: {  	v0 =	vld [tilespmem:s22+$0xFFFFFFA0];
	_ =	sdelay $0x4  }
0x1ae: {  	[tilespmem:s20+$0xFFFFFFA0] =	vst v0  }
0x1af: {  	v0 =	vld [tilespmem:s22+$0xFFFFFFB0];
	_ =	sdelay $0x4  }
0x1b0: {  	[tilespmem:s20+$0xFFFFFFB0] =	vst v0  }
0x1b1: {  	v0 =	vld [tilespmem:s22+$0x0];
	_ =	sdelay $0x4  }
0x1b2: {  	[tilespmem:s20+$0x0] =	vst v0  }
0x1b3: {  	v0 =	vld [tilespmem:s22+$0x10];
	_ =	sdelay $0x4  }
0x1b4: {  	[tilespmem:s20+$0x10] =	vst v0  }
0x1b5: {  	v0 =	vld [tilespmem:s22+$0x20];
	_ =	sdelay $0x4  }
0x1b6: {  	[tilespmem:s20+$0x20] =	vst v0  }
0x1b7: {  	v0 =	vld [tilespmem:s22+$0x30];
	_ =	sdelay $0x4  }
0x1b8: {  	[tilespmem:s20+$0x30] =	vst v0  }
0x1b9: {  	v0 =	vld [tilespmem:s22+$0x80];
	_ =	sdelay $0x4  }
0x1ba: {  	[tilespmem:s20+$0x80] =	vst v0  }
0x1bb: {  	v0 =	vld [tilespmem:s22+$0x90];
	_ =	sdelay $0x4  }
0x1bc: {  	[tilespmem:s20+$0x90] =	vst v0  }
0x1bd: {  	v0 =	vld [tilespmem:s22+$0xA0];
	_ =	sdelay $0x4  }
0x1be: {  	[tilespmem:s20+$0xA0] =	vst v0  }
0x1bf: {  	v0 =	vld [tilespmem:s22+$0xB0];
	_ =	sdelay $0x4  }
0x1c0: {  	[tilespmem:s20+$0xB0] =	vst v0  }
0x1c1: {  	v0 =	vld [tilespmem:s22+$0x100];
	_ =	sdelay $0x4  }
0x1c2: {  	[tilespmem:s20+$0x100] =	vst v0  }
0x1c3: {  	v0 =	vld [tilespmem:s22+$0x110];
	_ =	sdelay $0x4  }
0x1c4: {  	[tilespmem:s20+$0x110] =	vst v0  }
0x1c5: {  	v0 =	vld [tilespmem:s22+$0x120];
	_ =	sdelay $0x4  }
0x1c6: {  	[tilespmem:s20+$0x120] =	vst v0  }
0x1c7: {  	v0 =	vld [tilespmem:s22+$0x130];
	_ =	sdelay $0x4  }
0x1c8: {  	[tilespmem:s20+$0x130] =	vst v0  }
0x1c9: {  	v0 =	vld [tilespmem:s22+$0x180];
	_ =	sdelay $0x4  }
0x1ca: {  	[tilespmem:s20+$0x180] =	vst v0  }
0x1cb: {  	v0 =	vld [tilespmem:s22+$0x190];
	_ =	sdelay $0x4  }
0x1cc: {  	[tilespmem:s20+$0x190] =	vst v0  }
0x1cd: {  	v0 =	vld [tilespmem:s22+$0x1A0];
	_ =	sdelay $0x4  }
0x1ce: {  	[tilespmem:s20+$0x1A0] =	vst v0  }
0x1cf: {  	v0 =	vld [tilespmem:s22+$0x1B0]  }
.Ltmp9:
0x1d0: {  	(pc) =	sbr.rel @p1 .LBB2_13-.Ltmp9, $2  }
0x1d1: {  	_ =	sdelay $0x2  }
0x1d2: {  	s22 =	sadd.s32 $0x400, s22;
	[tilespmem:s20+$0x1B0] =	vst v0  }
.Ltmp10:
0x1d3: {  	(pc) =	sbr.rel .LBB2_15-.Ltmp10, $4  }
0x1d4: {  	[hbm4b:s10+s2] =	stream.linear.scatter [tilespmem:s14], [sflag:$0x3], $0x2000, $0x38;
	[tilespmem:$0x15000] =	vst v63  }
0x1d5: {  	_ =	swait.ge [sflag:s18], $0x2000  }
0x1d6: {  	[sflag:s18] =	ssyncset.done $0x0  }
0x1d7: {  	[sflag:s18] =	ssyncadd.s32 $0xFFFFE000  }
.LBB2_16:
0x1d8: {  	_ =	sfence.sel $0x180000  }
0x1d9: {  	[bflag:$0x0] =	sbarrier.arrive $0xFFFF  }
0x1da: {  	p0 =	sne.s32 s0, $0x0;
	_ =	strace $0x90000047  }
0x1db: {  	s0 =	sadd.s32 @!p0 $0x100000, s1;
	[bflag:$0x2] =	sbarrier.arrive $0xFFFF  }
0x1dc: {  	[sflag:s0] =	ssyncadd.tile.s32 @!p0 $0x1;
	_ =	shalt  }
.Lfunc_end2:
_tile_overlayer_lowered:
.L_overlay_start_2:
0x1dd: {  	(tag) =	ssettag $0x2  }
0x1de: {  	s0 =	rddreg [dreg:$0x0];
	s2 =	stileid.u32  }
0x1df: {  	s1 =	rddreg [dreg:$0x1];
	p0 =	sne.s32 s2, $0x0  }
0x1e0: {  	s3 =	rddreg [dreg:$0x2];
	[bflag:$0x3] =	sbarrier.arrive $0xFFFF;
	s2 =	simm.s32 @!p0 $0x1C05  }
0x1e1: {  	[timem:s3], [sflag:s2] =	dma.local @!p0 [hbm:s0], s1  }
0x1e2: {  	s0 =	simm.s32 @!p0 $0x5  }
0x1e3: {  	_ =	swait.ge @!p0 [sflag:s0], s1  }
0x1e4: {  	s1 =	ssub.s32 @!p0 $0x0, s1;
	[sflag:s0] =	ssyncset.done @!p0 $0x0  }
0x1e5: {  	[sflag:s0] =	ssyncadd.s32 @!p0 s1  }
0x1e6: {  	[bflag:$0x3] =	sbarrier.arrive $0xFFFF  }
0x1e7: {  	_ =	shalt  }

// kernel: kernel.7.cloned.1.call-start
scs
__scs_entry_jumppad:
0x0: {  	(pc) =	sbr.rel $0x88, $3  }
0x1: {  	(tag) =	ssettag $0x0;
	lr =	simm.s32 $0x1  }
0x2: {  	[smem:$0x3F9E] =	sst lr;
	_ =	strace $0xD0000000  }
0x3: {  	_ = 	snop  }
0x4: {  	_ = 	snop  }
0x5: {  	_ = 	snop  }
0x6: {  	_ = 	snop  }
0x7: {  	_ = 	snop  }
__scs_overlays_trampoline_lowered:
0x8: {  	[smem:$0x3FAD] =	sst s0  }
0x9: {  	[smem:$0x3FAE] =	sst s1  }
0xa: {  	[smem:$0x3FAF] =	sst s2  }
0xb: {  	[smem:$0x3FB0] =	sst s3  }
0xc: {  	[smem:$0x3FB1] =	sst s4  }
0xd: {  	[smem:$0x3FB2] =	sst s5  }
0xe: {  	[smem:$0x3FB3] =	sst s6  }
0xf: {  	[smem:$0x3FB4] =	sst s7  }
0x10: {  	[smem:$0x3FB5] =	sst s8  }
0x11: {  	[smem:$0x3FB6] =	sst s9;
	s0 =	simm.s32 @!p0 $0x0  }
0x12: {  	s1 =	sld [smem:$0x3F9C];
	s0 =	simm.s32 @p0 $0x1  }
0x13: {  	[smem:$0x3FB7] =	sst s0;
	s0 =	simm.s32 @!p1 $0x0  }
0x14: {  	s2 =	sld [smem:$0x3F9B];
	s0 =	simm.s32 @p1 $0x1  }
0x15: {  	[smem:$0x3FB8] =	sst s0;
	s0 =	simm.s32 @!p2 $0x0  }
0x16: {  	s3 =	sld [smem:$0x3FDB];
	s0 =	simm.s32 @p2 $0x1  }
0x17: {  	s4 =	simm.s32 $0x1BF5;
	[smem:$0x3FBA] =	sst s0  }
0x18: {  	s0 =	sld [smem:$0x3F9D];
	_ =	swait.ge [sflag:s4], $0x0  }
0x19: {  	s7 =	sld [smem:$0x3F9E]  }
0x1a: {  	s8 =	sadd.s32 $0xFFFFE003, lr  }
0x1b: {  	s9 =	sadd.s32 $0xFFFFFEF7, lr;
	s5 =	simm.s32 $0xFFFFFFFF;
	p2 =	slt.u32 s8, $0xFFFFF086  }
0x1c: {  	p1 =	slt.u32 s9, $0xF7A;
	s5 =	simm.s32 @!p2 $0x0  }
0x1d: {  	s5 =	simm.s32 @p1 $0x1;
	p0 =	seq.s32 s7, s2  }
0x1e: {  	s7 =	smul.u32 @!p0 $0xF7A, s2;
	p2 =	seq.s32 @!p0 s5, $0x0  }
0x1f: {  	s9 =	smul.u32 $0xF7A, s1;
	s8 =	simm.s32 @!p0 $0x1BF5;
	p2 =	por !p2, p0  }
0x20: {  	[sflag:s8] =	ssyncset.s32 @!p0 $0xFFFFF086;
	s6 =	sadd.s32 @!p0 s3, s7;
	s7 =	simm.s32 @!p0 $0x108  }
0x21: {  	s3 =	sadd.s32 s3, s9;
	s6 =	sadd.s32 @!p0 $0x88, s6;
	s7 =	simm.s32 @p2 $0x1082  }
0x22: {  	[simem:s7], [sflag:s8] =	dma.local @!p0 [hbm:s6], $0xF7A  }
0x23: {  	s9 =	sor.u32 $0xD0000000, s2;
	s6 =	simm.s32 $0x108;
	_ =	swait.ge @!p0 [sflag:s8], $0x0  }
0x24: {  	s3 =	sadd.s32 $0x88, s3;
	s6 =	simm.s32 @!p1 $0x1082;
	[sflag:s4] =	ssyncset.s32 $0xFFFFF086  }
0x25: {  	[simem:s6], [sflag:s4] =	dma.local [hbm:s3], $0xF7A  }
0x26: {  	[smem:$0x3F9E] =	sst s1;
	(tag) =	ssettag s2;
	_ =	strace s9  }
0x27: {  	s1 =	sld [smem:$0x3FAE]  }
0x28: {  	s2 =	sld [smem:$0x3FAF]  }
0x29: {  	s4 =	sld [smem:$0x3FB1]  }
0x2a: {  	p0 =	seq.s32 s5, $0x0;
	s5 =	sld [smem:$0x3FB2]  }
0x2b: {  	s6 =	sld [smem:$0x3FB3]  }
0x2c: {  	s7 =	sld [smem:$0x3FB4]  }
0x2d: {  	s3 =	simm.s32 $0x108;
	s8 =	sld [smem:$0x3FB5]  }
0x2e: {  	s3 =	simm.s32 @!p0 $0x1082;
	s9 =	sld [smem:$0x3FB6]  }
0x2f: {  	lr =	sadd.s32 s0, s3;
	s0 =	sld [smem:$0x3FAD]  }
0x30: {  	s3 =	sld [smem:$0x3FB0]  }
0x31: {  	[smem:$0x3FB9] =	sst s10  }
0x32: {  	s10 =	sld [smem:$0x3FB7];
	_ =	sdelay $0x3  }
0x33: {  	p0 =	seq.s32 s10, $0x1;
	s10 =	sld [smem:$0x3FB9];
	_ =	sdelay $0x3  }
0x34: {  	[smem:$0x3FB9] =	sst s10  }
0x35: {  	s10 =	sld [smem:$0x3FB8];
	_ =	sdelay $0x3  }
0x36: {  	p1 =	seq.s32 s10, $0x1;
	s10 =	sld [smem:$0x3FB9];
	_ =	sdelay $0x3  }
0x37: {  	[smem:$0x3FB9] =	sst s10  }
0x38: {  	s10 =	sld [smem:$0x3FBA]  }
0x39: {  	_ = 	snop;
	(pc) =	sbr.ind lr, $3  }
0x3a: {  	_ = 	snop  }
0x3b: {  	_ = 	snop  }
0x3c: {  	p2 =	seq.s32 s10, $0x1;
	s10 =	sld [smem:$0x3FB9]  }
0x3d: {  	_ =	shalt  }
0x3e: {  	_ =	shalt  }
0x3f: {  	_ =	shalt  }
0x40: {  	_ =	shalt  }
0x41: {  	_ =	shalt  }
0x42: {  	_ =	shalt  }
0x43: {  	_ =	shalt  }
0x44: {  	_ =	shalt  }
0x45: {  	_ =	shalt  }
0x46: {  	_ =	shalt  }
0x47: {  	_ =	shalt  }
0x48: {  	_ =	shalt  }
0x49: {  	_ =	shalt  }
0x4a: {  	_ =	shalt  }
0x4b: {  	_ =	shalt  }
0x4c: {  	_ =	shalt  }
0x4d: {  	_ =	shalt  }
0x4e: {  	_ =	shalt  }
0x4f: {  	_ =	shalt  }
0x50: {  	_ =	shalt  }
0x51: {  	_ =	shalt  }
0x52: {  	_ =	shalt  }
0x53: {  	_ =	shalt  }
0x54: {  	_ =	shalt  }
0x55: {  	_ =	shalt  }
0x56: {  	_ =	shalt  }
0x57: {  	_ =	shalt  }
0x58: {  	_ =	shalt  }
0x59: {  	_ =	shalt  }
0x5a: {  	_ =	shalt  }
0x5b: {  	_ =	shalt  }
0x5c: {  	_ =	shalt  }
0x5d: {  	_ =	shalt  }
0x5e: {  	_ =	shalt  }
0x5f: {  	_ =	shalt  }
0x60: {  	_ =	shalt  }
0x61: {  	_ =	shalt  }
0x62: {  	_ =	shalt  }
0x63: {  	_ =	shalt  }
0x64: {  	_ =	shalt  }
0x65: {  	_ =	shalt  }
0x66: {  	_ =	shalt  }
0x67: {  	_ =	shalt  }
0x68: {  	_ =	shalt  }
0x69: {  	_ =	shalt  }
0x6a: {  	_ =	shalt  }
0x6b: {  	_ =	shalt  }
0x6c: {  	_ =	shalt  }
0x6d: {  	_ =	shalt  }
0x6e: {  	_ =	shalt  }
0x6f: {  	_ =	shalt  }
0x70: {  	_ =	shalt  }
0x71: {  	_ =	shalt  }
0x72: {  	_ =	shalt  }
0x73: {  	_ =	shalt  }
0x74: {  	_ =	shalt  }
0x75: {  	_ =	shalt  }
0x76: {  	_ =	shalt  }
0x77: {  	_ =	shalt  }
0x78: {  	_ =	shalt  }
0x79: {  	_ =	shalt  }
0x7a: {  	_ =	shalt  }
0x7b: {  	_ =	shalt  }
0x7c: {  	_ =	shalt  }
0x7d: {  	_ =	shalt  }
0x7e: {  	_ =	shalt  }
0x7f: {  	_ =	shalt  }
0x80: {  	_ =	shalt  }
0x81: {  	_ =	shalt  }
0x82: {  	_ =	shalt  }
0x83: {  	_ =	shalt  }
0x84: {  	_ =	shalt  }
0x85: {  	_ =	shalt  }
0x86: {  	_ =	shalt  }
0x87: {  	_ =	shalt  }
.Lfunc_end0:
.L_simem_size_0:
called_computation.2_lowered:
.L_overlay_start_0:
0x88: {  	s2 =	sld [smem:$0x3FD9]  }
0x89: {  	s3 =	sld [smem:$0x3FFE];
	_ =	sdelay $0x1  }
0x8a: {  	s1 =	srdreg.scid  }
0x8b: {  	s0 =	sand.u32 $0x1, s1  }
0x8c: {  	s17 =	sshll.u32 s0, $0xA;
	s2 =	sadd.s32 s3, s2  }
0x8d: {  	s2 =	sadd.s32 s2, s17  }
0x8e: {  	[smem:$0x3FC5] =	sst s2  }
0x8f: {  	_ = 	snop  }
0x90: {  	s2 =	sld [smem:$0x3FD0];
	(tm) =	ssettm $0x1  }
0x91: {  	s18 =	sld [smem:$0x3FFB];
	_ =	sdelay $0x3  }
0x92: {  	_ =	strace s18  }
0x93: {  	s3 =	sld [smem:$0x3FFC];
	_ =	sdelay $0x3  }
0x94: {  	_ =	strace s3  }
0x95: {  	s3 =	sld [smem:$0x3FFD];
	_ =	sdelay $0x3  }
0x96: {  	_ =	strace s3  }
0x97: {  	_ =	strace $0x8FFFFFFF  }
0x98: {  	s19 =	sld [smem:$0x3FDB];
	_ =	sdelay $0x1  }
0x99: {  	s4 =	simm.s32 $_scs_section_size  }
0x9a: {  	s5 =	simm.s32 $_size__tile_overlayer_lowered;
	s6 =	simm.s32 $_tile_overlayer_lowered  }
0x9b: {  	s22 =	simm.s32 $0x1BFF;
	s21 =	sshll.u32 s6, $0x1;
	s3 =	sadd.s32 s4, s19  }
0x9c: {  	s7 =	simm.s32 $0x0;
	s20 =	sshll.u32 s5, $0x1;
	s5 =	sadd.s32 s21, s3  }
0x9d: {  	[timem:s7], [sflag:s22] =	dma.local [hbm:s5], s20  }
0x9e: {  	_ =	swait.ge [sflag:s22], s20  }
0x9f: {  	s4 =	ssub.s32 $0x0, s20;
	[sflag:s22] =	ssyncset.done $0x0  }
0xa0: {  	[sflag:s22] =	ssyncadd.s32 s4;
	_ =	sdelay $0x1  }
0xa1: {  	s23 =	simm.s32 $0x1B8B  }
0xa2: {  	_ =	swait.ge [sflag:s23], $0x1  }
0xa3: {  	[sflag:s23] =	ssyncset.done $0x0  }
0xa4: {  	s25 =	simm.s32 $0x1B8E;
	s24 =	sld [smem:$0x3FFE];
	[sflag:s23] =	ssyncadd.s32 $0xFFFFFFFF  }
0xa5: {  	s26 =	simm.s32 $execute0_lowered;
	[smem:$0x3FD2] =	sst s25  }
0xa6: {  	s5 =	sshll.u32 s26, $0x1;
	_ =	strace $0x80000049;
	[dreg:$0x1] =	wrdreg $0xFFFFFFFF  }
0xa7: {  	s28 =	simm.s32 $_size_execute0_lowered;
	s3 =	sadd.s32 s3, s5;
	[dreg:$0x0] =	wrdreg $0x0  }
0xa8: {  	s5 =	sshll.u32 s28, $0x1;
	[dreg:$0x2] =	wrdreg s3  }
0xa9: {  	[dreg:$0x3] =	wrdreg s5  }
0xaa: {  	[dreg:$0x4] =	wrdreg $0xC0  }
0xab: {  	_ =	task [dreg:s7], $0x5FFFF  }
0xac: {  	[dreg:$0x1] =	wrdreg $0xFFFFFFFF  }
0xad: {  	[dreg:$0x0] =	wrdreg $0x60  }
0xae: {  	[dreg:$0x2] =	wrdreg s2  }
0xaf: {  	[dreg:$0x3] =	wrdreg s24  }
0xb0: {  	[dreg:$0x4] =	wrdreg $0x9  }
0xb1: {  	_ =	task.clear_ibuf [dreg:s7], $0x5FFFF;
	_ =	strace $0x90000049  }
0xb2: {  	s29 =	simm.s32 $0x9;
	_ =	strace $0x8000004B  }
0xb3: {  	_ =	swait.ge [sflag:s29], $0x1  }
0xb4: {  	[sflag:s29] =	ssyncadd.s32 $0xFFFFFFFF  }
0xb5: {  	_ =	strace $0x9000004B  }
0xb6: {  	_ =	sfence  }
0xb7: {  	s30 =	sld [smem:$0x0];
	_ =	sdelay $0x2  }
0xb8: {  	s31 =	sshll.u32 s1, $0xD;
	s1 =	sshrl.u32 s1, $0x2  }
0xb9: {  	s3 =	sand.u32 $0x4000, s31;
	s1 =	sadd.s32 s1, s30  }
0xba: {  	s0 =	sor.u32 s3, s0;
	s1 =	sshll.u32 s1, $0x11  }
0xbb: {  	s0 =	sor.u32 s1, s0  }
0xbc: {  	s0 =	sadd.s32 $0x8F2B, s0  }
0xbd: {  	[sflag:s0] =	ssyncadd.remote.s32 $0x1  }
0xbe: {  	_ =	sfence.sel $0xFFFF  }
0xbf: {  	[dreg:$0x0] =	wrdreg $0xFFFFFFFF;
	(pc) =	sbr.abs _section_cstart, $3  }
0xc0: {  	[dreg:$0x1] =	wrdreg $0xFFFFFFFF  }
0xc1: {  	_ =	task.clear_ibuf [dreg:s7], $0x2FFFF;
	_ =	strace $0x9FFFFFFF  }
0xc2: {  	(tm) =	ssettm $0x7FFFFFFF  }
0xc3: {  	_ =	shalt  }
tec
execute0_lowered:
.L_overlay_start_1:
0x0: {  	(tag) =	ssettag $0x1  }
0x1: {  	s2 =	rddreg [dreg:$0x0];
	s0 =	srdreg.scid  }
0x2: {  	s3 =	stileid.u32;
	s1 =	rddreg [dreg:$0x1]  }
0x3: {  	s18 =	simm.s32 $0x80;
	s29 =	simm.s32 $0x4;
	s31 =	simm.s32 $0x7  }
0x4: {  	s13 =	simm.s32 $0xA;
	s0 =	sand.u32 $0x1, s0;
	s4 =	sshll.u32 s3, $0x1  }
0x5: {  	s8 =	simm.s32 $0x0;
	s3 =	simm.s32 $0x0;
	s4 =	sor.u32 s0, s4  }
0x6: {  	s5 =	sadd.s32 $0x1E85800, s1;
	[smem:$0x7FF] =	sst s3;
	s4 =	smul.u32 $0x6400, s4  }
0x7: {  	s6 =	sadd.s32 $0xF43400, s1;
	s0 =	ssub.s32 $0x2, s0;
	_ =	strace $0x8000004A  }
0x8: {  	[dreg:$0x3] =	wrdreg s5;
	s25 =	sshrl.u32 s0, $0x1;
	s28 =	sor.u32 $0x200, s4  }
0x9: {  	s0 =	ssub.s32 s0, s25;
	s30 =	sor.u32 $0x280, s4;
	[dreg:$0x6] =	wrdreg s28  }
0xa: {  	s24 =	sshrl.u32 s4, $0x3;
	s0 =	smax.u32 s0, $0x1;
	[dreg:$0x7] =	wrdreg s30  }
0xb: {  	s7 =	sadd.s32 $0x1000, s1;
	s5 =	sadd.s32 s2, s24;
	[dreg:$0x8] =	wrdreg s0  }
0xc: {  	s1 =	simm.s32 $0x9;
	[dreg:$0x4] =	wrdreg s5;
	s26 =	sadd.s32 $0x10, s5  }
0xd: {  	s0 =	simm.s32 $0x8;
	[dreg:$0x5] =	wrdreg s26;
	s26 =	simm.s32 $0x6  }
.LBB2_1:
0xe: {  	[dreg:$0x9] =	wrdreg s8  }
0xf: {  	s5 =	rddreg [dreg:$0x3];
	s22 =	simm.s32 $0x18200;
	s23 =	simm.s32 $0xB  }
0x10: {  	[tilespmem:s22], [sflag:$0xB] =	stream.linear.gather [hbm4b:s5+s3], $0x5200, $0x38;
	[tilespmem:$0x1D400] =	vst v63  }
0x11: {  	_ =	swait.ge [sflag:s23], $0x5200  }
0x12: {  	s25 =	simm.s32 $0x1;
	s28 =	simm.s32 $0x200;
	[sflag:s23] =	ssyncset.done $0x0  }
0x13: {  	s9 =	simm.s32 $0x1C3F0;
	s24 =	rddreg [dreg:$0x4];
	[sflag:s23] =	ssyncadd.s32 $0xFFFFAE00  }
0x14: {  	[tilespmem:s3], [sflag:$0x1] =	stream.linear.gather [hbm4b:s24+s3], $0x80, $0x38;
	[tilespmem:$0x1D400] =	vst v63  }
0x15: {  	s12 =	simm.s32 $0x1E3F0;
	s8 =	simm.s32 $0x180;
	_ =	swait.ge [sflag:s25], $0x80  }
0x16: {  	s14 =	simm.s32 $0x100;
	s15 =	simm.s32 $0x80;
	[sflag:s25] =	ssyncset.done $0x0  }
0x17: {  	s16 =	simm.s32 $0x0;
	s19 =	simm.s32 $0x0;
	[sflag:s25] =	ssyncadd.s32 $0xFFFFFF80  }
0x18: {  	[tilespmem:s28], [sflag:$0x5] =	stream.indirect.gather [hbm4b:s6+s18], $0x80, s3, s18, $0xb8;
	[tilespmem:$0x1D400] =	vst v63  }
0x19: {  	s23 =	simm.s32 $0x1A3F0;
	s24 =	simm.s32 $0x0;
	s30 =	rddreg [dreg:$0x5]  }
0x1a: {  	[tilespmem:s18], [sflag:$0x2] =	stream.linear.gather [hbm4b:s30+s3], $0x80, $0x38;
	[tilespmem:$0x1D400] =	vst v63  }
.LBB2_2:
0x1b: {  	s11 =	simm.s32 $0x2  }
0x1c: {  	s5 =	smulhi.u32 $0x51EB851F, s8;
	s10 =	sshll.u32 s24, $0x9;
	s17 =	simm.s32 $0x4200  }
0x1d: {  	s21 =	sand.u32 $0xFFF8, s16;
	s22 =	simm.s32 $0x5;
	s25 =	smulhi.u32 $0x51EB851F, s15  }
0x1e: {  	p0 =	seq.s32 s24, $0x0;
	_ =	swait.ge [sflag:s11], $0x80;
	s20 =	sadd.s32 s10, s4  }
0x1f: {  	[sflag:s11] =	ssyncset.done $0x0;
	s5 =	sshrl.u32 s5, $0x6;
	s25 =	sshrl.u32 s25, $0x6  }
0x20: {  	[sflag:s11] =	ssyncadd.s32 $0xFFFFFF80;
	s30 =	smul.u32 $0xFFFF3800, s5;
	s11 =	sadd.s32 $0x100, s20  }
0x21: {  	[tilespmem:s17], [sflag:$0x6] =	stream.indirect.gather [hbm4b:s6+s18], $0x80, s18, s18, $0xb8;
	[tilespmem:$0x1D400] =	vst v63  }
0x22: {  	s5 =	sshrl.u32 s21, $0x3;
	s25 =	smul.u32 $0xFFFF3800, s25;
	s20 =	sshrl.u32 s11, $0x3  }
0x23: {  	s21 =	simm.s32 $0x100;
	s5 =	smul.u32 $0x147B, s5;
	s20 =	sadd.s32 s2, s20  }
0x24: {  	[tilespmem:s21], [sflag:$0x3] =	stream.linear.gather [hbm4b:s20+s3], $0x80, $0x38;
	[tilespmem:$0x1D400] =	vst v63  }
0x25: {  	s17 =	smulhi.u32 $0x51EB851F, s14;
	s5 =	sshrl.u32 s5, $0x11;
	_ =	swait.ge [sflag:s22], $0x4000  }
0x26: {  	s28 =	simm.s32 $0xFFFFFFF8;
	s5 =	smul.u32 $0x3200, s5;
	[sflag:s22] =	ssyncset.done $0x0  }
0x27: {  	s17 =	sshrl.u32 s17, $0x6;
	s21 =	simm.s32 @!p0 $0x9;
	[sflag:s22] =	ssyncadd.s32 $0xFFFFC000  }
0x28: {  	s22 =	smul.u32 $0xFFFF3800, s17;
	s5 =	ssub.s32 s19, s5;
	_ =	swait.ge @!p0 [sflag:s21], $0x4000  }
0x29: {  	s17 =	simm.s32 $0x400;
	s5 =	sand.u32 $0xFFFF, s5;
	[sflag:s21] =	ssyncset.done @!p0 $0x0  }
0x2a: {  	s20 =	sadd.s32 $0x18300, s5;
	[sflag:s21] =	ssyncadd.s32 @!p0 $0xFFFFC000;
	s21 =	simm.s32 $0x10400  }
.LBB2_3:
0x2b: {  	v0 =	vld [tilespmem:s17+$0xFFFFFE00];
	_ =	sdelay $0x1  }
0x2c: {  	v1 =	vld [tilespmem:s20+$0xFFFFFF00];
	_ =	sdelay $0x2  }
0x2d: {  	v0 =	vmul.f32 $8.000000000e+00, v0;
	_ =	sdelay $0x1  }
0x2e: {  	v0 =	vadd.f32 v1, v0;
	_ =	sdelay $0x1  }
0x2f: {  	[tilespmem:s21+$0xFFFFFE00] =	vst v0  }
0x30: {  	v0 =	vld [tilespmem:s17+$0xFFFFFE10];
	_ =	sdelay $0x1  }
0x31: {  	v33 =	vld [tilespmem:s20+$0xFFFFFF10];
	_ =	sdelay $0x2  }
0x32: {  	v0 =	vmul.f32 $8.000000000e+00, v0;
	_ =	sdelay $0x1  }
0x33: {  	v0 =	vadd.f32 v33, v0;
	_ =	sdelay $0x1  }
0x34: {  	[tilespmem:s21+$0xFFFFFE10] =	vst v0  }
0x35: {  	v0 =	vld [tilespmem:s17+$0xFFFFFE20];
	_ =	sdelay $0x1  }
0x36: {  	v34 =	vld [tilespmem:s20+$0xFFFFFF20];
	_ =	sdelay $0x2  }
0x37: {  	v0 =	vmul.f32 $8.000000000e+00, v0;
	_ =	sdelay $0x1  }
0x38: {  	v0 =	vadd.f32 v34, v0;
	_ =	sdelay $0x1  }
0x39: {  	[tilespmem:s21+$0xFFFFFE20] =	vst v0  }
0x3a: {  	v0 =	vld [tilespmem:s17+$0xFFFFFE30];
	_ =	sdelay $0x1  }
0x3b: {  	v35 =	vld [tilespmem:s20+$0xFFFFFF30];
	_ =	sdelay $0x2  }
0x3c: {  	v0 =	vmul.f32 $8.000000000e+00, v0;
	_ =	sdelay $0x1  }
0x3d: {  	v0 =	vadd.f32 v35, v0;
	_ =	sdelay $0x1  }
0x3e: {  	[tilespmem:s21+$0xFFFFFE30] =	vst v0  }
0x3f: {  	v0 =	vld [tilespmem:s17+$0xFFFFFE80];
	_ =	sdelay $0x1  }
0x40: {  	v36 =	vld [tilespmem:s20+$0xFFFFFF40];
	_ =	sdelay $0x2  }
0x41: {  	v0 =	vmul.f32 $8.000000000e+00, v0;
	_ =	sdelay $0x1  }
0x42: {  	v0 =	vadd.f32 v36, v0;
	_ =	sdelay $0x1  }
0x43: {  	[tilespmem:s21+$0xFFFFFE80] =	vst v0  }
0x44: {  	v0 =	vld [tilespmem:s17+$0xFFFFFE90];
	_ =	sdelay $0x1  }
0x45: {  	v37 =	vld [tilespmem:s20+$0xFFFFFF50];
	_ =	sdelay $0x2  }
0x46: {  	v0 =	vmul.f32 $8.000000000e+00, v0;
	_ =	sdelay $0x1  }
0x47: {  	v0 =	vadd.f32 v37, v0;
	_ =	sdelay $0x1  }
0x48: {  	[tilespmem:s21+$0xFFFFFE90] =	vst v0  }
0x49: {  	v0 =	vld [tilespmem:s17+$0xFFFFFEA0];
	_ =	sdelay $0x1  }
0x4a: {  	v38 =	vld [tilespmem:s20+$0xFFFFFF60];
	_ =	sdelay $0x2  }
0x4b: {  	v0 =	vmul.f32 $8.000000000e+00, v0;
	_ =	sdelay $0x1  }
0x4c: {  	v0 =	vadd.f32 v38, v0;
	_ =	sdelay $0x1  }
0x4d: {  	[tilespmem:s21+$0xFFFFFEA0] =	vst v0  }
0x4e: {  	v0 =	vld [tilespmem:s17+$0xFFFFFEB0];
	_ =	sdelay $0x1  }
0x4f: {  	v39 =	vld [tilespmem:s20+$0xFFFFFF70];
	_ =	sdelay $0x2  }
0x50: {  	v0 =	vmul.f32 $8.000000000e+00, v0;
	_ =	sdelay $0x1  }
0x51: {  	v0 =	vadd.f32 v39, v0;
	_ =	sdelay $0x1  }
0x52: {  	[tilespmem:s21+$0xFFFFFEB0] =	vst v0  }
0x53: {  	v0 =	vld [tilespmem:s17+$0xFFFFFF00];
	_ =	sdelay $0x1  }
0x54: {  	v40 =	vld [tilespmem:s20+$0xFFFFFF80];
	_ =	sdelay $0x2  }
0x55: {  	v0 =	vmul.f32 $8.000000000e+00, v0;
	_ =	sdelay $0x1  }
0x56: {  	v0 =	vadd.f32 v40, v0;
	_ =	sdelay $0x1  }
0x57: {  	[tilespmem:s21+$0xFFFFFF00] =	vst v0  }
0x58: {  	v0 =	vld [tilespmem:s17+$0xFFFFFF10];
	_ =	sdelay $0x1  }
0x59: {  	v41 =	vld [tilespmem:s20+$0xFFFFFF90];
	_ =	sdelay $0x2  }
0x5a: {  	v0 =	vmul.f32 $8.000000000e+00, v0;
	_ =	sdelay $0x1  }
0x5b: {  	v0 =	vadd.f32 v41, v0;
	_ =	sdelay $0x1  }
0x5c: {  	[tilespmem:s21+$0xFFFFFF10] =	vst v0  }
0x5d: {  	v0 =	vld [tilespmem:s17+$0xFFFFFF20];
	_ =	sdelay $0x1  }
0x5e: {  	v42 =	vld [tilespmem:s20+$0xFFFFFFA0];
	_ =	sdelay $0x2  }
0x5f: {  	v0 =	vmul.f32 $8.000000000e+00, v0;
	_ =	sdelay $0x1  }
0x60: {  	v0 =	vadd.f32 v42, v0;
	_ =	sdelay $0x1  }
0x61: {  	[tilespmem:s21+$0xFFFFFF20] =	vst v0  }
0x62: {  	v0 =	vld [tilespmem:s17+$0xFFFFFF30];
	_ =	sdelay $0x1  }
0x63: {  	v43 =	vld [tilespmem:s20+$0xFFFFFFB0];
	_ =	sdelay $0x2  }
0x64: {  	v0 =	vmul.f32 $8.000000000e+00, v0;
	_ =	sdelay $0x1  }
0x65: {  	v0 =	vadd.f32 v43, v0;
	_ =	sdelay $0x1  }
0x66: {  	[tilespmem:s21+$0xFFFFFF30] =	vst v0  }
0x67: {  	v0 =	vld [tilespmem:s17+$0xFFFFFF80];
	_ =	sdelay $0x1  }
0x68: {  	v44 =	vld [tilespmem:s20+$0xFFFFFFC0];
	_ =	sdelay $0x2  }
0x69: {  	v0 =	vmul.f32 $8.000000000e+00, v0;
	_ =	sdelay $0x1  }
0x6a: {  	v0 =	vadd.f32 v44, v0;
	_ =	sdelay $0x1  }
0x6b: {  	[tilespmem:s21+$0xFFFFFF80] =	vst v0  }
0x6c: {  	v0 =	vld [tilespmem:s17+$0xFFFFFF90];
	_ =	sdelay $0x1  }
0x6d: {  	v45 =	vld [tilespmem:s20+$0xFFFFFFD0];
	_ =	sdelay $0x2  }
0x6e: {  	v0 =	vmul.f32 $8.000000000e+00, v0;
	_ =	sdelay $0x1  }
0x6f: {  	v0 =	vadd.f32 v45, v0;
	_ =	sdelay $0x1  }
0x70: {  	[tilespmem:s21+$0xFFFFFF90] =	vst v0  }
0x71: {  	v0 =	vld [tilespmem:s17+$0xFFFFFFA0];
	_ =	sdelay $0x1  }
0x72: {  	v46 =	vld [tilespmem:s20+$0xFFFFFFE0];
	_ =	sdelay $0x2  }
0x73: {  	v0 =	vmul.f32 $8.000000000e+00, v0;
	_ =	sdelay $0x1  }
0x74: {  	v0 =	vadd.f32 v46, v0;
	_ =	sdelay $0x1  }
0x75: {  	[tilespmem:s21+$0xFFFFFFA0] =	vst v0  }
0x76: {  	v0 =	vld [tilespmem:s17+$0xFFFFFFB0];
	_ =	sdelay $0x1  }
0x77: {  	v47 =	vld [tilespmem:s20+$0xFFFFFFF0];
	_ =	sdelay $0x2  }
0x78: {  	v0 =	vmul.f32 $8.000000000e+00, v0;
	_ =	sdelay $0x1  }
0x79: {  	v0 =	vadd.f32 v47, v0;
	_ =	sdelay $0x1  }
0x7a: {  	[tilespmem:s21+$0xFFFFFFB0] =	vst v0  }
0x7b: {  	v0 =	vld [tilespmem:s17+$0x0];
	_ =	sdelay $0x1  }
0x7c: {  	v48 =	vld [tilespmem:s20+$0x0];
	_ =	sdelay $0x2  }
0x7d: {  	v0 =	vmul.f32 $8.000000000e+00, v0;
	_ =	sdelay $0x1  }
0x7e: {  	v0 =	vadd.f32 v48, v0;
	_ =	sdelay $0x1  }
0x7f: {  	[tilespmem:s21+$0x0] =	vst v0  }
0x80: {  	v0 =	vld [tilespmem:s17+$0x10];
	_ =	sdelay $0x1  }
0x81: {  	v49 =	vld [tilespmem:s20+$0x10];
	_ =	sdelay $0x2  }
0x82: {  	v0 =	vmul.f32 $8.000000000e+00, v0;
	_ =	sdelay $0x1  }
0x83: {  	v0 =	vadd.f32 v49, v0;
	_ =	sdelay $0x1  }
0x84: {  	[tilespmem:s21+$0x10] =	vst v0  }
0x85: {  	v0 =	vld [tilespmem:s17+$0x20];
	_ =	sdelay $0x1  }
0x86: {  	v50 =	vld [tilespmem:s20+$0x20];
	_ =	sdelay $0x2  }
0x87: {  	v0 =	vmul.f32 $8.000000000e+00, v0;
	_ =	sdelay $0x1  }
0x88: {  	v0 =	vadd.f32 v50, v0;
	_ =	sdelay $0x1  }
0x89: {  	[tilespmem:s21+$0x20] =	vst v0  }
0x8a: {  	v0 =	vld [tilespmem:s17+$0x30];
	_ =	sdelay $0x1  }
0x8b: {  	v51 =	vld [tilespmem:s20+$0x30];
	_ =	sdelay $0x2  }
0x8c: {  	v0 =	vmul.f32 $8.000000000e+00, v0;
	_ =	sdelay $0x1  }
0x8d: {  	v0 =	vadd.f32 v51, v0;
	_ =	sdelay $0x1  }
0x8e: {  	[tilespmem:s21+$0x30] =	vst v0  }
0x8f: {  	v0 =	vld [tilespmem:s17+$0x80];
	_ =	sdelay $0x1  }
0x90: {  	v52 =	vld [tilespmem:s20+$0x40];
	_ =	sdelay $0x2  }
0x91: {  	v0 =	vmul.f32 $8.000000000e+00, v0;
	_ =	sdelay $0x1  }
0x92: {  	v0 =	vadd.f32 v52, v0;
	_ =	sdelay $0x1  }
0x93: {  	[tilespmem:s21+$0x80] =	vst v0  }
0x94: {  	v0 =	vld [tilespmem:s17+$0x90];
	_ =	sdelay $0x1  }
0x95: {  	v53 =	vld [tilespmem:s20+$0x50];
	_ =	sdelay $0x2  }
0x96: {  	v0 =	vmul.f32 $8.000000000e+00, v0;
	_ =	sdelay $0x1  }
0x97: {  	v0 =	vadd.f32 v53, v0;
	_ =	sdelay $0x1  }
0x98: {  	[tilespmem:s21+$0x90] =	vst v0  }
0x99: {  	v0 =	vld [tilespmem:s17+$0xA0];
	_ =	sdelay $0x1  }
0x9a: {  	v54 =	vld [tilespmem:s20+$0x60];
	_ =	sdelay $0x2  }
0x9b: {  	v0 =	vmul.f32 $8.000000000e+00, v0;
	_ =	sdelay $0x1  }
0x9c: {  	v0 =	vadd.f32 v54, v0;
	_ =	sdelay $0x1  }
0x9d: {  	[tilespmem:s21+$0xA0] =	vst v0  }
0x9e: {  	v0 =	vld [tilespmem:s17+$0xB0];
	_ =	sdelay $0x1  }
0x9f: {  	v55 =	vld [tilespmem:s20+$0x70];
	_ =	sdelay $0x2  }
0xa0: {  	v0 =	vmul.f32 $8.000000000e+00, v0;
	_ =	sdelay $0x1  }
0xa1: {  	v0 =	vadd.f32 v55, v0;
	_ =	sdelay $0x1  }
0xa2: {  	[tilespmem:s21+$0xB0] =	vst v0  }
0xa3: {  	v0 =	vld [tilespmem:s17+$0x100];
	_ =	sdelay $0x1  }
0xa4: {  	v56 =	vld [tilespmem:s20+$0x80];
	_ =	sdelay $0x2  }
0xa5: {  	v0 =	vmul.f32 $8.000000000e+00, v0;
	_ =	sdelay $0x1  }
0xa6: {  	v0 =	vadd.f32 v56, v0;
	_ =	sdelay $0x1  }
0xa7: {  	[tilespmem:s21+$0x100] =	vst v0  }
0xa8: {  	v0 =	vld [tilespmem:s17+$0x110];
	_ =	sdelay $0x1  }
0xa9: {  	v57 =	vld [tilespmem:s20+$0x90];
	_ =	sdelay $0x2  }
0xaa: {  	v0 =	vmul.f32 $8.000000000e+00, v0;
	_ =	sdelay $0x1  }
0xab: {  	v0 =	vadd.f32 v57, v0;
	_ =	sdelay $0x1  }
0xac: {  	[tilespmem:s21+$0x110] =	vst v0  }
0xad: {  	v0 =	vld [tilespmem:s17+$0x120];
	_ =	sdelay $0x1  }
0xae: {  	v58 =	vld [tilespmem:s20+$0xA0];
	_ =	sdelay $0x2  }
0xaf: {  	v0 =	vmul.f32 $8.000000000e+00, v0;
	_ =	sdelay $0x1  }
0xb0: {  	v0 =	vadd.f32 v58, v0;
	_ =	sdelay $0x1  }
0xb1: {  	[tilespmem:s21+$0x120] =	vst v0  }
0xb2: {  	v0 =	vld [tilespmem:s17+$0x130];
	_ =	sdelay $0x1  }
0xb3: {  	v59 =	vld [tilespmem:s20+$0xB0];
	_ =	sdelay $0x2  }
0xb4: {  	v0 =	vmul.f32 $8.000000000e+00, v0;
	_ =	sdelay $0x1  }
0xb5: {  	v0 =	vadd.f32 v59, v0;
	_ =	sdelay $0x1  }
0xb6: {  	[tilespmem:s21+$0x130] =	vst v0  }
0xb7: {  	v0 =	vld [tilespmem:s17+$0x180];
	_ =	sdelay $0x1  }
0xb8: {  	v60 =	vld [tilespmem:s20+$0xC0];
	_ =	sdelay $0x2  }
0xb9: {  	v0 =	vmul.f32 $8.000000000e+00, v0;
	_ =	sdelay $0x1  }
0xba: {  	v0 =	vadd.f32 v60, v0;
	_ =	sdelay $0x1  }
0xbb: {  	[tilespmem:s21+$0x180] =	vst v0  }
0xbc: {  	v0 =	vld [tilespmem:s17+$0x190];
	_ =	sdelay $0x1  }
0xbd: {  	v61 =	vld [tilespmem:s20+$0xD0];
	_ =	sdelay $0x2  }
0xbe: {  	v0 =	vmul.f32 $8.000000000e+00, v0;
	_ =	sdelay $0x1  }
0xbf: {  	v0 =	vadd.f32 v61, v0;
	_ =	sdelay $0x1  }
0xc0: {  	[tilespmem:s21+$0x190] =	vst v0  }
0xc1: {  	v0 =	vld [tilespmem:s17+$0x1A0];
	_ =	sdelay $0x1  }
0xc2: {  	v62 =	vld [tilespmem:s20+$0xE0];
	_ =	sdelay $0x2  }
0xc3: {  	v0 =	vmul.f32 $8.000000000e+00, v0;
	_ =	sdelay $0x1  }
0xc4: {  	v0 =	vadd.f32 v62, v0;
	_ =	sdelay $0x1  }
0xc5: {  	[tilespmem:s21+$0x1A0] =	vst v0  }
0xc6: {  	v0 =	vld [tilespmem:s17+$0x1B0];
	_ =	sdelay $0x1  }
0xc7: {  	v63 =	vld [tilespmem:s20+$0xF0]  }
0xc8: {  	s28 =	sadd.s32 $0x8, s28  }
0xc9: {  	p1 =	slt.u32 s28, $0x78  }
.Ltmp0:
0xca: {  	v0 =	vmul.f32 $8.000000000e+00, v0;
	(pc) =	sbr.rel @p1 .LBB2_3-.Ltmp0, $3  }
0xcb: {  	_ = 	snop  }
0xcc: {  	v0 =	vadd.f32 v63, v0;
	_ =	sdelay $0x1  }
0xcd: {  	s17 =	sadd.s32 $0x400, s17;
	s20 =	sadd.s32 $0x200, s20;
	[tilespmem:s21+$0x1B0] =	vst v0;
	s21 =	sadd.s32 $0x400, s21  }
0xce: {  	s5 =	sadd.s32 s4, s10  }
0xcf: {  	s17 =	sshll.u32 s5, $0x4  }
0xd0: {  	s20 =	simm.s32 $0x10200;
	s21 =	simm.s32 $0x3;
	s17 =	sadd.s32 s7, s17  }
0xd1: {  	[hbm4b:s17+s3] =	stream.linear.scatter [tilespmem:s20], [sflag:$0x9], $0x4000, $0x38;
	[tilespmem:$0x1D400] =	vst v63  }
0xd2: {  	_ =	swait.ge [sflag:s21], $0x80  }
0xd3: {  	[sflag:s21] =	ssyncset.done $0x0  }
0xd4: {  	s20 =	simm.s32 $0x100;
	[sflag:s21] =	ssyncadd.s32 $0xFFFFFF80;
	s21 =	simm.s32 $0x8200  }
0xd5: {  	[tilespmem:s21], [sflag:$0x7] =	stream.indirect.gather [hbm4b:s6+s18], $0x80, s20, s18, $0xb8;
	[tilespmem:$0x1D400] =	vst v63  }
0xd6: {  	s20 =	sadd.s32 $0x180, s5  }
0xd7: {  	s5 =	sshrl.u32 s20, $0x3  }
0xd8: {  	s21 =	simm.s32 $0x180;
	s5 =	sadd.s32 s2, s5  }
0xd9: {  	[tilespmem:s21], [sflag:$0x4] =	stream.linear.gather [hbm4b:s5+s3], $0x80, $0x38;
	[tilespmem:$0x1D400] =	vst v63  }
0xda: {  	_ =	swait.ge [sflag:s26], $0x4000  }
0xdb: {  	[sflag:s26] =	ssyncset.done $0x0  }
0xdc: {  	s5 =	simm.s32 @!p0 $0xA;
	[sflag:s26] =	ssyncadd.s32 $0xFFFFC000  }
0xdd: {  	_ =	swait.ge @!p0 [sflag:s5], $0x4000  }
0xde: {  	[sflag:s5] =	ssyncset.done @!p0 $0x0  }
0xdf: {  	[sflag:s5] =	ssyncadd.s32 @!p0 $0xFFFFC000;
	s5 =	sshra.s32 s25, $0x2  }
0xe0: {  	v0 =	vmov s5  }
0xe1: {  	s28 =	sor.u32 $0x80, s10;
	s17 =	simm.s32 $0x4400  }
0xe2: {  	s21 =	simm.s32 $0x14400;
	s25 =	simm.s32 $0xFFFFFFF8;
	s5 =	smov.u32 s23  }
.LBB2_5:
0xe3: {  	v1 =	vld [tilespmem:s17+$0xFFFFFE00];
	_ =	sdelay $0x1  }
0xe4: {  	v2 =	vld.idx.msk [tilespmem:v0+s5+$0xFFFFFE10 ss:$0x1], $0xffff;
	_ =	sdelay $0x2  }
0xe5: {  	v1 =	vmul.f32 $8.000000000e+00, v1;
	_ =	sdelay $0x1  }
0xe6: {  	v1 =	vadd.f32 v2, v1;
	_ =	sdelay $0x1  }
0xe7: {  	[tilespmem:s21+$0xFFFFFE00] =	vst v1  }
0xe8: {  	v1 =	vld [tilespmem:s17+$0xFFFFFE10];
	_ =	sdelay $0x1  }
0xe9: {  	v2 =	vld.idx.msk [tilespmem:v0+s5+$0xFFFFFE20 ss:$0x1], $0xffff;
	_ =	sdelay $0x2  }
0xea: {  	v1 =	vmul.f32 $8.000000000e+00, v1;
	_ =	sdelay $0x1  }
0xeb: {  	v1 =	vadd.f32 v2, v1;
	_ =	sdelay $0x1  }
0xec: {  	[tilespmem:s21+$0xFFFFFE10] =	vst v1  }
0xed: {  	v1 =	vld [tilespmem:s17+$0xFFFFFE20];
	_ =	sdelay $0x1  }
0xee: {  	v2 =	vld.idx.msk [tilespmem:v0+s5+$0xFFFFFE30 ss:$0x1], $0xffff;
	_ =	sdelay $0x2  }
0xef: {  	v1 =	vmul.f32 $8.000000000e+00, v1;
	_ =	sdelay $0x1  }
0xf0: {  	v1 =	vadd.f32 v2, v1;
	_ =	sdelay $0x1  }
0xf1: {  	[tilespmem:s21+$0xFFFFFE20] =	vst v1  }
0xf2: {  	v1 =	vld [tilespmem:s17+$0xFFFFFE30];
	_ =	sdelay $0x1  }
0xf3: {  	v2 =	vld.idx.msk [tilespmem:v0+s5+$0xFFFFFE40 ss:$0x1], $0xffff;
	_ =	sdelay $0x2  }
0xf4: {  	v1 =	vmul.f32 $8.000000000e+00, v1;
	_ =	sdelay $0x1  }
0xf5: {  	v1 =	vadd.f32 v2, v1;
	_ =	sdelay $0x1  }
0xf6: {  	[tilespmem:s21+$0xFFFFFE30] =	vst v1  }
0xf7: {  	v1 =	vld [tilespmem:s17+$0xFFFFFE80];
	_ =	sdelay $0x1  }
0xf8: {  	v2 =	vld.idx.msk [tilespmem:v0+s5+$0xFFFFFE50 ss:$0x1], $0xffff;
	_ =	sdelay $0x2  }
0xf9: {  	v1 =	vmul.f32 $8.000000000e+00, v1;
	_ =	sdelay $0x1  }
0xfa: {  	v1 =	vadd.f32 v2, v1;
	_ =	sdelay $0x1  }
0xfb: {  	[tilespmem:s21+$0xFFFFFE80] =	vst v1  }
0xfc: {  	v1 =	vld [tilespmem:s17+$0xFFFFFE90];
	_ =	sdelay $0x1  }
0xfd: {  	v2 =	vld.idx.msk [tilespmem:v0+s5+$0xFFFFFE60 ss:$0x1], $0xffff;
	_ =	sdelay $0x2  }
0xfe: {  	v1 =	vmul.f32 $8.000000000e+00, v1;
	_ =	sdelay $0x1  }
0xff: {  	v1 =	vadd.f32 v2, v1;
	_ =	sdelay $0x1  }
0x100: {  	[tilespmem:s21+$0xFFFFFE90] =	vst v1  }
0x101: {  	v1 =	vld [tilespmem:s17+$0xFFFFFEA0];
	_ =	sdelay $0x1  }
0x102: {  	v2 =	vld.idx.msk [tilespmem:v0+s5+$0xFFFFFE70 ss:$0x1], $0xffff;
	_ =	sdelay $0x2  }
0x103: {  	v1 =	vmul.f32 $8.000000000e+00, v1;
	_ =	sdelay $0x1  }
0x104: {  	v1 =	vadd.f32 v2, v1;
	_ =	sdelay $0x1  }
0x105: {  	[tilespmem:s21+$0xFFFFFEA0] =	vst v1  }
0x106: {  	v1 =	vld [tilespmem:s17+$0xFFFFFEB0];
	_ =	sdelay $0x1  }
0x107: {  	v2 =	vld.idx.msk [tilespmem:v0+s5+$0xFFFFFE80 ss:$0x1], $0xffff;
	_ =	sdelay $0x2  }
0x108: {  	v1 =	vmul.f32 $8.000000000e+00, v1;
	_ =	sdelay $0x1  }
0x109: {  	v1 =	vadd.f32 v2, v1;
	_ =	sdelay $0x1  }
0x10a: {  	[tilespmem:s21+$0xFFFFFEB0] =	vst v1  }
0x10b: {  	v1 =	vld [tilespmem:s17+$0xFFFFFF00];
	_ =	sdelay $0x1  }
0x10c: {  	v2 =	vld.idx.msk [tilespmem:v0+s5+$0xFFFFFE90 ss:$0x1], $0xffff;
	_ =	sdelay $0x2  }
0x10d: {  	v1 =	vmul.f32 $8.000000000e+00, v1;
	_ =	sdelay $0x1  }
0x10e: {  	v1 =	vadd.f32 v2, v1;
	_ =	sdelay $0x1  }
0x10f: {  	[tilespmem:s21+$0xFFFFFF00] =	vst v1  }
0x110: {  	v1 =	vld [tilespmem:s17+$0xFFFFFF10];
	_ =	sdelay $0x1  }
0x111: {  	v2 =	vld.idx.msk [tilespmem:v0+s5+$0xFFFFFEA0 ss:$0x1], $0xffff;
	_ =	sdelay $0x2  }
0x112: {  	v1 =	vmul.f32 $8.000000000e+00, v1;
	_ =	sdelay $0x1  }
0x113: {  	v1 =	vadd.f32 v2, v1;
	_ =	sdelay $0x1  }
0x114: {  	[tilespmem:s21+$0xFFFFFF10] =	vst v1  }
0x115: {  	v1 =	vld [tilespmem:s17+$0xFFFFFF20];
	_ =	sdelay $0x1  }
0x116: {  	v2 =	vld.idx.msk [tilespmem:v0+s5+$0xFFFFFEB0 ss:$0x1], $0xffff;
	_ =	sdelay $0x2  }
0x117: {  	v1 =	vmul.f32 $8.000000000e+00, v1;
	_ =	sdelay $0x1  }
0x118: {  	v1 =	vadd.f32 v2, v1;
	_ =	sdelay $0x1  }
0x119: {  	[tilespmem:s21+$0xFFFFFF20] =	vst v1  }
0x11a: {  	v1 =	vld [tilespmem:s17+$0xFFFFFF30];
	_ =	sdelay $0x1  }
0x11b: {  	v2 =	vld.idx.msk [tilespmem:v0+s5+$0xFFFFFEC0 ss:$0x1], $0xffff;
	_ =	sdelay $0x2  }
0x11c: {  	v1 =	vmul.f32 $8.000000000e+00, v1;
	_ =	sdelay $0x1  }
0x11d: {  	v1 =	vadd.f32 v2, v1;
	_ =	sdelay $0x1  }
0x11e: {  	[tilespmem:s21+$0xFFFFFF30] =	vst v1  }
0x11f: {  	v1 =	vld [tilespmem:s17+$0xFFFFFF80];
	_ =	sdelay $0x1  }
0x120: {  	v2 =	vld.idx.msk [tilespmem:v0+s5+$0xFFFFFED0 ss:$0x1], $0xffff;
	_ =	sdelay $0x2  }
0x121: {  	v1 =	vmul.f32 $8.000000000e+00, v1;
	_ =	sdelay $0x1  }
0x122: {  	v1 =	vadd.f32 v2, v1;
	_ =	sdelay $0x1  }
0x123: {  	[tilespmem:s21+$0xFFFFFF80] =	vst v1  }
0x124: {  	v1 =	vld [tilespmem:s17+$0xFFFFFF90];
	_ =	sdelay $0x1  }
0x125: {  	v2 =	vld.idx.msk [tilespmem:v0+s5+$0xFFFFFEE0 ss:$0x1], $0xffff;
	_ =	sdelay $0x2  }
0x126: {  	v1 =	vmul.f32 $8.000000000e+00, v1;
	_ =	sdelay $0x1  }
0x127: {  	v1 =	vadd.f32 v2, v1;
	_ =	sdelay $0x1  }
0x128: {  	[tilespmem:s21+$0xFFFFFF90] =	vst v1  }
0x129: {  	v1 =	vld [tilespmem:s17+$0xFFFFFFA0];
	_ =	sdelay $0x1  }
0x12a: {  	v2 =	vld.idx.msk [tilespmem:v0+s5+$0xFFFFFEF0 ss:$0x1], $0xffff;
	_ =	sdelay $0x2  }
0x12b: {  	v1 =	vmul.f32 $8.000000000e+00, v1;
	_ =	sdelay $0x1  }
0x12c: {  	v1 =	vadd.f32 v2, v1;
	_ =	sdelay $0x1  }
0x12d: {  	[tilespmem:s21+$0xFFFFFFA0] =	vst v1  }
0x12e: {  	v1 =	vld [tilespmem:s17+$0xFFFFFFB0];
	_ =	sdelay $0x1  }
0x12f: {  	v2 =	vld.idx.msk [tilespmem:v0+s5+$0xFFFFFF00 ss:$0x1], $0xffff;
	_ =	sdelay $0x2  }
0x130: {  	v1 =	vmul.f32 $8.000000000e+00, v1;
	_ =	sdelay $0x1  }
0x131: {  	v1 =	vadd.f32 v2, v1;
	_ =	sdelay $0x1  }
0x132: {  	[tilespmem:s21+$0xFFFFFFB0] =	vst v1  }
0x133: {  	v1 =	vld [tilespmem:s17+$0x0];
	_ =	sdelay $0x1  }
0x134: {  	v2 =	vld.idx.msk [tilespmem:v0+s5+$0xFFFFFF10 ss:$0x1], $0xffff;
	_ =	sdelay $0x2  }
0x135: {  	v1 =	vmul.f32 $8.000000000e+00, v1;
	_ =	sdelay $0x1  }
0x136: {  	v1 =	vadd.f32 v2, v1;
	_ =	sdelay $0x1  }
0x137: {  	[tilespmem:s21+$0x0] =	vst v1  }
0x138: {  	v1 =	vld [tilespmem:s17+$0x10];
	_ =	sdelay $0x1  }
0x139: {  	v2 =	vld.idx.msk [tilespmem:v0+s5+$0xFFFFFF20 ss:$0x1], $0xffff;
	_ =	sdelay $0x2  }
0x13a: {  	v1 =	vmul.f32 $8.000000000e+00, v1;
	_ =	sdelay $0x1  }
0x13b: {  	v1 =	vadd.f32 v2, v1;
	_ =	sdelay $0x1  }
0x13c: {  	[tilespmem:s21+$0x10] =	vst v1  }
0x13d: {  	v1 =	vld [tilespmem:s17+$0x20];
	_ =	sdelay $0x1  }
0x13e: {  	v2 =	vld.idx.msk [tilespmem:v0+s5+$0xFFFFFF30 ss:$0x1], $0xffff;
	_ =	sdelay $0x2  }
0x13f: {  	v1 =	vmul.f32 $8.000000000e+00, v1;
	_ =	sdelay $0x1  }
0x140: {  	v1 =	vadd.f32 v2, v1;
	_ =	sdelay $0x1  }
0x141: {  	[tilespmem:s21+$0x20] =	vst v1  }
0x142: {  	v1 =	vld [tilespmem:s17+$0x30];
	_ =	sdelay $0x1  }
0x143: {  	v2 =	vld.idx.msk [tilespmem:v0+s5+$0xFFFFFF40 ss:$0x1], $0xffff;
	_ =	sdelay $0x2  }
0x144: {  	v1 =	vmul.f32 $8.000000000e+00, v1;
	_ =	sdelay $0x1  }
0x145: {  	v1 =	vadd.f32 v2, v1;
	_ =	sdelay $0x1  }
0x146: {  	[tilespmem:s21+$0x30] =	vst v1  }
0x147: {  	v1 =	vld [tilespmem:s17+$0x80];
	_ =	sdelay $0x1  }
0x148: {  	v2 =	vld.idx.msk [tilespmem:v0+s5+$0xFFFFFF50 ss:$0x1], $0xffff;
	_ =	sdelay $0x2  }
0x149: {  	v1 =	vmul.f32 $8.000000000e+00, v1;
	_ =	sdelay $0x1  }
0x14a: {  	v1 =	vadd.f32 v2, v1;
	_ =	sdelay $0x1  }
0x14b: {  	[tilespmem:s21+$0x80] =	vst v1  }
0x14c: {  	v1 =	vld [tilespmem:s17+$0x90];
	_ =	sdelay $0x1  }
0x14d: {  	v2 =	vld.idx.msk [tilespmem:v0+s5+$0xFFFFFF60 ss:$0x1], $0xffff;
	_ =	sdelay $0x2  }
0x14e: {  	v1 =	vmul.f32 $8.000000000e+00, v1;
	_ =	sdelay $0x1  }
0x14f: {  	v1 =	vadd.f32 v2, v1;
	_ =	sdelay $0x1  }
0x150: {  	[tilespmem:s21+$0x90] =	vst v1  }
0x151: {  	v1 =	vld [tilespmem:s17+$0xA0];
	_ =	sdelay $0x1  }
0x152: {  	v2 =	vld.idx.msk [tilespmem:v0+s5+$0xFFFFFF70 ss:$0x1], $0xffff;
	_ =	sdelay $0x2  }
0x153: {  	v1 =	vmul.f32 $8.000000000e+00, v1;
	_ =	sdelay $0x1  }
0x154: {  	v1 =	vadd.f32 v2, v1;
	_ =	sdelay $0x1  }
0x155: {  	[tilespmem:s21+$0xA0] =	vst v1  }
0x156: {  	v1 =	vld [tilespmem:s17+$0xB0];
	_ =	sdelay $0x1  }
0x157: {  	v2 =	vld.idx.msk [tilespmem:v0+s5+$0xFFFFFF80 ss:$0x1], $0xffff;
	_ =	sdelay $0x2  }
0x158: {  	v1 =	vmul.f32 $8.000000000e+00, v1;
	_ =	sdelay $0x1  }
0x159: {  	v1 =	vadd.f32 v2, v1;
	_ =	sdelay $0x1  }
0x15a: {  	[tilespmem:s21+$0xB0] =	vst v1  }
0x15b: {  	v1 =	vld [tilespmem:s17+$0x100];
	_ =	sdelay $0x1  }
0x15c: {  	v2 =	vld.idx.msk [tilespmem:v0+s5+$0xFFFFFF90 ss:$0x1], $0xffff;
	_ =	sdelay $0x2  }
0x15d: {  	v1 =	vmul.f32 $8.000000000e+00, v1;
	_ =	sdelay $0x1  }
0x15e: {  	v1 =	vadd.f32 v2, v1;
	_ =	sdelay $0x1  }
0x15f: {  	[tilespmem:s21+$0x100] =	vst v1  }
0x160: {  	v1 =	vld [tilespmem:s17+$0x110];
	_ =	sdelay $0x1  }
0x161: {  	v2 =	vld.idx.msk [tilespmem:v0+s5+$0xFFFFFFA0 ss:$0x1], $0xffff;
	_ =	sdelay $0x2  }
0x162: {  	v1 =	vmul.f32 $8.000000000e+00, v1;
	_ =	sdelay $0x1  }
0x163: {  	v1 =	vadd.f32 v2, v1;
	_ =	sdelay $0x1  }
0x164: {  	[tilespmem:s21+$0x110] =	vst v1  }
0x165: {  	v1 =	vld [tilespmem:s17+$0x120];
	_ =	sdelay $0x1  }
0x166: {  	v2 =	vld.idx.msk [tilespmem:v0+s5+$0xFFFFFFB0 ss:$0x1], $0xffff;
	_ =	sdelay $0x2  }
0x167: {  	v1 =	vmul.f32 $8.000000000e+00, v1;
	_ =	sdelay $0x1  }
0x168: {  	v1 =	vadd.f32 v2, v1;
	_ =	sdelay $0x1  }
0x169: {  	[tilespmem:s21+$0x120] =	vst v1  }
0x16a: {  	v1 =	vld [tilespmem:s17+$0x130];
	_ =	sdelay $0x1  }
0x16b: {  	v2 =	vld.idx.msk [tilespmem:v0+s5+$0xFFFFFFC0 ss:$0x1], $0xffff;
	_ =	sdelay $0x2  }
0x16c: {  	v1 =	vmul.f32 $8.000000000e+00, v1;
	_ =	sdelay $0x1  }
0x16d: {  	v1 =	vadd.f32 v2, v1;
	_ =	sdelay $0x1  }
0x16e: {  	[tilespmem:s21+$0x130] =	vst v1  }
0x16f: {  	v1 =	vld [tilespmem:s17+$0x180];
	_ =	sdelay $0x1  }
0x170: {  	v2 =	vld.idx.msk [tilespmem:v0+s5+$0xFFFFFFD0 ss:$0x1], $0xffff;
	_ =	sdelay $0x2  }
0x171: {  	v1 =	vmul.f32 $8.000000000e+00, v1;
	_ =	sdelay $0x1  }
0x172: {  	v1 =	vadd.f32 v2, v1;
	_ =	sdelay $0x1  }
0x173: {  	[tilespmem:s21+$0x180] =	vst v1  }
0x174: {  	v1 =	vld [tilespmem:s17+$0x190];
	_ =	sdelay $0x1  }
0x175: {  	v2 =	vld.idx.msk [tilespmem:v0+s5+$0xFFFFFFE0 ss:$0x1], $0xffff;
	_ =	sdelay $0x2  }
0x176: {  	v1 =	vmul.f32 $8.000000000e+00, v1;
	_ =	sdelay $0x1  }
0x177: {  	v1 =	vadd.f32 v2, v1;
	_ =	sdelay $0x1  }
0x178: {  	[tilespmem:s21+$0x190] =	vst v1  }
0x179: {  	v1 =	vld [tilespmem:s17+$0x1A0];
	_ =	sdelay $0x1  }
0x17a: {  	v2 =	vld.idx.msk [tilespmem:v0+s5+$0xFFFFFFF0 ss:$0x1], $0xffff;
	_ =	sdelay $0x2  }
0x17b: {  	v1 =	vmul.f32 $8.000000000e+00, v1;
	_ =	sdelay $0x1  }
0x17c: {  	v1 =	vadd.f32 v2, v1;
	_ =	sdelay $0x1  }
0x17d: {  	[tilespmem:s21+$0x1A0] =	vst v1  }
0x17e: {  	v1 =	vld [tilespmem:s17+$0x1B0];
	_ =	sdelay $0x1  }
0x17f: {  	v2 =	vld.idx.msk [tilespmem:v0+s5+$0x0 ss:$0x1], $0xffff  }
0x180: {  	s25 =	sadd.s32 $0x8, s25  }
0x181: {  	p0 =	slt.u32 s25, $0x78  }
.Ltmp1:
0x182: {  	v1 =	vmul.f32 $8.000000000e+00, v1;
	(pc) =	sbr.rel @p0 .LBB2_5-.Ltmp1, $3  }
0x183: {  	_ = 	snop  }
0x184: {  	v1 =	vadd.f32 v2, v1;
	_ =	sdelay $0x1  }
0x185: {  	s5 =	sadd.s32 $0x200, s5;
	s17 =	sadd.s32 $0x400, s17;
	[tilespmem:s21+$0x1B0] =	vst v1;
	s21 =	sadd.s32 $0x400, s21  }
0x186: {  	s5 =	sadd.s32 s4, s28  }
0x187: {  	s5 =	sshll.u32 s5, $0x4  }
0x188: {  	s25 =	simm.s32 $0x14200;
	s5 =	sadd.s32 s7, s5  }
0x189: {  	[hbm4b:s5+s3] =	stream.linear.scatter [tilespmem:s25], [sflag:$0xA], $0x4000, $0x38;
	[tilespmem:$0x1D400] =	vst v63  }
0x18a: {  	s21 =	simm.s32 $0x180;
	_ =	swait.ge [sflag:s29], $0x80  }
0x18b: {  	p0 =	seq.s32 s24, $0x31;
	[sflag:s29] =	ssyncset.done $0x0;
	s5 =	rddreg [dreg:$0x6]  }
0x18c: {  	s17 =	simm.s32 $0xC200;
	[sflag:s29] =	ssyncadd.s32 $0xFFFFFF80;
	s5 =	sadd.s32 @!p0 s10, s5  }
0x18d: {  	[tilespmem:s17], [sflag:$0x8] =	stream.indirect.gather [hbm4b:s6+s18], $0x80, s21, s18, $0xb8;
	[tilespmem:$0x1D400] =	vst v63  }
0x18e: {  	s5 =	sshrl.u32 @!p0 s5, $0x3  }
0x18f: {  	s17 =	simm.s32 @!p0 $0x0;
	s5 =	sadd.s32 @!p0 s2, s5  }
0x190: {  	[tilespmem:s17], [sflag:$0x1] =	stream.linear.gather @!p0 [hbm4b:s5+s17], $0x80, $0x38;
	[tilespmem:$0x1D400] =	vst v63  }
0x191: {  	_ =	swait.ge [sflag:s31], $0x4000  }
0x192: {  	[sflag:s31] =	ssyncset.done $0x0  }
0x193: {  	s28 =	sshra.s32 s22, $0x2;
	[sflag:s31] =	ssyncadd.s32 $0xFFFFC000  }
0x194: {  	v0 =	vmov s28;
	_ =	swait.ge [sflag:s1], $0x4000  }
0x195: {  	s22 =	simm.s32 $0xFFFFFFF8;
	s21 =	simm.s32 $0x10400;
	[sflag:s1] =	ssyncset.done $0x0  }
0x196: {  	s17 =	simm.s32 $0x8400;
	s5 =	smov.u32 s9;
	[sflag:s1] =	ssyncadd.s32 $0xFFFFC000  }
.LBB2_7:
0x197: {  	v1 =	vld [tilespmem:s17+$0xFFFFFE00];
	_ =	sdelay $0x1  }
0x198: {  	v2 =	vld.idx.msk [tilespmem:v0+s5+$0xFFFFFE10 ss:$0x1], $0xffff;
	_ =	sdelay $0x2  }
0x199: {  	v1 =	vmul.f32 $8.000000000e+00, v1;
	_ =	sdelay $0x1  }
0x19a: {  	v1 =	vadd.f32 v2, v1;
	_ =	sdelay $0x1  }
0x19b: {  	[tilespmem:s21+$0xFFFFFE00] =	vst v1  }
0x19c: {  	v1 =	vld [tilespmem:s17+$0xFFFFFE10];
	_ =	sdelay $0x1  }
0x19d: {  	v2 =	vld.idx.msk [tilespmem:v0+s5+$0xFFFFFE20 ss:$0x1], $0xffff;
	_ =	sdelay $0x2  }
0x19e: {  	v1 =	vmul.f32 $8.000000000e+00, v1;
	_ =	sdelay $0x1  }
0x19f: {  	v1 =	vadd.f32 v2, v1;
	_ =	sdelay $0x1  }
0x1a0: {  	[tilespmem:s21+$0xFFFFFE10] =	vst v1  }
0x1a1: {  	v1 =	vld [tilespmem:s17+$0xFFFFFE20];
	_ =	sdelay $0x1  }
0x1a2: {  	v2 =	vld.idx.msk [tilespmem:v0+s5+$0xFFFFFE30 ss:$0x1], $0xffff;
	_ =	sdelay $0x2  }
0x1a3: {  	v1 =	vmul.f32 $8.000000000e+00, v1;
	_ =	sdelay $0x1  }
0x1a4: {  	v1 =	vadd.f32 v2, v1;
	_ =	sdelay $0x1  }
0x1a5: {  	[tilespmem:s21+$0xFFFFFE20] =	vst v1  }
0x1a6: {  	v1 =	vld [tilespmem:s17+$0xFFFFFE30];
	_ =	sdelay $0x1  }
0x1a7: {  	v2 =	vld.idx.msk [tilespmem:v0+s5+$0xFFFFFE40 ss:$0x1], $0xffff;
	_ =	sdelay $0x2  }
0x1a8: {  	v1 =	vmul.f32 $8.000000000e+00, v1;
	_ =	sdelay $0x1  }
0x1a9: {  	v1 =	vadd.f32 v2, v1;
	_ =	sdelay $0x1  }
0x1aa: {  	[tilespmem:s21+$0xFFFFFE30] =	vst v1  }
0x1ab: {  	v1 =	vld [tilespmem:s17+$0xFFFFFE80];
	_ =	sdelay $0x1  }
0x1ac: {  	v2 =	vld.idx.msk [tilespmem:v0+s5+$0xFFFFFE50 ss:$0x1], $0xffff;
	_ =	sdelay $0x2  }
0x1ad: {  	v1 =	vmul.f32 $8.000000000e+00, v1;
	_ =	sdelay $0x1  }
0x1ae: {  	v1 =	vadd.f32 v2, v1;
	_ =	sdelay $0x1  }
0x1af: {  	[tilespmem:s21+$0xFFFFFE80] =	vst v1  }
0x1b0: {  	v1 =	vld [tilespmem:s17+$0xFFFFFE90];
	_ =	sdelay $0x1  }
0x1b1: {  	v2 =	vld.idx.msk [tilespmem:v0+s5+$0xFFFFFE60 ss:$0x1], $0xffff;
	_ =	sdelay $0x2  }
0x1b2: {  	v1 =	vmul.f32 $8.000000000e+00, v1;
	_ =	sdelay $0x1  }
0x1b3: {  	v1 =	vadd.f32 v2, v1;
	_ =	sdelay $0x1  }
0x1b4: {  	[tilespmem:s21+$0xFFFFFE90] =	vst v1  }
0x1b5: {  	v1 =	vld [tilespmem:s17+$0xFFFFFEA0];
	_ =	sdelay $0x1  }
0x1b6: {  	v2 =	vld.idx.msk [tilespmem:v0+s5+$0xFFFFFE70 ss:$0x1], $0xffff;
	_ =	sdelay $0x2  }
0x1b7: {  	v1 =	vmul.f32 $8.000000000e+00, v1;
	_ =	sdelay $0x1  }
0x1b8: {  	v1 =	vadd.f32 v2, v1;
	_ =	sdelay $0x1  }
0x1b9: {  	[tilespmem:s21+$0xFFFFFEA0] =	vst v1  }
0x1ba: {  	v1 =	vld [tilespmem:s17+$0xFFFFFEB0];
	_ =	sdelay $0x1  }
0x1bb: {  	v2 =	vld.idx.msk [tilespmem:v0+s5+$0xFFFFFE80 ss:$0x1], $0xffff;
	_ =	sdelay $0x2  }
0x1bc: {  	v1 =	vmul.f32 $8.000000000e+00, v1;
	_ =	sdelay $0x1  }
0x1bd: {  	v1 =	vadd.f32 v2, v1;
	_ =	sdelay $0x1  }
0x1be: {  	[tilespmem:s21+$0xFFFFFEB0] =	vst v1  }
0x1bf: {  	v1 =	vld [tilespmem:s17+$0xFFFFFF00];
	_ =	sdelay $0x1  }
0x1c0: {  	v2 =	vld.idx.msk [tilespmem:v0+s5+$0xFFFFFE90 ss:$0x1], $0xffff;
	_ =	sdelay $0x2  }
0x1c1: {  	v1 =	vmul.f32 $8.000000000e+00, v1;
	_ =	sdelay $0x1  }
0x1c2: {  	v1 =	vadd.f32 v2, v1;
	_ =	sdelay $0x1  }
0x1c3: {  	[tilespmem:s21+$0xFFFFFF00] =	vst v1  }
0x1c4: {  	v1 =	vld [tilespmem:s17+$0xFFFFFF10];
	_ =	sdelay $0x1  }
0x1c5: {  	v2 =	vld.idx.msk [tilespmem:v0+s5+$0xFFFFFEA0 ss:$0x1], $0xffff;
	_ =	sdelay $0x2  }
0x1c6: {  	v1 =	vmul.f32 $8.000000000e+00, v1;
	_ =	sdelay $0x1  }
0x1c7: {  	v1 =	vadd.f32 v2, v1;
	_ =	sdelay $0x1  }
0x1c8: {  	[tilespmem:s21+$0xFFFFFF10] =	vst v1  }
0x1c9: {  	v1 =	vld [tilespmem:s17+$0xFFFFFF20];
	_ =	sdelay $0x1  }
0x1ca: {  	v2 =	vld.idx.msk [tilespmem:v0+s5+$0xFFFFFEB0 ss:$0x1], $0xffff;
	_ =	sdelay $0x2  }
0x1cb: {  	v1 =	vmul.f32 $8.000000000e+00, v1;
	_ =	sdelay $0x1  }
0x1cc: {  	v1 =	vadd.f32 v2, v1;
	_ =	sdelay $0x1  }
0x1cd: {  	[tilespmem:s21+$0xFFFFFF20] =	vst v1  }
0x1ce: {  	v1 =	vld [tilespmem:s17+$0xFFFFFF30];
	_ =	sdelay $0x1  }
0x1cf: {  	v2 =	vld.idx.msk [tilespmem:v0+s5+$0xFFFFFEC0 ss:$0x1], $0xffff;
	_ =	sdelay $0x2  }
0x1d0: {  	v1 =	vmul.f32 $8.000000000e+00, v1;
	_ =	sdelay $0x1  }
0x1d1: {  	v1 =	vadd.f32 v2, v1;
	_ =	sdelay $0x1  }
0x1d2: {  	[tilespmem:s21+$0xFFFFFF30] =	vst v1  }
0x1d3: {  	v1 =	vld [tilespmem:s17+$0xFFFFFF80];
	_ =	sdelay $0x1  }
0x1d4: {  	v2 =	vld.idx.msk [tilespmem:v0+s5+$0xFFFFFED0 ss:$0x1], $0xffff;
	_ =	sdelay $0x2  }
0x1d5: {  	v1 =	vmul.f32 $8.000000000e+00, v1;
	_ =	sdelay $0x1  }
0x1d6: {  	v1 =	vadd.f32 v2, v1;
	_ =	sdelay $0x1  }
0x1d7: {  	[tilespmem:s21+$0xFFFFFF80] =	vst v1  }
0x1d8: {  	v1 =	vld [tilespmem:s17+$0xFFFFFF90];
	_ =	sdelay $0x1  }
0x1d9: {  	v2 =	vld.idx.msk [tilespmem:v0+s5+$0xFFFFFEE0 ss:$0x1], $0xffff;
	_ =	sdelay $0x2  }
0x1da: {  	v1 =	vmul.f32 $8.000000000e+00, v1;
	_ =	sdelay $0x1  }
0x1db: {  	v1 =	vadd.f32 v2, v1;
	_ =	sdelay $0x1  }
0x1dc: {  	[tilespmem:s21+$0xFFFFFF90] =	vst v1  }
0x1dd: {  	v1 =	vld [tilespmem:s17+$0xFFFFFFA0];
	_ =	sdelay $0x1  }
0x1de: {  	v2 =	vld.idx.msk [tilespmem:v0+s5+$0xFFFFFEF0 ss:$0x1], $0xffff;
	_ =	sdelay $0x2  }
0x1df: {  	v1 =	vmul.f32 $8.000000000e+00, v1;
	_ =	sdelay $0x1  }
0x1e0: {  	v1 =	vadd.f32 v2, v1;
	_ =	sdelay $0x1  }
0x1e1: {  	[tilespmem:s21+$0xFFFFFFA0] =	vst v1  }
0x1e2: {  	v1 =	vld [tilespmem:s17+$0xFFFFFFB0];
	_ =	sdelay $0x1  }
0x1e3: {  	v2 =	vld.idx.msk [tilespmem:v0+s5+$0xFFFFFF00 ss:$0x1], $0xffff;
	_ =	sdelay $0x2  }
0x1e4: {  	v1 =	vmul.f32 $8.000000000e+00, v1;
	_ =	sdelay $0x1  }
0x1e5: {  	v1 =	vadd.f32 v2, v1;
	_ =	sdelay $0x1  }
0x1e6: {  	[tilespmem:s21+$0xFFFFFFB0] =	vst v1  }
0x1e7: {  	v1 =	vld [tilespmem:s17+$0x0];
	_ =	sdelay $0x1  }
0x1e8: {  	v2 =	vld.idx.msk [tilespmem:v0+s5+$0xFFFFFF10 ss:$0x1], $0xffff;
	_ =	sdelay $0x2  }
0x1e9: {  	v1 =	vmul.f32 $8.000000000e+00, v1;
	_ =	sdelay $0x1  }
0x1ea: {  	v1 =	vadd.f32 v2, v1;
	_ =	sdelay $0x1  }
0x1eb: {  	[tilespmem:s21+$0x0] =	vst v1  }
0x1ec: {  	v1 =	vld [tilespmem:s17+$0x10];
	_ =	sdelay $0x1  }
0x1ed: {  	v2 =	vld.idx.msk [tilespmem:v0+s5+$0xFFFFFF20 ss:$0x1], $0xffff;
	_ =	sdelay $0x2  }
0x1ee: {  	v1 =	vmul.f32 $8.000000000e+00, v1;
	_ =	sdelay $0x1  }
0x1ef: {  	v1 =	vadd.f32 v2, v1;
	_ =	sdelay $0x1  }
0x1f0: {  	[tilespmem:s21+$0x10] =	vst v1  }
0x1f1: {  	v1 =	vld [tilespmem:s17+$0x20];
	_ =	sdelay $0x1  }
0x1f2: {  	v2 =	vld.idx.msk [tilespmem:v0+s5+$0xFFFFFF30 ss:$0x1], $0xffff;
	_ =	sdelay $0x2  }
0x1f3: {  	v1 =	vmul.f32 $8.000000000e+00, v1;
	_ =	sdelay $0x1  }
0x1f4: {  	v1 =	vadd.f32 v2, v1;
	_ =	sdelay $0x1  }
0x1f5: {  	[tilespmem:s21+$0x20] =	vst v1  }
0x1f6: {  	v1 =	vld [tilespmem:s17+$0x30];
	_ =	sdelay $0x1  }
0x1f7: {  	v2 =	vld.idx.msk [tilespmem:v0+s5+$0xFFFFFF40 ss:$0x1], $0xffff;
	_ =	sdelay $0x2  }
0x1f8: {  	v1 =	vmul.f32 $8.000000000e+00, v1;
	_ =	sdelay $0x1  }
0x1f9: {  	v1 =	vadd.f32 v2, v1;
	_ =	sdelay $0x1  }
0x1fa: {  	[tilespmem:s21+$0x30] =	vst v1  }
0x1fb: {  	v1 =	vld [tilespmem:s17+$0x80];
	_ =	sdelay $0x1  }
0x1fc: {  	v2 =	vld.idx.msk [tilespmem:v0+s5+$0xFFFFFF50 ss:$0x1], $0xffff;
	_ =	sdelay $0x2  }
0x1fd: {  	v1 =	vmul.f32 $8.000000000e+00, v1;
	_ =	sdelay $0x1  }
0x1fe: {  	v1 =	vadd.f32 v2, v1;
	_ =	sdelay $0x1  }
0x1ff: {  	[tilespmem:s21+$0x80] =	vst v1  }
0x200: {  	v1 =	vld [tilespmem:s17+$0x90];
	_ =	sdelay $0x1  }
0x201: {  	v2 =	vld.idx.msk [tilespmem:v0+s5+$0xFFFFFF60 ss:$0x1], $0xffff;
	_ =	sdelay $0x2  }
0x202: {  	v1 =	vmul.f32 $8.000000000e+00, v1;
	_ =	sdelay $0x1  }
0x203: {  	v1 =	vadd.f32 v2, v1;
	_ =	sdelay $0x1  }
0x204: {  	[tilespmem:s21+$0x90] =	vst v1  }
0x205: {  	v1 =	vld [tilespmem:s17+$0xA0];
	_ =	sdelay $0x1  }
0x206: {  	v2 =	vld.idx.msk [tilespmem:v0+s5+$0xFFFFFF70 ss:$0x1], $0xffff;
	_ =	sdelay $0x2  }
0x207: {  	v1 =	vmul.f32 $8.000000000e+00, v1;
	_ =	sdelay $0x1  }
0x208: {  	v1 =	vadd.f32 v2, v1;
	_ =	sdelay $0x1  }
0x209: {  	[tilespmem:s21+$0xA0] =	vst v1  }
0x20a: {  	v1 =	vld [tilespmem:s17+$0xB0];
	_ =	sdelay $0x1  }
0x20b: {  	v2 =	vld.idx.msk [tilespmem:v0+s5+$0xFFFFFF80 ss:$0x1], $0xffff;
	_ =	sdelay $0x2  }
0x20c: {  	v1 =	vmul.f32 $8.000000000e+00, v1;
	_ =	sdelay $0x1  }
0x20d: {  	v1 =	vadd.f32 v2, v1;
	_ =	sdelay $0x1  }
0x20e: {  	[tilespmem:s21+$0xB0] =	vst v1  }
0x20f: {  	v1 =	vld [tilespmem:s17+$0x100];
	_ =	sdelay $0x1  }
0x210: {  	v2 =	vld.idx.msk [tilespmem:v0+s5+$0xFFFFFF90 ss:$0x1], $0xffff;
	_ =	sdelay $0x2  }
0x211: {  	v1 =	vmul.f32 $8.000000000e+00, v1;
	_ =	sdelay $0x1  }
0x212: {  	v1 =	vadd.f32 v2, v1;
	_ =	sdelay $0x1  }
0x213: {  	[tilespmem:s21+$0x100] =	vst v1  }
0x214: {  	v1 =	vld [tilespmem:s17+$0x110];
	_ =	sdelay $0x1  }
0x215: {  	v2 =	vld.idx.msk [tilespmem:v0+s5+$0xFFFFFFA0 ss:$0x1], $0xffff;
	_ =	sdelay $0x2  }
0x216: {  	v1 =	vmul.f32 $8.000000000e+00, v1;
	_ =	sdelay $0x1  }
0x217: {  	v1 =	vadd.f32 v2, v1;
	_ =	sdelay $0x1  }
0x218: {  	[tilespmem:s21+$0x110] =	vst v1  }
0x219: {  	v1 =	vld [tilespmem:s17+$0x120];
	_ =	sdelay $0x1  }
0x21a: {  	v2 =	vld.idx.msk [tilespmem:v0+s5+$0xFFFFFFB0 ss:$0x1], $0xffff;
	_ =	sdelay $0x2  }
0x21b: {  	v1 =	vmul.f32 $8.000000000e+00, v1;
	_ =	sdelay $0x1  }
0x21c: {  	v1 =	vadd.f32 v2, v1;
	_ =	sdelay $0x1  }
0x21d: {  	[tilespmem:s21+$0x120] =	vst v1  }
0x21e: {  	v1 =	vld [tilespmem:s17+$0x130];
	_ =	sdelay $0x1  }
0x21f: {  	v2 =	vld.idx.msk [tilespmem:v0+s5+$0xFFFFFFC0 ss:$0x1], $0xffff;
	_ =	sdelay $0x2  }
0x220: {  	v1 =	vmul.f32 $8.000000000e+00, v1;
	_ =	sdelay $0x1  }
0x221: {  	v1 =	vadd.f32 v2, v1;
	_ =	sdelay $0x1  }
0x222: {  	[tilespmem:s21+$0x130] =	vst v1  }
0x223: {  	v1 =	vld [tilespmem:s17+$0x180];
	_ =	sdelay $0x1  }
0x224: {  	v2 =	vld.idx.msk [tilespmem:v0+s5+$0xFFFFFFD0 ss:$0x1], $0xffff;
	_ =	sdelay $0x2  }
0x225: {  	v1 =	vmul.f32 $8.000000000e+00, v1;
	_ =	sdelay $0x1  }
0x226: {  	v1 =	vadd.f32 v2, v1;
	_ =	sdelay $0x1  }
0x227: {  	[tilespmem:s21+$0x180] =	vst v1  }
0x228: {  	v1 =	vld [tilespmem:s17+$0x190];
	_ =	sdelay $0x1  }
0x229: {  	v2 =	vld.idx.msk [tilespmem:v0+s5+$0xFFFFFFE0 ss:$0x1], $0xffff;
	_ =	sdelay $0x2  }
0x22a: {  	v1 =	vmul.f32 $8.000000000e+00, v1;
	_ =	sdelay $0x1  }
0x22b: {  	v1 =	vadd.f32 v2, v1;
	_ =	sdelay $0x1  }
0x22c: {  	[tilespmem:s21+$0x190] =	vst v1  }
0x22d: {  	v1 =	vld [tilespmem:s17+$0x1A0];
	_ =	sdelay $0x1  }
0x22e: {  	v2 =	vld.idx.msk [tilespmem:v0+s5+$0xFFFFFFF0 ss:$0x1], $0xffff;
	_ =	sdelay $0x2  }
0x22f: {  	v1 =	vmul.f32 $8.000000000e+00, v1;
	_ =	sdelay $0x1  }
0x230: {  	v1 =	vadd.f32 v2, v1;
	_ =	sdelay $0x1  }
0x231: {  	[tilespmem:s21+$0x1A0] =	vst v1  }
0x232: {  	v1 =	vld [tilespmem:s17+$0x1B0];
	_ =	sdelay $0x1  }
0x233: {  	v2 =	vld.idx.msk [tilespmem:v0+s5+$0x0 ss:$0x1], $0xffff  }
0x234: {  	s22 =	sadd.s32 $0x8, s22  }
0x235: {  	p1 =	slt.u32 s22, $0x78  }
.Ltmp2:
0x236: {  	v1 =	vmul.f32 $8.000000000e+00, v1;
	(pc) =	sbr.rel @p1 .LBB2_7-.Ltmp2, $3  }
0x237: {  	_ = 	snop  }
0x238: {  	v1 =	vadd.f32 v2, v1;
	_ =	sdelay $0x1  }
0x239: {  	s5 =	sadd.s32 $0x200, s5;
	s17 =	sadd.s32 $0x400, s17;
	[tilespmem:s21+$0x1B0] =	vst v1;
	s21 =	sadd.s32 $0x400, s21  }
0x23a: {  	s5 =	sshll.u32 s11, $0x4  }
0x23b: {  	s28 =	simm.s32 $0x10200;
	s5 =	sadd.s32 s7, s5  }
0x23c: {  	[hbm4b:s5+s3] =	stream.linear.scatter [tilespmem:s28], [sflag:$0x9], $0x4000, $0x38;
	[tilespmem:$0x1D400] =	vst v63  }
0x23d: {  	s5 =	simm.s32 @!p0 $0x1  }
0x23e: {  	_ =	swait.ge @!p0 [sflag:s5], $0x80  }
0x23f: {  	s11 =	simm.s32 @!p0 $0x0;
	[sflag:s5] =	ssyncset.done @!p0 $0x0  }
0x240: {  	s17 =	simm.s32 @!p0 $0x200;
	[sflag:s5] =	ssyncadd.s32 @!p0 $0xFFFFFF80;
	s5 =	simm.s32 @!p0 $0x80  }
0x241: {  	[tilespmem:s17], [sflag:$0x5] =	stream.indirect.gather @!p0 [hbm4b:s6+s5], $0x80, s11, s5, $0xb8;
	[tilespmem:$0x1D400] =	vst v63  }
0x242: {  	s17 =	rddreg [dreg:$0x7]  }
0x243: {  	s10 =	sadd.s32 @!p0 s10, s17  }
0x244: {  	s10 =	sshrl.u32 @!p0 s10, $0x3  }
0x245: {  	s10 =	sadd.s32 @!p0 s2, s10  }
0x246: {  	[tilespmem:s5], [sflag:$0x2] =	stream.linear.gather @!p0 [hbm4b:s10+s11], $0x80, $0x38;
	[tilespmem:$0x1D400] =	vst v63  }
0x247: {  	_ =	swait.ge [sflag:s0], $0x4000  }
0x248: {  	[sflag:s0] =	ssyncset.done $0x0  }
0x249: {  	s30 =	sshra.s32 s30, $0x2;
	[sflag:s0] =	ssyncadd.s32 $0xFFFFC000  }
0x24a: {  	v0 =	vmov s30;
	_ =	swait.ge [sflag:s13], $0x4000  }
0x24b: {  	s17 =	simm.s32 $0x14400;
	s10 =	simm.s32 $0xFFFFFFF8;
	[sflag:s13] =	ssyncset.done $0x0  }
0x24c: {  	s11 =	simm.s32 $0xC400;
	s5 =	smov.u32 s12;
	[sflag:s13] =	ssyncadd.s32 $0xFFFFC000  }
.LBB2_9:
0x24d: {  	v1 =	vld [tilespmem:s11+$0xFFFFFE00];
	_ =	sdelay $0x1  }
0x24e: {  	v2 =	vld.idx.msk [tilespmem:v0+s5+$0xFFFFFE10 ss:$0x1], $0xffff;
	_ =	sdelay $0x2  }
0x24f: {  	v1 =	vmul.f32 $8.000000000e+00, v1;
	_ =	sdelay $0x1  }
0x250: {  	v1 =	vadd.f32 v2, v1;
	_ =	sdelay $0x1  }
0x251: {  	[tilespmem:s17+$0xFFFFFE00] =	vst v1  }
0x252: {  	v1 =	vld [tilespmem:s11+$0xFFFFFE10];
	_ =	sdelay $0x1  }
0x253: {  	v2 =	vld.idx.msk [tilespmem:v0+s5+$0xFFFFFE20 ss:$0x1], $0xffff;
	_ =	sdelay $0x2  }
0x254: {  	v1 =	vmul.f32 $8.000000000e+00, v1;
	_ =	sdelay $0x1  }
0x255: {  	v1 =	vadd.f32 v2, v1;
	_ =	sdelay $0x1  }
0x256: {  	[tilespmem:s17+$0xFFFFFE10] =	vst v1  }
0x257: {  	v1 =	vld [tilespmem:s11+$0xFFFFFE20];
	_ =	sdelay $0x1  }
0x258: {  	v2 =	vld.idx.msk [tilespmem:v0+s5+$0xFFFFFE30 ss:$0x1], $0xffff;
	_ =	sdelay $0x2  }
0x259: {  	v1 =	vmul.f32 $8.000000000e+00, v1;
	_ =	sdelay $0x1  }
0x25a: {  	v1 =	vadd.f32 v2, v1;
	_ =	sdelay $0x1  }
0x25b: {  	[tilespmem:s17+$0xFFFFFE20] =	vst v1  }
0x25c: {  	v1 =	vld [tilespmem:s11+$0xFFFFFE30];
	_ =	sdelay $0x1  }
0x25d: {  	v2 =	vld.idx.msk [tilespmem:v0+s5+$0xFFFFFE40 ss:$0x1], $0xffff;
	_ =	sdelay $0x2  }
0x25e: {  	v1 =	vmul.f32 $8.000000000e+00, v1;
	_ =	sdelay $0x1  }
0x25f: {  	v1 =	vadd.f32 v2, v1;
	_ =	sdelay $0x1  }
0x260: {  	[tilespmem:s17+$0xFFFFFE30] =	vst v1  }
0x261: {  	v1 =	vld [tilespmem:s11+$0xFFFFFE80];
	_ =	sdelay $0x1  }
0x262: {  	v2 =	vld.idx.msk [tilespmem:v0+s5+$0xFFFFFE50 ss:$0x1], $0xffff;
	_ =	sdelay $0x2  }
0x263: {  	v1 =	vmul.f32 $8.000000000e+00, v1;
	_ =	sdelay $0x1  }
0x264: {  	v1 =	vadd.f32 v2, v1;
	_ =	sdelay $0x1  }
0x265: {  	[tilespmem:s17+$0xFFFFFE80] =	vst v1  }
0x266: {  	v1 =	vld [tilespmem:s11+$0xFFFFFE90];
	_ =	sdelay $0x1  }
0x267: {  	v2 =	vld.idx.msk [tilespmem:v0+s5+$0xFFFFFE60 ss:$0x1], $0xffff;
	_ =	sdelay $0x2  }
0x268: {  	v1 =	vmul.f32 $8.000000000e+00, v1;
	_ =	sdelay $0x1  }
0x269: {  	v1 =	vadd.f32 v2, v1;
	_ =	sdelay $0x1  }
0x26a: {  	[tilespmem:s17+$0xFFFFFE90] =	vst v1  }
0x26b: {  	v1 =	vld [tilespmem:s11+$0xFFFFFEA0];
	_ =	sdelay $0x1  }
0x26c: {  	v2 =	vld.idx.msk [tilespmem:v0+s5+$0xFFFFFE70 ss:$0x1], $0xffff;
	_ =	sdelay $0x2  }
0x26d: {  	v1 =	vmul.f32 $8.000000000e+00, v1;
	_ =	sdelay $0x1  }
0x26e: {  	v1 =	vadd.f32 v2, v1;
	_ =	sdelay $0x1  }
0x26f: {  	[tilespmem:s17+$0xFFFFFEA0] =	vst v1  }
0x270: {  	v1 =	vld [tilespmem:s11+$0xFFFFFEB0];
	_ =	sdelay $0x1  }
0x271: {  	v2 =	vld.idx.msk [tilespmem:v0+s5+$0xFFFFFE80 ss:$0x1], $0xffff;
	_ =	sdelay $0x2  }
0x272: {  	v1 =	vmul.f32 $8.000000000e+00, v1;
	_ =	sdelay $0x1  }
0x273: {  	v1 =	vadd.f32 v2, v1;
	_ =	sdelay $0x1  }
0x274: {  	[tilespmem:s17+$0xFFFFFEB0] =	vst v1  }
0x275: {  	v1 =	vld [tilespmem:s11+$0xFFFFFF00];
	_ =	sdelay $0x1  }
0x276: {  	v2 =	vld.idx.msk [tilespmem:v0+s5+$0xFFFFFE90 ss:$0x1], $0xffff;
	_ =	sdelay $0x2  }
0x277: {  	v1 =	vmul.f32 $8.000000000e+00, v1;
	_ =	sdelay $0x1  }
0x278: {  	v1 =	vadd.f32 v2, v1;
	_ =	sdelay $0x1  }
0x279: {  	[tilespmem:s17+$0xFFFFFF00] =	vst v1  }
0x27a: {  	v1 =	vld [tilespmem:s11+$0xFFFFFF10];
	_ =	sdelay $0x1  }
0x27b: {  	v2 =	vld.idx.msk [tilespmem:v0+s5+$0xFFFFFEA0 ss:$0x1], $0xffff;
	_ =	sdelay $0x2  }
0x27c: {  	v1 =	vmul.f32 $8.000000000e+00, v1;
	_ =	sdelay $0x1  }
0x27d: {  	v1 =	vadd.f32 v2, v1;
	_ =	sdelay $0x1  }
0x27e: {  	[tilespmem:s17+$0xFFFFFF10] =	vst v1  }
0x27f: {  	v1 =	vld [tilespmem:s11+$0xFFFFFF20];
	_ =	sdelay $0x1  }
0x280: {  	v2 =	vld.idx.msk [tilespmem:v0+s5+$0xFFFFFEB0 ss:$0x1], $0xffff;
	_ =	sdelay $0x2  }
0x281: {  	v1 =	vmul.f32 $8.000000000e+00, v1;
	_ =	sdelay $0x1  }
0x282: {  	v1 =	vadd.f32 v2, v1;
	_ =	sdelay $0x1  }
0x283: {  	[tilespmem:s17+$0xFFFFFF20] =	vst v1  }
0x284: {  	v1 =	vld [tilespmem:s11+$0xFFFFFF30];
	_ =	sdelay $0x1  }
0x285: {  	v2 =	vld.idx.msk [tilespmem:v0+s5+$0xFFFFFEC0 ss:$0x1], $0xffff;
	_ =	sdelay $0x2  }
0x286: {  	v1 =	vmul.f32 $8.000000000e+00, v1;
	_ =	sdelay $0x1  }
0x287: {  	v1 =	vadd.f32 v2, v1;
	_ =	sdelay $0x1  }
0x288: {  	[tilespmem:s17+$0xFFFFFF30] =	vst v1  }
0x289: {  	v1 =	vld [tilespmem:s11+$0xFFFFFF80];
	_ =	sdelay $0x1  }
0x28a: {  	v2 =	vld.idx.msk [tilespmem:v0+s5+$0xFFFFFED0 ss:$0x1], $0xffff;
	_ =	sdelay $0x2  }
0x28b: {  	v1 =	vmul.f32 $8.000000000e+00, v1;
	_ =	sdelay $0x1  }
0x28c: {  	v1 =	vadd.f32 v2, v1;
	_ =	sdelay $0x1  }
0x28d: {  	[tilespmem:s17+$0xFFFFFF80] =	vst v1  }
0x28e: {  	v1 =	vld [tilespmem:s11+$0xFFFFFF90];
	_ =	sdelay $0x1  }
0x28f: {  	v2 =	vld.idx.msk [tilespmem:v0+s5+$0xFFFFFEE0 ss:$0x1], $0xffff;
	_ =	sdelay $0x2  }
0x290: {  	v1 =	vmul.f32 $8.000000000e+00, v1;
	_ =	sdelay $0x1  }
0x291: {  	v1 =	vadd.f32 v2, v1;
	_ =	sdelay $0x1  }
0x292: {  	[tilespmem:s17+$0xFFFFFF90] =	vst v1  }
0x293: {  	v1 =	vld [tilespmem:s11+$0xFFFFFFA0];
	_ =	sdelay $0x1  }
0x294: {  	v2 =	vld.idx.msk [tilespmem:v0+s5+$0xFFFFFEF0 ss:$0x1], $0xffff;
	_ =	sdelay $0x2  }
0x295: {  	v1 =	vmul.f32 $8.000000000e+00, v1;
	_ =	sdelay $0x1  }
0x296: {  	v1 =	vadd.f32 v2, v1;
	_ =	sdelay $0x1  }
0x297: {  	[tilespmem:s17+$0xFFFFFFA0] =	vst v1  }
0x298: {  	v1 =	vld [tilespmem:s11+$0xFFFFFFB0];
	_ =	sdelay $0x1  }
0x299: {  	v2 =	vld.idx.msk [tilespmem:v0+s5+$0xFFFFFF00 ss:$0x1], $0xffff;
	_ =	sdelay $0x2  }
0x29a: {  	v1 =	vmul.f32 $8.000000000e+00, v1;
	_ =	sdelay $0x1  }
0x29b: {  	v1 =	vadd.f32 v2, v1;
	_ =	sdelay $0x1  }
0x29c: {  	[tilespmem:s17+$0xFFFFFFB0] =	vst v1  }
0x29d: {  	v1 =	vld [tilespmem:s11+$0x0];
	_ =	sdelay $0x1  }
0x29e: {  	v2 =	vld.idx.msk [tilespmem:v0+s5+$0xFFFFFF10 ss:$0x1], $0xffff;
	_ =	sdelay $0x2  }
0x29f: {  	v1 =	vmul.f32 $8.000000000e+00, v1;
	_ =	sdelay $0x1  }
0x2a0: {  	v1 =	vadd.f32 v2, v1;
	_ =	sdelay $0x1  }
0x2a1: {  	[tilespmem:s17+$0x0] =	vst v1  }
0x2a2: {  	v1 =	vld [tilespmem:s11+$0x10];
	_ =	sdelay $0x1  }
0x2a3: {  	v2 =	vld.idx.msk [tilespmem:v0+s5+$0xFFFFFF20 ss:$0x1], $0xffff;
	_ =	sdelay $0x2  }
0x2a4: {  	v1 =	vmul.f32 $8.000000000e+00, v1;
	_ =	sdelay $0x1  }
0x2a5: {  	v1 =	vadd.f32 v2, v1;
	_ =	sdelay $0x1  }
0x2a6: {  	[tilespmem:s17+$0x10] =	vst v1  }
0x2a7: {  	v1 =	vld [tilespmem:s11+$0x20];
	_ =	sdelay $0x1  }
0x2a8: {  	v2 =	vld.idx.msk [tilespmem:v0+s5+$0xFFFFFF30 ss:$0x1], $0xffff;
	_ =	sdelay $0x2  }
0x2a9: {  	v1 =	vmul.f32 $8.000000000e+00, v1;
	_ =	sdelay $0x1  }
0x2aa: {  	v1 =	vadd.f32 v2, v1;
	_ =	sdelay $0x1  }
0x2ab: {  	[tilespmem:s17+$0x20] =	vst v1  }
0x2ac: {  	v1 =	vld [tilespmem:s11+$0x30];
	_ =	sdelay $0x1  }
0x2ad: {  	v2 =	vld.idx.msk [tilespmem:v0+s5+$0xFFFFFF40 ss:$0x1], $0xffff;
	_ =	sdelay $0x2  }
0x2ae: {  	v1 =	vmul.f32 $8.000000000e+00, v1;
	_ =	sdelay $0x1  }
0x2af: {  	v1 =	vadd.f32 v2, v1;
	_ =	sdelay $0x1  }
0x2b0: {  	[tilespmem:s17+$0x30] =	vst v1  }
0x2b1: {  	v1 =	vld [tilespmem:s11+$0x80];
	_ =	sdelay $0x1  }
0x2b2: {  	v2 =	vld.idx.msk [tilespmem:v0+s5+$0xFFFFFF50 ss:$0x1], $0xffff;
	_ =	sdelay $0x2  }
0x2b3: {  	v1 =	vmul.f32 $8.000000000e+00, v1;
	_ =	sdelay $0x1  }
0x2b4: {  	v1 =	vadd.f32 v2, v1;
	_ =	sdelay $0x1  }
0x2b5: {  	[tilespmem:s17+$0x80] =	vst v1  }
0x2b6: {  	v1 =	vld [tilespmem:s11+$0x90];
	_ =	sdelay $0x1  }
0x2b7: {  	v2 =	vld.idx.msk [tilespmem:v0+s5+$0xFFFFFF60 ss:$0x1], $0xffff;
	_ =	sdelay $0x2  }
0x2b8: {  	v1 =	vmul.f32 $8.000000000e+00, v1;
	_ =	sdelay $0x1  }
0x2b9: {  	v1 =	vadd.f32 v2, v1;
	_ =	sdelay $0x1  }
0x2ba: {  	[tilespmem:s17+$0x90] =	vst v1  }
0x2bb: {  	v1 =	vld [tilespmem:s11+$0xA0];
	_ =	sdelay $0x1  }
0x2bc: {  	v2 =	vld.idx.msk [tilespmem:v0+s5+$0xFFFFFF70 ss:$0x1], $0xffff;
	_ =	sdelay $0x2  }
0x2bd: {  	v1 =	vmul.f32 $8.000000000e+00, v1;
	_ =	sdelay $0x1  }
0x2be: {  	v1 =	vadd.f32 v2, v1;
	_ =	sdelay $0x1  }
0x2bf: {  	[tilespmem:s17+$0xA0] =	vst v1  }
0x2c0: {  	v1 =	vld [tilespmem:s11+$0xB0];
	_ =	sdelay $0x1  }
0x2c1: {  	v2 =	vld.idx.msk [tilespmem:v0+s5+$0xFFFFFF80 ss:$0x1], $0xffff;
	_ =	sdelay $0x2  }
0x2c2: {  	v1 =	vmul.f32 $8.000000000e+00, v1;
	_ =	sdelay $0x1  }
0x2c3: {  	v1 =	vadd.f32 v2, v1;
	_ =	sdelay $0x1  }
0x2c4: {  	[tilespmem:s17+$0xB0] =	vst v1  }
0x2c5: {  	v1 =	vld [tilespmem:s11+$0x100];
	_ =	sdelay $0x1  }
0x2c6: {  	v2 =	vld.idx.msk [tilespmem:v0+s5+$0xFFFFFF90 ss:$0x1], $0xffff;
	_ =	sdelay $0x2  }
0x2c7: {  	v1 =	vmul.f32 $8.000000000e+00, v1;
	_ =	sdelay $0x1  }
0x2c8: {  	v1 =	vadd.f32 v2, v1;
	_ =	sdelay $0x1  }
0x2c9: {  	[tilespmem:s17+$0x100] =	vst v1  }
0x2ca: {  	v1 =	vld [tilespmem:s11+$0x110];
	_ =	sdelay $0x1  }
0x2cb: {  	v2 =	vld.idx.msk [tilespmem:v0+s5+$0xFFFFFFA0 ss:$0x1], $0xffff;
	_ =	sdelay $0x2  }
0x2cc: {  	v1 =	vmul.f32 $8.000000000e+00, v1;
	_ =	sdelay $0x1  }
0x2cd: {  	v1 =	vadd.f32 v2, v1;
	_ =	sdelay $0x1  }
0x2ce: {  	[tilespmem:s17+$0x110] =	vst v1  }
0x2cf: {  	v1 =	vld [tilespmem:s11+$0x120];
	_ =	sdelay $0x1  }
0x2d0: {  	v2 =	vld.idx.msk [tilespmem:v0+s5+$0xFFFFFFB0 ss:$0x1], $0xffff;
	_ =	sdelay $0x2  }
0x2d1: {  	v1 =	vmul.f32 $8.000000000e+00, v1;
	_ =	sdelay $0x1  }
0x2d2: {  	v1 =	vadd.f32 v2, v1;
	_ =	sdelay $0x1  }
0x2d3: {  	[tilespmem:s17+$0x120] =	vst v1  }
0x2d4: {  	v1 =	vld [tilespmem:s11+$0x130];
	_ =	sdelay $0x1  }
0x2d5: {  	v2 =	vld.idx.msk [tilespmem:v0+s5+$0xFFFFFFC0 ss:$0x1], $0xffff;
	_ =	sdelay $0x2  }
0x2d6: {  	v1 =	vmul.f32 $8.000000000e+00, v1;
	_ =	sdelay $0x1  }
0x2d7: {  	v1 =	vadd.f32 v2, v1;
	_ =	sdelay $0x1  }
0x2d8: {  	[tilespmem:s17+$0x130] =	vst v1  }
0x2d9: {  	v1 =	vld [tilespmem:s11+$0x180];
	_ =	sdelay $0x1  }
0x2da: {  	v2 =	vld.idx.msk [tilespmem:v0+s5+$0xFFFFFFD0 ss:$0x1], $0xffff;
	_ =	sdelay $0x2  }
0x2db: {  	v1 =	vmul.f32 $8.000000000e+00, v1;
	_ =	sdelay $0x1  }
0x2dc: {  	v1 =	vadd.f32 v2, v1;
	_ =	sdelay $0x1  }
0x2dd: {  	[tilespmem:s17+$0x180] =	vst v1  }
0x2de: {  	v1 =	vld [tilespmem:s11+$0x190];
	_ =	sdelay $0x1  }
0x2df: {  	v2 =	vld.idx.msk [tilespmem:v0+s5+$0xFFFFFFE0 ss:$0x1], $0xffff;
	_ =	sdelay $0x2  }
0x2e0: {  	v1 =	vmul.f32 $8.000000000e+00, v1;
	_ =	sdelay $0x1  }
0x2e1: {  	v1 =	vadd.f32 v2, v1;
	_ =	sdelay $0x1  }
0x2e2: {  	[tilespmem:s17+$0x190] =	vst v1  }
0x2e3: {  	v1 =	vld [tilespmem:s11+$0x1A0];
	_ =	sdelay $0x1  }
0x2e4: {  	v2 =	vld.idx.msk [tilespmem:v0+s5+$0xFFFFFFF0 ss:$0x1], $0xffff;
	_ =	sdelay $0x2  }
0x2e5: {  	v1 =	vmul.f32 $8.000000000e+00, v1;
	_ =	sdelay $0x1  }
0x2e6: {  	v1 =	vadd.f32 v2, v1;
	_ =	sdelay $0x1  }
0x2e7: {  	[tilespmem:s17+$0x1A0] =	vst v1  }
0x2e8: {  	v1 =	vld [tilespmem:s11+$0x1B0];
	_ =	sdelay $0x1  }
0x2e9: {  	v2 =	vld.idx.msk [tilespmem:v0+s5+$0x0 ss:$0x1], $0xffff  }
0x2ea: {  	s10 =	sadd.s32 $0x8, s10  }
0x2eb: {  	p0 =	slt.u32 s10, $0x78  }
.Ltmp3:
0x2ec: {  	v1 =	vmul.f32 $8.000000000e+00, v1;
	(pc) =	sbr.rel @p0 .LBB2_9-.Ltmp3, $3  }
0x2ed: {  	_ = 	snop  }
0x2ee: {  	v1 =	vadd.f32 v2, v1;
	_ =	sdelay $0x1  }
0x2ef: {  	s5 =	sadd.s32 $0x200, s5;
	s11 =	sadd.s32 $0x400, s11;
	[tilespmem:s17+$0x1B0] =	vst v1;
	s17 =	sadd.s32 $0x400, s17  }
0x2f0: {  	s24 =	sadd.s32 $0x1, s24  }
0x2f1: {  	p0 =	sne.s32 s24, $0x32  }
.Ltmp4:
0x2f2: {  	s5 =	sshll.u32 s20, $0x4;
	(pc) =	sbr.rel @p0 .LBB2_2-.Ltmp4, $4  }
0x2f3: {  	s19 =	sadd.s32 $0xFFFF8000, s19;
	s16 =	sadd.s32 $0x200, s16;
	s15 =	sadd.s32 $0x200, s15  }
0x2f4: {  	s23 =	sadd.s32 $0x8000, s23;
	s14 =	sadd.s32 $0x200, s14;
	s9 =	sadd.s32 $0x8000, s9  }
0x2f5: {  	s8 =	sadd.s32 $0x200, s8;
	s12 =	sadd.s32 $0x8000, s12;
	s5 =	sadd.s32 s7, s5  }
0x2f6: {  	[hbm4b:s5+s3] =	stream.linear.scatter [tilespmem:s25], [sflag:$0xA], $0x4000, $0x38;
	[tilespmem:$0x1D400] =	vst v63  }
0x2f7: {  	_ =	swait.ge [sflag:s1], $0x4000  }
0x2f8: {  	[sflag:s1] =	ssyncset.done $0x0  }
0x2f9: {  	[sflag:s1] =	ssyncadd.s32 $0xFFFFC000  }
0x2fa: {  	_ =	swait.ge [sflag:s13], $0x4000  }
0x2fb: {  	s8 =	rddreg [dreg:$0x9]  }
0x2fc: {  	s5 =	rddreg [dreg:$0x8];
	s8 =	sadd.s32 $0x1, s8  }
0x2fd: {  	p0 =	sne.s32 s8, s5  }
.Ltmp5:
0x2fe: {  	_ = 	snop;
	(pc) =	sbr.rel @p0 .LBB2_1-.Ltmp5, $3  }
0x2ff: {  	_ =	sdelay $0x1  }
0x300: {  	[sflag:s13] =	ssyncset.done $0x0  }
0x301: {  	[sflag:s13] =	ssyncadd.s32 $0xFFFFC000  }
0x302: {  	_ =	sfence.sel $0x180000  }
0x303: {  	[bflag:$0x0] =	sbarrier.arrive $0xFFFF  }
0x304: {  	_ =	strace $0x9000004A  }
0x305: {  	s0 =	stileid.u32;
	[bflag:$0x2] =	sbarrier.arrive $0xFFFF  }
0x306: {  	p0 =	sne.s32 s0, $0x0;
	s0 =	rddreg [dreg:$0x2]  }
0x307: {  	s0 =	sadd.s32 @!p0 $0x100000, s0  }
0x308: {  	[sflag:s0] =	ssyncadd.tile.s32 @!p0 $0x1;
	_ =	shalt  }
.Lfunc_end2:
_tile_overlayer_lowered:
.L_overlay_start_2:
0x309: {  	(tag) =	ssettag $0x2  }
0x30a: {  	s0 =	rddreg [dreg:$0x0];
	s2 =	stileid.u32  }
0x30b: {  	s1 =	rddreg [dreg:$0x1];
	p0 =	sne.s32 s2, $0x0  }
0x30c: {  	s3 =	rddreg [dreg:$0x2];
	[bflag:$0x3] =	sbarrier.arrive $0xFFFF;
	s2 =	simm.s32 @!p0 $0x1C0B  }
0x30d: {  	[timem:s3], [sflag:s2] =	dma.local @!p0 [hbm:s0], s1  }
0x30e: {  	s0 =	simm.s32 @!p0 $0xB  }
0x30f: {  	_ =	swait.ge @!p0 [sflag:s0], s1  }
0x310: {  	s1 =	ssub.s32 @!p0 $0x0, s1;
	[sflag:s0] =	ssyncset.done @!p0 $0x0  }
0x311: {  	[sflag:s0] =	ssyncadd.s32 @!p0 s1  }
0x312: {  	[bflag:$0x3] =	sbarrier.arrive $0xFFFF  }
0x313: {  	_ =	shalt  }

// kernel: sparse-core-data-format-call.cloned.1.call-start
scs
called_computation_lowered:
.L_overlay_start_0:
0x0: {  	s2 =	sld [smem:$0x3FD9]  }
0x1: {  	s3 =	sld [smem:$0x3FFE];
	_ =	sdelay $0x1  }
0x2: {  	s1 =	srdreg.scid  }
0x3: {  	s0 =	sand.u32 $0x1, s1  }
0x4: {  	s18 =	sshll.u32 s0, $0xA;
	s2 =	sadd.s32 s3, s2  }
0x5: {  	s2 =	sadd.s32 s2, s18  }
0x6: {  	[smem:$0x3FC5] =	sst s2  }
0x7: {  	_ = 	snop  }
0x8: {  	s2 =	sld [smem:$0x3FD0];
	(tm) =	ssettm $0x1  }
0x9: {  	s19 =	sld [smem:$0x3FFB];
	_ =	sdelay $0x3  }
0xa: {  	_ =	strace s19  }
0xb: {  	s3 =	sld [smem:$0x3FFC];
	_ =	sdelay $0x3  }
0xc: {  	_ =	strace s3  }
0xd: {  	s3 =	sld [smem:$0x3FFD];
	_ =	sdelay $0x3  }
0xe: {  	_ =	strace s3  }
0xf: {  	_ =	strace $0x8FFFFFFF  }
0x10: {  	s20 =	sld [smem:$0x3FDB];
	_ =	sdelay $0x1  }
0x11: {  	s4 =	simm.s32 $_scs_section_size  }
0x12: {  	s5 =	simm.s32 $_size__tile_overlayer_lowered;
	s6 =	simm.s32 $_tile_overlayer_lowered  }
0x13: {  	s23 =	simm.s32 $0x1BFF;
	s22 =	sshll.u32 s6, $0x1;
	s3 =	sadd.s32 s4, s20  }
0x14: {  	s7 =	simm.s32 $0x0;
	s21 =	sshll.u32 s5, $0x1;
	s5 =	sadd.s32 s22, s3  }
0x15: {  	[timem:s7], [sflag:s23] =	dma.local [hbm:s5], s21  }
0x16: {  	_ =	swait.ge [sflag:s23], s21  }
0x17: {  	s4 =	ssub.s32 $0x0, s21;
	[sflag:s23] =	ssyncset.done $0x0  }
0x18: {  	[sflag:s23] =	ssyncadd.s32 s4;
	_ =	sdelay $0x1  }
0x19: {  	s24 =	simm.s32 $0x1B8B  }
0x1a: {  	_ =	swait.ge [sflag:s24], $0x1  }
0x1b: {  	[sflag:s24] =	ssyncset.done $0x0  }
0x1c: {  	s26 =	simm.s32 $0x1B8E;
	s25 =	sld [smem:$0x3FFE];
	[sflag:s24] =	ssyncadd.s32 $0xFFFFFFFF  }
0x1d: {  	s27 =	simm.s32 $execute0_lowered;
	[smem:$0x3FD2] =	sst s26  }
0x1e: {  	s5 =	sshll.u32 s27, $0x1;
	_ =	strace $0x8000004C;
	[dreg:$0x1] =	wrdreg $0xFFFFFFFF  }
0x1f: {  	s28 =	simm.s32 $_size_execute0_lowered;
	s3 =	sadd.s32 s3, s5;
	[dreg:$0x0] =	wrdreg $0x0  }
0x20: {  	s5 =	sshll.u32 s28, $0x1;
	[dreg:$0x2] =	wrdreg s3  }
0x21: {  	[dreg:$0x3] =	wrdreg s5  }
0x22: {  	[dreg:$0x4] =	wrdreg $0xC0  }
0x23: {  	_ =	task [dreg:s7], $0x5FFFF  }
0x24: {  	[dreg:$0x1] =	wrdreg $0xFFFFFFFF  }
0x25: {  	[dreg:$0x0] =	wrdreg $0x60  }
0x26: {  	[dreg:$0x2] =	wrdreg s25  }
0x27: {  	[dreg:$0x3] =	wrdreg s2  }
0x28: {  	[dreg:$0x4] =	wrdreg $0x9  }
0x29: {  	_ =	task.clear_ibuf [dreg:s7], $0x5FFFF;
	_ =	strace $0x9000004C  }
0x2a: {  	s29 =	simm.s32 $0x9;
	_ =	strace $0x8000004E  }
0x2b: {  	_ =	swait.ge [sflag:s29], $0x1  }
0x2c: {  	[sflag:s29] =	ssyncadd.s32 $0xFFFFFFFF  }
0x2d: {  	_ =	strace $0x9000004E  }
0x2e: {  	_ =	sfence  }
0x2f: {  	s30 =	sld [smem:$0x0];
	_ =	sdelay $0x2  }
0x30: {  	s31 =	sshll.u32 s1, $0xD;
	s1 =	sshrl.u32 s1, $0x2  }
0x31: {  	s3 =	sand.u32 $0x4000, s31;
	s1 =	sadd.s32 s1, s30  }
0x32: {  	s0 =	sor.u32 s3, s0;
	s1 =	sshll.u32 s1, $0x11  }
0x33: {  	s0 =	sor.u32 s1, s0  }
0x34: {  	s0 =	sadd.s32 $0x8F2B, s0  }
0x35: {  	[sflag:s0] =	ssyncadd.remote.s32 $0x1  }
0x36: {  	_ =	sfence.sel $0xFFFF  }
0x37: {  	[dreg:$0x0] =	wrdreg $0xFFFFFFFF;
	(pc) =	sbr.abs _section_cstart, $3  }
0x38: {  	[dreg:$0x1] =	wrdreg $0xFFFFFFFF  }
0x39: {  	_ =	task.clear_ibuf [dreg:s7], $0x2FFFF;
	_ =	strace $0x9FFFFFFF  }
0x3a: {  	(tm) =	ssettm $0x7FFFFFFF  }
0x3b: {  	_ =	shalt  }
tec
execute0_lowered:
.L_overlay_start_1:
0x0: {  	(tag) =	ssettag $0x1  }
0x1: {  	s0 =	srdreg.scid  }
0x2: {  	s1 =	sshll.u32 s0, $0x4  }
0x3: {  	s0 =	stileid.u32;
	s1 =	sand.u32 $0x10, s1  }
0x4: {  	s1 =	sor.u32 s0, s1  }
0x5: {  	s6 =	rddreg [dreg:$0x0];
	s4 =	simm.s32 $0x1;
	s2 =	sshll.u32 s1, $0x7  }
0x6: {  	s7 =	simm.s32 $0x2;
	s12 =	simm.s32 $0x0;
	s1 =	ssub.s32 $0x1000, s2  }
0x7: {  	s8 =	simm.s32 $0x8000;
	s13 =	simm.s32 $0x0;
	s3 =	sand.u32 $0xF80, s1  }
0x8: {  	s9 =	simm.s32 $0x0;
	s5 =	sshrl.u32 s1, $0xC;
	p0 =	sne.s32 s3, $0x0  }
.Ltmp0:
0x9: {  	s1 =	rddreg [dreg:$0x2];
	s4 =	simm.s32 @!p0 $0x0;
	(pc) =	sbr.rel .LBB1_1-.Ltmp0, $4  }
0xa: {  	s11 =	simm.s32 $0x0;
	s3 =	rddreg [dreg:$0x1];
	s5 =	sadd.s32 s4, s5  }
0xb: {  	_ =	strace $0x8000004D;
	s4 =	simm.s32 $0x1;
	s5 =	smul.u32 $0xC8, s5  }
0xc: {  	s6 =	sadd.s32 $0x1000, s6;
	s10 =	smov.u32 s2;
	[sflag:s4] =	ssyncpa.u1 $0x0  }
0xd: {  	p0 =	por $0x0, $0x0;
	[sflag:s7] =	ssyncpa.u1 $0x0;
	s7 =	sor.u32 $0x1, s5  }
.LBB1_4:
0xe: {  	s16 =	sshll.u32 s13, $0x3;
	s17 =	sand.u32 $0x78, s13  }
0xf: {  	s30 =	sand.u32 $0x7E00, s13;
	s12 =	sshll.u32 s12, $0xF;
	s16 =	sand.u32 $0xC00, s16  }
0x10: {  	[tilespmem:s15+$0x810 ss:$0x81] =	vst.msk $0xffff, v2;
	s31 =	sand.u32 $0x7, s13;
	s16 =	sor.u32 s17, s16;
	s17 =	sadd.s32 s3, s30  }
0x11: {  	[tilespmem:s15+$0x1020 ss:$0x81] =	vst.msk $0xffff, v0;
	s13 =	sshll.u32 s31, $0x12;
	s12 =	sadd.s32 s12, s17;
	s16 =	sshrl.u32 s16, $0x3  }
0x12: {  	[tilespmem:s15+$0x0 ss:$0x81] =	vst.msk $0xffff, v1;
	s13 =	sor.u32 $0x400, s13;
	s12 =	sadd.s32 s16, s12  }
0x13: {  	[hbm4b:s12+s13] =	stream.strided.scatter [tilespmem:s14], [sflag:$0x2], $0x2000, s8, s13, $0x20;
	[tilespmem:$0x8080] =	vst v63  }
.LBB1_5:
0x14: {  	s14 =	sadd.s32 $0x1, s9  }
0x15: {  	s12 =	sadd.s32 $0x1000, s10;
	s16 =	smov.u32 s10;
	p2 =	sgt.s32 s14, $0xC7  }
0x16: {  	s16 =	smov.u32 @p2 s12  }
0x17: {  	s14 =	simm.s32 @p2 $0x0;
	p2 =	sgt.s32 s16, $0xFFF  }
0x18: {  	s16 =	smov.u32 @p2 s2;
	p2 =	sne.s32 s11, s7  }
.Ltmp1:
0x19: {  	p1 =	slt.u32 s11, $0x2;
	(pc) =	sbr.rel @!p2 .LBB1_6-.Ltmp1, $4  }
0x1a: {  	s15 =	simm.s32 @!p1 $0x2  }
0x1b: {  	s13 =	smov.u32 s10;
	p0 =	por !p0, !p0;
	_ =	swait.ge @!p1 [sflag:s15], $0x2000  }
0x1c: {  	s12 =	smov.u32 s9;
	[sflag:s15] =	ssyncset.done @!p1 $0x0;
	s9 =	smov.u32 s14  }
0x1d: {  	s11 =	sadd.s32 $0x1, s11;
	[sflag:s15] =	ssyncadd.s32 @!p1 $0xFFFFE000;
	s10 =	smov.u32 s16  }
.LBB1_1:
0x1e: {  	p1 =	sge.u32 s11, s5  }
0x1f: {  	s14 =	sand.u32 @!p1 $0x1FFFFFF, s9  }
0x20: {  	s15 =	smulhi.u32 @!p1 $0x147AE15, s14;
	_ =	sdelay $0x1  }
0x21: {  	s15 =	smul.u32 @!p1 $0xC8, s15  }
0x22: {  	s16 =	sxor.u32 @!p1 $0xFFFFFFFF, s11;
	s17 =	smul.u32 @!p1 $0xC80, s10  }
0x23: {  	s31 =	sadd.s32 $0xFFFFFFFF, s11;
	s16 =	sshll.u32 @!p1 s16, $0xD;
	s14 =	ssub.s32 @!p1 s14, s15  }
0x24: {  	s15 =	sand.u32 @!p1 $0x2000, s16;
	s16 =	sadd.s32 @!p1 s6, s17;
	s14 =	sshll.u32 @!p1 s14, $0x4  }
0x25: {  	s17 =	simm.s32 @!p1 $0x6400;
	s14 =	sadd.s32 @!p1 s14, s16;
	s16 =	simm.s32 @!p1 $0x40  }
0x26: {  	[tilespmem:s15], [sflag:$0x1] =	stream.strided.gather @!p1 [hbm4b:s14+s16], $0x2000, s17, s16, $0x38;
	[tilespmem:$0x8080] =	vst v63  }
0x27: {  	p1 =	sge.u32 s31, s5  }
.Ltmp2:
0x28: {  	_ = 	snop;
	(pc) =	sbr.rel @p1 .LBB1_5-.Ltmp2, $1  }
0x29: {  	_ =	sdelay $0x3  }
0x2a: {  	s14 =	simm.s32 $0x1  }
0x2b: {  	_ =	swait.ge [sflag:s4], $0x2000;
	s14 =	simm.s32 @!p0 $0x0  }
0x2c: {  	[sflag:s4] =	ssyncset.done $0x0;
	s15 =	sshll.u32 s14, $0xD  }
0x2d: {  	[sflag:s4] =	ssyncadd.s32 $0xFFFFE000;
	s18 =	sor.u32 $0x20, s15  }
0x2e: {  	s14 =	smul.u32 $0x8100, s14;
	v3 =	vld [tilespmem:s18+$0x10]  }
0x2f: {  	s30 =	sand.u32 $0x1, s11;
	v2 =	vld [tilespmem:s18+$0xFFFFFFF0]  }
0x30: {  	s15 =	smul.u32 $0x8100, s30;
	s14 =	sshrl.u32 s14, $0x2;
	v0 =	vld [tilespmem:s18+$0x0]  }
0x31: {  	v1 =	vld [tilespmem:s18+$0xFFFFFFE0];
	s16 =	sor.u32 $0x4000, s14  }
0x32: {  	s31 =	sshrl.u32 s15, $0x2;
	s15 =	sadd.s32 $0x0, s16  }
0x33: {  	s17 =	simm.s32 $0x4;
	s18 =	sadd.s32 $0x40, s18;
	s14 =	sor.u32 $0x4000, s31;
	[tilespmem:s15+$0x1830 ss:$0x81] =	vst.msk $0xffff, v3  }
.LBB1_3:
0x34: {  	v3 =	vld [tilespmem:s18+$0x10];
	p1 =	sne.s32 s17, $0x1FC;
	[tilespmem:s15+$0x810 ss:$0x81] =	vst.msk $0xffff, v2;
	s19 =	smov.u32 s17;
	s17 =	sadd.s32 $0x4, s17  }
.Ltmp3:
0x35: {  	v2 =	vld [tilespmem:s18+$0xFFFFFFF0];
	[tilespmem:s15+$0x1020 ss:$0x81] =	vst.msk $0xffff, v0;
	(pc) =	sbr.rel @p1 .LBB1_3-.Ltmp3, $4  }
0x36: {  	v0 =	vld [tilespmem:s18+$0x0];
	[tilespmem:s15+$0x0 ss:$0x81] =	vst.msk $0xffff, v1  }
0x37: {  	s15 =	sshra.s32 s19, $0x2;
	v1 =	vld [tilespmem:s18+$0xFFFFFFE0]  }
0x38: {  	s15 =	sadd.s32 s15, s16  }
0x39: {  	s18 =	sadd.s32 $0x40, s18;
	[tilespmem:s15+$0x1830 ss:$0x81] =	vst.msk $0xffff, v3  }
.Ltmp4:
0x3a: {  	_ = 	snop;
	(pc) =	sbr.rel .LBB1_4-.Ltmp4, $1  }
0x3b: {  	_ =	sdelay $0x3  }
.LBB1_6:
0x3c: {  	_ =	sfence.sel $0x180000  }
0x3d: {  	s2 =	simm.s32 $0x1;
	[bflag:$0x0] =	sbarrier.arrive $0xFFFF  }
0x3e: {  	s31 =	simm.s32 $0x2;
	[sflag:s2] =	ssyncpa.u1 $0x1  }
0x3f: {  	[sflag:s31] =	ssyncpa.u1 $0x1  }
0x40: {  	p0 =	sne.s32 s0, $0x0;
	_ =	strace $0x9000004D  }
0x41: {  	s0 =	sadd.s32 @!p0 $0x100000, s1;
	[bflag:$0x2] =	sbarrier.arrive $0xFFFF  }
0x42: {  	[sflag:s0] =	ssyncadd.tile.s32 @!p0 $0x1;
	_ =	shalt  }
.Lfunc_end1:
_tile_overlayer_lowered:
.L_overlay_start_2:
0x43: {  	(tag) =	ssettag $0x2  }
0x44: {  	s0 =	rddreg [dreg:$0x0];
	s2 =	stileid.u32  }
0x45: {  	s1 =	rddreg [dreg:$0x1];
	p0 =	sne.s32 s2, $0x0  }
0x46: {  	s3 =	rddreg [dreg:$0x2];
	[bflag:$0x3] =	sbarrier.arrive $0xFFFF;
	s2 =	simm.s32 @!p0 $0x1C01  }
0x47: {  	[timem:s3], [sflag:s2] =	dma.local @!p0 [hbm:s0], s1  }
0x48: {  	s0 =	simm.s32 @!p0 $0x1  }
0x49: {  	_ =	swait.ge @!p0 [sflag:s0], s1  }
0x4a: {  	s1 =	ssub.s32 @!p0 $0x0, s1;
	[sflag:s0] =	ssyncset.done @!p0 $0x0  }
0x4b: {  	[sflag:s0] =	ssyncadd.s32 @!p0 s1  }
0x4c: {  	[bflag:$0x3] =	sbarrier.arrive $0xFFFF  }
0x4d: {  	_ =	shalt  }

</sc_bundles>
